<compile_context>
chip_gen: v7x
topology: tpu7x:2x2x1
jax: 0.10.2.dev20260603
libtpu: 0.0.44.dev20260713+nightly
codegen_flags: <defaults>
</compile_context>

<pallas_src>
import functools

import jax
import jax.numpy as jnp
from jax import lax
from jax.experimental import pallas as pl
from jax.experimental.pallas import tpu as pltpu
from jax.experimental.pallas import tpu_sc as plsc

H = 8
U = 16
NC = 2
NS = 16
LANES = 16
D = H * U



def _pre_body(x_ref, w_ref, a1_ref, a2_ref, xp_ref, fboth_ref):
    x = x_ref[...]
    w = w_ref[...]
    xp = jnp.dot(x, w, preferred_element_type=jnp.float32)
    xp_ref[...] = xp
    c_idx = lax.broadcasted_iota(jnp.int32, (D, H), 0)
    h_idx = lax.broadcasted_iota(jnp.int32, (D, H), 1)
    M = jnp.where((c_idx // U) == h_idx, 1.0, 0.0)
    ft = jnp.dot(xp * a1_ref[...], M, preferred_element_type=jnp.float32)
    fs = jnp.dot(xp * a2_ref[...], M, preferred_element_type=jnp.float32)
    blk = x.shape[0]
    zer = jnp.zeros((blk, D - 4 * H), jnp.float32)
    fboth_ref[...] = jnp.concatenate([ft, ft, fs, fs, zer], axis=1)


def _pre(x, w, a1, a2):
    n = x.shape[0]
    blk = 1000
    grid = n // blk
    return pl.pallas_call(
        _pre_body,
        grid=(grid,),
        in_specs=[
            pl.BlockSpec((blk, x.shape[1]), lambda i: (i, 0)),
            pl.BlockSpec((x.shape[1], D), lambda i: (0, 0)),
            pl.BlockSpec((1, D), lambda i: (0, 0)),
            pl.BlockSpec((1, D), lambda i: (0, 0)),
        ],
        out_specs=[
            pl.BlockSpec((blk, D), lambda i: (i, 0)),
            pl.BlockSpec((blk, D), lambda i: (i, 0)),
        ],
        out_shape=[
            jax.ShapeDtypeStruct((n, D), jnp.float32),
            jax.ShapeDtypeStruct((n, D), jnp.float32),
        ],
    )(x, w, a1, a2)




def _edge_body(n_pad, n_edges, k_chunk,
               xp_hbm, fboth_hbm, src_hbm, tgt_hbm,
               acc_out, ssum_out,
               tgtf, srcv, srcv2, tgtv, tgt8v, catv,
               rows_g, fbuf, slotr, zb,
               acc_sh, ssum_sh, sem_a, sem_b, sem_c, sem_d):
    K = k_chunk
    cid = lax.axis_index("c")
    sid = lax.axis_index("s")
    wid = sid * NC + cid
    per_w = n_edges // (NC * NS)
    n_chunks = per_w // K
    zr = zb.shape[0]
    stripe = n_pad // NS
    sstripe = n_pad // 8 // NS

    zv = jnp.zeros((LANES,), jnp.float32)
    zvi = jnp.zeros((LANES,), jnp.int32)

    def _zfill(r, _):
        for j in range(D // LANES):
            zb[r, pl.ds(LANES * j, LANES)] = zv
        return 0

    lax.fori_loop(0, zr, _zfill, 0)
    base_n = sid * stripe
    for t in range(stripe // zr):
        pltpu.sync_copy(zb, acc_sh.at[pl.ds(base_n + t * zr, zr)])
    for t in range(sstripe // zr):
        pltpu.sync_copy(zb, ssum_sh.at[pl.ds(sid * sstripe + t * zr, zr)])

    ebase = pl.multiple_of(wid * per_w, 8)
    pltpu.sync_copy(tgt_hbm.at[pl.ds(ebase, per_w)],
                    tgtf.at[pl.ds(0, per_w)])
    for i in range((tgtf.shape[0] - per_w) // LANES):
        tgtf[pl.ds(per_w + LANES * i, LANES)] = zvi
    for st in (0, 16, 24):
        tgtv[pl.ds(st, LANES)] = zvi
        tgt8v[pl.ds(st, LANES)] = zvi
    plsc.subcore_barrier()

    def _wait_scatters():
        pltpu.make_async_copy(rows_g, acc_sh.at[tgtv], sem_c).wait()
        pltpu.make_async_copy(slotr, ssum_sh.at[tgt8v], sem_c).wait()

    pltpu.async_copy(zb, acc_sh.at[tgtv], sem_c, add=True)
    pltpu.async_copy(zb, ssum_sh.at[tgt8v], sem_c, add=True)
    pltpu.async_copy(src_hbm.at[pl.ds(pl.multiple_of(ebase, 8), K)],
                     srcv2, sem_d)

    starts = sorted({min(LANES * i, K - LANES)
                     for i in range((K + LANES - 1) // LANES)})

    def _chunk(ci, _):
        base = pl.multiple_of(ci * K, 8)
        pltpu.make_async_copy(
            src_hbm.at[pl.ds(pl.multiple_of(ebase, 8), K)],
            srcv2, sem_d).wait()
        for st in starts:
            sv = srcv2[pl.ds(st, LANES)]
            srcv[pl.ds(st, LANES)] = sv
            catv[pl.ds(K + st, LANES)] = sv
            catv[pl.ds(st, LANES)] = tgtf[pl.ds(base + st, LANES)]
        pltpu.async_copy(
            src_hbm.at[pl.ds(pl.multiple_of(ebase + base + K, 8), K)],
            srcv2, sem_d)
        cp_f = pltpu.async_copy(fboth_hbm.at[catv], fbuf, sem_a)
        _wait_scatters()
        cp_xp = pltpu.async_copy(xp_hbm.at[srcv], rows_g, sem_b)
        for st in starts:
            tv = tgtf[pl.ds(base + st, LANES)]
            tgtv[pl.ds(st, LANES)] = tv
            tgt8v[pl.ds(st, LANES)] = lax.shift_right_logical(tv, 3)
        cp_f.wait()
        cp_xp.wait()

        def _grp(t, _):
            t16 = tgtf[pl.ds(base + 8 * t, LANES)]
            for u in range(8):
                k = 8 * t + u
                vt = fbuf[k, pl.ds(0, LANES)]
                vs = fbuf[K + k, pl.ds(LANES, LANES)]
                sc = vt + vs
                sc = jnp.maximum(sc, 0.2 * sc)
                ew = jnp.exp(sc)
                uu = jnp.full((LANES,), u, jnp.int32)
                tb = t16.at[uu].get(mode="promise_in_bounds")
                slotf = jnp.bitwise_and(tb, 7).astype(jnp.float32)
                for j in range(8):
                    mf = jnp.maximum(0.0, 1.0 - jnp.abs(slotf - float(j)))
                    slotr[k, pl.ds(LANES * j, LANES)] = ew * mf
                for h in range(H):
                    hh = jnp.full((LANES,), h, jnp.int32)
                    w = ew.at[hh].get(mode="promise_in_bounds")
                    rows_g[k, pl.ds(LANES * h, LANES)] = (
                        rows_g[k, pl.ds(LANES * h, LANES)] * w)
            return 0

        lax.fori_loop(0, K // 8, _grp, 0)
        pltpu.async_copy(slotr, ssum_sh.at[tgt8v], sem_c, add=True)
        pltpu.async_copy(rows_g, acc_sh.at[tgtv], sem_c, add=True)
        return 0

    lax.fori_loop(0, n_chunks, _chunk, 0)
    pltpu.make_async_copy(
        src_hbm.at[pl.ds(pl.multiple_of(ebase, 8), K)], srcv2, sem_d).wait()
    _wait_scatters()
    plsc.subcore_barrier()

    pltpu.sync_copy(acc_sh.at[pl.ds(base_n, stripe)],
                    acc_out.at[cid, pl.ds(base_n, stripe)])
    pltpu.sync_copy(ssum_sh.at[pl.ds(sid * sstripe, sstripe)],
                    ssum_out.at[cid, pl.ds(sid * sstripe, sstripe)])


def _edge(xp, fboth, src, tgt):
    n = xp.shape[0]
    n_pad = -(-n // (NS * 64)) * (NS * 64)
    e = tgt.shape[0]
    K = 40
    per_w = e // (NC * NS)
    mesh = plsc.VectorSubcoreMesh(core_axis_name="c", subcore_axis_name="s",
                                  num_cores=NC, num_subcores=NS)
    f = functools.partial(
        pl.kernel,
        out_type=(
            jax.ShapeDtypeStruct((NC, n_pad, D), jnp.float32),
            jax.ShapeDtypeStruct((NC, n_pad // 8, D), jnp.float32),
        ),
        mesh=mesh,
        scratch_types=[
            pltpu.VMEM((per_w + 16,), jnp.int32),
            pltpu.VMEM((K,), jnp.int32),
            pltpu.VMEM((K,), jnp.int32),
            pltpu.VMEM((K,), jnp.int32),
            pltpu.VMEM((K,), jnp.int32),
            pltpu.VMEM((2 * K,), jnp.int32),
            pltpu.VMEM((K, D), jnp.float32),
            pltpu.VMEM((2 * K, D), jnp.float32),
            pltpu.VMEM((K, D), jnp.float32),
            pltpu.VMEM((K, D), jnp.float32),
            pltpu.VMEM_SHARED((n_pad, D), jnp.float32),
            pltpu.VMEM_SHARED((n_pad // 8, D), jnp.float32),
            pltpu.SemaphoreType.DMA,
            pltpu.SemaphoreType.DMA,
            pltpu.SemaphoreType.DMA,
            pltpu.SemaphoreType.DMA,
        ],
    )(functools.partial(_edge_body, n_pad, e, K))
    return f(xp, fboth, src, tgt)




def _post_body(accp_ref, ssump_ref, bias_ref, out_ref):
    acc = accp_ref[0] + accp_ref[1]
    ssum = ssump_ref[0] + ssump_ref[1]
    j_idx = lax.broadcasted_iota(jnp.int32, (2 * H, D), 0)
    d_idx = lax.broadcasted_iota(jnp.int32, (2 * H, D), 1)
    R = jnp.where(j_idx == d_idx // U, 1.0, 0.0)
    denom = jnp.dot(ssum, R, preferred_element_type=jnp.float32)
    out = jnp.where(denom > 0.0, acc / jnp.where(denom > 0.0, denom, 1.0), 0.0)
    v = out + bias_ref[...]
    out_ref[...] = jnp.where(v > 0.0, v, jnp.exp(jnp.minimum(v, 0.0)) - 1.0)


def _post(accp, ssump, bias, n):
    blk = 1000
    grid = n // blk
    return pl.pallas_call(
        _post_body,
        grid=(grid,),
        in_specs=[
            pl.BlockSpec((NC, blk, D), lambda i: (0, i, 0)),
            pl.BlockSpec((NC, blk, 2 * H), lambda i: (0, i, 0)),
            pl.BlockSpec((D,), lambda i: (0,)),
        ],
        out_specs=pl.BlockSpec((blk, D), lambda i: (i, 0)),
        out_shape=jax.ShapeDtypeStruct((n, D), jnp.float32),
    )(accp, ssump, bias)




def kernel(x, edges, kernel, kernel_attention1, kernel_attention2, bias):
    src = edges[:, 0]
    tgt = edges[:, 1]
    a1 = kernel_attention1.reshape(1, D)
    a2 = kernel_attention2.reshape(1, D)
    xp, fboth = _pre(x, kernel, a1, a2)
    srcp = jnp.concatenate([src, jnp.zeros((40,), jnp.int32)])
    accp, ssump_packed = _edge(xp, fboth, srcp, tgt)
    n_pad = accp.shape[1]
    ssump = ssump_packed.reshape(NC, n_pad, 2 * H)
    return _post(accp, ssump, bias, x.shape[0])

# --- scband reference (transcript-rebuilt; emitter-appended) ---
"""Pipeline reference for scband-multi-head-graph-attention-15058155340491 (READ-ONLY COPY).

The authoritative reference and input builder live on the scoring server;
editing this copy changes nothing except your own understanding.
"""

import jax, jax.numpy as jnp
import numpy as np

N_NODES = 10000
N_EDGES = 320000
D_IN = 128
H = 8
U = 16


def setup_inputs(seed: int = 0) -> dict:
    key = jax.random.key(seed)
    k1, k2, k3, k4, k5 = jax.random.split(key, 5)
    x = jax.random.normal(k1, (N_NODES, D_IN), dtype=jnp.float32)
    edges = jax.random.randint(k2, (N_EDGES, 2), 0, N_NODES, dtype=jnp.int32)
    # glorot-normal-ish init scales
    s_k = float(np.sqrt(2.0 / (D_IN + H * U)))
    s_a = float(np.sqrt(2.0 / (1 + U)))
    kernel = jax.random.normal(k3, (D_IN, H * U), dtype=jnp.float32) * s_k
    kernel_attention1 = jax.random.normal(k4, (1, H, U), dtype=jnp.float32) * s_a
    kernel_attention2 = jax.random.normal(k5, (1, H, U), dtype=jnp.float32) * s_a
    bias = jnp.zeros((H * U,), dtype=jnp.float32)
    return {
        "x": x,
        "edges": edges,
        "kernel": kernel,
        "kernel_attention1": kernel_attention1,
        "kernel_attention2": kernel_attention2,
        "bias": bias,
    }


def reference(x, edges, kernel, kernel_attention1, kernel_attention2, bias):
    # training=False: all dropout layers are identity (dropout_rate=0 anyway)
    targets = edges[:, 1]
    sources = edges[:, 0]
    n_nodes = x.shape[0]
    xp = jnp.dot(x, kernel).reshape(-1, H, U)            # [N, H, U]
    f_t = jnp.sum(xp * kernel_attention1, axis=-1)        # [N, H]
    f_s = jnp.sum(xp * kernel_attention2, axis=-1)        # [N, H]
    scores = jax.nn.leaky_relu(f_t[targets] + f_s[sources], negative_slope=0.2)  # [E, H]
    smax = jax.ops.segment_max(scores, targets, num_segments=n_nodes)            # [N, H]
    scores = jnp.exp(scores - smax[targets])
    ssum = jax.ops.segment_sum(scores, targets, num_segments=n_nodes)            # [N, H]
    scores = scores / ssum[targets]
    out = scores[..., None] * xp[sources]                 # [E, H, U]
    out = jax.ops.segment_sum(out, targets, num_segments=n_nodes)                # [N, H, U]
    out = out.reshape(n_nodes, H * U)                     # concat merge
    return jax.nn.elu(out + bias)

if __name__ == "__main__":
    import jax
    _d = setup_inputs()
    print(jax.jit(kernel)(*tuple(_d.values())))

</pallas_src>

<mosaic_0001>
#map = affine_map<(d0, d1) -> (0, 0)>
#map1 = affine_map<(d0, d1) -> (0)>
#map2 = affine_map<(d0, d1) -> (0, 0, 0)>
module attributes {stable_mosaic.version = 14 : i64} {
  func.func @_edge_body(%arg0: i32, %arg1: i32, %arg2: memref<10000x128xf32, #tpu.memory_space<hbm>>, %arg3: memref<10000x128xf32, #tpu.memory_space<hbm>>, %arg4: memref<320040xi32, #tpu.memory_space<hbm>>, %arg5: memref<320000xi32, #tpu.memory_space<hbm>>, %arg6: memref<2x10240x128xf32, #tpu.memory_space<hbm>>, %arg7: memref<2x1280x128xf32, #tpu.memory_space<hbm>>, %arg8: memref<10016xi32, #tpu.memory_space<vmem>>, %arg9: memref<40xi32, #tpu.memory_space<vmem>>, %arg10: memref<40xi32, #tpu.memory_space<vmem>>, %arg11: memref<40xi32, #tpu.memory_space<vmem>>, %arg12: memref<40xi32, #tpu.memory_space<vmem>>, %arg13: memref<80xi32, #tpu.memory_space<vmem>>, %arg14: memref<40x128xf32, #tpu.memory_space<vmem>>, %arg15: memref<80x128xf32, #tpu.memory_space<vmem>>, %arg16: memref<40x128xf32, #tpu.memory_space<vmem>>, %arg17: memref<40x128xf32, #tpu.memory_space<vmem>>, %arg18: memref<10240x128xf32, #tpu.memory_space<vmem_shared>>, %arg19: memref<1280x128xf32, #tpu.memory_space<vmem_shared>>, %arg20: memref<!tpu.dma_semaphore, #tpu.memory_space<semaphore_mem>>, %arg21: memref<!tpu.dma_semaphore, #tpu.memory_space<semaphore_mem>>, %arg22: memref<!tpu.dma_semaphore, #tpu.memory_space<semaphore_mem>>, %arg23: memref<!tpu.dma_semaphore, #tpu.memory_space<semaphore_mem>>) attributes {dimension_semantics = [#tpu.dimension_semantics<core_parallel>, #tpu.dimension_semantics<subcore_parallel>], iteration_bounds = array<i64: 2, 16>, scalar_prefetch = 0 : i64, scratch_operands = 16 : i64, tpu.core_type = #tpu.core_type<sc_vector_subcore>, window_params = [{transform_indices = #map}, {transform_indices = #map}, {transform_indices = #map1}, {transform_indices = #map1}, {transform_indices = #map2}, {transform_indices = #map2}]} {
    %mul3A = arith.constant 2 : i32
    %mul3A_0 = arith.muli %arg1, %mul3A : i32
    %add3A = arith.addi %mul3A_0, %arg0 : i32
    %broadcast_in_dim3A = arith.constant 0.000000e+00 : f32
    %broadcast_in_dim3A_1 = vector.broadcast %broadcast_in_dim3A : f32 to vector<16xf32>
    %broadcast_in_dim3A_2 = arith.constant 0 : i32
    %broadcast_in_dim3A_3 = vector.broadcast %broadcast_in_dim3A_2 : i32 to vector<16xi32>
    %scan3A = arith.constant 0 : i32
    %scan3A_4 = arith.constant 0 : i32
    %scan3A_5 = arith.constant 40 : i32
    %scan3A_6 = arith.addi %scan3A_4, %scan3A_5 : i32
    %scan3A_7 = arith.constant 1 : i32
    %scan3A_8 = scf.for %scan3A_109 = %scan3A_4 to %scan3A_6 step %scan3A_7 iter_args(%scan3A_110 = %scan3A) -> (i32)  : i32 {
      %swap3A_111 = arith.index_cast %scan3A_109 : i32 to index
      %swap3A_112 = arith.constant 0 : index
      %swap3A_113 = tpu.vector_load %arg17[%swap3A_111, %swap3A_112] {strides = array<i32>} : memref<40x128xf32, #tpu.memory_space<vmem>>, vector<1x16xf32>,
      %swap3A_114 = vector.shape_cast %swap3A_113 : vector<1x16xf32> to vector<16xf32>
      %swap3A_115 = vector.shape_cast %broadcast_in_dim3A_1 : vector<16xf32> to vector<1x16xf32>
      tpu.vector_store %arg17[%swap3A_111, %swap3A_112], %swap3A_115 {strides = array<i32>} : memref<40x128xf32, #tpu.memory_space<vmem>>, vector<1x16xf32>,
      %swap3A_116 = arith.index_cast %scan3A_109 : i32 to index
      %swap3A_117 = arith.constant 16 : index
      %swap3A_118 = tpu.vector_load %arg17[%swap3A_116, %swap3A_117] {strides = array<i32>} : memref<40x128xf32, #tpu.memory_space<vmem>>, vector<1x16xf32>,
      %swap3A_119 = vector.shape_cast %swap3A_118 : vector<1x16xf32> to vector<16xf32>
      %swap3A_120 = vector.shape_cast %broadcast_in_dim3A_1 : vector<16xf32> to vector<1x16xf32>
      tpu.vector_store %arg17[%swap3A_116, %swap3A_117], %swap3A_120 {strides = array<i32>} : memref<40x128xf32, #tpu.memory_space<vmem>>, vector<1x16xf32>,
      %swap3A_121 = arith.index_cast %scan3A_109 : i32 to index
      %swap3A_122 = arith.constant 32 : index
      %swap3A_123 = tpu.vector_load %arg17[%swap3A_121, %swap3A_122] {strides = array<i32>} : memref<40x128xf32, #tpu.memory_space<vmem>>, vector<1x16xf32>,
      %swap3A_124 = vector.shape_cast %swap3A_123 : vector<1x16xf32> to vector<16xf32>
      %swap3A_125 = vector.shape_cast %broadcast_in_dim3A_1 : vector<16xf32> to vector<1x16xf32>
      tpu.vector_store %arg17[%swap3A_121, %swap3A_122], %swap3A_125 {strides = array<i32>} : memref<40x128xf32, #tpu.memory_space<vmem>>, vector<1x16xf32>,
      %swap3A_126 = arith.index_cast %scan3A_109 : i32 to index
      %swap3A_127 = arith.constant 48 : index
      %swap3A_128 = tpu.vector_load %arg17[%swap3A_126, %swap3A_127] {strides = array<i32>} : memref<40x128xf32, #tpu.memory_space<vmem>>, vector<1x16xf32>,
      %swap3A_129 = vector.shape_cast %swap3A_128 : vector<1x16xf32> to vector<16xf32>
      %swap3A_130 = vector.shape_cast %broadcast_in_dim3A_1 : vector<16xf32> to vector<1x16xf32>
      tpu.vector_store %arg17[%swap3A_126, %swap3A_127], %swap3A_130 {strides = array<i32>} : memref<40x128xf32, #tpu.memory_space<vmem>>, vector<1x16xf32>,
      %swap3A_131 = arith.index_cast %scan3A_109 : i32 to index
      %swap3A_132 = arith.constant 64 : index
      %swap3A_133 = tpu.vector_load %arg17[%swap3A_131, %swap3A_132] {strides = array<i32>} : memref<40x128xf32, #tpu.memory_space<vmem>>, vector<1x16xf32>,
      %swap3A_134 = vector.shape_cast %swap3A_133 : vector<1x16xf32> to vector<16xf32>
      %swap3A_135 = vector.shape_cast %broadcast_in_dim3A_1 : vector<16xf32> to vector<1x16xf32>
      tpu.vector_store %arg17[%swap3A_131, %swap3A_132], %swap3A_135 {strides = array<i32>} : memref<40x128xf32, #tpu.memory_space<vmem>>, vector<1x16xf32>,
      %swap3A_136 = arith.index_cast %scan3A_109 : i32 to index
      %swap3A_137 = arith.constant 80 : index
      %swap3A_138 = tpu.vector_load %arg17[%swap3A_136, %swap3A_137] {strides = array<i32>} : memref<40x128xf32, #tpu.memory_space<vmem>>, vector<1x16xf32>,
      %swap3A_139 = vector.shape_cast %swap3A_138 : vector<1x16xf32> to vector<16xf32>
      %swap3A_140 = vector.shape_cast %broadcast_in_dim3A_1 : vector<16xf32> to vector<1x16xf32>
      tpu.vector_store %arg17[%swap3A_136, %swap3A_137], %swap3A_140 {strides = array<i32>} : memref<40x128xf32, #tpu.memory_space<vmem>>, vector<1x16xf32>,
      %swap3A_141 = arith.index_cast %scan3A_109 : i32 to index
      %swap3A_142 = arith.constant 96 : index
      %swap3A_143 = tpu.vector_load %arg17[%swap3A_141, %swap3A_142] {strides = array<i32>} : memref<40x128xf32, #tpu.memory_space<vmem>>, vector<1x16xf32>,
      %swap3A_144 = vector.shape_cast %swap3A_143 : vector<1x16xf32> to vector<16xf32>
      %swap3A_145 = vector.shape_cast %broadcast_in_dim3A_1 : vector<16xf32> to vector<1x16xf32>
      tpu.vector_store %arg17[%swap3A_141, %swap3A_142], %swap3A_145 {strides = array<i32>} : memref<40x128xf32, #tpu.memory_space<vmem>>, vector<1x16xf32>,
      %swap3A_146 = arith.index_cast %scan3A_109 : i32 to index
      %swap3A_147 = arith.constant 112 : index
      %swap3A_148 = tpu.vector_load %arg17[%swap3A_146, %swap3A_147] {strides = array<i32>} : memref<40x128xf32, #tpu.memory_space<vmem>>, vector<1x16xf32>,
      %swap3A_149 = vector.shape_cast %swap3A_148 : vector<1x16xf32> to vector<16xf32>
      %swap3A_150 = vector.shape_cast %broadcast_in_dim3A_1 : vector<16xf32> to vector<1x16xf32>
      tpu.vector_store %arg17[%swap3A_146, %swap3A_147], %swap3A_150 {strides = array<i32>} : memref<40x128xf32, #tpu.memory_space<vmem>>, vector<1x16xf32>,
      %scan3A_151 = arith.constant 0 : i32
      scf.yield %scan3A_151 : i32
    }
    %scan3A_9 = arith.constant 40 : i32
    %mul3A_10 = arith.constant 640 : i32
    %mul3A_11 = arith.muli %arg1, %mul3A_10 : i32
    %add3A_12 = arith.constant 0 : i32
    %add3A_13 = arith.addi %mul3A_11, %add3A_12 : i32
    "tpu.region"() ({
      %run_scoped3A = tpu.sem_alloc : memref<!tpu.dma_semaphore, #tpu.memory_space<semaphore_mem>>
      %dma_start3A_109 = arith.constant 0 : i32
      %dma_start3A_110 = tpu.memref_slice %arg18[%add3A_13, %dma_start3A_109] : memref<10240x128xf32, #tpu.memory_space<vmem_shared>> -> memref<40x128xf32, #tpu.memory_space<vmem_shared>>
      %dma_start3A_111 = arith.constant 0 : i32
      %dma_start3A_112 = tpu.memref_slice %arg18[%add3A_13, %dma_start3A_111] : memref<10240x128xf32, #tpu.memory_space<vmem_shared>> -> memref<40x128xf32, #tpu.memory_space<vmem_shared>>
      tpu.enqueue_dma source(%arg17 : memref<40x128xf32, #tpu.memory_space<vmem>>) target(%dma_start3A_112 : memref<40x128xf32, #tpu.memory_space<vmem_shared>>) target_semaphore(%run_scoped3A : memref<!tpu.dma_semaphore, #tpu.memory_space<semaphore_mem>>)
      %dma_wait3A_113 = arith.constant 0 : i32
      %dma_wait3A_114 = tpu.memref_slice %arg18[%add3A_13, %dma_wait3A_113] : memref<10240x128xf32, #tpu.memory_space<vmem_shared>> -> memref<40x128xf32, #tpu.memory_space<vmem_shared>>
      %dma_wait3A_115 = arith.constant 0 : i32
      %dma_wait3A_116 = tpu.memref_slice %arg18[%add3A_13, %dma_wait3A_115] : memref<10240x128xf32, #tpu.memory_space<vmem_shared>> -> memref<40x128xf32, #tpu.memory_space<vmem_shared>>
      tpu.wait_dma2 semaphore(%run_scoped3A : memref<!tpu.dma_semaphore, #tpu.memory_space<semaphore_mem>>) src(%arg17 : memref<40x128xf32, #tpu.memory_space<vmem>>) dst(%dma_wait3A_116 : memref<40x128xf32, #tpu.memory_space<vmem_shared>>)
      tpu.yield
    }) : () -> ()
    %add3A_14 = arith.constant 40 : i32
    %add3A_15 = arith.addi %mul3A_11, %add3A_14 : i32
    "tpu.region"() ({
      %run_scoped3A = tpu.sem_alloc : memref<!tpu.dma_semaphore, #tpu.memory_space<semaphore_mem>>
      %dma_start3A_109 = arith.constant 0 : i32
      %dma_start3A_110 = tpu.memref_slice %arg18[%add3A_15, %dma_start3A_109] : memref<10240x128xf32, #tpu.memory_space<vmem_shared>> -> memref<40x128xf32, #tpu.memory_space<vmem_shared>>
      %dma_start3A_111 = arith.constant 0 : i32
      %dma_start3A_112 = tpu.memref_slice %arg18[%add3A_15, %dma_start3A_111] : memref<10240x128xf32, #tpu.memory_space<vmem_shared>> -> memref<40x128xf32, #tpu.memory_space<vmem_shared>>
      tpu.enqueue_dma source(%arg17 : memref<40x128xf32, #tpu.memory_space<vmem>>) target(%dma_start3A_112 : memref<40x128xf32, #tpu.memory_space<vmem_shared>>) target_semaphore(%run_scoped3A : memref<!tpu.dma_semaphore, #tpu.memory_space<semaphore_mem>>)
      %dma_wait3A_113 = arith.constant 0 : i32
      %dma_wait3A_114 = tpu.memref_slice %arg18[%add3A_15, %dma_wait3A_113] : memref<10240x128xf32, #tpu.memory_space<vmem_shared>> -> memref<40x128xf32, #tpu.memory_space<vmem_shared>>
      %dma_wait3A_115 = arith.constant 0 : i32
      %dma_wait3A_116 = tpu.memref_slice %arg18[%add3A_15, %dma_wait3A_115] : memref<10240x128xf32, #tpu.memory_space<vmem_shared>> -> memref<40x128xf32, #tpu.memory_space<vmem_shared>>
      tpu.wait_dma2 semaphore(%run_scoped3A : memref<!tpu.dma_semaphore, #tpu.memory_space<semaphore_mem>>) src(%arg17 : memref<40x128xf32, #tpu.memory_space<vmem>>) dst(%dma_wait3A_116 : memref<40x128xf32, #tpu.memory_space<vmem_shared>>)
      tpu.yield
    }) : () -> ()
    %add3A_16 = arith.constant 80 : i32
    %add3A_17 = arith.addi %mul3A_11, %add3A_16 : i32
    "tpu.region"() ({
      %run_scoped3A = tpu.sem_alloc : memref<!tpu.dma_semaphore, #tpu.memory_space<semaphore_mem>>
      %dma_start3A_109 = arith.constant 0 : i32
      %dma_start3A_110 = tpu.memref_slice %arg18[%add3A_17, %dma_start3A_109] : memref<10240x128xf32, #tpu.memory_space<vmem_shared>> -> memref<40x128xf32, #tpu.memory_space<vmem_shared>>
      %dma_start3A_111 = arith.constant 0 : i32
      %dma_start3A_112 = tpu.memref_slice %arg18[%add3A_17, %dma_start3A_111] : memref<10240x128xf32, #tpu.memory_space<vmem_shared>> -> memref<40x128xf32, #tpu.memory_space<vmem_shared>>
      tpu.enqueue_dma source(%arg17 : memref<40x128xf32, #tpu.memory_space<vmem>>) target(%dma_start3A_112 : memref<40x128xf32, #tpu.memory_space<vmem_shared>>) target_semaphore(%run_scoped3A : memref<!tpu.dma_semaphore, #tpu.memory_space<semaphore_mem>>)
      %dma_wait3A_113 = arith.constant 0 : i32
      %dma_wait3A_114 = tpu.memref_slice %arg18[%add3A_17, %dma_wait3A_113] : memref<10240x128xf32, #tpu.memory_space<vmem_shared>> -> memref<40x128xf32, #tpu.memory_space<vmem_shared>>
      %dma_wait3A_115 = arith.constant 0 : i32
      %dma_wait3A_116 = tpu.memref_slice %arg18[%add3A_17, %dma_wait3A_115] : memref<10240x128xf32, #tpu.memory_space<vmem_shared>> -> memref<40x128xf32, #tpu.memory_space<vmem_shared>>
      tpu.wait_dma2 semaphore(%run_scoped3A : memref<!tpu.dma_semaphore, #tpu.memory_space<semaphore_mem>>) src(%arg17 : memref<40x128xf32, #tpu.memory_space<vmem>>) dst(%dma_wait3A_116 : memref<40x128xf32, #tpu.memory_space<vmem_shared>>)
      tpu.yield
    }) : () -> ()
    %add3A_18 = arith.constant 120 : i32
    %add3A_19 = arith.addi %mul3A_11, %add3A_18 : i32
    "tpu.region"() ({
      %run_scoped3A = tpu.sem_alloc : memref<!tpu.dma_semaphore, #tpu.memory_space<semaphore_mem>>
      %dma_start3A_109 = arith.constant 0 : i32
      %dma_start3A_110 = tpu.memref_slice %arg18[%add3A_19, %dma_start3A_109] : memref<10240x128xf32, #tpu.memory_space<vmem_shared>> -> memref<40x128xf32, #tpu.memory_space<vmem_shared>>
      %dma_start3A_111 = arith.constant 0 : i32
      %dma_start3A_112 = tpu.memref_slice %arg18[%add3A_19, %dma_start3A_111] : memref<10240x128xf32, #tpu.memory_space<vmem_shared>> -> memref<40x128xf32, #tpu.memory_space<vmem_shared>>
      tpu.enqueue_dma source(%arg17 : memref<40x128xf32, #tpu.memory_space<vmem>>) target(%dma_start3A_112 : memref<40x128xf32, #tpu.memory_space<vmem_shared>>) target_semaphore(%run_scoped3A : memref<!tpu.dma_semaphore, #tpu.memory_space<semaphore_mem>>)
      %dma_wait3A_113 = arith.constant 0 : i32
      %dma_wait3A_114 = tpu.memref_slice %arg18[%add3A_19, %dma_wait3A_113] : memref<10240x128xf32, #tpu.memory_space<vmem_shared>> -> memref<40x128xf32, #tpu.memory_space<vmem_shared>>
      %dma_wait3A_115 = arith.constant 0 : i32
      %dma_wait3A_116 = tpu.memref_slice %arg18[%add3A_19, %dma_wait3A_115] : memref<10240x128xf32, #tpu.memory_space<vmem_shared>> -> memref<40x128xf32, #tpu.memory_space<vmem_shared>>
      tpu.wait_dma2 semaphore(%run_scoped3A : memref<!tpu.dma_semaphore, #tpu.memory_space<semaphore_mem>>) src(%arg17 : memref<40x128xf32, #tpu.memory_space<vmem>>) dst(%dma_wait3A_116 : memref<40x128xf32, #tpu.memory_space<vmem_shared>>)
      tpu.yield
    }) : () -> ()
    %add3A_20 = arith.constant 160 : i32
    %add3A_21 = arith.addi %mul3A_11, %add3A_20 : i32
    "tpu.region"() ({
      %run_scoped3A = tpu.sem_alloc : memref<!tpu.dma_semaphore, #tpu.memory_space<semaphore_mem>>
      %dma_start3A_109 = arith.constant 0 : i32
      %dma_start3A_110 = tpu.memref_slice %arg18[%add3A_21, %dma_start3A_109] : memref<10240x128xf32, #tpu.memory_space<vmem_shared>> -> memref<40x128xf32, #tpu.memory_space<vmem_shared>>
      %dma_start3A_111 = arith.constant 0 : i32
      %dma_start3A_112 = tpu.memref_slice %arg18[%add3A_21, %dma_start3A_111] : memref<10240x128xf32, #tpu.memory_space<vmem_shared>> -> memref<40x128xf32, #tpu.memory_space<vmem_shared>>
      tpu.enqueue_dma source(%arg17 : memref<40x128xf32, #tpu.memory_space<vmem>>) target(%dma_start3A_112 : memref<40x128xf32, #tpu.memory_space<vmem_shared>>) target_semaphore(%run_scoped3A : memref<!tpu.dma_semaphore, #tpu.memory_space<semaphore_mem>>)
      %dma_wait3A_113 = arith.constant 0 : i32
      %dma_wait3A_114 = tpu.memref_slice %arg18[%add3A_21, %dma_wait3A_113] : memref<10240x128xf32, #tpu.memory_space<vmem_shared>> -> memref<40x128xf32, #tpu.memory_space<vmem_shared>>
      %dma_wait3A_115 = arith.constant 0 : i32
      %dma_wait3A_116 = tpu.memref_slice %arg18[%add3A_21, %dma_wait3A_115] : memref<10240x128xf32, #tpu.memory_space<vmem_shared>> -> memref<40x128xf32, #tpu.memory_space<vmem_shared>>
      tpu.wait_dma2 semaphore(%run_scoped3A : memref<!tpu.dma_semaphore, #tpu.memory_space<semaphore_mem>>) src(%arg17 : memref<40x128xf32, #tpu.memory_space<vmem>>) dst(%dma_wait3A_116 : memref<40x128xf32, #tpu.memory_space<vmem_shared>>)
      tpu.yield
    }) : () -> ()
    %add3A_22 = arith.constant 200 : i32
    %add3A_23 = arith.addi %mul3A_11, %add3A_22 : i32
    "tpu.region"() ({
      %run_scoped3A = tpu.sem_alloc : memref<!tpu.dma_semaphore, #tpu.memory_space<semaphore_mem>>
      %dma_start3A_109 = arith.constant 0 : i32
      %dma_start3A_110 = tpu.memref_slice %arg18[%add3A_23, %dma_start3A_109] : memref<10240x128xf32, #tpu.memory_space<vmem_shared>> -> memref<40x128xf32, #tpu.memory_space<vmem_shared>>
      %dma_start3A_111 = arith.constant 0 : i32
      %dma_start3A_112 = tpu.memref_slice %arg18[%add3A_23, %dma_start3A_111] : memref<10240x128xf32, #tpu.memory_space<vmem_shared>> -> memref<40x128xf32, #tpu.memory_space<vmem_shared>>
      tpu.enqueue_dma source(%arg17 : memref<40x128xf32, #tpu.memory_space<vmem>>) target(%dma_start3A_112 : memref<40x128xf32, #tpu.memory_space<vmem_shared>>) target_semaphore(%run_scoped3A : memref<!tpu.dma_semaphore, #tpu.memory_space<semaphore_mem>>)
      %dma_wait3A_113 = arith.constant 0 : i32
      %dma_wait3A_114 = tpu.memref_slice %arg18[%add3A_23, %dma_wait3A_113] : memref<10240x128xf32, #tpu.memory_space<vmem_shared>> -> memref<40x128xf32, #tpu.memory_space<vmem_shared>>
      %dma_wait3A_115 = arith.constant 0 : i32
      %dma_wait3A_116 = tpu.memref_slice %arg18[%add3A_23, %dma_wait3A_115] : memref<10240x128xf32, #tpu.memory_space<vmem_shared>> -> memref<40x128xf32, #tpu.memory_space<vmem_shared>>
      tpu.wait_dma2 semaphore(%run_scoped3A : memref<!tpu.dma_semaphore, #tpu.memory_space<semaphore_mem>>) src(%arg17 : memref<40x128xf32, #tpu.memory_space<vmem>>) dst(%dma_wait3A_116 : memref<40x128xf32, #tpu.memory_space<vmem_shared>>)
      tpu.yield
    }) : () -> ()
    %add3A_24 = arith.constant 240 : i32
    %add3A_25 = arith.addi %mul3A_11, %add3A_24 : i32
    "tpu.region"() ({
      %run_scoped3A = tpu.sem_alloc : memref<!tpu.dma_semaphore, #tpu.memory_space<semaphore_mem>>
      %dma_start3A_109 = arith.constant 0 : i32
      %dma_start3A_110 = tpu.memref_slice %arg18[%add3A_25, %dma_start3A_109] : memref<10240x128xf32, #tpu.memory_space<vmem_shared>> -> memref<40x128xf32, #tpu.memory_space<vmem_shared>>
      %dma_start3A_111 = arith.constant 0 : i32
      %dma_start3A_112 = tpu.memref_slice %arg18[%add3A_25, %dma_start3A_111] : memref<10240x128xf32, #tpu.memory_space<vmem_shared>> -> memref<40x128xf32, #tpu.memory_space<vmem_shared>>
      tpu.enqueue_dma source(%arg17 : memref<40x128xf32, #tpu.memory_space<vmem>>) target(%dma_start3A_112 : memref<40x128xf32, #tpu.memory_space<vmem_shared>>) target_semaphore(%run_scoped3A : memref<!tpu.dma_semaphore, #tpu.memory_space<semaphore_mem>>)
      %dma_wait3A_113 = arith.constant 0 : i32
      %dma_wait3A_114 = tpu.memref_slice %arg18[%add3A_25, %dma_wait3A_113] : memref<10240x128xf32, #tpu.memory_space<vmem_shared>> -> memref<40x128xf32, #tpu.memory_space<vmem_shared>>
      %dma_wait3A_115 = arith.constant 0 : i32
      %dma_wait3A_116 = tpu.memref_slice %arg18[%add3A_25, %dma_wait3A_115] : memref<10240x128xf32, #tpu.memory_space<vmem_shared>> -> memref<40x128xf32, #tpu.memory_space<vmem_shared>>
      tpu.wait_dma2 semaphore(%run_scoped3A : memref<!tpu.dma_semaphore, #tpu.memory_space<semaphore_mem>>) src(%arg17 : memref<40x128xf32, #tpu.memory_space<vmem>>) dst(%dma_wait3A_116 : memref<40x128xf32, #tpu.memory_space<vmem_shared>>)
      tpu.yield
    }) : () -> ()
    %add3A_26 = arith.constant 280 : i32
    %add3A_27 = arith.addi %mul3A_11, %add3A_26 : i32
    "tpu.region"() ({
      %run_scoped3A = tpu.sem_alloc : memref<!tpu.dma_semaphore, #tpu.memory_space<semaphore_mem>>
      %dma_start3A_109 = arith.constant 0 : i32
      %dma_start3A_110 = tpu.memref_slice %arg18[%add3A_27, %dma_start3A_109] : memref<10240x128xf32, #tpu.memory_space<vmem_shared>> -> memref<40x128xf32, #tpu.memory_space<vmem_shared>>
      %dma_start3A_111 = arith.constant 0 : i32
      %dma_start3A_112 = tpu.memref_slice %arg18[%add3A_27, %dma_start3A_111] : memref<10240x128xf32, #tpu.memory_space<vmem_shared>> -> memref<40x128xf32, #tpu.memory_space<vmem_shared>>
      tpu.enqueue_dma source(%arg17 : memref<40x128xf32, #tpu.memory_space<vmem>>) target(%dma_start3A_112 : memref<40x128xf32, #tpu.memory_space<vmem_shared>>) target_semaphore(%run_scoped3A : memref<!tpu.dma_semaphore, #tpu.memory_space<semaphore_mem>>)
      %dma_wait3A_113 = arith.constant 0 : i32
      %dma_wait3A_114 = tpu.memref_slice %arg18[%add3A_27, %dma_wait3A_113] : memref<10240x128xf32, #tpu.memory_space<vmem_shared>> -> memref<40x128xf32, #tpu.memory_space<vmem_shared>>
      %dma_wait3A_115 = arith.constant 0 : i32
      %dma_wait3A_116 = tpu.memref_slice %arg18[%add3A_27, %dma_wait3A_115] : memref<10240x128xf32, #tpu.memory_space<vmem_shared>> -> memref<40x128xf32, #tpu.memory_space<vmem_shared>>
      tpu.wait_dma2 semaphore(%run_scoped3A : memref<!tpu.dma_semaphore, #tpu.memory_space<semaphore_mem>>) src(%arg17 : memref<40x128xf32, #tpu.memory_space<vmem>>) dst(%dma_wait3A_116 : memref<40x128xf32, #tpu.memory_space<vmem_shared>>)
      tpu.yield
    }) : () -> ()
    %add3A_28 = arith.constant 320 : i32
    %add3A_29 = arith.addi %mul3A_11, %add3A_28 : i32
    "tpu.region"() ({
      %run_scoped3A = tpu.sem_alloc : memref<!tpu.dma_semaphore, #tpu.memory_space<semaphore_mem>>
      %dma_start3A_109 = arith.constant 0 : i32
      %dma_start3A_110 = tpu.memref_slice %arg18[%add3A_29, %dma_start3A_109] : memref<10240x128xf32, #tpu.memory_space<vmem_shared>> -> memref<40x128xf32, #tpu.memory_space<vmem_shared>>
      %dma_start3A_111 = arith.constant 0 : i32
      %dma_start3A_112 = tpu.memref_slice %arg18[%add3A_29, %dma_start3A_111] : memref<10240x128xf32, #tpu.memory_space<vmem_shared>> -> memref<40x128xf32, #tpu.memory_space<vmem_shared>>
      tpu.enqueue_dma source(%arg17 : memref<40x128xf32, #tpu.memory_space<vmem>>) target(%dma_start3A_112 : memref<40x128xf32, #tpu.memory_space<vmem_shared>>) target_semaphore(%run_scoped3A : memref<!tpu.dma_semaphore, #tpu.memory_space<semaphore_mem>>)
      %dma_wait3A_113 = arith.constant 0 : i32
      %dma_wait3A_114 = tpu.memref_slice %arg18[%add3A_29, %dma_wait3A_113] : memref<10240x128xf32, #tpu.memory_space<vmem_shared>> -> memref<40x128xf32, #tpu.memory_space<vmem_shared>>
      %dma_wait3A_115 = arith.constant 0 : i32
      %dma_wait3A_116 = tpu.memref_slice %arg18[%add3A_29, %dma_wait3A_115] : memref<10240x128xf32, #tpu.memory_space<vmem_shared>> -> memref<40x128xf32, #tpu.memory_space<vmem_shared>>
      tpu.wait_dma2 semaphore(%run_scoped3A : memref<!tpu.dma_semaphore, #tpu.memory_space<semaphore_mem>>) src(%arg17 : memref<40x128xf32, #tpu.memory_space<vmem>>) dst(%dma_wait3A_116 : memref<40x128xf32, #tpu.memory_space<vmem_shared>>)
      tpu.yield
    }) : () -> ()
    %add3A_30 = arith.constant 360 : i32
    %add3A_31 = arith.addi %mul3A_11, %add3A_30 : i32
    "tpu.region"() ({
      %run_scoped3A = tpu.sem_alloc : memref<!tpu.dma_semaphore, #tpu.memory_space<semaphore_mem>>
      %dma_start3A_109 = arith.constant 0 : i32
      %dma_start3A_110 = tpu.memref_slice %arg18[%add3A_31, %dma_start3A_109] : memref<10240x128xf32, #tpu.memory_space<vmem_shared>> -> memref<40x128xf32, #tpu.memory_space<vmem_shared>>
      %dma_start3A_111 = arith.constant 0 : i32
      %dma_start3A_112 = tpu.memref_slice %arg18[%add3A_31, %dma_start3A_111] : memref<10240x128xf32, #tpu.memory_space<vmem_shared>> -> memref<40x128xf32, #tpu.memory_space<vmem_shared>>
      tpu.enqueue_dma source(%arg17 : memref<40x128xf32, #tpu.memory_space<vmem>>) target(%dma_start3A_112 : memref<40x128xf32, #tpu.memory_space<vmem_shared>>) target_semaphore(%run_scoped3A : memref<!tpu.dma_semaphore, #tpu.memory_space<semaphore_mem>>)
      %dma_wait3A_113 = arith.constant 0 : i32
      %dma_wait3A_114 = tpu.memref_slice %arg18[%add3A_31, %dma_wait3A_113] : memref<10240x128xf32, #tpu.memory_space<vmem_shared>> -> memref<40x128xf32, #tpu.memory_space<vmem_shared>>
      %dma_wait3A_115 = arith.constant 0 : i32
      %dma_wait3A_116 = tpu.memref_slice %arg18[%add3A_31, %dma_wait3A_115] : memref<10240x128xf32, #tpu.memory_space<vmem_shared>> -> memref<40x128xf32, #tpu.memory_space<vmem_shared>>
      tpu.wait_dma2 semaphore(%run_scoped3A : memref<!tpu.dma_semaphore, #tpu.memory_space<semaphore_mem>>) src(%arg17 : memref<40x128xf32, #tpu.memory_space<vmem>>) dst(%dma_wait3A_116 : memref<40x128xf32, #tpu.memory_space<vmem_shared>>)
      tpu.yield
    }) : () -> ()
    %add3A_32 = arith.constant 400 : i32
    %add3A_33 = arith.addi %mul3A_11, %add3A_32 : i32
    "tpu.region"() ({
      %run_scoped3A = tpu.sem_alloc : memref<!tpu.dma_semaphore, #tpu.memory_space<semaphore_mem>>
      %dma_start3A_109 = arith.constant 0 : i32
      %dma_start3A_110 = tpu.memref_slice %arg18[%add3A_33, %dma_start3A_109] : memref<10240x128xf32, #tpu.memory_space<vmem_shared>> -> memref<40x128xf32, #tpu.memory_space<vmem_shared>>
      %dma_start3A_111 = arith.constant 0 : i32
      %dma_start3A_112 = tpu.memref_slice %arg18[%add3A_33, %dma_start3A_111] : memref<10240x128xf32, #tpu.memory_space<vmem_shared>> -> memref<40x128xf32, #tpu.memory_space<vmem_shared>>
      tpu.enqueue_dma source(%arg17 : memref<40x128xf32, #tpu.memory_space<vmem>>) target(%dma_start3A_112 : memref<40x128xf32, #tpu.memory_space<vmem_shared>>) target_semaphore(%run_scoped3A : memref<!tpu.dma_semaphore, #tpu.memory_space<semaphore_mem>>)
      %dma_wait3A_113 = arith.constant 0 : i32
      %dma_wait3A_114 = tpu.memref_slice %arg18[%add3A_33, %dma_wait3A_113] : memref<10240x128xf32, #tpu.memory_space<vmem_shared>> -> memref<40x128xf32, #tpu.memory_space<vmem_shared>>
      %dma_wait3A_115 = arith.constant 0 : i32
      %dma_wait3A_116 = tpu.memref_slice %arg18[%add3A_33, %dma_wait3A_115] : memref<10240x128xf32, #tpu.memory_space<vmem_shared>> -> memref<40x128xf32, #tpu.memory_space<vmem_shared>>
      tpu.wait_dma2 semaphore(%run_scoped3A : memref<!tpu.dma_semaphore, #tpu.memory_space<semaphore_mem>>) src(%arg17 : memref<40x128xf32, #tpu.memory_space<vmem>>) dst(%dma_wait3A_116 : memref<40x128xf32, #tpu.memory_space<vmem_shared>>)
      tpu.yield
    }) : () -> ()
    %add3A_34 = arith.constant 440 : i32
    %add3A_35 = arith.addi %mul3A_11, %add3A_34 : i32
    "tpu.region"() ({
      %run_scoped3A = tpu.sem_alloc : memref<!tpu.dma_semaphore, #tpu.memory_space<semaphore_mem>>
      %dma_start3A_109 = arith.constant 0 : i32
      %dma_start3A_110 = tpu.memref_slice %arg18[%add3A_35, %dma_start3A_109] : memref<10240x128xf32, #tpu.memory_space<vmem_shared>> -> memref<40x128xf32, #tpu.memory_space<vmem_shared>>
      %dma_start3A_111 = arith.constant 0 : i32
      %dma_start3A_112 = tpu.memref_slice %arg18[%add3A_35, %dma_start3A_111] : memref<10240x128xf32, #tpu.memory_space<vmem_shared>> -> memref<40x128xf32, #tpu.memory_space<vmem_shared>>
      tpu.enqueue_dma source(%arg17 : memref<40x128xf32, #tpu.memory_space<vmem>>) target(%dma_start3A_112 : memref<40x128xf32, #tpu.memory_space<vmem_shared>>) target_semaphore(%run_scoped3A : memref<!tpu.dma_semaphore, #tpu.memory_space<semaphore_mem>>)
      %dma_wait3A_113 = arith.constant 0 : i32
      %dma_wait3A_114 = tpu.memref_slice %arg18[%add3A_35, %dma_wait3A_113] : memref<10240x128xf32, #tpu.memory_space<vmem_shared>> -> memref<40x128xf32, #tpu.memory_space<vmem_shared>>
      %dma_wait3A_115 = arith.constant 0 : i32
      %dma_wait3A_116 = tpu.memref_slice %arg18[%add3A_35, %dma_wait3A_115] : memref<10240x128xf32, #tpu.memory_space<vmem_shared>> -> memref<40x128xf32, #tpu.memory_space<vmem_shared>>
      tpu.wait_dma2 semaphore(%run_scoped3A : memref<!tpu.dma_semaphore, #tpu.memory_space<semaphore_mem>>) src(%arg17 : memref<40x128xf32, #tpu.memory_space<vmem>>) dst(%dma_wait3A_116 : memref<40x128xf32, #tpu.memory_space<vmem_shared>>)
      tpu.yield
    }) : () -> ()
    %add3A_36 = arith.constant 480 : i32
    %add3A_37 = arith.addi %mul3A_11, %add3A_36 : i32
    "tpu.region"() ({
      %run_scoped3A = tpu.sem_alloc : memref<!tpu.dma_semaphore, #tpu.memory_space<semaphore_mem>>
      %dma_start3A_109 = arith.constant 0 : i32
      %dma_start3A_110 = tpu.memref_slice %arg18[%add3A_37, %dma_start3A_109] : memref<10240x128xf32, #tpu.memory_space<vmem_shared>> -> memref<40x128xf32, #tpu.memory_space<vmem_shared>>
      %dma_start3A_111 = arith.constant 0 : i32
      %dma_start3A_112 = tpu.memref_slice %arg18[%add3A_37, %dma_start3A_111] : memref<10240x128xf32, #tpu.memory_space<vmem_shared>> -> memref<40x128xf32, #tpu.memory_space<vmem_shared>>
      tpu.enqueue_dma source(%arg17 : memref<40x128xf32, #tpu.memory_space<vmem>>) target(%dma_start3A_112 : memref<40x128xf32, #tpu.memory_space<vmem_shared>>) target_semaphore(%run_scoped3A : memref<!tpu.dma_semaphore, #tpu.memory_space<semaphore_mem>>)
      %dma_wait3A_113 = arith.constant 0 : i32
      %dma_wait3A_114 = tpu.memref_slice %arg18[%add3A_37, %dma_wait3A_113] : memref<10240x128xf32, #tpu.memory_space<vmem_shared>> -> memref<40x128xf32, #tpu.memory_space<vmem_shared>>
      %dma_wait3A_115 = arith.constant 0 : i32
      %dma_wait3A_116 = tpu.memref_slice %arg18[%add3A_37, %dma_wait3A_115] : memref<10240x128xf32, #tpu.memory_space<vmem_shared>> -> memref<40x128xf32, #tpu.memory_space<vmem_shared>>
      tpu.wait_dma2 semaphore(%run_scoped3A : memref<!tpu.dma_semaphore, #tpu.memory_space<semaphore_mem>>) src(%arg17 : memref<40x128xf32, #tpu.memory_space<vmem>>) dst(%dma_wait3A_116 : memref<40x128xf32, #tpu.memory_space<vmem_shared>>)
      tpu.yield
    }) : () -> ()
    %add3A_38 = arith.constant 520 : i32
    %add3A_39 = arith.addi %mul3A_11, %add3A_38 : i32
    "tpu.region"() ({
      %run_scoped3A = tpu.sem_alloc : memref<!tpu.dma_semaphore, #tpu.memory_space<semaphore_mem>>
      %dma_start3A_109 = arith.constant 0 : i32
      %dma_start3A_110 = tpu.memref_slice %arg18[%add3A_39, %dma_start3A_109] : memref<10240x128xf32, #tpu.memory_space<vmem_shared>> -> memref<40x128xf32, #tpu.memory_space<vmem_shared>>
      %dma_start3A_111 = arith.constant 0 : i32
      %dma_start3A_112 = tpu.memref_slice %arg18[%add3A_39, %dma_start3A_111] : memref<10240x128xf32, #tpu.memory_space<vmem_shared>> -> memref<40x128xf32, #tpu.memory_space<vmem_shared>>
      tpu.enqueue_dma source(%arg17 : memref<40x128xf32, #tpu.memory_space<vmem>>) target(%dma_start3A_112 : memref<40x128xf32, #tpu.memory_space<vmem_shared>>) target_semaphore(%run_scoped3A : memref<!tpu.dma_semaphore, #tpu.memory_space<semaphore_mem>>)
      %dma_wait3A_113 = arith.constant 0 : i32
      %dma_wait3A_114 = tpu.memref_slice %arg18[%add3A_39, %dma_wait3A_113] : memref<10240x128xf32, #tpu.memory_space<vmem_shared>> -> memref<40x128xf32, #tpu.memory_space<vmem_shared>>
      %dma_wait3A_115 = arith.constant 0 : i32
      %dma_wait3A_116 = tpu.memref_slice %arg18[%add3A_39, %dma_wait3A_115] : memref<10240x128xf32, #tpu.memory_space<vmem_shared>> -> memref<40x128xf32, #tpu.memory_space<vmem_shared>>
      tpu.wait_dma2 semaphore(%run_scoped3A : memref<!tpu.dma_semaphore, #tpu.memory_space<semaphore_mem>>) src(%arg17 : memref<40x128xf32, #tpu.memory_space<vmem>>) dst(%dma_wait3A_116 : memref<40x128xf32, #tpu.memory_space<vmem_shared>>)
      tpu.yield
    }) : () -> ()
    %add3A_40 = arith.constant 560 : i32
    %add3A_41 = arith.addi %mul3A_11, %add3A_40 : i32
    "tpu.region"() ({
      %run_scoped3A = tpu.sem_alloc : memref<!tpu.dma_semaphore, #tpu.memory_space<semaphore_mem>>
      %dma_start3A_109 = arith.constant 0 : i32
      %dma_start3A_110 = tpu.memref_slice %arg18[%add3A_41, %dma_start3A_109] : memref<10240x128xf32, #tpu.memory_space<vmem_shared>> -> memref<40x128xf32, #tpu.memory_space<vmem_shared>>
      %dma_start3A_111 = arith.constant 0 : i32
      %dma_start3A_112 = tpu.memref_slice %arg18[%add3A_41, %dma_start3A_111] : memref<10240x128xf32, #tpu.memory_space<vmem_shared>> -> memref<40x128xf32, #tpu.memory_space<vmem_shared>>
      tpu.enqueue_dma source(%arg17 : memref<40x128xf32, #tpu.memory_space<vmem>>) target(%dma_start3A_112 : memref<40x128xf32, #tpu.memory_space<vmem_shared>>) target_semaphore(%run_scoped3A : memref<!tpu.dma_semaphore, #tpu.memory_space<semaphore_mem>>)
      %dma_wait3A_113 = arith.constant 0 : i32
      %dma_wait3A_114 = tpu.memref_slice %arg18[%add3A_41, %dma_wait3A_113] : memref<10240x128xf32, #tpu.memory_space<vmem_shared>> -> memref<40x128xf32, #tpu.memory_space<vmem_shared>>
      %dma_wait3A_115 = arith.constant 0 : i32
      %dma_wait3A_116 = tpu.memref_slice %arg18[%add3A_41, %dma_wait3A_115] : memref<10240x128xf32, #tpu.memory_space<vmem_shared>> -> memref<40x128xf32, #tpu.memory_space<vmem_shared>>
      tpu.wait_dma2 semaphore(%run_scoped3A : memref<!tpu.dma_semaphore, #tpu.memory_space<semaphore_mem>>) src(%arg17 : memref<40x128xf32, #tpu.memory_space<vmem>>) dst(%dma_wait3A_116 : memref<40x128xf32, #tpu.memory_space<vmem_shared>>)
      tpu.yield
    }) : () -> ()
    %add3A_42 = arith.constant 600 : i32
    %add3A_43 = arith.addi %mul3A_11, %add3A_42 : i32
    "tpu.region"() ({
      %run_scoped3A = tpu.sem_alloc : memref<!tpu.dma_semaphore, #tpu.memory_space<semaphore_mem>>
      %dma_start3A_109 = arith.constant 0 : i32
      %dma_start3A_110 = tpu.memref_slice %arg18[%add3A_43, %dma_start3A_109] : memref<10240x128xf32, #tpu.memory_space<vmem_shared>> -> memref<40x128xf32, #tpu.memory_space<vmem_shared>>
      %dma_start3A_111 = arith.constant 0 : i32
      %dma_start3A_112 = tpu.memref_slice %arg18[%add3A_43, %dma_start3A_111] : memref<10240x128xf32, #tpu.memory_space<vmem_shared>> -> memref<40x128xf32, #tpu.memory_space<vmem_shared>>
      tpu.enqueue_dma source(%arg17 : memref<40x128xf32, #tpu.memory_space<vmem>>) target(%dma_start3A_112 : memref<40x128xf32, #tpu.memory_space<vmem_shared>>) target_semaphore(%run_scoped3A : memref<!tpu.dma_semaphore, #tpu.memory_space<semaphore_mem>>)
      %dma_wait3A_113 = arith.constant 0 : i32
      %dma_wait3A_114 = tpu.memref_slice %arg18[%add3A_43, %dma_wait3A_113] : memref<10240x128xf32, #tpu.memory_space<vmem_shared>> -> memref<40x128xf32, #tpu.memory_space<vmem_shared>>
      %dma_wait3A_115 = arith.constant 0 : i32
      %dma_wait3A_116 = tpu.memref_slice %arg18[%add3A_43, %dma_wait3A_115] : memref<10240x128xf32, #tpu.memory_space<vmem_shared>> -> memref<40x128xf32, #tpu.memory_space<vmem_shared>>
      tpu.wait_dma2 semaphore(%run_scoped3A : memref<!tpu.dma_semaphore, #tpu.memory_space<semaphore_mem>>) src(%arg17 : memref<40x128xf32, #tpu.memory_space<vmem>>) dst(%dma_wait3A_116 : memref<40x128xf32, #tpu.memory_space<vmem_shared>>)
      tpu.yield
    }) : () -> ()
    %mul3A_44 = arith.constant 80 : i32
    %mul3A_45 = arith.muli %arg1, %mul3A_44 : i32
    %add3A_46 = arith.constant 0 : i32
    %add3A_47 = arith.addi %mul3A_45, %add3A_46 : i32
    "tpu.region"() ({
      %run_scoped3A = tpu.sem_alloc : memref<!tpu.dma_semaphore, #tpu.memory_space<semaphore_mem>>
      %dma_start3A_109 = arith.constant 0 : i32
      %dma_start3A_110 = tpu.memref_slice %arg19[%add3A_47, %dma_start3A_109] : memref<1280x128xf32, #tpu.memory_space<vmem_shared>> -> memref<40x128xf32, #tpu.memory_space<vmem_shared>>
      %dma_start3A_111 = arith.constant 0 : i32
      %dma_start3A_112 = tpu.memref_slice %arg19[%add3A_47, %dma_start3A_111] : memref<1280x128xf32, #tpu.memory_space<vmem_shared>> -> memref<40x128xf32, #tpu.memory_space<vmem_shared>>
      tpu.enqueue_dma source(%arg17 : memref<40x128xf32, #tpu.memory_space<vmem>>) target(%dma_start3A_112 : memref<40x128xf32, #tpu.memory_space<vmem_shared>>) target_semaphore(%run_scoped3A : memref<!tpu.dma_semaphore, #tpu.memory_space<semaphore_mem>>)
      %dma_wait3A_113 = arith.constant 0 : i32
      %dma_wait3A_114 = tpu.memref_slice %arg19[%add3A_47, %dma_wait3A_113] : memref<1280x128xf32, #tpu.memory_space<vmem_shared>> -> memref<40x128xf32, #tpu.memory_space<vmem_shared>>
      %dma_wait3A_115 = arith.constant 0 : i32
      %dma_wait3A_116 = tpu.memref_slice %arg19[%add3A_47, %dma_wait3A_115] : memref<1280x128xf32, #tpu.memory_space<vmem_shared>> -> memref<40x128xf32, #tpu.memory_space<vmem_shared>>
      tpu.wait_dma2 semaphore(%run_scoped3A : memref<!tpu.dma_semaphore, #tpu.memory_space<semaphore_mem>>) src(%arg17 : memref<40x128xf32, #tpu.memory_space<vmem>>) dst(%dma_wait3A_116 : memref<40x128xf32, #tpu.memory_space<vmem_shared>>)
      tpu.yield
    }) : () -> ()
    %mul3A_48 = arith.constant 80 : i32
    %mul3A_49 = arith.muli %arg1, %mul3A_48 : i32
    %add3A_50 = arith.constant 40 : i32
    %add3A_51 = arith.addi %mul3A_49, %add3A_50 : i32
    "tpu.region"() ({
      %run_scoped3A = tpu.sem_alloc : memref<!tpu.dma_semaphore, #tpu.memory_space<semaphore_mem>>
      %dma_start3A_109 = arith.constant 0 : i32
      %dma_start3A_110 = tpu.memref_slice %arg19[%add3A_51, %dma_start3A_109] : memref<1280x128xf32, #tpu.memory_space<vmem_shared>> -> memref<40x128xf32, #tpu.memory_space<vmem_shared>>
      %dma_start3A_111 = arith.constant 0 : i32
      %dma_start3A_112 = tpu.memref_slice %arg19[%add3A_51, %dma_start3A_111] : memref<1280x128xf32, #tpu.memory_space<vmem_shared>> -> memref<40x128xf32, #tpu.memory_space<vmem_shared>>
      tpu.enqueue_dma source(%arg17 : memref<40x128xf32, #tpu.memory_space<vmem>>) target(%dma_start3A_112 : memref<40x128xf32, #tpu.memory_space<vmem_shared>>) target_semaphore(%run_scoped3A : memref<!tpu.dma_semaphore, #tpu.memory_space<semaphore_mem>>)
      %dma_wait3A_113 = arith.constant 0 : i32
      %dma_wait3A_114 = tpu.memref_slice %arg19[%add3A_51, %dma_wait3A_113] : memref<1280x128xf32, #tpu.memory_space<vmem_shared>> -> memref<40x128xf32, #tpu.memory_space<vmem_shared>>
      %dma_wait3A_115 = arith.constant 0 : i32
      %dma_wait3A_116 = tpu.memref_slice %arg19[%add3A_51, %dma_wait3A_115] : memref<1280x128xf32, #tpu.memory_space<vmem_shared>> -> memref<40x128xf32, #tpu.memory_space<vmem_shared>>
      tpu.wait_dma2 semaphore(%run_scoped3A : memref<!tpu.dma_semaphore, #tpu.memory_space<semaphore_mem>>) src(%arg17 : memref<40x128xf32, #tpu.memory_space<vmem>>) dst(%dma_wait3A_116 : memref<40x128xf32, #tpu.memory_space<vmem_shared>>)
      tpu.yield
    }) : () -> ()
    %mul3A_52 = arith.constant 10000 : i32
    %mul3A_53 = arith.muli %add3A, %mul3A_52 : i32
    %multiple_of3A = tpu.assume_multiple %mul3A_53, 8 : i32
    "tpu.region"() ({
      %run_scoped3A = tpu.sem_alloc : memref<!tpu.dma_semaphore, #tpu.memory_space<semaphore_mem>>
      %dma_start3A_109 = arith.constant 0 : i32
      %dma_start3A_110 = tpu.memref_slice %arg8[%dma_start3A_109] : memref<10016xi32, #tpu.memory_space<vmem>> -> memref<10000xi32, #tpu.memory_space<vmem>>
      %dma_start3A_111 = tpu.memref_slice %arg5[%multiple_of3A] : memref<320000xi32, #tpu.memory_space<hbm>> -> memref<10000xi32, #tpu.memory_space<hbm>>
      %dma_start3A_112 = arith.constant 0 : i32
      %dma_start3A_113 = tpu.memref_slice %arg8[%dma_start3A_112] : memref<10016xi32, #tpu.memory_space<vmem>> -> memref<10000xi32, #tpu.memory_space<vmem>>
      %dma_start3A_114 = tpu.memref_slice %arg5[%multiple_of3A] : memref<320000xi32, #tpu.memory_space<hbm>> -> memref<10000xi32, #tpu.memory_space<hbm>>
      tpu.enqueue_dma source(%dma_start3A_114 : memref<10000xi32, #tpu.memory_space<hbm>>) target(%dma_start3A_113 : memref<10000xi32, #tpu.memory_space<vmem>>) target_semaphore(%run_scoped3A : memref<!tpu.dma_semaphore, #tpu.memory_space<semaphore_mem>>)
      %dma_wait3A_115 = arith.constant 0 : i32
      %dma_wait3A_116 = tpu.memref_slice %arg8[%dma_wait3A_115] : memref<10016xi32, #tpu.memory_space<vmem>> -> memref<10000xi32, #tpu.memory_space<vmem>>
      %dma_wait3A_117 = tpu.memref_slice %arg5[%multiple_of3A] : memref<320000xi32, #tpu.memory_space<hbm>> -> memref<10000xi32, #tpu.memory_space<hbm>>
      %dma_wait3A_118 = arith.constant 0 : i32
      %dma_wait3A_119 = tpu.memref_slice %arg8[%dma_wait3A_118] : memref<10016xi32, #tpu.memory_space<vmem>> -> memref<10000xi32, #tpu.memory_space<vmem>>
      %dma_wait3A_120 = tpu.memref_slice %arg5[%multiple_of3A] : memref<320000xi32, #tpu.memory_space<hbm>> -> memref<10000xi32, #tpu.memory_space<hbm>>
      tpu.wait_dma2 semaphore(%run_scoped3A : memref<!tpu.dma_semaphore, #tpu.memory_space<semaphore_mem>>) src(%dma_wait3A_120 : memref<10000xi32, #tpu.memory_space<hbm>>) dst(%dma_wait3A_119 : memref<10000xi32, #tpu.memory_space<vmem>>)
      tpu.yield
    }) : () -> ()
    %swap3A = arith.constant 10000 : index
    %swap3A_54 = tpu.vector_load %arg8[%swap3A] {strides = array<i32>} : memref<10016xi32, #tpu.memory_space<vmem>>, vector<16xi32>,
    %swap3A_55 = vector.shape_cast %swap3A_54 : vector<16xi32> to vector<16xi32>
    %swap3A_56 = vector.shape_cast %broadcast_in_dim3A_3 : vector<16xi32> to vector<16xi32>
    tpu.vector_store %arg8[%swap3A], %swap3A_56 {strides = array<i32>} : memref<10016xi32, #tpu.memory_space<vmem>>, vector<16xi32>,
    %swap3A_57 = arith.constant 0 : index
    %swap3A_58 = tpu.vector_load %arg11[%swap3A_57] {strides = array<i32>} : memref<40xi32, #tpu.memory_space<vmem>>, vector<16xi32>,
    %swap3A_59 = vector.shape_cast %swap3A_58 : vector<16xi32> to vector<16xi32>
    %swap3A_60 = vector.shape_cast %broadcast_in_dim3A_3 : vector<16xi32> to vector<16xi32>
    tpu.vector_store %arg11[%swap3A_57], %swap3A_60 {strides = array<i32>} : memref<40xi32, #tpu.memory_space<vmem>>, vector<16xi32>,
    %swap3A_61 = arith.constant 0 : index
    %swap3A_62 = tpu.vector_load %arg12[%swap3A_61] {strides = array<i32>} : memref<40xi32, #tpu.memory_space<vmem>>, vector<16xi32>,
    %swap3A_63 = vector.shape_cast %swap3A_62 : vector<16xi32> to vector<16xi32>
    %swap3A_64 = vector.shape_cast %broadcast_in_dim3A_3 : vector<16xi32> to vector<16xi32>
    tpu.vector_store %arg12[%swap3A_61], %swap3A_64 {strides = array<i32>} : memref<40xi32, #tpu.memory_space<vmem>>, vector<16xi32>,
    %swap3A_65 = arith.constant 16 : index
    %swap3A_66 = tpu.vector_load %arg11[%swap3A_65] {strides = array<i32>} : memref<40xi32, #tpu.memory_space<vmem>>, vector<16xi32>,
    %swap3A_67 = vector.shape_cast %swap3A_66 : vector<16xi32> to vector<16xi32>
    %swap3A_68 = vector.shape_cast %broadcast_in_dim3A_3 : vector<16xi32> to vector<16xi32>
    tpu.vector_store %arg11[%swap3A_65], %swap3A_68 {strides = array<i32>} : memref<40xi32, #tpu.memory_space<vmem>>, vector<16xi32>,
    %swap3A_69 = arith.constant 16 : index
    %swap3A_70 = tpu.vector_load %arg12[%swap3A_69] {strides = array<i32>} : memref<40xi32, #tpu.memory_space<vmem>>, vector<16xi32>,
    %swap3A_71 = vector.shape_cast %swap3A_70 : vector<16xi32> to vector<16xi32>
    %swap3A_72 = vector.shape_cast %broadcast_in_dim3A_3 : vector<16xi32> to vector<16xi32>
    tpu.vector_store %arg12[%swap3A_69], %swap3A_72 {strides = array<i32>} : memref<40xi32, #tpu.memory_space<vmem>>, vector<16xi32>,
    %swap3A_73 = arith.constant 24 : index
    %swap3A_74 = tpu.vector_load %arg11[%swap3A_73] {strides = array<i32>} : memref<40xi32, #tpu.memory_space<vmem>>, vector<16xi32>,
    %swap3A_75 = vector.shape_cast %swap3A_74 : vector<16xi32> to vector<16xi32>
    %swap3A_76 = vector.shape_cast %broadcast_in_dim3A_3 : vector<16xi32> to vector<16xi32>
    tpu.vector_store %arg11[%swap3A_73], %swap3A_76 {strides = array<i32>} : memref<40xi32, #tpu.memory_space<vmem>>, vector<16xi32>,
    %swap3A_77 = arith.constant 24 : index
    %swap3A_78 = tpu.vector_load %arg12[%swap3A_77] {strides = array<i32>} : memref<40xi32, #tpu.memory_space<vmem>>, vector<16xi32>,
    %swap3A_79 = vector.shape_cast %swap3A_78 : vector<16xi32> to vector<16xi32>
    %swap3A_80 = vector.shape_cast %broadcast_in_dim3A_3 : vector<16xi32> to vector<16xi32>
    tpu.vector_store %arg12[%swap3A_77], %swap3A_80 {strides = array<i32>} : memref<40xi32, #tpu.memory_space<vmem>>, vector<16xi32>,
    %barrier3A = arith.constant 0 : index
    tpu.barrier barrier_id(%barrier3A)
    %dma_start3A = arith.constant 0 : i32
    %dma_start3A_81 = arith.constant 0 : i32
    %dma_start3A_82 = tpu.memref_slice %arg18[%dma_start3A, %dma_start3A_81] : memref<10240x128xf32, #tpu.memory_space<vmem_shared>> -> memref<10240x128xf32, #tpu.memory_space<vmem_shared>>
    tpu.enqueue_indirect_dma source(%arg17 : memref<40x128xf32, #tpu.memory_space<vmem>>) target(%dma_start3A_82 : memref<10240x128xf32, #tpu.memory_space<vmem_shared>>) offsets(%arg11 : memref<40xi32, #tpu.memory_space<vmem>>) semaphore(%arg22 : memref<!tpu.dma_semaphore, #tpu.memory_space<semaphore_mem>>) {add = true}
    %dma_start3A_83 = arith.constant 0 : i32
    %dma_start3A_84 = arith.constant 0 : i32
    %dma_start3A_85 = tpu.memref_slice %arg19[%dma_start3A_83, %dma_start3A_84] : memref<1280x128xf32, #tpu.memory_space<vmem_shared>> -> memref<1280x128xf32, #tpu.memory_space<vmem_shared>>
    tpu.enqueue_indirect_dma source(%arg17 : memref<40x128xf32, #tpu.memory_space<vmem>>) target(%dma_start3A_85 : memref<1280x128xf32, #tpu.memory_space<vmem_shared>>) offsets(%arg12 : memref<40xi32, #tpu.memory_space<vmem>>) semaphore(%arg22 : memref<!tpu.dma_semaphore, #tpu.memory_space<semaphore_mem>>) {add = true}
    %multiple_of3A_86 = tpu.assume_multiple %multiple_of3A, 8 : i32
    %dma_start3A_87 = tpu.memref_slice %arg4[%multiple_of3A_86] : memref<320040xi32, #tpu.memory_space<hbm>> -> memref<40xi32, #tpu.memory_space<hbm>>
    %dma_start3A_88 = tpu.memref_slice %arg4[%multiple_of3A_86] : memref<320040xi32, #tpu.memory_space<hbm>> -> memref<40xi32, #tpu.memory_space<hbm>>
    tpu.enqueue_dma source(%dma_start3A_88 : memref<40xi32, #tpu.memory_space<hbm>>) target(%arg10 : memref<40xi32, #tpu.memory_space<vmem>>) target_semaphore(%arg23 : memref<!tpu.dma_semaphore, #tpu.memory_space<semaphore_mem>>)
    %scan3A_89 = arith.constant 0 : i32
    %scan3A_90 = arith.constant 0 : i32
    %scan3A_91 = arith.constant 250 : i32
    %scan3A_92 = arith.addi %scan3A_90, %scan3A_91 : i32
    %scan3A_93 = arith.constant 1 : i32
    %scan3A_94 = scf.for %scan3A_109 = %scan3A_90 to %scan3A_92 step %scan3A_93 iter_args(%scan3A_110 = %scan3A_89) -> (i32)  : i32 {
      %mul3A_111 = arith.constant 40 : i32
      %mul3A_112 = arith.muli %scan3A_109, %mul3A_111 : i32
      %multiple_of3A_113 = tpu.assume_multiple %mul3A_112, 8 : i32
      %multiple_of3A_114 = tpu.assume_multiple %multiple_of3A, 8 : i32
      %dma_wait3A_115 = tpu.memref_slice %arg4[%multiple_of3A_114] : memref<320040xi32, #tpu.memory_space<hbm>> -> memref<40xi32, #tpu.memory_space<hbm>>
      %dma_wait3A_116 = tpu.memref_slice %arg4[%multiple_of3A_114] : memref<320040xi32, #tpu.memory_space<hbm>> -> memref<40xi32, #tpu.memory_space<hbm>>
      tpu.wait_dma2 semaphore(%arg23 : memref<!tpu.dma_semaphore, #tpu.memory_space<semaphore_mem>>) src(%dma_wait3A_116 : memref<40xi32, #tpu.memory_space<hbm>>) dst(%arg10 : memref<40xi32, #tpu.memory_space<vmem>>)
      %get3A = arith.constant 0 : index
      %get3A_117 = tpu.vector_load %arg10[%get3A] {strides = array<i32>} : memref<40xi32, #tpu.memory_space<vmem>>, vector<16xi32>,
      %get3A_118 = vector.shape_cast %get3A_117 : vector<16xi32> to vector<16xi32>
      %swap3A_119 = arith.constant 0 : index
      %swap3A_120 = tpu.vector_load %arg9[%swap3A_119] {strides = array<i32>} : memref<40xi32, #tpu.memory_space<vmem>>, vector<16xi32>,
      %swap3A_121 = vector.shape_cast %swap3A_120 : vector<16xi32> to vector<16xi32>
      %swap3A_122 = vector.shape_cast %get3A_118 : vector<16xi32> to vector<16xi32>
      tpu.vector_store %arg9[%swap3A_119], %swap3A_122 {strides = array<i32>} : memref<40xi32, #tpu.memory_space<vmem>>, vector<16xi32>,
      %swap3A_123 = arith.constant 40 : index
      %swap3A_124 = tpu.vector_load %arg13[%swap3A_123] {strides = array<i32>} : memref<80xi32, #tpu.memory_space<vmem>>, vector<16xi32>,
      %swap3A_125 = vector.shape_cast %swap3A_124 : vector<16xi32> to vector<16xi32>
      %swap3A_126 = vector.shape_cast %get3A_118 : vector<16xi32> to vector<16xi32>
      tpu.vector_store %arg13[%swap3A_123], %swap3A_126 {strides = array<i32>} : memref<80xi32, #tpu.memory_space<vmem>>, vector<16xi32>,
      %add3A_127 = arith.constant 0 : i32
      %add3A_128 = arith.addi %multiple_of3A_113, %add3A_127 : i32
      %get3A_129 = arith.index_cast %add3A_128 : i32 to index
      %get3A_130 = tpu.vector_load %arg8[%get3A_129] {strides = array<i32>} : memref<10016xi32, #tpu.memory_space<vmem>>, vector<16xi32>,
      %get3A_131 = vector.shape_cast %get3A_130 : vector<16xi32> to vector<16xi32>
      %swap3A_132 = arith.constant 0 : index
      %swap3A_133 = tpu.vector_load %arg13[%swap3A_132] {strides = array<i32>} : memref<80xi32, #tpu.memory_space<vmem>>, vector<16xi32>,
      %swap3A_134 = vector.shape_cast %swap3A_133 : vector<16xi32> to vector<16xi32>
      %swap3A_135 = vector.shape_cast %get3A_131 : vector<16xi32> to vector<16xi32>
      tpu.vector_store %arg13[%swap3A_132], %swap3A_135 {strides = array<i32>} : memref<80xi32, #tpu.memory_space<vmem>>, vector<16xi32>,
      %get3A_136 = arith.constant 16 : index
      %get3A_137 = tpu.vector_load %arg10[%get3A_136] {strides = array<i32>} : memref<40xi32, #tpu.memory_space<vmem>>, vector<16xi32>,
      %get3A_138 = vector.shape_cast %get3A_137 : vector<16xi32> to vector<16xi32>
      %swap3A_139 = arith.constant 16 : index
      %swap3A_140 = tpu.vector_load %arg9[%swap3A_139] {strides = array<i32>} : memref<40xi32, #tpu.memory_space<vmem>>, vector<16xi32>,
      %swap3A_141 = vector.shape_cast %swap3A_140 : vector<16xi32> to vector<16xi32>
      %swap3A_142 = vector.shape_cast %get3A_138 : vector<16xi32> to vector<16xi32>
      tpu.vector_store %arg9[%swap3A_139], %swap3A_142 {strides = array<i32>} : memref<40xi32, #tpu.memory_space<vmem>>, vector<16xi32>,
      %swap3A_143 = arith.constant 56 : index
      %swap3A_144 = tpu.vector_load %arg13[%swap3A_143] {strides = array<i32>} : memref<80xi32, #tpu.memory_space<vmem>>, vector<16xi32>,
      %swap3A_145 = vector.shape_cast %swap3A_144 : vector<16xi32> to vector<16xi32>
      %swap3A_146 = vector.shape_cast %get3A_138 : vector<16xi32> to vector<16xi32>
      tpu.vector_store %arg13[%swap3A_143], %swap3A_146 {strides = array<i32>} : memref<80xi32, #tpu.memory_space<vmem>>, vector<16xi32>,
      %add3A_147 = arith.constant 16 : i32
      %add3A_148 = arith.addi %multiple_of3A_113, %add3A_147 : i32
      %get3A_149 = arith.index_cast %add3A_148 : i32 to index
      %get3A_150 = tpu.vector_load %arg8[%get3A_149] {strides = array<i32>} : memref<10016xi32, #tpu.memory_space<vmem>>, vector<16xi32>,
      %get3A_151 = vector.shape_cast %get3A_150 : vector<16xi32> to vector<16xi32>
      %swap3A_152 = arith.constant 16 : index
      %swap3A_153 = tpu.vector_load %arg13[%swap3A_152] {strides = array<i32>} : memref<80xi32, #tpu.memory_space<vmem>>, vector<16xi32>,
      %swap3A_154 = vector.shape_cast %swap3A_153 : vector<16xi32> to vector<16xi32>
      %swap3A_155 = vector.shape_cast %get3A_151 : vector<16xi32> to vector<16xi32>
      tpu.vector_store %arg13[%swap3A_152], %swap3A_155 {strides = array<i32>} : memref<80xi32, #tpu.memory_space<vmem>>, vector<16xi32>,
      %get3A_156 = arith.constant 24 : index
      %get3A_157 = tpu.vector_load %arg10[%get3A_156] {strides = array<i32>} : memref<40xi32, #tpu.memory_space<vmem>>, vector<16xi32>,
      %get3A_158 = vector.shape_cast %get3A_157 : vector<16xi32> to vector<16xi32>
      %swap3A_159 = arith.constant 24 : index
      %swap3A_160 = tpu.vector_load %arg9[%swap3A_159] {strides = array<i32>} : memref<40xi32, #tpu.memory_space<vmem>>, vector<16xi32>,
      %swap3A_161 = vector.shape_cast %swap3A_160 : vector<16xi32> to vector<16xi32>
      %swap3A_162 = vector.shape_cast %get3A_158 : vector<16xi32> to vector<16xi32>
      tpu.vector_store %arg9[%swap3A_159], %swap3A_162 {strides = array<i32>} : memref<40xi32, #tpu.memory_space<vmem>>, vector<16xi32>,
      %swap3A_163 = arith.constant 64 : index
      %swap3A_164 = tpu.vector_load %arg13[%swap3A_163] {strides = array<i32>} : memref<80xi32, #tpu.memory_space<vmem>>, vector<16xi32>,
      %swap3A_165 = vector.shape_cast %swap3A_164 : vector<16xi32> to vector<16xi32>
      %swap3A_166 = vector.shape_cast %get3A_158 : vector<16xi32> to vector<16xi32>
      tpu.vector_store %arg13[%swap3A_163], %swap3A_166 {strides = array<i32>} : memref<80xi32, #tpu.memory_space<vmem>>, vector<16xi32>,
      %add3A_167 = arith.constant 24 : i32
      %add3A_168 = arith.addi %multiple_of3A_113, %add3A_167 : i32
      %get3A_169 = arith.index_cast %add3A_168 : i32 to index
      %get3A_170 = tpu.vector_load %arg8[%get3A_169] {strides = array<i32>} : memref<10016xi32, #tpu.memory_space<vmem>>, vector<16xi32>,
      %get3A_171 = vector.shape_cast %get3A_170 : vector<16xi32> to vector<16xi32>
      %swap3A_172 = arith.constant 24 : index
      %swap3A_173 = tpu.vector_load %arg13[%swap3A_172] {strides = array<i32>} : memref<80xi32, #tpu.memory_space<vmem>>, vector<16xi32>,
      %swap3A_174 = vector.shape_cast %swap3A_173 : vector<16xi32> to vector<16xi32>
      %swap3A_175 = vector.shape_cast %get3A_171 : vector<16xi32> to vector<16xi32>
      tpu.vector_store %arg13[%swap3A_172], %swap3A_175 {strides = array<i32>} : memref<80xi32, #tpu.memory_space<vmem>>, vector<16xi32>,
      %add3A_176 = arith.addi %multiple_of3A, %multiple_of3A_113 : i32
      %add3A_177 = arith.constant 40 : i32
      %add3A_178 = arith.addi %add3A_176, %add3A_177 : i32
      %multiple_of3A_179 = tpu.assume_multiple %add3A_178, 8 : i32
      %dma_start3A_180 = tpu.memref_slice %arg4[%multiple_of3A_179] : memref<320040xi32, #tpu.memory_space<hbm>> -> memref<40xi32, #tpu.memory_space<hbm>>
      %dma_start3A_181 = tpu.memref_slice %arg4[%multiple_of3A_179] : memref<320040xi32, #tpu.memory_space<hbm>> -> memref<40xi32, #tpu.memory_space<hbm>>
      tpu.enqueue_dma source(%dma_start3A_181 : memref<40xi32, #tpu.memory_space<hbm>>) target(%arg10 : memref<40xi32, #tpu.memory_space<vmem>>) target_semaphore(%arg23 : memref<!tpu.dma_semaphore, #tpu.memory_space<semaphore_mem>>)
      %dma_start3A_182 = arith.constant 0 : i32
      %dma_start3A_183 = arith.constant 0 : i32
      %dma_start3A_184 = tpu.memref_slice %arg3[%dma_start3A_182, %dma_start3A_183] : memref<10000x128xf32, #tpu.memory_space<hbm>> -> memref<10000x128xf32, #tpu.memory_space<hbm>>
      tpu.enqueue_indirect_dma source(%dma_start3A_184 : memref<10000x128xf32, #tpu.memory_space<hbm>>) target(%arg15 : memref<80x128xf32, #tpu.memory_space<vmem>>) offsets(%arg13 : memref<80xi32, #tpu.memory_space<vmem>>) semaphore(%arg20 : memref<!tpu.dma_semaphore, #tpu.memory_space<semaphore_mem>>)
      %dma_wait3A_185 = arith.constant 0 : i32
      %dma_wait3A_186 = arith.constant 0 : i32
      %dma_wait3A_187 = tpu.memref_slice %arg18[%dma_wait3A_185, %dma_wait3A_186] : memref<10240x128xf32, #tpu.memory_space<vmem_shared>> -> memref<10240x128xf32, #tpu.memory_space<vmem_shared>>
      tpu.wait_indirect_dma semaphore(%arg22 : memref<!tpu.dma_semaphore, #tpu.memory_space<semaphore_mem>>) src(%arg14 : memref<40x128xf32, #tpu.memory_space<vmem>>) dst(%dma_wait3A_187 : memref<10240x128xf32, #tpu.memory_space<vmem_shared>>)
      %dma_wait3A_188 = arith.constant 0 : i32
      %dma_wait3A_189 = arith.constant 0 : i32
      %dma_wait3A_190 = tpu.memref_slice %arg19[%dma_wait3A_188, %dma_wait3A_189] : memref<1280x128xf32, #tpu.memory_space<vmem_shared>> -> memref<1280x128xf32, #tpu.memory_space<vmem_shared>>
      tpu.wait_indirect_dma semaphore(%arg22 : memref<!tpu.dma_semaphore, #tpu.memory_space<semaphore_mem>>) src(%arg16 : memref<40x128xf32, #tpu.memory_space<vmem>>) dst(%dma_wait3A_190 : memref<1280x128xf32, #tpu.memory_space<vmem_shared>>)
      %dma_start3A_191 = arith.constant 0 : i32
      %dma_start3A_192 = arith.constant 0 : i32
      %dma_start3A_193 = tpu.memref_slice %arg2[%dma_start3A_191, %dma_start3A_192] : memref<10000x128xf32, #tpu.memory_space<hbm>> -> memref<10000x128xf32, #tpu.memory_space<hbm>>
      tpu.enqueue_indirect_dma source(%dma_start3A_193 : memref<10000x128xf32, #tpu.memory_space<hbm>>) target(%arg14 : memref<40x128xf32, #tpu.memory_space<vmem>>) offsets(%arg9 : memref<40xi32, #tpu.memory_space<vmem>>) semaphore(%arg21 : memref<!tpu.dma_semaphore, #tpu.memory_space<semaphore_mem>>)
      %add3A_194 = arith.constant 0 : i32
      %add3A_195 = arith.addi %multiple_of3A_113, %add3A_194 : i32
      %get3A_196 = arith.index_cast %add3A_195 : i32 to index
      %get3A_197 = tpu.vector_load %arg8[%get3A_196] {strides = array<i32>} : memref<10016xi32, #tpu.memory_space<vmem>>, vector<16xi32>,
      %get3A_198 = vector.shape_cast %get3A_197 : vector<16xi32> to vector<16xi32>
      %swap3A_199 = arith.constant 0 : index
      %swap3A_200 = tpu.vector_load %arg11[%swap3A_199] {strides = array<i32>} : memref<40xi32, #tpu.memory_space<vmem>>, vector<16xi32>,
      %swap3A_201 = vector.shape_cast %swap3A_200 : vector<16xi32> to vector<16xi32>
      %swap3A_202 = vector.shape_cast %get3A_198 : vector<16xi32> to vector<16xi32>
      tpu.vector_store %arg11[%swap3A_199], %swap3A_202 {strides = array<i32>} : memref<40xi32, #tpu.memory_space<vmem>>, vector<16xi32>,
      %shift_right_logical3A = arith.constant 3 : i32
      %shift_right_logical3A_203 = vector.broadcast %shift_right_logical3A : i32 to vector<16xi32>
      %shift_right_logical3A_204 = arith.shrui %get3A_198, %shift_right_logical3A_203 : vector<16xi32>
      %swap3A_205 = arith.constant 0 : index
      %swap3A_206 = tpu.vector_load %arg12[%swap3A_205] {strides = array<i32>} : memref<40xi32, #tpu.memory_space<vmem>>, vector<16xi32>,
      %swap3A_207 = vector.shape_cast %swap3A_206 : vector<16xi32> to vector<16xi32>
      %swap3A_208 = vector.shape_cast %shift_right_logical3A_204 : vector<16xi32> to vector<16xi32>
      tpu.vector_store %arg12[%swap3A_205], %swap3A_208 {strides = array<i32>} : memref<40xi32, #tpu.memory_space<vmem>>, vector<16xi32>,
      %add3A_209 = arith.constant 16 : i32
      %add3A_210 = arith.addi %multiple_of3A_113, %add3A_209 : i32
      %get3A_211 = arith.index_cast %add3A_210 : i32 to index
      %get3A_212 = tpu.vector_load %arg8[%get3A_211] {strides = array<i32>} : memref<10016xi32, #tpu.memory_space<vmem>>, vector<16xi32>,
      %get3A_213 = vector.shape_cast %get3A_212 : vector<16xi32> to vector<16xi32>
      %swap3A_214 = arith.constant 16 : index
      %swap3A_215 = tpu.vector_load %arg11[%swap3A_214] {strides = array<i32>} : memref<40xi32, #tpu.memory_space<vmem>>, vector<16xi32>,
      %swap3A_216 = vector.shape_cast %swap3A_215 : vector<16xi32> to vector<16xi32>
      %swap3A_217 = vector.shape_cast %get3A_213 : vector<16xi32> to vector<16xi32>
      tpu.vector_store %arg11[%swap3A_214], %swap3A_217 {strides = array<i32>} : memref<40xi32, #tpu.memory_space<vmem>>, vector<16xi32>,
      %shift_right_logical3A_218 = arith.constant 3 : i32
      %shift_right_logical3A_219 = vector.broadcast %shift_right_logical3A_218 : i32 to vector<16xi32>
      %shift_right_logical3A_220 = arith.shrui %get3A_213, %shift_right_logical3A_219 : vector<16xi32>
      %swap3A_221 = arith.constant 16 : index
      %swap3A_222 = tpu.vector_load %arg12[%swap3A_221] {strides = array<i32>} : memref<40xi32, #tpu.memory_space<vmem>>, vector<16xi32>,
      %swap3A_223 = vector.shape_cast %swap3A_222 : vector<16xi32> to vector<16xi32>
      %swap3A_224 = vector.shape_cast %shift_right_logical3A_220 : vector<16xi32> to vector<16xi32>
      tpu.vector_store %arg12[%swap3A_221], %swap3A_224 {strides = array<i32>} : memref<40xi32, #tpu.memory_space<vmem>>, vector<16xi32>,
      %add3A_225 = arith.constant 24 : i32
      %add3A_226 = arith.addi %multiple_of3A_113, %add3A_225 : i32
      %get3A_227 = arith.index_cast %add3A_226 : i32 to index
      %get3A_228 = tpu.vector_load %arg8[%get3A_227] {strides = array<i32>} : memref<10016xi32, #tpu.memory_space<vmem>>, vector<16xi32>,
      %get3A_229 = vector.shape_cast %get3A_228 : vector<16xi32> to vector<16xi32>
      %swap3A_230 = arith.constant 24 : index
      %swap3A_231 = tpu.vector_load %arg11[%swap3A_230] {strides = array<i32>} : memref<40xi32, #tpu.memory_space<vmem>>, vector<16xi32>,
      %swap3A_232 = vector.shape_cast %swap3A_231 : vector<16xi32> to vector<16xi32>
      %swap3A_233 = vector.shape_cast %get3A_229 : vector<16xi32> to vector<16xi32>
      tpu.vector_store %arg11[%swap3A_230], %swap3A_233 {strides = array<i32>} : memref<40xi32, #tpu.memory_space<vmem>>, vector<16xi32>,
      %shift_right_logical3A_234 = arith.constant 3 : i32
      %shift_right_logical3A_235 = vector.broadcast %shift_right_logical3A_234 : i32 to vector<16xi32>
      %shift_right_logical3A_236 = arith.shrui %get3A_229, %shift_right_logical3A_235 : vector<16xi32>
      %swap3A_237 = arith.constant 24 : index
      %swap3A_238 = tpu.vector_load %arg12[%swap3A_237] {strides = array<i32>} : memref<40xi32, #tpu.memory_space<vmem>>, vector<16xi32>,
      %swap3A_239 = vector.shape_cast %swap3A_238 : vector<16xi32> to vector<16xi32>
      %swap3A_240 = vector.shape_cast %shift_right_logical3A_236 : vector<16xi32> to vector<16xi32>
      tpu.vector_store %arg12[%swap3A_237], %swap3A_240 {strides = array<i32>} : memref<40xi32, #tpu.memory_space<vmem>>, vector<16xi32>,
      %dma_wait3A_241 = arith.constant 0 : i32
      %dma_wait3A_242 = arith.constant 0 : i32
      %dma_wait3A_243 = tpu.memref_slice %arg3[%dma_wait3A_241, %dma_wait3A_242] : memref<10000x128xf32, #tpu.memory_space<hbm>> -> memref<10000x128xf32, #tpu.memory_space<hbm>>
      tpu.wait_indirect_dma semaphore(%arg20 : memref<!tpu.dma_semaphore, #tpu.memory_space<semaphore_mem>>) src(%dma_wait3A_243 : memref<10000x128xf32, #tpu.memory_space<hbm>>) dst(%arg15 : memref<80x128xf32, #tpu.memory_space<vmem>>)
      %dma_wait3A_244 = arith.constant 0 : i32
      %dma_wait3A_245 = arith.constant 0 : i32
      %dma_wait3A_246 = tpu.memref_slice %arg2[%dma_wait3A_244, %dma_wait3A_245] : memref<10000x128xf32, #tpu.memory_space<hbm>> -> memref<10000x128xf32, #tpu.memory_space<hbm>>
      tpu.wait_indirect_dma semaphore(%arg21 : memref<!tpu.dma_semaphore, #tpu.memory_space<semaphore_mem>>) src(%dma_wait3A_246 : memref<10000x128xf32, #tpu.memory_space<hbm>>) dst(%arg14 : memref<40x128xf32, #tpu.memory_space<vmem>>)
      %scan3A_247 = arith.constant 0 : i32
      %scan3A_248 = arith.constant 0 : i32
      %scan3A_249 = arith.constant 5 : i32
      %scan3A_250 = arith.addi %scan3A_248, %scan3A_249 : i32
      %scan3A_251 = arith.constant 1 : i32
      %scan3A_252 = scf.for %scan3A_261 = %scan3A_248 to %scan3A_250 step %scan3A_251 iter_args(%scan3A_262 = %scan3A_247) -> (i32)  : i32 {
        %mul3A_263 = arith.constant 8 : i32
        %mul3A_264 = arith.muli %mul3A_263, %scan3A_261 : i32
        %add3A_265 = arith.addi %multiple_of3A_113, %mul3A_264 : i32
        %get3A_266 = arith.index_cast %add3A_265 : i32 to index
        %get3A_267 = tpu.vector_load %arg8[%get3A_266] {strides = array<i32>} : memref<10016xi32, #tpu.memory_space<vmem>>, vector<16xi32>,
        %get3A_268 = vector.shape_cast %get3A_267 : vector<16xi32> to vector<16xi32>
        %mul3A_269 = arith.constant 8 : i32
        %mul3A_270 = arith.muli %mul3A_269, %scan3A_261 : i32
        %add3A_271 = arith.constant 0 : i32
        %add3A_272 = arith.addi %mul3A_270, %add3A_271 : i32
        %get3A_273 = arith.index_cast %add3A_272 : i32 to index
        %get3A_274 = arith.constant 0 : index
        %get3A_275 = tpu.vector_load %arg15[%get3A_273, %get3A_274] {strides = array<i32>} : memref<80x128xf32, #tpu.memory_space<vmem>>, vector<1x16xf32>,
        %get3A_276 = vector.shape_cast %get3A_275 : vector<1x16xf32> to vector<16xf32>
        %add3A_277 = arith.constant 40 : i32
        %add3A_278 = arith.addi %add3A_277, %add3A_272 : i32
        %get3A_279 = arith.index_cast %add3A_278 : i32 to index
        %get3A_280 = arith.constant 16 : index
        %get3A_281 = tpu.vector_load %arg15[%get3A_279, %get3A_280] {strides = array<i32>} : memref<80x128xf32, #tpu.memory_space<vmem>>, vector<1x16xf32>,
        %get3A_282 = vector.shape_cast %get3A_281 : vector<1x16xf32> to vector<16xf32>
        %add3A_283 = arith.addf %get3A_276, %get3A_282 : vector<16xf32>
        %mul3A_284 = arith.constant 2.000000e-01 : f32
        %mul3A_285 = vector.broadcast %mul3A_284 : f32 to vector<16xf32>
        %mul3A_286 = arith.mulf %mul3A_285, %add3A_283 : vector<16xf32>
        %max3A = arith.maximumf %add3A_283, %mul3A_286 : vector<16xf32>
        %exp3A = math.exp %max3A : vector<16xf32>
        %broadcast_in_dim3A_287 = arith.constant 0 : i32
        %broadcast_in_dim3A_288 = vector.broadcast %broadcast_in_dim3A_287 : i32 to vector<16xi32>
        %lt3A = arith.constant 0 : i32
        %lt3A_289 = vector.broadcast %lt3A : i32 to vector<16xi32>
        %lt3A_290 = arith.cmpi slt, %broadcast_in_dim3A_288, %lt3A_289 : vector<16xi32>
        %add3A_291 = arith.constant 16 : i32
        %add3A_292 = vector.broadcast %add3A_291 : i32 to vector<16xi32>
        %add3A_293 = arith.addi %broadcast_in_dim3A_288, %add3A_292 : vector<16xi32>
        %select_n3A = arith.select %lt3A_290, %add3A_293, %broadcast_in_dim3A_288 : vector<16xi1>, vector<16xi32>
        %broadcast_in_dim3A_294 = vector.shape_cast %select_n3A : vector<16xi32> to vector<16x1xi32>
        %gather3A = vector.shape_cast %broadcast_in_dim3A_294 : vector<16x1xi32> to vector<16xi32>
        %gather3A_295 = tpu.dynamic_gather %get3A_268[%gather3A] in [0] : vector<16xi32>, vector<16xi32> -> vector<16xi32>
        %and3A = arith.constant 7 : i32
        %and3A_296 = vector.broadcast %and3A : i32 to vector<16xi32>
        %and3A_297 = arith.andi %gather3A_295, %and3A_296 : vector<16xi32>
        %convert_element_type3A = arith.sitofp %and3A_297 : vector<16xi32> to vector<16xf32>
        %sub3A = arith.constant 0.000000e+00 : f32
        %sub3A_298 = vector.broadcast %sub3A : f32 to vector<16xf32>
        %sub3A_299 = arith.subf %convert_element_type3A, %sub3A_298 : vector<16xf32>
        %abs3A = math.absf %sub3A_299 : vector<16xf32>
        %sub3A_300 = arith.constant 1.000000e+00 : f32
        %sub3A_301 = vector.broadcast %sub3A_300 : f32 to vector<16xf32>
        %sub3A_302 = arith.subf %sub3A_301, %abs3A : vector<16xf32>
        %max3A_303 = arith.constant 0.000000e+00 : f32
        %max3A_304 = vector.broadcast %max3A_303 : f32 to vector<16xf32>
        %max3A_305 = arith.maximumf %max3A_304, %sub3A_302 : vector<16xf32>
        %mul3A_306 = arith.mulf %exp3A, %max3A_305 : vector<16xf32>
        %swap3A_307 = arith.index_cast %add3A_272 : i32 to index
        %swap3A_308 = arith.constant 0 : index
        %swap3A_309 = tpu.vector_load %arg16[%swap3A_307, %swap3A_308] {strides = array<i32>} : memref<40x128xf32, #tpu.memory_space<vmem>>, vector<1x16xf32>,
        %swap3A_310 = vector.shape_cast %swap3A_309 : vector<1x16xf32> to vector<16xf32>
        %swap3A_311 = vector.shape_cast %mul3A_306 : vector<16xf32> to vector<1x16xf32>
        tpu.vector_store %arg16[%swap3A_307, %swap3A_308], %swap3A_311 {strides = array<i32>} : memref<40x128xf32, #tpu.memory_space<vmem>>, vector<1x16xf32>,
        %sub3A_312 = arith.constant 1.000000e+00 : f32
        %sub3A_313 = vector.broadcast %sub3A_312 : f32 to vector<16xf32>
        %sub3A_314 = arith.subf %convert_element_type3A, %sub3A_313 : vector<16xf32>
        %abs3A_315 = math.absf %sub3A_314 : vector<16xf32>
        %sub3A_316 = arith.constant 1.000000e+00 : f32
        %sub3A_317 = vector.broadcast %sub3A_316 : f32 to vector<16xf32>
        %sub3A_318 = arith.subf %sub3A_317, %abs3A_315 : vector<16xf32>
        %max3A_319 = arith.constant 0.000000e+00 : f32
        %max3A_320 = vector.broadcast %max3A_319 : f32 to vector<16xf32>
        %max3A_321 = arith.maximumf %max3A_320, %sub3A_318 : vector<16xf32>
        %mul3A_322 = arith.mulf %exp3A, %max3A_321 : vector<16xf32>
        %swap3A_323 = arith.index_cast %add3A_272 : i32 to index
        %swap3A_324 = arith.constant 16 : index
        %swap3A_325 = tpu.vector_load %arg16[%swap3A_323, %swap3A_324] {strides = array<i32>} : memref<40x128xf32, #tpu.memory_space<vmem>>, vector<1x16xf32>,
        %swap3A_326 = vector.shape_cast %swap3A_325 : vector<1x16xf32> to vector<16xf32>
        %swap3A_327 = vector.shape_cast %mul3A_322 : vector<16xf32> to vector<1x16xf32>
        tpu.vector_store %arg16[%swap3A_323, %swap3A_324], %swap3A_327 {strides = array<i32>} : memref<40x128xf32, #tpu.memory_space<vmem>>, vector<1x16xf32>,
        %sub3A_328 = arith.constant 2.000000e+00 : f32
        %sub3A_329 = vector.broadcast %sub3A_328 : f32 to vector<16xf32>
        %sub3A_330 = arith.subf %convert_element_type3A, %sub3A_329 : vector<16xf32>
        %abs3A_331 = math.absf %sub3A_330 : vector<16xf32>
        %sub3A_332 = arith.constant 1.000000e+00 : f32
        %sub3A_333 = vector.broadcast %sub3A_332 : f32 to vector<16xf32>
        %sub3A_334 = arith.subf %sub3A_333, %abs3A_331 : vector<16xf32>
        %max3A_335 = arith.constant 0.000000e+00 : f32
        %max3A_336 = vector.broadcast %max3A_335 : f32 to vector<16xf32>
        %max3A_337 = arith.maximumf %max3A_336, %sub3A_334 : vector<16xf32>
        %mul3A_338 = arith.mulf %exp3A, %max3A_337 : vector<16xf32>
        %swap3A_339 = arith.index_cast %add3A_272 : i32 to index
        %swap3A_340 = arith.constant 32 : index
        %swap3A_341 = tpu.vector_load %arg16[%swap3A_339, %swap3A_340] {strides = array<i32>} : memref<40x128xf32, #tpu.memory_space<vmem>>, vector<1x16xf32>,
        %swap3A_342 = vector.shape_cast %swap3A_341 : vector<1x16xf32> to vector<16xf32>
        %swap3A_343 = vector.shape_cast %mul3A_338 : vector<16xf32> to vector<1x16xf32>
        tpu.vector_store %arg16[%swap3A_339, %swap3A_340], %swap3A_343 {strides = array<i32>} : memref<40x128xf32, #tpu.memory_space<vmem>>, vector<1x16xf32>,
        %sub3A_344 = arith.constant 3.000000e+00 : f32
        %sub3A_345 = vector.broadcast %sub3A_344 : f32 to vector<16xf32>
        %sub3A_346 = arith.subf %convert_element_type3A, %sub3A_345 : vector<16xf32>
        %abs3A_347 = math.absf %sub3A_346 : vector<16xf32>
        %sub3A_348 = arith.constant 1.000000e+00 : f32
        %sub3A_349 = vector.broadcast %sub3A_348 : f32 to vector<16xf32>
        %sub3A_350 = arith.subf %sub3A_349, %abs3A_347 : vector<16xf32>
        %max3A_351 = arith.constant 0.000000e+00 : f32
        %max3A_352 = vector.broadcast %max3A_351 : f32 to vector<16xf32>
        %max3A_353 = arith.maximumf %max3A_352, %sub3A_350 : vector<16xf32>
        %mul3A_354 = arith.mulf %exp3A, %max3A_353 : vector<16xf32>
        %swap3A_355 = arith.index_cast %add3A_272 : i32 to index
        %swap3A_356 = arith.constant 48 : index
        %swap3A_357 = tpu.vector_load %arg16[%swap3A_355, %swap3A_356] {strides = array<i32>} : memref<40x128xf32, #tpu.memory_space<vmem>>, vector<1x16xf32>,
        %swap3A_358 = vector.shape_cast %swap3A_357 : vector<1x16xf32> to vector<16xf32>
        %swap3A_359 = vector.shape_cast %mul3A_354 : vector<16xf32> to vector<1x16xf32>
        tpu.vector_store %arg16[%swap3A_355, %swap3A_356], %swap3A_359 {strides = array<i32>} : memref<40x128xf32, #tpu.memory_space<vmem>>, vector<1x16xf32>,
        %sub3A_360 = arith.constant 4.000000e+00 : f32
        %sub3A_361 = vector.broadcast %sub3A_360 : f32 to vector<16xf32>
        %sub3A_362 = arith.subf %convert_element_type3A, %sub3A_361 : vector<16xf32>
        %abs3A_363 = math.absf %sub3A_362 : vector<16xf32>
        %sub3A_364 = arith.constant 1.000000e+00 : f32
        %sub3A_365 = vector.broadcast %sub3A_364 : f32 to vector<16xf32>
        %sub3A_366 = arith.subf %sub3A_365, %abs3A_363 : vector<16xf32>
        %max3A_367 = arith.constant 0.000000e+00 : f32
        %max3A_368 = vector.broadcast %max3A_367 : f32 to vector<16xf32>
        %max3A_369 = arith.maximumf %max3A_368, %sub3A_366 : vector<16xf32>
        %mul3A_370 = arith.mulf %exp3A, %max3A_369 : vector<16xf32>
        %swap3A_371 = arith.index_cast %add3A_272 : i32 to index
        %swap3A_372 = arith.constant 64 : index
        %swap3A_373 = tpu.vector_load %arg16[%swap3A_371, %swap3A_372] {strides = array<i32>} : memref<40x128xf32, #tpu.memory_space<vmem>>, vector<1x16xf32>,
        %swap3A_374 = vector.shape_cast %swap3A_373 : vector<1x16xf32> to vector<16xf32>
        %swap3A_375 = vector.shape_cast %mul3A_370 : vector<16xf32> to vector<1x16xf32>
        tpu.vector_store %arg16[%swap3A_371, %swap3A_372], %swap3A_375 {strides = array<i32>} : memref<40x128xf32, #tpu.memory_space<vmem>>, vector<1x16xf32>,
        %sub3A_376 = arith.constant 5.000000e+00 : f32
        %sub3A_377 = vector.broadcast %sub3A_376 : f32 to vector<16xf32>
        %sub3A_378 = arith.subf %convert_element_type3A, %sub3A_377 : vector<16xf32>
        %abs3A_379 = math.absf %sub3A_378 : vector<16xf32>
        %sub3A_380 = arith.constant 1.000000e+00 : f32
        %sub3A_381 = vector.broadcast %sub3A_380 : f32 to vector<16xf32>
        %sub3A_382 = arith.subf %sub3A_381, %abs3A_379 : vector<16xf32>
        %max3A_383 = arith.constant 0.000000e+00 : f32
        %max3A_384 = vector.broadcast %max3A_383 : f32 to vector<16xf32>
        %max3A_385 = arith.maximumf %max3A_384, %sub3A_382 : vector<16xf32>
        %mul3A_386 = arith.mulf %exp3A, %max3A_385 : vector<16xf32>
        %swap3A_387 = arith.index_cast %add3A_272 : i32 to index
        %swap3A_388 = arith.constant 80 : index
        %swap3A_389 = tpu.vector_load %arg16[%swap3A_387, %swap3A_388] {strides = array<i32>} : memref<40x128xf32, #tpu.memory_space<vmem>>, vector<1x16xf32>,
        %swap3A_390 = vector.shape_cast %swap3A_389 : vector<1x16xf32> to vector<16xf32>
        %swap3A_391 = vector.shape_cast %mul3A_386 : vector<16xf32> to vector<1x16xf32>
        tpu.vector_store %arg16[%swap3A_387, %swap3A_388], %swap3A_391 {strides = array<i32>} : memref<40x128xf32, #tpu.memory_space<vmem>>, vector<1x16xf32>,
        %sub3A_392 = arith.constant 6.000000e+00 : f32
        %sub3A_393 = vector.broadcast %sub3A_392 : f32 to vector<16xf32>
        %sub3A_394 = arith.subf %convert_element_type3A, %sub3A_393 : vector<16xf32>
        %abs3A_395 = math.absf %sub3A_394 : vector<16xf32>
        %sub3A_396 = arith.constant 1.000000e+00 : f32
        %sub3A_397 = vector.broadcast %sub3A_396 : f32 to vector<16xf32>
        %sub3A_398 = arith.subf %sub3A_397, %abs3A_395 : vector<16xf32>
        %max3A_399 = arith.constant 0.000000e+00 : f32
        %max3A_400 = vector.broadcast %max3A_399 : f32 to vector<16xf32>
        %max3A_401 = arith.maximumf %max3A_400, %sub3A_398 : vector<16xf32>
        %mul3A_402 = arith.mulf %exp3A, %max3A_401 : vector<16xf32>
        %swap3A_403 = arith.index_cast %add3A_272 : i32 to index
        %swap3A_404 = arith.constant 96 : index
        %swap3A_405 = tpu.vector_load %arg16[%swap3A_403, %swap3A_404] {strides = array<i32>} : memref<40x128xf32, #tpu.memory_space<vmem>>, vector<1x16xf32>,
        %swap3A_406 = vector.shape_cast %swap3A_405 : vector<1x16xf32> to vector<16xf32>
        %swap3A_407 = vector.shape_cast %mul3A_402 : vector<16xf32> to vector<1x16xf32>
        tpu.vector_store %arg16[%swap3A_403, %swap3A_404], %swap3A_407 {strides = array<i32>} : memref<40x128xf32, #tpu.memory_space<vmem>>, vector<1x16xf32>,
        %sub3A_408 = arith.constant 7.000000e+00 : f32
        %sub3A_409 = vector.broadcast %sub3A_408 : f32 to vector<16xf32>
        %sub3A_410 = arith.subf %convert_element_type3A, %sub3A_409 : vector<16xf32>
        %abs3A_411 = math.absf %sub3A_410 : vector<16xf32>
        %sub3A_412 = arith.constant 1.000000e+00 : f32
        %sub3A_413 = vector.broadcast %sub3A_412 : f32 to vector<16xf32>
        %sub3A_414 = arith.subf %sub3A_413, %abs3A_411 : vector<16xf32>
        %max3A_415 = arith.constant 0.000000e+00 : f32
        %max3A_416 = vector.broadcast %max3A_415 : f32 to vector<16xf32>
        %max3A_417 = arith.maximumf %max3A_416, %sub3A_414 : vector<16xf32>
        %mul3A_418 = arith.mulf %exp3A, %max3A_417 : vector<16xf32>
        %swap3A_419 = arith.index_cast %add3A_272 : i32 to index
        %swap3A_420 = arith.constant 112 : index
        %swap3A_421 = tpu.vector_load %arg16[%swap3A_419, %swap3A_420] {strides = array<i32>} : memref<40x128xf32, #tpu.memory_space<vmem>>, vector<1x16xf32>,
        %swap3A_422 = vector.shape_cast %swap3A_421 : vector<1x16xf32> to vector<16xf32>
        %swap3A_423 = vector.shape_cast %mul3A_418 : vector<16xf32> to vector<1x16xf32>
        tpu.vector_store %arg16[%swap3A_419, %swap3A_420], %swap3A_423 {strides = array<i32>} : memref<40x128xf32, #tpu.memory_space<vmem>>, vector<1x16xf32>,
        %broadcast_in_dim3A_424 = arith.constant 0 : i32
        %broadcast_in_dim3A_425 = vector.broadcast %broadcast_in_dim3A_424 : i32 to vector<16xi32>
        %lt3A_426 = arith.constant 0 : i32
        %lt3A_427 = vector.broadcast %lt3A_426 : i32 to vector<16xi32>
        %lt3A_428 = arith.cmpi slt, %broadcast_in_dim3A_425, %lt3A_427 : vector<16xi32>
        %add3A_429 = arith.constant 16 : i32
        %add3A_430 = vector.broadcast %add3A_429 : i32 to vector<16xi32>
        %add3A_431 = arith.addi %broadcast_in_dim3A_425, %add3A_430 : vector<16xi32>
        %select_n3A_432 = arith.select %lt3A_428, %add3A_431, %broadcast_in_dim3A_425 : vector<16xi1>, vector<16xi32>
        %broadcast_in_dim3A_433 = vector.shape_cast %select_n3A_432 : vector<16xi32> to vector<16x1xi32>
        %gather3A_434 = vector.shape_cast %broadcast_in_dim3A_433 : vector<16x1xi32> to vector<16xi32>
        %gather3A_435 = tpu.dynamic_gather %exp3A[%gather3A_434] in [0] : vector<16xf32>, vector<16xi32> -> vector<16xf32>
        %get3A_436 = arith.index_cast %add3A_272 : i32 to index
        %get3A_437 = arith.constant 0 : index
        %get3A_438 = tpu.vector_load %arg14[%get3A_436, %get3A_437] {strides = array<i32>} : memref<40x128xf32, #tpu.memory_space<vmem>>, vector<1x16xf32>,
        %get3A_439 = vector.shape_cast %get3A_438 : vector<1x16xf32> to vector<16xf32>
        %mul3A_440 = arith.mulf %get3A_439, %gather3A_435 : vector<16xf32>
        %swap3A_441 = arith.index_cast %add3A_272 : i32 to index
        %swap3A_442 = arith.constant 0 : index
        %swap3A_443 = tpu.vector_load %arg14[%swap3A_441, %swap3A_442] {strides = array<i32>} : memref<40x128xf32, #tpu.memory_space<vmem>>, vector<1x16xf32>,
        %swap3A_444 = vector.shape_cast %swap3A_443 : vector<1x16xf32> to vector<16xf32>
        %swap3A_445 = vector.shape_cast %mul3A_440 : vector<16xf32> to vector<1x16xf32>
        tpu.vector_store %arg14[%swap3A_441, %swap3A_442], %swap3A_445 {strides = array<i32>} : memref<40x128xf32, #tpu.memory_space<vmem>>, vector<1x16xf32>,
        %broadcast_in_dim3A_446 = arith.constant 1 : i32
        %broadcast_in_dim3A_447 = vector.broadcast %broadcast_in_dim3A_446 : i32 to vector<16xi32>
        %lt3A_448 = arith.constant 0 : i32
        %lt3A_449 = vector.broadcast %lt3A_448 : i32 to vector<16xi32>
        %lt3A_450 = arith.cmpi slt, %broadcast_in_dim3A_447, %lt3A_449 : vector<16xi32>
        %add3A_451 = arith.constant 16 : i32
        %add3A_452 = vector.broadcast %add3A_451 : i32 to vector<16xi32>
        %add3A_453 = arith.addi %broadcast_in_dim3A_447, %add3A_452 : vector<16xi32>
        %select_n3A_454 = arith.select %lt3A_450, %add3A_453, %broadcast_in_dim3A_447 : vector<16xi1>, vector<16xi32>
        %broadcast_in_dim3A_455 = vector.shape_cast %select_n3A_454 : vector<16xi32> to vector<16x1xi32>
        %gather3A_456 = vector.shape_cast %broadcast_in_dim3A_455 : vector<16x1xi32> to vector<16xi32>
        %gather3A_457 = tpu.dynamic_gather %exp3A[%gather3A_456] in [0] : vector<16xf32>, vector<16xi32> -> vector<16xf32>
        %get3A_458 = arith.index_cast %add3A_272 : i32 to index
        %get3A_459 = arith.constant 16 : index
        %get3A_460 = tpu.vector_load %arg14[%get3A_458, %get3A_459] {strides = array<i32>} : memref<40x128xf32, #tpu.memory_space<vmem>>, vector<1x16xf32>,
        %get3A_461 = vector.shape_cast %get3A_460 : vector<1x16xf32> to vector<16xf32>
        %mul3A_462 = arith.mulf %get3A_461, %gather3A_457 : vector<16xf32>
        %swap3A_463 = arith.index_cast %add3A_272 : i32 to index
        %swap3A_464 = arith.constant 16 : index
        %swap3A_465 = tpu.vector_load %arg14[%swap3A_463, %swap3A_464] {strides = array<i32>} : memref<40x128xf32, #tpu.memory_space<vmem>>, vector<1x16xf32>,
        %swap3A_466 = vector.shape_cast %swap3A_465 : vector<1x16xf32> to vector<16xf32>
        %swap3A_467 = vector.shape_cast %mul3A_462 : vector<16xf32> to vector<1x16xf32>
        tpu.vector_store %arg14[%swap3A_463, %swap3A_464], %swap3A_467 {strides = array<i32>} : memref<40x128xf32, #tpu.memory_space<vmem>>, vector<1x16xf32>,
        %broadcast_in_dim3A_468 = arith.constant 2 : i32
        %broadcast_in_dim3A_469 = vector.broadcast %broadcast_in_dim3A_468 : i32 to vector<16xi32>
        %lt3A_470 = arith.constant 0 : i32
        %lt3A_471 = vector.broadcast %lt3A_470 : i32 to vector<16xi32>
        %lt3A_472 = arith.cmpi slt, %broadcast_in_dim3A_469, %lt3A_471 : vector<16xi32>
        %add3A_473 = arith.constant 16 : i32
        %add3A_474 = vector.broadcast %add3A_473 : i32 to vector<16xi32>
        %add3A_475 = arith.addi %broadcast_in_dim3A_469, %add3A_474 : vector<16xi32>
        %select_n3A_476 = arith.select %lt3A_472, %add3A_475, %broadcast_in_dim3A_469 : vector<16xi1>, vector<16xi32>
        %broadcast_in_dim3A_477 = vector.shape_cast %select_n3A_476 : vector<16xi32> to vector<16x1xi32>
        %gather3A_478 = vector.shape_cast %broadcast_in_dim3A_477 : vector<16x1xi32> to vector<16xi32>
        %gather3A_479 = tpu.dynamic_gather %exp3A[%gather3A_478] in [0] : vector<16xf32>, vector<16xi32> -> vector<16xf32>
        %get3A_480 = arith.index_cast %add3A_272 : i32 to index
        %get3A_481 = arith.constant 32 : index
        %get3A_482 = tpu.vector_load %arg14[%get3A_480, %get3A_481] {strides = array<i32>} : memref<40x128xf32, #tpu.memory_space<vmem>>, vector<1x16xf32>,
        %get3A_483 = vector.shape_cast %get3A_482 : vector<1x16xf32> to vector<16xf32>
        %mul3A_484 = arith.mulf %get3A_483, %gather3A_479 : vector<16xf32>
        %swap3A_485 = arith.index_cast %add3A_272 : i32 to index
        %swap3A_486 = arith.constant 32 : index
        %swap3A_487 = tpu.vector_load %arg14[%swap3A_485, %swap3A_486] {strides = array<i32>} : memref<40x128xf32, #tpu.memory_space<vmem>>, vector<1x16xf32>,
        %swap3A_488 = vector.shape_cast %swap3A_487 : vector<1x16xf32> to vector<16xf32>
        %swap3A_489 = vector.shape_cast %mul3A_484 : vector<16xf32> to vector<1x16xf32>
        tpu.vector_store %arg14[%swap3A_485, %swap3A_486], %swap3A_489 {strides = array<i32>} : memref<40x128xf32, #tpu.memory_space<vmem>>, vector<1x16xf32>,
        %broadcast_in_dim3A_490 = arith.constant 3 : i32
        %broadcast_in_dim3A_491 = vector.broadcast %broadcast_in_dim3A_490 : i32 to vector<16xi32>
        %lt3A_492 = arith.constant 0 : i32
        %lt3A_493 = vector.broadcast %lt3A_492 : i32 to vector<16xi32>
        %lt3A_494 = arith.cmpi slt, %broadcast_in_dim3A_491, %lt3A_493 : vector<16xi32>
        %add3A_495 = arith.constant 16 : i32
        %add3A_496 = vector.broadcast %add3A_495 : i32 to vector<16xi32>
        %add3A_497 = arith.addi %broadcast_in_dim3A_491, %add3A_496 : vector<16xi32>
        %select_n3A_498 = arith.select %lt3A_494, %add3A_497, %broadcast_in_dim3A_491 : vector<16xi1>, vector<16xi32>
        %broadcast_in_dim3A_499 = vector.shape_cast %select_n3A_498 : vector<16xi32> to vector<16x1xi32>
        %gather3A_500 = vector.shape_cast %broadcast_in_dim3A_499 : vector<16x1xi32> to vector<16xi32>
        %gather3A_501 = tpu.dynamic_gather %exp3A[%gather3A_500] in [0] : vector<16xf32>, vector<16xi32> -> vector<16xf32>
        %get3A_502 = arith.index_cast %add3A_272 : i32 to index
        %get3A_503 = arith.constant 48 : index
        %get3A_504 = tpu.vector_load %arg14[%get3A_502, %get3A_503] {strides = array<i32>} : memref<40x128xf32, #tpu.memory_space<vmem>>, vector<1x16xf32>,
        %get3A_505 = vector.shape_cast %get3A_504 : vector<1x16xf32> to vector<16xf32>
        %mul3A_506 = arith.mulf %get3A_505, %gather3A_501 : vector<16xf32>
        %swap3A_507 = arith.index_cast %add3A_272 : i32 to index
        %swap3A_508 = arith.constant 48 : index
        %swap3A_509 = tpu.vector_load %arg14[%swap3A_507, %swap3A_508] {strides = array<i32>} : memref<40x128xf32, #tpu.memory_space<vmem>>, vector<1x16xf32>,
        %swap3A_510 = vector.shape_cast %swap3A_509 : vector<1x16xf32> to vector<16xf32>
        %swap3A_511 = vector.shape_cast %mul3A_506 : vector<16xf32> to vector<1x16xf32>
        tpu.vector_store %arg14[%swap3A_507, %swap3A_508], %swap3A_511 {strides = array<i32>} : memref<40x128xf32, #tpu.memory_space<vmem>>, vector<1x16xf32>,
        %broadcast_in_dim3A_512 = arith.constant 4 : i32
        %broadcast_in_dim3A_513 = vector.broadcast %broadcast_in_dim3A_512 : i32 to vector<16xi32>
        %lt3A_514 = arith.constant 0 : i32
        %lt3A_515 = vector.broadcast %lt3A_514 : i32 to vector<16xi32>
        %lt3A_516 = arith.cmpi slt, %broadcast_in_dim3A_513, %lt3A_515 : vector<16xi32>
        %add3A_517 = arith.constant 16 : i32
        %add3A_518 = vector.broadcast %add3A_517 : i32 to vector<16xi32>
        %add3A_519 = arith.addi %broadcast_in_dim3A_513, %add3A_518 : vector<16xi32>
        %select_n3A_520 = arith.select %lt3A_516, %add3A_519, %broadcast_in_dim3A_513 : vector<16xi1>, vector<16xi32>
        %broadcast_in_dim3A_521 = vector.shape_cast %select_n3A_520 : vector<16xi32> to vector<16x1xi32>
        %gather3A_522 = vector.shape_cast %broadcast_in_dim3A_521 : vector<16x1xi32> to vector<16xi32>
        %gather3A_523 = tpu.dynamic_gather %exp3A[%gather3A_522] in [0] : vector<16xf32>, vector<16xi32> -> vector<16xf32>
        %get3A_524 = arith.index_cast %add3A_272 : i32 to index
        %get3A_525 = arith.constant 64 : index
        %get3A_526 = tpu.vector_load %arg14[%get3A_524, %get3A_525] {strides = array<i32>} : memref<40x128xf32, #tpu.memory_space<vmem>>, vector<1x16xf32>,
        %get3A_527 = vector.shape_cast %get3A_526 : vector<1x16xf32> to vector<16xf32>
        %mul3A_528 = arith.mulf %get3A_527, %gather3A_523 : vector<16xf32>
        %swap3A_529 = arith.index_cast %add3A_272 : i32 to index
        %swap3A_530 = arith.constant 64 : index
        %swap3A_531 = tpu.vector_load %arg14[%swap3A_529, %swap3A_530] {strides = array<i32>} : memref<40x128xf32, #tpu.memory_space<vmem>>, vector<1x16xf32>,
        %swap3A_532 = vector.shape_cast %swap3A_531 : vector<1x16xf32> to vector<16xf32>
        %swap3A_533 = vector.shape_cast %mul3A_528 : vector<16xf32> to vector<1x16xf32>
        tpu.vector_store %arg14[%swap3A_529, %swap3A_530], %swap3A_533 {strides = array<i32>} : memref<40x128xf32, #tpu.memory_space<vmem>>, vector<1x16xf32>,
        %broadcast_in_dim3A_534 = arith.constant 5 : i32
        %broadcast_in_dim3A_535 = vector.broadcast %broadcast_in_dim3A_534 : i32 to vector<16xi32>
        %lt3A_536 = arith.constant 0 : i32
        %lt3A_537 = vector.broadcast %lt3A_536 : i32 to vector<16xi32>
        %lt3A_538 = arith.cmpi slt, %broadcast_in_dim3A_535, %lt3A_537 : vector<16xi32>
        %add3A_539 = arith.constant 16 : i32
        %add3A_540 = vector.broadcast %add3A_539 : i32 to vector<16xi32>
        %add3A_541 = arith.addi %broadcast_in_dim3A_535, %add3A_540 : vector<16xi32>
        %select_n3A_542 = arith.select %lt3A_538, %add3A_541, %broadcast_in_dim3A_535 : vector<16xi1>, vector<16xi32>
        %broadcast_in_dim3A_543 = vector.shape_cast %select_n3A_542 : vector<16xi32> to vector<16x1xi32>
        %gather3A_544 = vector.shape_cast %broadcast_in_dim3A_543 : vector<16x1xi32> to vector<16xi32>
        %gather3A_545 = tpu.dynamic_gather %exp3A[%gather3A_544] in [0] : vector<16xf32>, vector<16xi32> -> vector<16xf32>
        %get3A_546 = arith.index_cast %add3A_272 : i32 to index
        %get3A_547 = arith.constant 80 : index
        %get3A_548 = tpu.vector_load %arg14[%get3A_546, %get3A_547] {strides = array<i32>} : memref<40x128xf32, #tpu.memory_space<vmem>>, vector<1x16xf32>,
        %get3A_549 = vector.shape_cast %get3A_548 : vector<1x16xf32> to vector<16xf32>
        %mul3A_550 = arith.mulf %get3A_549, %gather3A_545 : vector<16xf32>
        %swap3A_551 = arith.index_cast %add3A_272 : i32 to index
        %swap3A_552 = arith.constant 80 : index
        %swap3A_553 = tpu.vector_load %arg14[%swap3A_551, %swap3A_552] {strides = array<i32>} : memref<40x128xf32, #tpu.memory_space<vmem>>, vector<1x16xf32>,
        %swap3A_554 = vector.shape_cast %swap3A_553 : vector<1x16xf32> to vector<16xf32>
        %swap3A_555 = vector.shape_cast %mul3A_550 : vector<16xf32> to vector<1x16xf32>
        tpu.vector_store %arg14[%swap3A_551, %swap3A_552], %swap3A_555 {strides = array<i32>} : memref<40x128xf32, #tpu.memory_space<vmem>>, vector<1x16xf32>,
        %broadcast_in_dim3A_556 = arith.constant 6 : i32
        %broadcast_in_dim3A_557 = vector.broadcast %broadcast_in_dim3A_556 : i32 to vector<16xi32>
        %lt3A_558 = arith.constant 0 : i32
        %lt3A_559 = vector.broadcast %lt3A_558 : i32 to vector<16xi32>
        %lt3A_560 = arith.cmpi slt, %broadcast_in_dim3A_557, %lt3A_559 : vector<16xi32>
        %add3A_561 = arith.constant 16 : i32
        %add3A_562 = vector.broadcast %add3A_561 : i32 to vector<16xi32>
        %add3A_563 = arith.addi %broadcast_in_dim3A_557, %add3A_562 : vector<16xi32>
        %select_n3A_564 = arith.select %lt3A_560, %add3A_563, %broadcast_in_dim3A_557 : vector<16xi1>, vector<16xi32>
        %broadcast_in_dim3A_565 = vector.shape_cast %select_n3A_564 : vector<16xi32> to vector<16x1xi32>
        %gather3A_566 = vector.shape_cast %broadcast_in_dim3A_565 : vector<16x1xi32> to vector<16xi32>
        %gather3A_567 = tpu.dynamic_gather %exp3A[%gather3A_566] in [0] : vector<16xf32>, vector<16xi32> -> vector<16xf32>
        %get3A_568 = arith.index_cast %add3A_272 : i32 to index
        %get3A_569 = arith.constant 96 : index
        %get3A_570 = tpu.vector_load %arg14[%get3A_568, %get3A_569] {strides = array<i32>} : memref<40x128xf32, #tpu.memory_space<vmem>>, vector<1x16xf32>,
        %get3A_571 = vector.shape_cast %get3A_570 : vector<1x16xf32> to vector<16xf32>
        %mul3A_572 = arith.mulf %get3A_571, %gather3A_567 : vector<16xf32>
        %swap3A_573 = arith.index_cast %add3A_272 : i32 to index
        %swap3A_574 = arith.constant 96 : index
        %swap3A_575 = tpu.vector_load %arg14[%swap3A_573, %swap3A_574] {strides = array<i32>} : memref<40x128xf32, #tpu.memory_space<vmem>>, vector<1x16xf32>,
        %swap3A_576 = vector.shape_cast %swap3A_575 : vector<1x16xf32> to vector<16xf32>
        %swap3A_577 = vector.shape_cast %mul3A_572 : vector<16xf32> to vector<1x16xf32>
        tpu.vector_store %arg14[%swap3A_573, %swap3A_574], %swap3A_577 {strides = array<i32>} : memref<40x128xf32, #tpu.memory_space<vmem>>, vector<1x16xf32>,
        %broadcast_in_dim3A_578 = arith.constant 7 : i32
        %broadcast_in_dim3A_579 = vector.broadcast %broadcast_in_dim3A_578 : i32 to vector<16xi32>
        %lt3A_580 = arith.constant 0 : i32
        %lt3A_581 = vector.broadcast %lt3A_580 : i32 to vector<16xi32>
        %lt3A_582 = arith.cmpi slt, %broadcast_in_dim3A_579, %lt3A_581 : vector<16xi32>
        %add3A_583 = arith.constant 16 : i32
        %add3A_584 = vector.broadcast %add3A_583 : i32 to vector<16xi32>
        %add3A_585 = arith.addi %broadcast_in_dim3A_579, %add3A_584 : vector<16xi32>
        %select_n3A_586 = arith.select %lt3A_582, %add3A_585, %broadcast_in_dim3A_579 : vector<16xi1>, vector<16xi32>
        %broadcast_in_dim3A_587 = vector.shape_cast %select_n3A_586 : vector<16xi32> to vector<16x1xi32>
        %gather3A_588 = vector.shape_cast %broadcast_in_dim3A_587 : vector<16x1xi32> to vector<16xi32>
        %gather3A_589 = tpu.dynamic_gather %exp3A[%gather3A_588] in [0] : vector<16xf32>, vector<16xi32> -> vector<16xf32>
        %get3A_590 = arith.index_cast %add3A_272 : i32 to index
        %get3A_591 = arith.constant 112 : index
        %get3A_592 = tpu.vector_load %arg14[%get3A_590, %get3A_591] {strides = array<i32>} : memref<40x128xf32, #tpu.memory_space<vmem>>, vector<1x16xf32>,
        %get3A_593 = vector.shape_cast %get3A_592 : vector<1x16xf32> to vector<16xf32>
        %mul3A_594 = arith.mulf %get3A_593, %gather3A_589 : vector<16xf32>
        %swap3A_595 = arith.index_cast %add3A_272 : i32 to index
        %swap3A_596 = arith.constant 112 : index
        %swap3A_597 = tpu.vector_load %arg14[%swap3A_595, %swap3A_596] {strides = array<i32>} : memref<40x128xf32, #tpu.memory_space<vmem>>, vector<1x16xf32>,
        %swap3A_598 = vector.shape_cast %swap3A_597 : vector<1x16xf32> to vector<16xf32>
        %swap3A_599 = vector.shape_cast %mul3A_594 : vector<16xf32> to vector<1x16xf32>
        tpu.vector_store %arg14[%swap3A_595, %swap3A_596], %swap3A_599 {strides = array<i32>} : memref<40x128xf32, #tpu.memory_space<vmem>>, vector<1x16xf32>,
        %mul3A_600 = arith.constant 8 : i32
        %mul3A_601 = arith.muli %mul3A_600, %scan3A_261 : i32
        %add3A_602 = arith.constant 1 : i32
        %add3A_603 = arith.addi %mul3A_601, %add3A_602 : i32
        %get3A_604 = arith.index_cast %add3A_603 : i32 to index
        %get3A_605 = arith.constant 0 : index
        %get3A_606 = tpu.vector_load %arg15[%get3A_604, %get3A_605] {strides = array<i32>} : memref<80x128xf32, #tpu.memory_space<vmem>>, vector<1x16xf32>,
        %get3A_607 = vector.shape_cast %get3A_606 : vector<1x16xf32> to vector<16xf32>
        %add3A_608 = arith.constant 40 : i32
        %add3A_609 = arith.addi %add3A_608, %add3A_603 : i32
        %get3A_610 = arith.index_cast %add3A_609 : i32 to index
        %get3A_611 = arith.constant 16 : index
        %get3A_612 = tpu.vector_load %arg15[%get3A_610, %get3A_611] {strides = array<i32>} : memref<80x128xf32, #tpu.memory_space<vmem>>, vector<1x16xf32>,
        %get3A_613 = vector.shape_cast %get3A_612 : vector<1x16xf32> to vector<16xf32>
        %add3A_614 = arith.addf %get3A_607, %get3A_613 : vector<16xf32>
        %mul3A_615 = arith.constant 2.000000e-01 : f32
        %mul3A_616 = vector.broadcast %mul3A_615 : f32 to vector<16xf32>
        %mul3A_617 = arith.mulf %mul3A_616, %add3A_614 : vector<16xf32>
        %max3A_618 = arith.maximumf %add3A_614, %mul3A_617 : vector<16xf32>
        %exp3A_619 = math.exp %max3A_618 : vector<16xf32>
        %broadcast_in_dim3A_620 = arith.constant 1 : i32
        %broadcast_in_dim3A_621 = vector.broadcast %broadcast_in_dim3A_620 : i32 to vector<16xi32>
        %lt3A_622 = arith.constant 0 : i32
        %lt3A_623 = vector.broadcast %lt3A_622 : i32 to vector<16xi32>
        %lt3A_624 = arith.cmpi slt, %broadcast_in_dim3A_621, %lt3A_623 : vector<16xi32>
        %add3A_625 = arith.constant 16 : i32
        %add3A_626 = vector.broadcast %add3A_625 : i32 to vector<16xi32>
        %add3A_627 = arith.addi %broadcast_in_dim3A_621, %add3A_626 : vector<16xi32>
        %select_n3A_628 = arith.select %lt3A_624, %add3A_627, %broadcast_in_dim3A_621 : vector<16xi1>, vector<16xi32>
        %broadcast_in_dim3A_629 = vector.shape_cast %select_n3A_628 : vector<16xi32> to vector<16x1xi32>
        %gather3A_630 = vector.shape_cast %broadcast_in_dim3A_629 : vector<16x1xi32> to vector<16xi32>
        %gather3A_631 = tpu.dynamic_gather %get3A_268[%gather3A_630] in [0] : vector<16xi32>, vector<16xi32> -> vector<16xi32>
        %and3A_632 = arith.constant 7 : i32
        %and3A_633 = vector.broadcast %and3A_632 : i32 to vector<16xi32>
        %and3A_634 = arith.andi %gather3A_631, %and3A_633 : vector<16xi32>
        %convert_element_type3A_635 = arith.sitofp %and3A_634 : vector<16xi32> to vector<16xf32>
        %sub3A_636 = arith.constant 0.000000e+00 : f32
        %sub3A_637 = vector.broadcast %sub3A_636 : f32 to vector<16xf32>
        %sub3A_638 = arith.subf %convert_element_type3A_635, %sub3A_637 : vector<16xf32>
        %abs3A_639 = math.absf %sub3A_638 : vector<16xf32>
        %sub3A_640 = arith.constant 1.000000e+00 : f32
        %sub3A_641 = vector.broadcast %sub3A_640 : f32 to vector<16xf32>
        %sub3A_642 = arith.subf %sub3A_641, %abs3A_639 : vector<16xf32>
        %max3A_643 = arith.constant 0.000000e+00 : f32
        %max3A_644 = vector.broadcast %max3A_643 : f32 to vector<16xf32>
        %max3A_645 = arith.maximumf %max3A_644, %sub3A_642 : vector<16xf32>
        %mul3A_646 = arith.mulf %exp3A_619, %max3A_645 : vector<16xf32>
        %swap3A_647 = arith.index_cast %add3A_603 : i32 to index
        %swap3A_648 = arith.constant 0 : index
        %swap3A_649 = tpu.vector_load %arg16[%swap3A_647, %swap3A_648] {strides = array<i32>} : memref<40x128xf32, #tpu.memory_space<vmem>>, vector<1x16xf32>,
        %swap3A_650 = vector.shape_cast %swap3A_649 : vector<1x16xf32> to vector<16xf32>
        %swap3A_651 = vector.shape_cast %mul3A_646 : vector<16xf32> to vector<1x16xf32>
        tpu.vector_store %arg16[%swap3A_647, %swap3A_648], %swap3A_651 {strides = array<i32>} : memref<40x128xf32, #tpu.memory_space<vmem>>, vector<1x16xf32>,
        %sub3A_652 = arith.constant 1.000000e+00 : f32
        %sub3A_653 = vector.broadcast %sub3A_652 : f32 to vector<16xf32>
        %sub3A_654 = arith.subf %convert_element_type3A_635, %sub3A_653 : vector<16xf32>
        %abs3A_655 = math.absf %sub3A_654 : vector<16xf32>
        %sub3A_656 = arith.constant 1.000000e+00 : f32
        %sub3A_657 = vector.broadcast %sub3A_656 : f32 to vector<16xf32>
        %sub3A_658 = arith.subf %sub3A_657, %abs3A_655 : vector<16xf32>
        %max3A_659 = arith.constant 0.000000e+00 : f32
        %max3A_660 = vector.broadcast %max3A_659 : f32 to vector<16xf32>
        %max3A_661 = arith.maximumf %max3A_660, %sub3A_658 : vector<16xf32>
        %mul3A_662 = arith.mulf %exp3A_619, %max3A_661 : vector<16xf32>
        %swap3A_663 = arith.index_cast %add3A_603 : i32 to index
        %swap3A_664 = arith.constant 16 : index
        %swap3A_665 = tpu.vector_load %arg16[%swap3A_663, %swap3A_664] {strides = array<i32>} : memref<40x128xf32, #tpu.memory_space<vmem>>, vector<1x16xf32>,
        %swap3A_666 = vector.shape_cast %swap3A_665 : vector<1x16xf32> to vector<16xf32>
        %swap3A_667 = vector.shape_cast %mul3A_662 : vector<16xf32> to vector<1x16xf32>
        tpu.vector_store %arg16[%swap3A_663, %swap3A_664], %swap3A_667 {strides = array<i32>} : memref<40x128xf32, #tpu.memory_space<vmem>>, vector<1x16xf32>,
        %sub3A_668 = arith.constant 2.000000e+00 : f32
        %sub3A_669 = vector.broadcast %sub3A_668 : f32 to vector<16xf32>
        %sub3A_670 = arith.subf %convert_element_type3A_635, %sub3A_669 : vector<16xf32>
        %abs3A_671 = math.absf %sub3A_670 : vector<16xf32>
        %sub3A_672 = arith.constant 1.000000e+00 : f32
        %sub3A_673 = vector.broadcast %sub3A_672 : f32 to vector<16xf32>
        %sub3A_674 = arith.subf %sub3A_673, %abs3A_671 : vector<16xf32>
        %max3A_675 = arith.constant 0.000000e+00 : f32
        %max3A_676 = vector.broadcast %max3A_675 : f32 to vector<16xf32>
        %max3A_677 = arith.maximumf %max3A_676, %sub3A_674 : vector<16xf32>
        %mul3A_678 = arith.mulf %exp3A_619, %max3A_677 : vector<16xf32>
        %swap3A_679 = arith.index_cast %add3A_603 : i32 to index
        %swap3A_680 = arith.constant 32 : index
        %swap3A_681 = tpu.vector_load %arg16[%swap3A_679, %swap3A_680] {strides = array<i32>} : memref<40x128xf32, #tpu.memory_space<vmem>>, vector<1x16xf32>,
        %swap3A_682 = vector.shape_cast %swap3A_681 : vector<1x16xf32> to vector<16xf32>
        %swap3A_683 = vector.shape_cast %mul3A_678 : vector<16xf32> to vector<1x16xf32>
        tpu.vector_store %arg16[%swap3A_679, %swap3A_680], %swap3A_683 {strides = array<i32>} : memref<40x128xf32, #tpu.memory_space<vmem>>, vector<1x16xf32>,
        %sub3A_684 = arith.constant 3.000000e+00 : f32
        %sub3A_685 = vector.broadcast %sub3A_684 : f32 to vector<16xf32>
        %sub3A_686 = arith.subf %convert_element_type3A_635, %sub3A_685 : vector<16xf32>
        %abs3A_687 = math.absf %sub3A_686 : vector<16xf32>
        %sub3A_688 = arith.constant 1.000000e+00 : f32
        %sub3A_689 = vector.broadcast %sub3A_688 : f32 to vector<16xf32>
        %sub3A_690 = arith.subf %sub3A_689, %abs3A_687 : vector<16xf32>
        %max3A_691 = arith.constant 0.000000e+00 : f32
        %max3A_692 = vector.broadcast %max3A_691 : f32 to vector<16xf32>
        %max3A_693 = arith.maximumf %max3A_692, %sub3A_690 : vector<16xf32>
        %mul3A_694 = arith.mulf %exp3A_619, %max3A_693 : vector<16xf32>
        %swap3A_695 = arith.index_cast %add3A_603 : i32 to index
        %swap3A_696 = arith.constant 48 : index
        %swap3A_697 = tpu.vector_load %arg16[%swap3A_695, %swap3A_696] {strides = array<i32>} : memref<40x128xf32, #tpu.memory_space<vmem>>, vector<1x16xf32>,
        %swap3A_698 = vector.shape_cast %swap3A_697 : vector<1x16xf32> to vector<16xf32>
        %swap3A_699 = vector.shape_cast %mul3A_694 : vector<16xf32> to vector<1x16xf32>
        tpu.vector_store %arg16[%swap3A_695, %swap3A_696], %swap3A_699 {strides = array<i32>} : memref<40x128xf32, #tpu.memory_space<vmem>>, vector<1x16xf32>,
        %sub3A_700 = arith.constant 4.000000e+00 : f32
        %sub3A_701 = vector.broadcast %sub3A_700 : f32 to vector<16xf32>
        %sub3A_702 = arith.subf %convert_element_type3A_635, %sub3A_701 : vector<16xf32>
        %abs3A_703 = math.absf %sub3A_702 : vector<16xf32>
        %sub3A_704 = arith.constant 1.000000e+00 : f32
        %sub3A_705 = vector.broadcast %sub3A_704 : f32 to vector<16xf32>
        %sub3A_706 = arith.subf %sub3A_705, %abs3A_703 : vector<16xf32>
        %max3A_707 = arith.constant 0.000000e+00 : f32
        %max3A_708 = vector.broadcast %max3A_707 : f32 to vector<16xf32>
        %max3A_709 = arith.maximumf %max3A_708, %sub3A_706 : vector<16xf32>
        %mul3A_710 = arith.mulf %exp3A_619, %max3A_709 : vector<16xf32>
        %swap3A_711 = arith.index_cast %add3A_603 : i32 to index
        %swap3A_712 = arith.constant 64 : index
        %swap3A_713 = tpu.vector_load %arg16[%swap3A_711, %swap3A_712] {strides = array<i32>} : memref<40x128xf32, #tpu.memory_space<vmem>>, vector<1x16xf32>,
        %swap3A_714 = vector.shape_cast %swap3A_713 : vector<1x16xf32> to vector<16xf32>
        %swap3A_715 = vector.shape_cast %mul3A_710 : vector<16xf32> to vector<1x16xf32>
        tpu.vector_store %arg16[%swap3A_711, %swap3A_712], %swap3A_715 {strides = array<i32>} : memref<40x128xf32, #tpu.memory_space<vmem>>, vector<1x16xf32>,
        %sub3A_716 = arith.constant 5.000000e+00 : f32
        %sub3A_717 = vector.broadcast %sub3A_716 : f32 to vector<16xf32>
        %sub3A_718 = arith.subf %convert_element_type3A_635, %sub3A_717 : vector<16xf32>
        %abs3A_719 = math.absf %sub3A_718 : vector<16xf32>
        %sub3A_720 = arith.constant 1.000000e+00 : f32
        %sub3A_721 = vector.broadcast %sub3A_720 : f32 to vector<16xf32>
        %sub3A_722 = arith.subf %sub3A_721, %abs3A_719 : vector<16xf32>
        %max3A_723 = arith.constant 0.000000e+00 : f32
        %max3A_724 = vector.broadcast %max3A_723 : f32 to vector<16xf32>
        %max3A_725 = arith.maximumf %max3A_724, %sub3A_722 : vector<16xf32>
        %mul3A_726 = arith.mulf %exp3A_619, %max3A_725 : vector<16xf32>
        %swap3A_727 = arith.index_cast %add3A_603 : i32 to index
        %swap3A_728 = arith.constant 80 : index
        %swap3A_729 = tpu.vector_load %arg16[%swap3A_727, %swap3A_728] {strides = array<i32>} : memref<40x128xf32, #tpu.memory_space<vmem>>, vector<1x16xf32>,
        %swap3A_730 = vector.shape_cast %swap3A_729 : vector<1x16xf32> to vector<16xf32>
        %swap3A_731 = vector.shape_cast %mul3A_726 : vector<16xf32> to vector<1x16xf32>
        tpu.vector_store %arg16[%swap3A_727, %swap3A_728], %swap3A_731 {strides = array<i32>} : memref<40x128xf32, #tpu.memory_space<vmem>>, vector<1x16xf32>,
        %sub3A_732 = arith.constant 6.000000e+00 : f32
        %sub3A_733 = vector.broadcast %sub3A_732 : f32 to vector<16xf32>
        %sub3A_734 = arith.subf %convert_element_type3A_635, %sub3A_733 : vector<16xf32>
        %abs3A_735 = math.absf %sub3A_734 : vector<16xf32>
        %sub3A_736 = arith.constant 1.000000e+00 : f32
        %sub3A_737 = vector.broadcast %sub3A_736 : f32 to vector<16xf32>
        %sub3A_738 = arith.subf %sub3A_737, %abs3A_735 : vector<16xf32>
        %max3A_739 = arith.constant 0.000000e+00 : f32
        %max3A_740 = vector.broadcast %max3A_739 : f32 to vector<16xf32>
        %max3A_741 = arith.maximumf %max3A_740, %sub3A_738 : vector<16xf32>
        %mul3A_742 = arith.mulf %exp3A_619, %max3A_741 : vector<16xf32>
        %swap3A_743 = arith.index_cast %add3A_603 : i32 to index
        %swap3A_744 = arith.constant 96 : index
        %swap3A_745 = tpu.vector_load %arg16[%swap3A_743, %swap3A_744] {strides = array<i32>} : memref<40x128xf32, #tpu.memory_space<vmem>>, vector<1x16xf32>,
        %swap3A_746 = vector.shape_cast %swap3A_745 : vector<1x16xf32> to vector<16xf32>
        %swap3A_747 = vector.shape_cast %mul3A_742 : vector<16xf32> to vector<1x16xf32>
        tpu.vector_store %arg16[%swap3A_743, %swap3A_744], %swap3A_747 {strides = array<i32>} : memref<40x128xf32, #tpu.memory_space<vmem>>, vector<1x16xf32>,
        %sub3A_748 = arith.constant 7.000000e+00 : f32
        %sub3A_749 = vector.broadcast %sub3A_748 : f32 to vector<16xf32>
        %sub3A_750 = arith.subf %convert_element_type3A_635, %sub3A_749 : vector<16xf32>
        %abs3A_751 = math.absf %sub3A_750 : vector<16xf32>
        %sub3A_752 = arith.constant 1.000000e+00 : f32
        %sub3A_753 = vector.broadcast %sub3A_752 : f32 to vector<16xf32>
        %sub3A_754 = arith.subf %sub3A_753, %abs3A_751 : vector<16xf32>
        %max3A_755 = arith.constant 0.000000e+00 : f32
        %max3A_756 = vector.broadcast %max3A_755 : f32 to vector<16xf32>
        %max3A_757 = arith.maximumf %max3A_756, %sub3A_754 : vector<16xf32>
        %mul3A_758 = arith.mulf %exp3A_619, %max3A_757 : vector<16xf32>
        %swap3A_759 = arith.index_cast %add3A_603 : i32 to index
        %swap3A_760 = arith.constant 112 : index
        %swap3A_761 = tpu.vector_load %arg16[%swap3A_759, %swap3A_760] {strides = array<i32>} : memref<40x128xf32, #tpu.memory_space<vmem>>, vector<1x16xf32>,
        %swap3A_762 = vector.shape_cast %swap3A_761 : vector<1x16xf32> to vector<16xf32>
        %swap3A_763 = vector.shape_cast %mul3A_758 : vector<16xf32> to vector<1x16xf32>
        tpu.vector_store %arg16[%swap3A_759, %swap3A_760], %swap3A_763 {strides = array<i32>} : memref<40x128xf32, #tpu.memory_space<vmem>>, vector<1x16xf32>,
        %broadcast_in_dim3A_764 = arith.constant 0 : i32
        %broadcast_in_dim3A_765 = vector.broadcast %broadcast_in_dim3A_764 : i32 to vector<16xi32>
        %lt3A_766 = arith.constant 0 : i32
        %lt3A_767 = vector.broadcast %lt3A_766 : i32 to vector<16xi32>
        %lt3A_768 = arith.cmpi slt, %broadcast_in_dim3A_765, %lt3A_767 : vector<16xi32>
        %add3A_769 = arith.constant 16 : i32
        %add3A_770 = vector.broadcast %add3A_769 : i32 to vector<16xi32>
        %add3A_771 = arith.addi %broadcast_in_dim3A_765, %add3A_770 : vector<16xi32>
        %select_n3A_772 = arith.select %lt3A_768, %add3A_771, %broadcast_in_dim3A_765 : vector<16xi1>, vector<16xi32>
        %broadcast_in_dim3A_773 = vector.shape_cast %select_n3A_772 : vector<16xi32> to vector<16x1xi32>
        %gather3A_774 = vector.shape_cast %broadcast_in_dim3A_773 : vector<16x1xi32> to vector<16xi32>
        %gather3A_775 = tpu.dynamic_gather %exp3A_619[%gather3A_774] in [0] : vector<16xf32>, vector<16xi32> -> vector<16xf32>
        %get3A_776 = arith.index_cast %add3A_603 : i32 to index
        %get3A_777 = arith.constant 0 : index
        %get3A_778 = tpu.vector_load %arg14[%get3A_776, %get3A_777] {strides = array<i32>} : memref<40x128xf32, #tpu.memory_space<vmem>>, vector<1x16xf32>,
        %get3A_779 = vector.shape_cast %get3A_778 : vector<1x16xf32> to vector<16xf32>
        %mul3A_780 = arith.mulf %get3A_779, %gather3A_775 : vector<16xf32>
        %swap3A_781 = arith.index_cast %add3A_603 : i32 to index
        %swap3A_782 = arith.constant 0 : index
        %swap3A_783 = tpu.vector_load %arg14[%swap3A_781, %swap3A_782] {strides = array<i32>} : memref<40x128xf32, #tpu.memory_space<vmem>>, vector<1x16xf32>,
        %swap3A_784 = vector.shape_cast %swap3A_783 : vector<1x16xf32> to vector<16xf32>
        %swap3A_785 = vector.shape_cast %mul3A_780 : vector<16xf32> to vector<1x16xf32>
        tpu.vector_store %arg14[%swap3A_781, %swap3A_782], %swap3A_785 {strides = array<i32>} : memref<40x128xf32, #tpu.memory_space<vmem>>, vector<1x16xf32>,
        %broadcast_in_dim3A_786 = arith.constant 1 : i32
        %broadcast_in_dim3A_787 = vector.broadcast %broadcast_in_dim3A_786 : i32 to vector<16xi32>
        %lt3A_788 = arith.constant 0 : i32
        %lt3A_789 = vector.broadcast %lt3A_788 : i32 to vector<16xi32>
        %lt3A_790 = arith.cmpi slt, %broadcast_in_dim3A_787, %lt3A_789 : vector<16xi32>
        %add3A_791 = arith.constant 16 : i32
        %add3A_792 = vector.broadcast %add3A_791 : i32 to vector<16xi32>
        %add3A_793 = arith.addi %broadcast_in_dim3A_787, %add3A_792 : vector<16xi32>
        %select_n3A_794 = arith.select %lt3A_790, %add3A_793, %broadcast_in_dim3A_787 : vector<16xi1>, vector<16xi32>
        %broadcast_in_dim3A_795 = vector.shape_cast %select_n3A_794 : vector<16xi32> to vector<16x1xi32>
        %gather3A_796 = vector.shape_cast %broadcast_in_dim3A_795 : vector<16x1xi32> to vector<16xi32>
        %gather3A_797 = tpu.dynamic_gather %exp3A_619[%gather3A_796] in [0] : vector<16xf32>, vector<16xi32> -> vector<16xf32>
        %get3A_798 = arith.index_cast %add3A_603 : i32 to index
        %get3A_799 = arith.constant 16 : index
        %get3A_800 = tpu.vector_load %arg14[%get3A_798, %get3A_799] {strides = array<i32>} : memref<40x128xf32, #tpu.memory_space<vmem>>, vector<1x16xf32>,
        %get3A_801 = vector.shape_cast %get3A_800 : vector<1x16xf32> to vector<16xf32>
        %mul3A_802 = arith.mulf %get3A_801, %gather3A_797 : vector<16xf32>
        %swap3A_803 = arith.index_cast %add3A_603 : i32 to index
        %swap3A_804 = arith.constant 16 : index
        %swap3A_805 = tpu.vector_load %arg14[%swap3A_803, %swap3A_804] {strides = array<i32>} : memref<40x128xf32, #tpu.memory_space<vmem>>, vector<1x16xf32>,
        %swap3A_806 = vector.shape_cast %swap3A_805 : vector<1x16xf32> to vector<16xf32>
        %swap3A_807 = vector.shape_cast %mul3A_802 : vector<16xf32> to vector<1x16xf32>
        tpu.vector_store %arg14[%swap3A_803, %swap3A_804], %swap3A_807 {strides = array<i32>} : memref<40x128xf32, #tpu.memory_space<vmem>>, vector<1x16xf32>,
        %broadcast_in_dim3A_808 = arith.constant 2 : i32
        %broadcast_in_dim3A_809 = vector.broadcast %broadcast_in_dim3A_808 : i32 to vector<16xi32>
        %lt3A_810 = arith.constant 0 : i32
        %lt3A_811 = vector.broadcast %lt3A_810 : i32 to vector<16xi32>
        %lt3A_812 = arith.cmpi slt, %broadcast_in_dim3A_809, %lt3A_811 : vector<16xi32>
        %add3A_813 = arith.constant 16 : i32
        %add3A_814 = vector.broadcast %add3A_813 : i32 to vector<16xi32>
        %add3A_815 = arith.addi %broadcast_in_dim3A_809, %add3A_814 : vector<16xi32>
        %select_n3A_816 = arith.select %lt3A_812, %add3A_815, %broadcast_in_dim3A_809 : vector<16xi1>, vector<16xi32>
        %broadcast_in_dim3A_817 = vector.shape_cast %select_n3A_816 : vector<16xi32> to vector<16x1xi32>
        %gather3A_818 = vector.shape_cast %broadcast_in_dim3A_817 : vector<16x1xi32> to vector<16xi32>
        %gather3A_819 = tpu.dynamic_gather %exp3A_619[%gather3A_818] in [0] : vector<16xf32>, vector<16xi32> -> vector<16xf32>
        %get3A_820 = arith.index_cast %add3A_603 : i32 to index
        %get3A_821 = arith.constant 32 : index
        %get3A_822 = tpu.vector_load %arg14[%get3A_820, %get3A_821] {strides = array<i32>} : memref<40x128xf32, #tpu.memory_space<vmem>>, vector<1x16xf32>,
        %get3A_823 = vector.shape_cast %get3A_822 : vector<1x16xf32> to vector<16xf32>
        %mul3A_824 = arith.mulf %get3A_823, %gather3A_819 : vector<16xf32>
        %swap3A_825 = arith.index_cast %add3A_603 : i32 to index
        %swap3A_826 = arith.constant 32 : index
        %swap3A_827 = tpu.vector_load %arg14[%swap3A_825, %swap3A_826] {strides = array<i32>} : memref<40x128xf32, #tpu.memory_space<vmem>>, vector<1x16xf32>,
        %swap3A_828 = vector.shape_cast %swap3A_827 : vector<1x16xf32> to vector<16xf32>
        %swap3A_829 = vector.shape_cast %mul3A_824 : vector<16xf32> to vector<1x16xf32>
        tpu.vector_store %arg14[%swap3A_825, %swap3A_826], %swap3A_829 {strides = array<i32>} : memref<40x128xf32, #tpu.memory_space<vmem>>, vector<1x16xf32>,
        %broadcast_in_dim3A_830 = arith.constant 3 : i32
        %broadcast_in_dim3A_831 = vector.broadcast %broadcast_in_dim3A_830 : i32 to vector<16xi32>
        %lt3A_832 = arith.constant 0 : i32
        %lt3A_833 = vector.broadcast %lt3A_832 : i32 to vector<16xi32>
        %lt3A_834 = arith.cmpi slt, %broadcast_in_dim3A_831, %lt3A_833 : vector<16xi32>
        %add3A_835 = arith.constant 16 : i32
        %add3A_836 = vector.broadcast %add3A_835 : i32 to vector<16xi32>
        %add3A_837 = arith.addi %broadcast_in_dim3A_831, %add3A_836 : vector<16xi32>
        %select_n3A_838 = arith.select %lt3A_834, %add3A_837, %broadcast_in_dim3A_831 : vector<16xi1>, vector<16xi32>
        %broadcast_in_dim3A_839 = vector.shape_cast %select_n3A_838 : vector<16xi32> to vector<16x1xi32>
        %gather3A_840 = vector.shape_cast %broadcast_in_dim3A_839 : vector<16x1xi32> to vector<16xi32>
        %gather3A_841 = tpu.dynamic_gather %exp3A_619[%gather3A_840] in [0] : vector<16xf32>, vector<16xi32> -> vector<16xf32>
        %get3A_842 = arith.index_cast %add3A_603 : i32 to index
        %get3A_843 = arith.constant 48 : index
        %get3A_844 = tpu.vector_load %arg14[%get3A_842, %get3A_843] {strides = array<i32>} : memref<40x128xf32, #tpu.memory_space<vmem>>, vector<1x16xf32>,
        %get3A_845 = vector.shape_cast %get3A_844 : vector<1x16xf32> to vector<16xf32>
        %mul3A_846 = arith.mulf %get3A_845, %gather3A_841 : vector<16xf32>
        %swap3A_847 = arith.index_cast %add3A_603 : i32 to index
        %swap3A_848 = arith.constant 48 : index
        %swap3A_849 = tpu.vector_load %arg14[%swap3A_847, %swap3A_848] {strides = array<i32>} : memref<40x128xf32, #tpu.memory_space<vmem>>, vector<1x16xf32>,
        %swap3A_850 = vector.shape_cast %swap3A_849 : vector<1x16xf32> to vector<16xf32>
        %swap3A_851 = vector.shape_cast %mul3A_846 : vector<16xf32> to vector<1x16xf32>
        tpu.vector_store %arg14[%swap3A_847, %swap3A_848], %swap3A_851 {strides = array<i32>} : memref<40x128xf32, #tpu.memory_space<vmem>>, vector<1x16xf32>,
        %broadcast_in_dim3A_852 = arith.constant 4 : i32
        %broadcast_in_dim3A_853 = vector.broadcast %broadcast_in_dim3A_852 : i32 to vector<16xi32>
        %lt3A_854 = arith.constant 0 : i32
        %lt3A_855 = vector.broadcast %lt3A_854 : i32 to vector<16xi32>
        %lt3A_856 = arith.cmpi slt, %broadcast_in_dim3A_853, %lt3A_855 : vector<16xi32>
        %add3A_857 = arith.constant 16 : i32
        %add3A_858 = vector.broadcast %add3A_857 : i32 to vector<16xi32>
        %add3A_859 = arith.addi %broadcast_in_dim3A_853, %add3A_858 : vector<16xi32>
        %select_n3A_860 = arith.select %lt3A_856, %add3A_859, %broadcast_in_dim3A_853 : vector<16xi1>, vector<16xi32>
        %broadcast_in_dim3A_861 = vector.shape_cast %select_n3A_860 : vector<16xi32> to vector<16x1xi32>
        %gather3A_862 = vector.shape_cast %broadcast_in_dim3A_861 : vector<16x1xi32> to vector<16xi32>
        %gather3A_863 = tpu.dynamic_gather %exp3A_619[%gather3A_862] in [0] : vector<16xf32>, vector<16xi32> -> vector<16xf32>
        %get3A_864 = arith.index_cast %add3A_603 : i32 to index
        %get3A_865 = arith.constant 64 : index
        %get3A_866 = tpu.vector_load %arg14[%get3A_864, %get3A_865] {strides = array<i32>} : memref<40x128xf32, #tpu.memory_space<vmem>>, vector<1x16xf32>,
        %get3A_867 = vector.shape_cast %get3A_866 : vector<1x16xf32> to vector<16xf32>
        %mul3A_868 = arith.mulf %get3A_867, %gather3A_863 : vector<16xf32>
        %swap3A_869 = arith.index_cast %add3A_603 : i32 to index
        %swap3A_870 = arith.constant 64 : index
        %swap3A_871 = tpu.vector_load %arg14[%swap3A_869, %swap3A_870] {strides = array<i32>} : memref<40x128xf32, #tpu.memory_space<vmem>>, vector<1x16xf32>,
        %swap3A_872 = vector.shape_cast %swap3A_871 : vector<1x16xf32> to vector<16xf32>
        %swap3A_873 = vector.shape_cast %mul3A_868 : vector<16xf32> to vector<1x16xf32>
        tpu.vector_store %arg14[%swap3A_869, %swap3A_870], %swap3A_873 {strides = array<i32>} : memref<40x128xf32, #tpu.memory_space<vmem>>, vector<1x16xf32>,
        %broadcast_in_dim3A_874 = arith.constant 5 : i32
        %broadcast_in_dim3A_875 = vector.broadcast %broadcast_in_dim3A_874 : i32 to vector<16xi32>
        %lt3A_876 = arith.constant 0 : i32
        %lt3A_877 = vector.broadcast %lt3A_876 : i32 to vector<16xi32>
        %lt3A_878 = arith.cmpi slt, %broadcast_in_dim3A_875, %lt3A_877 : vector<16xi32>
        %add3A_879 = arith.constant 16 : i32
        %add3A_880 = vector.broadcast %add3A_879 : i32 to vector<16xi32>
        %add3A_881 = arith.addi %broadcast_in_dim3A_875, %add3A_880 : vector<16xi32>
        %select_n3A_882 = arith.select %lt3A_878, %add3A_881, %broadcast_in_dim3A_875 : vector<16xi1>, vector<16xi32>
        %broadcast_in_dim3A_883 = vector.shape_cast %select_n3A_882 : vector<16xi32> to vector<16x1xi32>
        %gather3A_884 = vector.shape_cast %broadcast_in_dim3A_883 : vector<16x1xi32> to vector<16xi32>
        %gather3A_885 = tpu.dynamic_gather %exp3A_619[%gather3A_884] in [0] : vector<16xf32>, vector<16xi32> -> vector<16xf32>
        %get3A_886 = arith.index_cast %add3A_603 : i32 to index
        %get3A_887 = arith.constant 80 : index
        %get3A_888 = tpu.vector_load %arg14[%get3A_886, %get3A_887] {strides = array<i32>} : memref<40x128xf32, #tpu.memory_space<vmem>>, vector<1x16xf32>,
        %get3A_889 = vector.shape_cast %get3A_888 : vector<1x16xf32> to vector<16xf32>
        %mul3A_890 = arith.mulf %get3A_889, %gather3A_885 : vector<16xf32>
        %swap3A_891 = arith.index_cast %add3A_603 : i32 to index
        %swap3A_892 = arith.constant 80 : index
        %swap3A_893 = tpu.vector_load %arg14[%swap3A_891, %swap3A_892] {strides = array<i32>} : memref<40x128xf32, #tpu.memory_space<vmem>>, vector<1x16xf32>,
        %swap3A_894 = vector.shape_cast %swap3A_893 : vector<1x16xf32> to vector<16xf32>
        %swap3A_895 = vector.shape_cast %mul3A_890 : vector<16xf32> to vector<1x16xf32>
        tpu.vector_store %arg14[%swap3A_891, %swap3A_892], %swap3A_895 {strides = array<i32>} : memref<40x128xf32, #tpu.memory_space<vmem>>, vector<1x16xf32>,
        %broadcast_in_dim3A_896 = arith.constant 6 : i32
        %broadcast_in_dim3A_897 = vector.broadcast %broadcast_in_dim3A_896 : i32 to vector<16xi32>
        %lt3A_898 = arith.constant 0 : i32
        %lt3A_899 = vector.broadcast %lt3A_898 : i32 to vector<16xi32>
        %lt3A_900 = arith.cmpi slt, %broadcast_in_dim3A_897, %lt3A_899 : vector<16xi32>
        %add3A_901 = arith.constant 16 : i32
        %add3A_902 = vector.broadcast %add3A_901 : i32 to vector<16xi32>
        %add3A_903 = arith.addi %broadcast_in_dim3A_897, %add3A_902 : vector<16xi32>
        %select_n3A_904 = arith.select %lt3A_900, %add3A_903, %broadcast_in_dim3A_897 : vector<16xi1>, vector<16xi32>
        %broadcast_in_dim3A_905 = vector.shape_cast %select_n3A_904 : vector<16xi32> to vector<16x1xi32>
        %gather3A_906 = vector.shape_cast %broadcast_in_dim3A_905 : vector<16x1xi32> to vector<16xi32>
        %gather3A_907 = tpu.dynamic_gather %exp3A_619[%gather3A_906] in [0] : vector<16xf32>, vector<16xi32> -> vector<16xf32>
        %get3A_908 = arith.index_cast %add3A_603 : i32 to index
        %get3A_909 = arith.constant 96 : index
        %get3A_910 = tpu.vector_load %arg14[%get3A_908, %get3A_909] {strides = array<i32>} : memref<40x128xf32, #tpu.memory_space<vmem>>, vector<1x16xf32>,
        %get3A_911 = vector.shape_cast %get3A_910 : vector<1x16xf32> to vector<16xf32>
        %mul3A_912 = arith.mulf %get3A_911, %gather3A_907 : vector<16xf32>
        %swap3A_913 = arith.index_cast %add3A_603 : i32 to index
        %swap3A_914 = arith.constant 96 : index
        %swap3A_915 = tpu.vector_load %arg14[%swap3A_913, %swap3A_914] {strides = array<i32>} : memref<40x128xf32, #tpu.memory_space<vmem>>, vector<1x16xf32>,
        %swap3A_916 = vector.shape_cast %swap3A_915 : vector<1x16xf32> to vector<16xf32>
        %swap3A_917 = vector.shape_cast %mul3A_912 : vector<16xf32> to vector<1x16xf32>
        tpu.vector_store %arg14[%swap3A_913, %swap3A_914], %swap3A_917 {strides = array<i32>} : memref<40x128xf32, #tpu.memory_space<vmem>>, vector<1x16xf32>,
        %broadcast_in_dim3A_918 = arith.constant 7 : i32
        %broadcast_in_dim3A_919 = vector.broadcast %broadcast_in_dim3A_918 : i32 to vector<16xi32>
        %lt3A_920 = arith.constant 0 : i32
        %lt3A_921 = vector.broadcast %lt3A_920 : i32 to vector<16xi32>
        %lt3A_922 = arith.cmpi slt, %broadcast_in_dim3A_919, %lt3A_921 : vector<16xi32>
        %add3A_923 = arith.constant 16 : i32
        %add3A_924 = vector.broadcast %add3A_923 : i32 to vector<16xi32>
        %add3A_925 = arith.addi %broadcast_in_dim3A_919, %add3A_924 : vector<16xi32>
        %select_n3A_926 = arith.select %lt3A_922, %add3A_925, %broadcast_in_dim3A_919 : vector<16xi1>, vector<16xi32>
        %broadcast_in_dim3A_927 = vector.shape_cast %select_n3A_926 : vector<16xi32> to vector<16x1xi32>
        %gather3A_928 = vector.shape_cast %broadcast_in_dim3A_927 : vector<16x1xi32> to vector<16xi32>
        %gather3A_929 = tpu.dynamic_gather %exp3A_619[%gather3A_928] in [0] : vector<16xf32>, vector<16xi32> -> vector<16xf32>
        %get3A_930 = arith.index_cast %add3A_603 : i32 to index
        %get3A_931 = arith.constant 112 : index
        %get3A_932 = tpu.vector_load %arg14[%get3A_930, %get3A_931] {strides = array<i32>} : memref<40x128xf32, #tpu.memory_space<vmem>>, vector<1x16xf32>,
        %get3A_933 = vector.shape_cast %get3A_932 : vector<1x16xf32> to vector<16xf32>
        %mul3A_934 = arith.mulf %get3A_933, %gather3A_929 : vector<16xf32>
        %swap3A_935 = arith.index_cast %add3A_603 : i32 to index
        %swap3A_936 = arith.constant 112 : index
        %swap3A_937 = tpu.vector_load %arg14[%swap3A_935, %swap3A_936] {strides = array<i32>} : memref<40x128xf32, #tpu.memory_space<vmem>>, vector<1x16xf32>,
        %swap3A_938 = vector.shape_cast %swap3A_937 : vector<1x16xf32> to vector<16xf32>
        %swap3A_939 = vector.shape_cast %mul3A_934 : vector<16xf32> to vector<1x16xf32>
        tpu.vector_store %arg14[%swap3A_935, %swap3A_936], %swap3A_939 {strides = array<i32>} : memref<40x128xf32, #tpu.memory_space<vmem>>, vector<1x16xf32>,
        %mul3A_940 = arith.constant 8 : i32
        %mul3A_941 = arith.muli %mul3A_940, %scan3A_261 : i32
        %add3A_942 = arith.constant 2 : i32
        %add3A_943 = arith.addi %mul3A_941, %add3A_942 : i32
        %get3A_944 = arith.index_cast %add3A_943 : i32 to index
        %get3A_945 = arith.constant 0 : index
        %get3A_946 = tpu.vector_load %arg15[%get3A_944, %get3A_945] {strides = array<i32>} : memref<80x128xf32, #tpu.memory_space<vmem>>, vector<1x16xf32>,
        %get3A_947 = vector.shape_cast %get3A_946 : vector<1x16xf32> to vector<16xf32>
        %add3A_948 = arith.constant 40 : i32
        %add3A_949 = arith.addi %add3A_948, %add3A_943 : i32
        %get3A_950 = arith.index_cast %add3A_949 : i32 to index
        %get3A_951 = arith.constant 16 : index
        %get3A_952 = tpu.vector_load %arg15[%get3A_950, %get3A_951] {strides = array<i32>} : memref<80x128xf32, #tpu.memory_space<vmem>>, vector<1x16xf32>,
        %get3A_953 = vector.shape_cast %get3A_952 : vector<1x16xf32> to vector<16xf32>
        %add3A_954 = arith.addf %get3A_947, %get3A_953 : vector<16xf32>
        %mul3A_955 = arith.constant 2.000000e-01 : f32
        %mul3A_956 = vector.broadcast %mul3A_955 : f32 to vector<16xf32>
        %mul3A_957 = arith.mulf %mul3A_956, %add3A_954 : vector<16xf32>
        %max3A_958 = arith.maximumf %add3A_954, %mul3A_957 : vector<16xf32>
        %exp3A_959 = math.exp %max3A_958 : vector<16xf32>
        %broadcast_in_dim3A_960 = arith.constant 2 : i32
        %broadcast_in_dim3A_961 = vector.broadcast %broadcast_in_dim3A_960 : i32 to vector<16xi32>
        %lt3A_962 = arith.constant 0 : i32
        %lt3A_963 = vector.broadcast %lt3A_962 : i32 to vector<16xi32>
        %lt3A_964 = arith.cmpi slt, %broadcast_in_dim3A_961, %lt3A_963 : vector<16xi32>
        %add3A_965 = arith.constant 16 : i32
        %add3A_966 = vector.broadcast %add3A_965 : i32 to vector<16xi32>
        %add3A_967 = arith.addi %broadcast_in_dim3A_961, %add3A_966 : vector<16xi32>
        %select_n3A_968 = arith.select %lt3A_964, %add3A_967, %broadcast_in_dim3A_961 : vector<16xi1>, vector<16xi32>
        %broadcast_in_dim3A_969 = vector.shape_cast %select_n3A_968 : vector<16xi32> to vector<16x1xi32>
        %gather3A_970 = vector.shape_cast %broadcast_in_dim3A_969 : vector<16x1xi32> to vector<16xi32>
        %gather3A_971 = tpu.dynamic_gather %get3A_268[%gather3A_970] in [0] : vector<16xi32>, vector<16xi32> -> vector<16xi32>
        %and3A_972 = arith.constant 7 : i32
        %and3A_973 = vector.broadcast %and3A_972 : i32 to vector<16xi32>
        %and3A_974 = arith.andi %gather3A_971, %and3A_973 : vector<16xi32>
        %convert_element_type3A_975 = arith.sitofp %and3A_974 : vector<16xi32> to vector<16xf32>
        %sub3A_976 = arith.constant 0.000000e+00 : f32
        %sub3A_977 = vector.broadcast %sub3A_976 : f32 to vector<16xf32>
        %sub3A_978 = arith.subf %convert_element_type3A_975, %sub3A_977 : vector<16xf32>
        %abs3A_979 = math.absf %sub3A_978 : vector<16xf32>
        %sub3A_980 = arith.constant 1.000000e+00 : f32
        %sub3A_981 = vector.broadcast %sub3A_980 : f32 to vector<16xf32>
        %sub3A_982 = arith.subf %sub3A_981, %abs3A_979 : vector<16xf32>
        %max3A_983 = arith.constant 0.000000e+00 : f32
        %max3A_984 = vector.broadcast %max3A_983 : f32 to vector<16xf32>
        %max3A_985 = arith.maximumf %max3A_984, %sub3A_982 : vector<16xf32>
        %mul3A_986 = arith.mulf %exp3A_959, %max3A_985 : vector<16xf32>
        %swap3A_987 = arith.index_cast %add3A_943 : i32 to index
        %swap3A_988 = arith.constant 0 : index
        %swap3A_989 = tpu.vector_load %arg16[%swap3A_987, %swap3A_988] {strides = array<i32>} : memref<40x128xf32, #tpu.memory_space<vmem>>, vector<1x16xf32>,
        %swap3A_990 = vector.shape_cast %swap3A_989 : vector<1x16xf32> to vector<16xf32>
        %swap3A_991 = vector.shape_cast %mul3A_986 : vector<16xf32> to vector<1x16xf32>
        tpu.vector_store %arg16[%swap3A_987, %swap3A_988], %swap3A_991 {strides = array<i32>} : memref<40x128xf32, #tpu.memory_space<vmem>>, vector<1x16xf32>,
        %sub3A_992 = arith.constant 1.000000e+00 : f32
        %sub3A_993 = vector.broadcast %sub3A_992 : f32 to vector<16xf32>
        %sub3A_994 = arith.subf %convert_element_type3A_975, %sub3A_993 : vector<16xf32>
        %abs3A_995 = math.absf %sub3A_994 : vector<16xf32>
        %sub3A_996 = arith.constant 1.000000e+00 : f32
        %sub3A_997 = vector.broadcast %sub3A_996 : f32 to vector<16xf32>
        %sub3A_998 = arith.subf %sub3A_997, %abs3A_995 : vector<16xf32>
        %max3A_999 = arith.constant 0.000000e+00 : f32
        %max3A_1000 = vector.broadcast %max3A_999 : f32 to vector<16xf32>
        %max3A_1001 = arith.maximumf %max3A_1000, %sub3A_998 : vector<16xf32>
        %mul3A_1002 = arith.mulf %exp3A_959, %max3A_1001 : vector<16xf32>
        %swap3A_1003 = arith.index_cast %add3A_943 : i32 to index
        %swap3A_1004 = arith.constant 16 : index
        %swap3A_1005 = tpu.vector_load %arg16[%swap3A_1003, %swap3A_1004] {strides = array<i32>} : memref<40x128xf32, #tpu.memory_space<vmem>>, vector<1x16xf32>,
        %swap3A_1006 = vector.shape_cast %swap3A_1005 : vector<1x16xf32> to vector<16xf32>
        %swap3A_1007 = vector.shape_cast %mul3A_1002 : vector<16xf32> to vector<1x16xf32>
        tpu.vector_store %arg16[%swap3A_1003, %swap3A_1004], %swap3A_1007 {strides = array<i32>} : memref<40x128xf32, #tpu.memory_space<vmem>>, vector<1x16xf32>,
        %sub3A_1008 = arith.constant 2.000000e+00 : f32
        %sub3A_1009 = vector.broadcast %sub3A_1008 : f32 to vector<16xf32>
        %sub3A_1010 = arith.subf %convert_element_type3A_975, %sub3A_1009 : vector<16xf32>
        %abs3A_1011 = math.absf %sub3A_1010 : vector<16xf32>
        %sub3A_1012 = arith.constant 1.000000e+00 : f32
        %sub3A_1013 = vector.broadcast %sub3A_1012 : f32 to vector<16xf32>
        %sub3A_1014 = arith.subf %sub3A_1013, %abs3A_1011 : vector<16xf32>
        %max3A_1015 = arith.constant 0.000000e+00 : f32
        %max3A_1016 = vector.broadcast %max3A_1015 : f32 to vector<16xf32>
        %max3A_1017 = arith.maximumf %max3A_1016, %sub3A_1014 : vector<16xf32>
        %mul3A_1018 = arith.mulf %exp3A_959, %max3A_1017 : vector<16xf32>
        %swap3A_1019 = arith.index_cast %add3A_943 : i32 to index
        %swap3A_1020 = arith.constant 32 : index
        %swap3A_1021 = tpu.vector_load %arg16[%swap3A_1019, %swap3A_1020] {strides = array<i32>} : memref<40x128xf32, #tpu.memory_space<vmem>>, vector<1x16xf32>,
        %swap3A_1022 = vector.shape_cast %swap3A_1021 : vector<1x16xf32> to vector<16xf32>
        %swap3A_1023 = vector.shape_cast %mul3A_1018 : vector<16xf32> to vector<1x16xf32>
        tpu.vector_store %arg16[%swap3A_1019, %swap3A_1020], %swap3A_1023 {strides = array<i32>} : memref<40x128xf32, #tpu.memory_space<vmem>>, vector<1x16xf32>,
        %sub3A_1024 = arith.constant 3.000000e+00 : f32
        %sub3A_1025 = vector.broadcast %sub3A_1024 : f32 to vector<16xf32>
        %sub3A_1026 = arith.subf %convert_element_type3A_975, %sub3A_1025 : vector<16xf32>
        %abs3A_1027 = math.absf %sub3A_1026 : vector<16xf32>
        %sub3A_1028 = arith.constant 1.000000e+00 : f32
        %sub3A_1029 = vector.broadcast %sub3A_1028 : f32 to vector<16xf32>
        %sub3A_1030 = arith.subf %sub3A_1029, %abs3A_1027 : vector<16xf32>
        %max3A_1031 = arith.constant 0.000000e+00 : f32
        %max3A_1032 = vector.broadcast %max3A_1031 : f32 to vector<16xf32>
        %max3A_1033 = arith.maximumf %max3A_1032, %sub3A_1030 : vector<16xf32>
        %mul3A_1034 = arith.mulf %exp3A_959, %max3A_1033 : vector<16xf32>
        %swap3A_1035 = arith.index_cast %add3A_943 : i32 to index
        %swap3A_1036 = arith.constant 48 : index
        %swap3A_1037 = tpu.vector_load %arg16[%swap3A_1035, %swap3A_1036] {strides = array<i32>} : memref<40x128xf32, #tpu.memory_space<vmem>>, vector<1x16xf32>,
        %swap3A_1038 = vector.shape_cast %swap3A_1037 : vector<1x16xf32> to vector<16xf32>
        %swap3A_1039 = vector.shape_cast %mul3A_1034 : vector<16xf32> to vector<1x16xf32>
        tpu.vector_store %arg16[%swap3A_1035, %swap3A_1036], %swap3A_1039 {strides = array<i32>} : memref<40x128xf32, #tpu.memory_space<vmem>>, vector<1x16xf32>,
        %sub3A_1040 = arith.constant 4.000000e+00 : f32
        %sub3A_1041 = vector.broadcast %sub3A_1040 : f32 to vector<16xf32>
        %sub3A_1042 = arith.subf %convert_element_type3A_975, %sub3A_1041 : vector<16xf32>
        %abs3A_1043 = math.absf %sub3A_1042 : vector<16xf32>
        %sub3A_1044 = arith.constant 1.000000e+00 : f32
        %sub3A_1045 = vector.broadcast %sub3A_1044 : f32 to vector<16xf32>
        %sub3A_1046 = arith.subf %sub3A_1045, %abs3A_1043 : vector<16xf32>
        %max3A_1047 = arith.constant 0.000000e+00 : f32
        %max3A_1048 = vector.broadcast %max3A_1047 : f32 to vector<16xf32>
        %max3A_1049 = arith.maximumf %max3A_1048, %sub3A_1046 : vector<16xf32>
        %mul3A_1050 = arith.mulf %exp3A_959, %max3A_1049 : vector<16xf32>
        %swap3A_1051 = arith.index_cast %add3A_943 : i32 to index
        %swap3A_1052 = arith.constant 64 : index
        %swap3A_1053 = tpu.vector_load %arg16[%swap3A_1051, %swap3A_1052] {strides = array<i32>} : memref<40x128xf32, #tpu.memory_space<vmem>>, vector<1x16xf32>,
        %swap3A_1054 = vector.shape_cast %swap3A_1053 : vector<1x16xf32> to vector<16xf32>
        %swap3A_1055 = vector.shape_cast %mul3A_1050 : vector<16xf32> to vector<1x16xf32>
        tpu.vector_store %arg16[%swap3A_1051, %swap3A_1052], %swap3A_1055 {strides = array<i32>} : memref<40x128xf32, #tpu.memory_space<vmem>>, vector<1x16xf32>,
        %sub3A_1056 = arith.constant 5.000000e+00 : f32
        %sub3A_1057 = vector.broadcast %sub3A_1056 : f32 to vector<16xf32>
        %sub3A_1058 = arith.subf %convert_element_type3A_975, %sub3A_1057 : vector<16xf32>
        %abs3A_1059 = math.absf %sub3A_1058 : vector<16xf32>
        %sub3A_1060 = arith.constant 1.000000e+00 : f32
        %sub3A_1061 = vector.broadcast %sub3A_1060 : f32 to vector<16xf32>
        %sub3A_1062 = arith.subf %sub3A_1061, %abs3A_1059 : vector<16xf32>
        %max3A_1063 = arith.constant 0.000000e+00 : f32
        %max3A_1064 = vector.broadcast %max3A_1063 : f32 to vector<16xf32>
        %max3A_1065 = arith.maximumf %max3A_1064, %sub3A_1062 : vector<16xf32>
        %mul3A_1066 = arith.mulf %exp3A_959, %max3A_1065 : vector<16xf32>
        %swap3A_1067 = arith.index_cast %add3A_943 : i32 to index
        %swap3A_1068 = arith.constant 80 : index
        %swap3A_1069 = tpu.vector_load %arg16[%swap3A_1067, %swap3A_1068] {strides = array<i32>} : memref<40x128xf32, #tpu.memory_space<vmem>>, vector<1x16xf32>,
        %swap3A_1070 = vector.shape_cast %swap3A_1069 : vector<1x16xf32> to vector<16xf32>
        %swap3A_1071 = vector.shape_cast %mul3A_1066 : vector<16xf32> to vector<1x16xf32>
        tpu.vector_store %arg16[%swap3A_1067, %swap3A_1068], %swap3A_1071 {strides = array<i32>} : memref<40x128xf32, #tpu.memory_space<vmem>>, vector<1x16xf32>,
        %sub3A_1072 = arith.constant 6.000000e+00 : f32
        %sub3A_1073 = vector.broadcast %sub3A_1072 : f32 to vector<16xf32>
        %sub3A_1074 = arith.subf %convert_element_type3A_975, %sub3A_1073 : vector<16xf32>
        %abs3A_1075 = math.absf %sub3A_1074 : vector<16xf32>
        %sub3A_1076 = arith.constant 1.000000e+00 : f32
        %sub3A_1077 = vector.broadcast %sub3A_1076 : f32 to vector<16xf32>
        %sub3A_1078 = arith.subf %sub3A_1077, %abs3A_1075 : vector<16xf32>
        %max3A_1079 = arith.constant 0.000000e+00 : f32
        %max3A_1080 = vector.broadcast %max3A_1079 : f32 to vector<16xf32>
        %max3A_1081 = arith.maximumf %max3A_1080, %sub3A_1078 : vector<16xf32>
        %mul3A_1082 = arith.mulf %exp3A_959, %max3A_1081 : vector<16xf32>
        %swap3A_1083 = arith.index_cast %add3A_943 : i32 to index
        %swap3A_1084 = arith.constant 96 : index
        %swap3A_1085 = tpu.vector_load %arg16[%swap3A_1083, %swap3A_1084] {strides = array<i32>} : memref<40x128xf32, #tpu.memory_space<vmem>>, vector<1x16xf32>,
        %swap3A_1086 = vector.shape_cast %swap3A_1085 : vector<1x16xf32> to vector<16xf32>
        %swap3A_1087 = vector.shape_cast %mul3A_1082 : vector<16xf32> to vector<1x16xf32>
        tpu.vector_store %arg16[%swap3A_1083, %swap3A_1084], %swap3A_1087 {strides = array<i32>} : memref<40x128xf32, #tpu.memory_space<vmem>>, vector<1x16xf32>,
        %sub3A_1088 = arith.constant 7.000000e+00 : f32
        %sub3A_1089 = vector.broadcast %sub3A_1088 : f32 to vector<16xf32>
        %sub3A_1090 = arith.subf %convert_element_type3A_975, %sub3A_1089 : vector<16xf32>
        %abs3A_1091 = math.absf %sub3A_1090 : vector<16xf32>
        %sub3A_1092 = arith.constant 1.000000e+00 : f32
        %sub3A_1093 = vector.broadcast %sub3A_1092 : f32 to vector<16xf32>
        %sub3A_1094 = arith.subf %sub3A_1093, %abs3A_1091 : vector<16xf32>
        %max3A_1095 = arith.constant 0.000000e+00 : f32
        %max3A_1096 = vector.broadcast %max3A_1095 : f32 to vector<16xf32>
        %max3A_1097 = arith.maximumf %max3A_1096, %sub3A_1094 : vector<16xf32>
        %mul3A_1098 = arith.mulf %exp3A_959, %max3A_1097 : vector<16xf32>
        %swap3A_1099 = arith.index_cast %add3A_943 : i32 to index
        %swap3A_1100 = arith.constant 112 : index
        %swap3A_1101 = tpu.vector_load %arg16[%swap3A_1099, %swap3A_1100] {strides = array<i32>} : memref<40x128xf32, #tpu.memory_space<vmem>>, vector<1x16xf32>,
        %swap3A_1102 = vector.shape_cast %swap3A_1101 : vector<1x16xf32> to vector<16xf32>
        %swap3A_1103 = vector.shape_cast %mul3A_1098 : vector<16xf32> to vector<1x16xf32>
        tpu.vector_store %arg16[%swap3A_1099, %swap3A_1100], %swap3A_1103 {strides = array<i32>} : memref<40x128xf32, #tpu.memory_space<vmem>>, vector<1x16xf32>,
        %broadcast_in_dim3A_1104 = arith.constant 0 : i32
        %broadcast_in_dim3A_1105 = vector.broadcast %broadcast_in_dim3A_1104 : i32 to vector<16xi32>
        %lt3A_1106 = arith.constant 0 : i32
        %lt3A_1107 = vector.broadcast %lt3A_1106 : i32 to vector<16xi32>
        %lt3A_1108 = arith.cmpi slt, %broadcast_in_dim3A_1105, %lt3A_1107 : vector<16xi32>
        %add3A_1109 = arith.constant 16 : i32
        %add3A_1110 = vector.broadcast %add3A_1109 : i32 to vector<16xi32>
        %add3A_1111 = arith.addi %broadcast_in_dim3A_1105, %add3A_1110 : vector<16xi32>
        %select_n3A_1112 = arith.select %lt3A_1108, %add3A_1111, %broadcast_in_dim3A_1105 : vector<16xi1>, vector<16xi32>
        %broadcast_in_dim3A_1113 = vector.shape_cast %select_n3A_1112 : vector<16xi32> to vector<16x1xi32>
        %gather3A_1114 = vector.shape_cast %broadcast_in_dim3A_1113 : vector<16x1xi32> to vector<16xi32>
        %gather3A_1115 = tpu.dynamic_gather %exp3A_959[%gather3A_1114] in [0] : vector<16xf32>, vector<16xi32> -> vector<16xf32>
        %get3A_1116 = arith.index_cast %add3A_943 : i32 to index
        %get3A_1117 = arith.constant 0 : index
        %get3A_1118 = tpu.vector_load %arg14[%get3A_1116, %get3A_1117] {strides = array<i32>} : memref<40x128xf32, #tpu.memory_space<vmem>>, vector<1x16xf32>,
        %get3A_1119 = vector.shape_cast %get3A_1118 : vector<1x16xf32> to vector<16xf32>
        %mul3A_1120 = arith.mulf %get3A_1119, %gather3A_1115 : vector<16xf32>
        %swap3A_1121 = arith.index_cast %add3A_943 : i32 to index
        %swap3A_1122 = arith.constant 0 : index
        %swap3A_1123 = tpu.vector_load %arg14[%swap3A_1121, %swap3A_1122] {strides = array<i32>} : memref<40x128xf32, #tpu.memory_space<vmem>>, vector<1x16xf32>,
        %swap3A_1124 = vector.shape_cast %swap3A_1123 : vector<1x16xf32> to vector<16xf32>
        %swap3A_1125 = vector.shape_cast %mul3A_1120 : vector<16xf32> to vector<1x16xf32>
        tpu.vector_store %arg14[%swap3A_1121, %swap3A_1122], %swap3A_1125 {strides = array<i32>} : memref<40x128xf32, #tpu.memory_space<vmem>>, vector<1x16xf32>,
        %broadcast_in_dim3A_1126 = arith.constant 1 : i32
        %broadcast_in_dim3A_1127 = vector.broadcast %broadcast_in_dim3A_1126 : i32 to vector<16xi32>
        %lt3A_1128 = arith.constant 0 : i32
        %lt3A_1129 = vector.broadcast %lt3A_1128 : i32 to vector<16xi32>
        %lt3A_1130 = arith.cmpi slt, %broadcast_in_dim3A_1127, %lt3A_1129 : vector<16xi32>
        %add3A_1131 = arith.constant 16 : i32
        %add3A_1132 = vector.broadcast %add3A_1131 : i32 to vector<16xi32>
        %add3A_1133 = arith.addi %broadcast_in_dim3A_1127, %add3A_1132 : vector<16xi32>
        %select_n3A_1134 = arith.select %lt3A_1130, %add3A_1133, %broadcast_in_dim3A_1127 : vector<16xi1>, vector<16xi32>
        %broadcast_in_dim3A_1135 = vector.shape_cast %select_n3A_1134 : vector<16xi32> to vector<16x1xi32>
        %gather3A_1136 = vector.shape_cast %broadcast_in_dim3A_1135 : vector<16x1xi32> to vector<16xi32>
        %gather3A_1137 = tpu.dynamic_gather %exp3A_959[%gather3A_1136] in [0] : vector<16xf32>, vector<16xi32> -> vector<16xf32>
        %get3A_1138 = arith.index_cast %add3A_943 : i32 to index
        %get3A_1139 = arith.constant 16 : index
        %get3A_1140 = tpu.vector_load %arg14[%get3A_1138, %get3A_1139] {strides = array<i32>} : memref<40x128xf32, #tpu.memory_space<vmem>>, vector<1x16xf32>,
        %get3A_1141 = vector.shape_cast %get3A_1140 : vector<1x16xf32> to vector<16xf32>
        %mul3A_1142 = arith.mulf %get3A_1141, %gather3A_1137 : vector<16xf32>
        %swap3A_1143 = arith.index_cast %add3A_943 : i32 to index
        %swap3A_1144 = arith.constant 16 : index
        %swap3A_1145 = tpu.vector_load %arg14[%swap3A_1143, %swap3A_1144] {strides = array<i32>} : memref<40x128xf32, #tpu.memory_space<vmem>>, vector<1x16xf32>,
        %swap3A_1146 = vector.shape_cast %swap3A_1145 : vector<1x16xf32> to vector<16xf32>
        %swap3A_1147 = vector.shape_cast %mul3A_1142 : vector<16xf32> to vector<1x16xf32>
        tpu.vector_store %arg14[%swap3A_1143, %swap3A_1144], %swap3A_1147 {strides = array<i32>} : memref<40x128xf32, #tpu.memory_space<vmem>>, vector<1x16xf32>,
        %broadcast_in_dim3A_1148 = arith.constant 2 : i32
        %broadcast_in_dim3A_1149 = vector.broadcast %broadcast_in_dim3A_1148 : i32 to vector<16xi32>
        %lt3A_1150 = arith.constant 0 : i32
        %lt3A_1151 = vector.broadcast %lt3A_1150 : i32 to vector<16xi32>
        %lt3A_1152 = arith.cmpi slt, %broadcast_in_dim3A_1149, %lt3A_1151 : vector<16xi32>
        %add3A_1153 = arith.constant 16 : i32
        %add3A_1154 = vector.broadcast %add3A_1153 : i32 to vector<16xi32>
        %add3A_1155 = arith.addi %broadcast_in_dim3A_1149, %add3A_1154 : vector<16xi32>
        %select_n3A_1156 = arith.select %lt3A_1152, %add3A_1155, %broadcast_in_dim3A_1149 : vector<16xi1>, vector<16xi32>
        %broadcast_in_dim3A_1157 = vector.shape_cast %select_n3A_1156 : vector<16xi32> to vector<16x1xi32>
        %gather3A_1158 = vector.shape_cast %broadcast_in_dim3A_1157 : vector<16x1xi32> to vector<16xi32>
        %gather3A_1159 = tpu.dynamic_gather %exp3A_959[%gather3A_1158] in [0] : vector<16xf32>, vector<16xi32> -> vector<16xf32>
        %get3A_1160 = arith.index_cast %add3A_943 : i32 to index
        %get3A_1161 = arith.constant 32 : index
        %get3A_1162 = tpu.vector_load %arg14[%get3A_1160, %get3A_1161] {strides = array<i32>} : memref<40x128xf32, #tpu.memory_space<vmem>>, vector<1x16xf32>,
        %get3A_1163 = vector.shape_cast %get3A_1162 : vector<1x16xf32> to vector<16xf32>
        %mul3A_1164 = arith.mulf %get3A_1163, %gather3A_1159 : vector<16xf32>
        %swap3A_1165 = arith.index_cast %add3A_943 : i32 to index
        %swap3A_1166 = arith.constant 32 : index
        %swap3A_1167 = tpu.vector_load %arg14[%swap3A_1165, %swap3A_1166] {strides = array<i32>} : memref<40x128xf32, #tpu.memory_space<vmem>>, vector<1x16xf32>,
        %swap3A_1168 = vector.shape_cast %swap3A_1167 : vector<1x16xf32> to vector<16xf32>
        %swap3A_1169 = vector.shape_cast %mul3A_1164 : vector<16xf32> to vector<1x16xf32>
        tpu.vector_store %arg14[%swap3A_1165, %swap3A_1166], %swap3A_1169 {strides = array<i32>} : memref<40x128xf32, #tpu.memory_space<vmem>>, vector<1x16xf32>,
        %broadcast_in_dim3A_1170 = arith.constant 3 : i32
        %broadcast_in_dim3A_1171 = vector.broadcast %broadcast_in_dim3A_1170 : i32 to vector<16xi32>
        %lt3A_1172 = arith.constant 0 : i32
        %lt3A_1173 = vector.broadcast %lt3A_1172 : i32 to vector<16xi32>
        %lt3A_1174 = arith.cmpi slt, %broadcast_in_dim3A_1171, %lt3A_1173 : vector<16xi32>
        %add3A_1175 = arith.constant 16 : i32
        %add3A_1176 = vector.broadcast %add3A_1175 : i32 to vector<16xi32>
        %add3A_1177 = arith.addi %broadcast_in_dim3A_1171, %add3A_1176 : vector<16xi32>
        %select_n3A_1178 = arith.select %lt3A_1174, %add3A_1177, %broadcast_in_dim3A_1171 : vector<16xi1>, vector<16xi32>
        %broadcast_in_dim3A_1179 = vector.shape_cast %select_n3A_1178 : vector<16xi32> to vector<16x1xi32>
        %gather3A_1180 = vector.shape_cast %broadcast_in_dim3A_1179 : vector<16x1xi32> to vector<16xi32>
        %gather3A_1181 = tpu.dynamic_gather %exp3A_959[%gather3A_1180] in [0] : vector<16xf32>, vector<16xi32> -> vector<16xf32>
        %get3A_1182 = arith.index_cast %add3A_943 : i32 to index
        %get3A_1183 = arith.constant 48 : index
        %get3A_1184 = tpu.vector_load %arg14[%get3A_1182, %get3A_1183] {strides = array<i32>} : memref<40x128xf32, #tpu.memory_space<vmem>>, vector<1x16xf32>,
        %get3A_1185 = vector.shape_cast %get3A_1184 : vector<1x16xf32> to vector<16xf32>
        %mul3A_1186 = arith.mulf %get3A_1185, %gather3A_1181 : vector<16xf32>
        %swap3A_1187 = arith.index_cast %add3A_943 : i32 to index
        %swap3A_1188 = arith.constant 48 : index
        %swap3A_1189 = tpu.vector_load %arg14[%swap3A_1187, %swap3A_1188] {strides = array<i32>} : memref<40x128xf32, #tpu.memory_space<vmem>>, vector<1x16xf32>,
        %swap3A_1190 = vector.shape_cast %swap3A_1189 : vector<1x16xf32> to vector<16xf32>
        %swap3A_1191 = vector.shape_cast %mul3A_1186 : vector<16xf32> to vector<1x16xf32>
        tpu.vector_store %arg14[%swap3A_1187, %swap3A_1188], %swap3A_1191 {strides = array<i32>} : memref<40x128xf32, #tpu.memory_space<vmem>>, vector<1x16xf32>,
        %broadcast_in_dim3A_1192 = arith.constant 4 : i32
        %broadcast_in_dim3A_1193 = vector.broadcast %broadcast_in_dim3A_1192 : i32 to vector<16xi32>
        %lt3A_1194 = arith.constant 0 : i32
        %lt3A_1195 = vector.broadcast %lt3A_1194 : i32 to vector<16xi32>
        %lt3A_1196 = arith.cmpi slt, %broadcast_in_dim3A_1193, %lt3A_1195 : vector<16xi32>
        %add3A_1197 = arith.constant 16 : i32
        %add3A_1198 = vector.broadcast %add3A_1197 : i32 to vector<16xi32>
        %add3A_1199 = arith.addi %broadcast_in_dim3A_1193, %add3A_1198 : vector<16xi32>
        %select_n3A_1200 = arith.select %lt3A_1196, %add3A_1199, %broadcast_in_dim3A_1193 : vector<16xi1>, vector<16xi32>
        %broadcast_in_dim3A_1201 = vector.shape_cast %select_n3A_1200 : vector<16xi32> to vector<16x1xi32>
        %gather3A_1202 = vector.shape_cast %broadcast_in_dim3A_1201 : vector<16x1xi32> to vector<16xi32>
        %gather3A_1203 = tpu.dynamic_gather %exp3A_959[%gather3A_1202] in [0] : vector<16xf32>, vector<16xi32> -> vector<16xf32>
        %get3A_1204 = arith.index_cast %add3A_943 : i32 to index
        %get3A_1205 = arith.constant 64 : index
        %get3A_1206 = tpu.vector_load %arg14[%get3A_1204, %get3A_1205] {strides = array<i32>} : memref<40x128xf32, #tpu.memory_space<vmem>>, vector<1x16xf32>,
        %get3A_1207 = vector.shape_cast %get3A_1206 : vector<1x16xf32> to vector<16xf32>
        %mul3A_1208 = arith.mulf %get3A_1207, %gather3A_1203 : vector<16xf32>
        %swap3A_1209 = arith.index_cast %add3A_943 : i32 to index
        %swap3A_1210 = arith.constant 64 : index
        %swap3A_1211 = tpu.vector_load %arg14[%swap3A_1209, %swap3A_1210] {strides = array<i32>} : memref<40x128xf32, #tpu.memory_space<vmem>>, vector<1x16xf32>,
        %swap3A_1212 = vector.shape_cast %swap3A_1211 : vector<1x16xf32> to vector<16xf32>
        %swap3A_1213 = vector.shape_cast %mul3A_1208 : vector<16xf32> to vector<1x16xf32>
        tpu.vector_store %arg14[%swap3A_1209, %swap3A_1210], %swap3A_1213 {strides = array<i32>} : memref<40x128xf32, #tpu.memory_space<vmem>>, vector<1x16xf32>,
        %broadcast_in_dim3A_1214 = arith.constant 5 : i32
        %broadcast_in_dim3A_1215 = vector.broadcast %broadcast_in_dim3A_1214 : i32 to vector<16xi32>
        %lt3A_1216 = arith.constant 0 : i32
        %lt3A_1217 = vector.broadcast %lt3A_1216 : i32 to vector<16xi32>
        %lt3A_1218 = arith.cmpi slt, %broadcast_in_dim3A_1215, %lt3A_1217 : vector<16xi32>
        %add3A_1219 = arith.constant 16 : i32
        %add3A_1220 = vector.broadcast %add3A_1219 : i32 to vector<16xi32>
        %add3A_1221 = arith.addi %broadcast_in_dim3A_1215, %add3A_1220 : vector<16xi32>
        %select_n3A_1222 = arith.select %lt3A_1218, %add3A_1221, %broadcast_in_dim3A_1215 : vector<16xi1>, vector<16xi32>
        %broadcast_in_dim3A_1223 = vector.shape_cast %select_n3A_1222 : vector<16xi32> to vector<16x1xi32>
        %gather3A_1224 = vector.shape_cast %broadcast_in_dim3A_1223 : vector<16x1xi32> to vector<16xi32>
        %gather3A_1225 = tpu.dynamic_gather %exp3A_959[%gather3A_1224] in [0] : vector<16xf32>, vector<16xi32> -> vector<16xf32>
        %get3A_1226 = arith.index_cast %add3A_943 : i32 to index
        %get3A_1227 = arith.constant 80 : index
        %get3A_1228 = tpu.vector_load %arg14[%get3A_1226, %get3A_1227] {strides = array<i32>} : memref<40x128xf32, #tpu.memory_space<vmem>>, vector<1x16xf32>,
        %get3A_1229 = vector.shape_cast %get3A_1228 : vector<1x16xf32> to vector<16xf32>
        %mul3A_1230 = arith.mulf %get3A_1229, %gather3A_1225 : vector<16xf32>
        %swap3A_1231 = arith.index_cast %add3A_943 : i32 to index
        %swap3A_1232 = arith.constant 80 : index
        %swap3A_1233 = tpu.vector_load %arg14[%swap3A_1231, %swap3A_1232] {strides = array<i32>} : memref<40x128xf32, #tpu.memory_space<vmem>>, vector<1x16xf32>,
        %swap3A_1234 = vector.shape_cast %swap3A_1233 : vector<1x16xf32> to vector<16xf32>
        %swap3A_1235 = vector.shape_cast %mul3A_1230 : vector<16xf32> to vector<1x16xf32>
        tpu.vector_store %arg14[%swap3A_1231, %swap3A_1232], %swap3A_1235 {strides = array<i32>} : memref<40x128xf32, #tpu.memory_space<vmem>>, vector<1x16xf32>,
        %broadcast_in_dim3A_1236 = arith.constant 6 : i32
        %broadcast_in_dim3A_1237 = vector.broadcast %broadcast_in_dim3A_1236 : i32 to vector<16xi32>
        %lt3A_1238 = arith.constant 0 : i32
        %lt3A_1239 = vector.broadcast %lt3A_1238 : i32 to vector<16xi32>
        %lt3A_1240 = arith.cmpi slt, %broadcast_in_dim3A_1237, %lt3A_1239 : vector<16xi32>
        %add3A_1241 = arith.constant 16 : i32
        %add3A_1242 = vector.broadcast %add3A_1241 : i32 to vector<16xi32>
        %add3A_1243 = arith.addi %broadcast_in_dim3A_1237, %add3A_1242 : vector<16xi32>
        %select_n3A_1244 = arith.select %lt3A_1240, %add3A_1243, %broadcast_in_dim3A_1237 : vector<16xi1>, vector<16xi32>
        %broadcast_in_dim3A_1245 = vector.shape_cast %select_n3A_1244 : vector<16xi32> to vector<16x1xi32>
        %gather3A_1246 = vector.shape_cast %broadcast_in_dim3A_1245 : vector<16x1xi32> to vector<16xi32>
        %gather3A_1247 = tpu.dynamic_gather %exp3A_959[%gather3A_1246] in [0] : vector<16xf32>, vector<16xi32> -> vector<16xf32>
        %get3A_1248 = arith.index_cast %add3A_943 : i32 to index
        %get3A_1249 = arith.constant 96 : index
        %get3A_1250 = tpu.vector_load %arg14[%get3A_1248, %get3A_1249] {strides = array<i32>} : memref<40x128xf32, #tpu.memory_space<vmem>>, vector<1x16xf32>,
        %get3A_1251 = vector.shape_cast %get3A_1250 : vector<1x16xf32> to vector<16xf32>
        %mul3A_1252 = arith.mulf %get3A_1251, %gather3A_1247 : vector<16xf32>
        %swap3A_1253 = arith.index_cast %add3A_943 : i32 to index
        %swap3A_1254 = arith.constant 96 : index
        %swap3A_1255 = tpu.vector_load %arg14[%swap3A_1253, %swap3A_1254] {strides = array<i32>} : memref<40x128xf32, #tpu.memory_space<vmem>>, vector<1x16xf32>,
        %swap3A_1256 = vector.shape_cast %swap3A_1255 : vector<1x16xf32> to vector<16xf32>
        %swap3A_1257 = vector.shape_cast %mul3A_1252 : vector<16xf32> to vector<1x16xf32>
        tpu.vector_store %arg14[%swap3A_1253, %swap3A_1254], %swap3A_1257 {strides = array<i32>} : memref<40x128xf32, #tpu.memory_space<vmem>>, vector<1x16xf32>,
        %broadcast_in_dim3A_1258 = arith.constant 7 : i32
        %broadcast_in_dim3A_1259 = vector.broadcast %broadcast_in_dim3A_1258 : i32 to vector<16xi32>
        %lt3A_1260 = arith.constant 0 : i32
        %lt3A_1261 = vector.broadcast %lt3A_1260 : i32 to vector<16xi32>
        %lt3A_1262 = arith.cmpi slt, %broadcast_in_dim3A_1259, %lt3A_1261 : vector<16xi32>
        %add3A_1263 = arith.constant 16 : i32
        %add3A_1264 = vector.broadcast %add3A_1263 : i32 to vector<16xi32>
        %add3A_1265 = arith.addi %broadcast_in_dim3A_1259, %add3A_1264 : vector<16xi32>
        %select_n3A_1266 = arith.select %lt3A_1262, %add3A_1265, %broadcast_in_dim3A_1259 : vector<16xi1>, vector<16xi32>
        %broadcast_in_dim3A_1267 = vector.shape_cast %select_n3A_1266 : vector<16xi32> to vector<16x1xi32>
        %gather3A_1268 = vector.shape_cast %broadcast_in_dim3A_1267 : vector<16x1xi32> to vector<16xi32>
        %gather3A_1269 = tpu.dynamic_gather %exp3A_959[%gather3A_1268] in [0] : vector<16xf32>, vector<16xi32> -> vector<16xf32>
        %get3A_1270 = arith.index_cast %add3A_943 : i32 to index
        %get3A_1271 = arith.constant 112 : index
        %get3A_1272 = tpu.vector_load %arg14[%get3A_1270, %get3A_1271] {strides = array<i32>} : memref<40x128xf32, #tpu.memory_space<vmem>>, vector<1x16xf32>,
        %get3A_1273 = vector.shape_cast %get3A_1272 : vector<1x16xf32> to vector<16xf32>
        %mul3A_1274 = arith.mulf %get3A_1273, %gather3A_1269 : vector<16xf32>
        %swap3A_1275 = arith.index_cast %add3A_943 : i32 to index
        %swap3A_1276 = arith.constant 112 : index
        %swap3A_1277 = tpu.vector_load %arg14[%swap3A_1275, %swap3A_1276] {strides = array<i32>} : memref<40x128xf32, #tpu.memory_space<vmem>>, vector<1x16xf32>,
        %swap3A_1278 = vector.shape_cast %swap3A_1277 : vector<1x16xf32> to vector<16xf32>
        %swap3A_1279 = vector.shape_cast %mul3A_1274 : vector<16xf32> to vector<1x16xf32>
        tpu.vector_store %arg14[%swap3A_1275, %swap3A_1276], %swap3A_1279 {strides = array<i32>} : memref<40x128xf32, #tpu.memory_space<vmem>>, vector<1x16xf32>,
        %mul3A_1280 = arith.constant 8 : i32
        %mul3A_1281 = arith.muli %mul3A_1280, %scan3A_261 : i32
        %add3A_1282 = arith.constant 3 : i32
        %add3A_1283 = arith.addi %mul3A_1281, %add3A_1282 : i32
        %get3A_1284 = arith.index_cast %add3A_1283 : i32 to index
        %get3A_1285 = arith.constant 0 : index
        %get3A_1286 = tpu.vector_load %arg15[%get3A_1284, %get3A_1285] {strides = array<i32>} : memref<80x128xf32, #tpu.memory_space<vmem>>, vector<1x16xf32>,
        %get3A_1287 = vector.shape_cast %get3A_1286 : vector<1x16xf32> to vector<16xf32>
        %add3A_1288 = arith.constant 40 : i32
        %add3A_1289 = arith.addi %add3A_1288, %add3A_1283 : i32
        %get3A_1290 = arith.index_cast %add3A_1289 : i32 to index
        %get3A_1291 = arith.constant 16 : index
        %get3A_1292 = tpu.vector_load %arg15[%get3A_1290, %get3A_1291] {strides = array<i32>} : memref<80x128xf32, #tpu.memory_space<vmem>>, vector<1x16xf32>,
        %get3A_1293 = vector.shape_cast %get3A_1292 : vector<1x16xf32> to vector<16xf32>
        %add3A_1294 = arith.addf %get3A_1287, %get3A_1293 : vector<16xf32>
        %mul3A_1295 = arith.constant 2.000000e-01 : f32
        %mul3A_1296 = vector.broadcast %mul3A_1295 : f32 to vector<16xf32>
        %mul3A_1297 = arith.mulf %mul3A_1296, %add3A_1294 : vector<16xf32>
        %max3A_1298 = arith.maximumf %add3A_1294, %mul3A_1297 : vector<16xf32>
        %exp3A_1299 = math.exp %max3A_1298 : vector<16xf32>
        %broadcast_in_dim3A_1300 = arith.constant 3 : i32
        %broadcast_in_dim3A_1301 = vector.broadcast %broadcast_in_dim3A_1300 : i32 to vector<16xi32>
        %lt3A_1302 = arith.constant 0 : i32
        %lt3A_1303 = vector.broadcast %lt3A_1302 : i32 to vector<16xi32>
        %lt3A_1304 = arith.cmpi slt, %broadcast_in_dim3A_1301, %lt3A_1303 : vector<16xi32>
        %add3A_1305 = arith.constant 16 : i32
        %add3A_1306 = vector.broadcast %add3A_1305 : i32 to vector<16xi32>
        %add3A_1307 = arith.addi %broadcast_in_dim3A_1301, %add3A_1306 : vector<16xi32>
        %select_n3A_1308 = arith.select %lt3A_1304, %add3A_1307, %broadcast_in_dim3A_1301 : vector<16xi1>, vector<16xi32>
        %broadcast_in_dim3A_1309 = vector.shape_cast %select_n3A_1308 : vector<16xi32> to vector<16x1xi32>
        %gather3A_1310 = vector.shape_cast %broadcast_in_dim3A_1309 : vector<16x1xi32> to vector<16xi32>
        %gather3A_1311 = tpu.dynamic_gather %get3A_268[%gather3A_1310] in [0] : vector<16xi32>, vector<16xi32> -> vector<16xi32>
        %and3A_1312 = arith.constant 7 : i32
        %and3A_1313 = vector.broadcast %and3A_1312 : i32 to vector<16xi32>
        %and3A_1314 = arith.andi %gather3A_1311, %and3A_1313 : vector<16xi32>
        %convert_element_type3A_1315 = arith.sitofp %and3A_1314 : vector<16xi32> to vector<16xf32>
        %sub3A_1316 = arith.constant 0.000000e+00 : f32
        %sub3A_1317 = vector.broadcast %sub3A_1316 : f32 to vector<16xf32>
        %sub3A_1318 = arith.subf %convert_element_type3A_1315, %sub3A_1317 : vector<16xf32>
        %abs3A_1319 = math.absf %sub3A_1318 : vector<16xf32>
        %sub3A_1320 = arith.constant 1.000000e+00 : f32
        %sub3A_1321 = vector.broadcast %sub3A_1320 : f32 to vector<16xf32>
        %sub3A_1322 = arith.subf %sub3A_1321, %abs3A_1319 : vector<16xf32>
        %max3A_1323 = arith.constant 0.000000e+00 : f32
        %max3A_1324 = vector.broadcast %max3A_1323 : f32 to vector<16xf32>
        %max3A_1325 = arith.maximumf %max3A_1324, %sub3A_1322 : vector<16xf32>
        %mul3A_1326 = arith.mulf %exp3A_1299, %max3A_1325 : vector<16xf32>
        %swap3A_1327 = arith.index_cast %add3A_1283 : i32 to index
        %swap3A_1328 = arith.constant 0 : index
        %swap3A_1329 = tpu.vector_load %arg16[%swap3A_1327, %swap3A_1328] {strides = array<i32>} : memref<40x128xf32, #tpu.memory_space<vmem>>, vector<1x16xf32>,
        %swap3A_1330 = vector.shape_cast %swap3A_1329 : vector<1x16xf32> to vector<16xf32>
        %swap3A_1331 = vector.shape_cast %mul3A_1326 : vector<16xf32> to vector<1x16xf32>
        tpu.vector_store %arg16[%swap3A_1327, %swap3A_1328], %swap3A_1331 {strides = array<i32>} : memref<40x128xf32, #tpu.memory_space<vmem>>, vector<1x16xf32>,
        %sub3A_1332 = arith.constant 1.000000e+00 : f32
        %sub3A_1333 = vector.broadcast %sub3A_1332 : f32 to vector<16xf32>
        %sub3A_1334 = arith.subf %convert_element_type3A_1315, %sub3A_1333 : vector<16xf32>
        %abs3A_1335 = math.absf %sub3A_1334 : vector<16xf32>
        %sub3A_1336 = arith.constant 1.000000e+00 : f32
        %sub3A_1337 = vector.broadcast %sub3A_1336 : f32 to vector<16xf32>
        %sub3A_1338 = arith.subf %sub3A_1337, %abs3A_1335 : vector<16xf32>
        %max3A_1339 = arith.constant 0.000000e+00 : f32
        %max3A_1340 = vector.broadcast %max3A_1339 : f32 to vector<16xf32>
        %max3A_1341 = arith.maximumf %max3A_1340, %sub3A_1338 : vector<16xf32>
        %mul3A_1342 = arith.mulf %exp3A_1299, %max3A_1341 : vector<16xf32>
        %swap3A_1343 = arith.index_cast %add3A_1283 : i32 to index
        %swap3A_1344 = arith.constant 16 : index
        %swap3A_1345 = tpu.vector_load %arg16[%swap3A_1343, %swap3A_1344] {strides = array<i32>} : memref<40x128xf32, #tpu.memory_space<vmem>>, vector<1x16xf32>,
        %swap3A_1346 = vector.shape_cast %swap3A_1345 : vector<1x16xf32> to vector<16xf32>
        %swap3A_1347 = vector.shape_cast %mul3A_1342 : vector<16xf32> to vector<1x16xf32>
        tpu.vector_store %arg16[%swap3A_1343, %swap3A_1344], %swap3A_1347 {strides = array<i32>} : memref<40x128xf32, #tpu.memory_space<vmem>>, vector<1x16xf32>,
        %sub3A_1348 = arith.constant 2.000000e+00 : f32
        %sub3A_1349 = vector.broadcast %sub3A_1348 : f32 to vector<16xf32>
        %sub3A_1350 = arith.subf %convert_element_type3A_1315, %sub3A_1349 : vector<16xf32>
        %abs3A_1351 = math.absf %sub3A_1350 : vector<16xf32>
        %sub3A_1352 = arith.constant 1.000000e+00 : f32
        %sub3A_1353 = vector.broadcast %sub3A_1352 : f32 to vector<16xf32>
        %sub3A_1354 = arith.subf %sub3A_1353, %abs3A_1351 : vector<16xf32>
        %max3A_1355 = arith.constant 0.000000e+00 : f32
        %max3A_1356 = vector.broadcast %max3A_1355 : f32 to vector<16xf32>
        %max3A_1357 = arith.maximumf %max3A_1356, %sub3A_1354 : vector<16xf32>
        %mul3A_1358 = arith.mulf %exp3A_1299, %max3A_1357 : vector<16xf32>
        %swap3A_1359 = arith.index_cast %add3A_1283 : i32 to index
        %swap3A_1360 = arith.constant 32 : index
        %swap3A_1361 = tpu.vector_load %arg16[%swap3A_1359, %swap3A_1360] {strides = array<i32>} : memref<40x128xf32, #tpu.memory_space<vmem>>, vector<1x16xf32>,
        %swap3A_1362 = vector.shape_cast %swap3A_1361 : vector<1x16xf32> to vector<16xf32>
        %swap3A_1363 = vector.shape_cast %mul3A_1358 : vector<16xf32> to vector<1x16xf32>
        tpu.vector_store %arg16[%swap3A_1359, %swap3A_1360], %swap3A_1363 {strides = array<i32>} : memref<40x128xf32, #tpu.memory_space<vmem>>, vector<1x16xf32>,
        %sub3A_1364 = arith.constant 3.000000e+00 : f32
        %sub3A_1365 = vector.broadcast %sub3A_1364 : f32 to vector<16xf32>
        %sub3A_1366 = arith.subf %convert_element_type3A_1315, %sub3A_1365 : vector<16xf32>
        %abs3A_1367 = math.absf %sub3A_1366 : vector<16xf32>
        %sub3A_1368 = arith.constant 1.000000e+00 : f32
        %sub3A_1369 = vector.broadcast %sub3A_1368 : f32 to vector<16xf32>
        %sub3A_1370 = arith.subf %sub3A_1369, %abs3A_1367 : vector<16xf32>
        %max3A_1371 = arith.constant 0.000000e+00 : f32
        %max3A_1372 = vector.broadcast %max3A_1371 : f32 to vector<16xf32>
        %max3A_1373 = arith.maximumf %max3A_1372, %sub3A_1370 : vector<16xf32>
        %mul3A_1374 = arith.mulf %exp3A_1299, %max3A_1373 : vector<16xf32>
        %swap3A_1375 = arith.index_cast %add3A_1283 : i32 to index
        %swap3A_1376 = arith.constant 48 : index
        %swap3A_1377 = tpu.vector_load %arg16[%swap3A_1375, %swap3A_1376] {strides = array<i32>} : memref<40x128xf32, #tpu.memory_space<vmem>>, vector<1x16xf32>,
        %swap3A_1378 = vector.shape_cast %swap3A_1377 : vector<1x16xf32> to vector<16xf32>
        %swap3A_1379 = vector.shape_cast %mul3A_1374 : vector<16xf32> to vector<1x16xf32>
        tpu.vector_store %arg16[%swap3A_1375, %swap3A_1376], %swap3A_1379 {strides = array<i32>} : memref<40x128xf32, #tpu.memory_space<vmem>>, vector<1x16xf32>,
        %sub3A_1380 = arith.constant 4.000000e+00 : f32
        %sub3A_1381 = vector.broadcast %sub3A_1380 : f32 to vector<16xf32>
        %sub3A_1382 = arith.subf %convert_element_type3A_1315, %sub3A_1381 : vector<16xf32>
        %abs3A_1383 = math.absf %sub3A_1382 : vector<16xf32>
        %sub3A_1384 = arith.constant 1.000000e+00 : f32
        %sub3A_1385 = vector.broadcast %sub3A_1384 : f32 to vector<16xf32>
        %sub3A_1386 = arith.subf %sub3A_1385, %abs3A_1383 : vector<16xf32>
        %max3A_1387 = arith.constant 0.000000e+00 : f32
        %max3A_1388 = vector.broadcast %max3A_1387 : f32 to vector<16xf32>
        %max3A_1389 = arith.maximumf %max3A_1388, %sub3A_1386 : vector<16xf32>
        %mul3A_1390 = arith.mulf %exp3A_1299, %max3A_1389 : vector<16xf32>
        %swap3A_1391 = arith.index_cast %add3A_1283 : i32 to index
        %swap3A_1392 = arith.constant 64 : index
        %swap3A_1393 = tpu.vector_load %arg16[%swap3A_1391, %swap3A_1392] {strides = array<i32>} : memref<40x128xf32, #tpu.memory_space<vmem>>, vector<1x16xf32>,
        %swap3A_1394 = vector.shape_cast %swap3A_1393 : vector<1x16xf32> to vector<16xf32>
        %swap3A_1395 = vector.shape_cast %mul3A_1390 : vector<16xf32> to vector<1x16xf32>
        tpu.vector_store %arg16[%swap3A_1391, %swap3A_1392], %swap3A_1395 {strides = array<i32>} : memref<40x128xf32, #tpu.memory_space<vmem>>, vector<1x16xf32>,
        %sub3A_1396 = arith.constant 5.000000e+00 : f32
        %sub3A_1397 = vector.broadcast %sub3A_1396 : f32 to vector<16xf32>
        %sub3A_1398 = arith.subf %convert_element_type3A_1315, %sub3A_1397 : vector<16xf32>
        %abs3A_1399 = math.absf %sub3A_1398 : vector<16xf32>
        %sub3A_1400 = arith.constant 1.000000e+00 : f32
        %sub3A_1401 = vector.broadcast %sub3A_1400 : f32 to vector<16xf32>
        %sub3A_1402 = arith.subf %sub3A_1401, %abs3A_1399 : vector<16xf32>
        %max3A_1403 = arith.constant 0.000000e+00 : f32
        %max3A_1404 = vector.broadcast %max3A_1403 : f32 to vector<16xf32>
        %max3A_1405 = arith.maximumf %max3A_1404, %sub3A_1402 : vector<16xf32>
        %mul3A_1406 = arith.mulf %exp3A_1299, %max3A_1405 : vector<16xf32>
        %swap3A_1407 = arith.index_cast %add3A_1283 : i32 to index
        %swap3A_1408 = arith.constant 80 : index
        %swap3A_1409 = tpu.vector_load %arg16[%swap3A_1407, %swap3A_1408] {strides = array<i32>} : memref<40x128xf32, #tpu.memory_space<vmem>>, vector<1x16xf32>,
        %swap3A_1410 = vector.shape_cast %swap3A_1409 : vector<1x16xf32> to vector<16xf32>
        %swap3A_1411 = vector.shape_cast %mul3A_1406 : vector<16xf32> to vector<1x16xf32>
        tpu.vector_store %arg16[%swap3A_1407, %swap3A_1408], %swap3A_1411 {strides = array<i32>} : memref<40x128xf32, #tpu.memory_space<vmem>>, vector<1x16xf32>,
        %sub3A_1412 = arith.constant 6.000000e+00 : f32
        %sub3A_1413 = vector.broadcast %sub3A_1412 : f32 to vector<16xf32>
        %sub3A_1414 = arith.subf %convert_element_type3A_1315, %sub3A_1413 : vector<16xf32>
        %abs3A_1415 = math.absf %sub3A_1414 : vector<16xf32>
        %sub3A_1416 = arith.constant 1.000000e+00 : f32
        %sub3A_1417 = vector.broadcast %sub3A_1416 : f32 to vector<16xf32>
        %sub3A_1418 = arith.subf %sub3A_1417, %abs3A_1415 : vector<16xf32>
        %max3A_1419 = arith.constant 0.000000e+00 : f32
        %max3A_1420 = vector.broadcast %max3A_1419 : f32 to vector<16xf32>
        %max3A_1421 = arith.maximumf %max3A_1420, %sub3A_1418 : vector<16xf32>
        %mul3A_1422 = arith.mulf %exp3A_1299, %max3A_1421 : vector<16xf32>
        %swap3A_1423 = arith.index_cast %add3A_1283 : i32 to index
        %swap3A_1424 = arith.constant 96 : index
        %swap3A_1425 = tpu.vector_load %arg16[%swap3A_1423, %swap3A_1424] {strides = array<i32>} : memref<40x128xf32, #tpu.memory_space<vmem>>, vector<1x16xf32>,
        %swap3A_1426 = vector.shape_cast %swap3A_1425 : vector<1x16xf32> to vector<16xf32>
        %swap3A_1427 = vector.shape_cast %mul3A_1422 : vector<16xf32> to vector<1x16xf32>
        tpu.vector_store %arg16[%swap3A_1423, %swap3A_1424], %swap3A_1427 {strides = array<i32>} : memref<40x128xf32, #tpu.memory_space<vmem>>, vector<1x16xf32>,
        %sub3A_1428 = arith.constant 7.000000e+00 : f32
        %sub3A_1429 = vector.broadcast %sub3A_1428 : f32 to vector<16xf32>
        %sub3A_1430 = arith.subf %convert_element_type3A_1315, %sub3A_1429 : vector<16xf32>
        %abs3A_1431 = math.absf %sub3A_1430 : vector<16xf32>
        %sub3A_1432 = arith.constant 1.000000e+00 : f32
        %sub3A_1433 = vector.broadcast %sub3A_1432 : f32 to vector<16xf32>
        %sub3A_1434 = arith.subf %sub3A_1433, %abs3A_1431 : vector<16xf32>
        %max3A_1435 = arith.constant 0.000000e+00 : f32
        %max3A_1436 = vector.broadcast %max3A_1435 : f32 to vector<16xf32>
        %max3A_1437 = arith.maximumf %max3A_1436, %sub3A_1434 : vector<16xf32>
        %mul3A_1438 = arith.mulf %exp3A_1299, %max3A_1437 : vector<16xf32>
        %swap3A_1439 = arith.index_cast %add3A_1283 : i32 to index
        %swap3A_1440 = arith.constant 112 : index
        %swap3A_1441 = tpu.vector_load %arg16[%swap3A_1439, %swap3A_1440] {strides = array<i32>} : memref<40x128xf32, #tpu.memory_space<vmem>>, vector<1x16xf32>,
        %swap3A_1442 = vector.shape_cast %swap3A_1441 : vector<1x16xf32> to vector<16xf32>
        %swap3A_1443 = vector.shape_cast %mul3A_1438 : vector<16xf32> to vector<1x16xf32>
        tpu.vector_store %arg16[%swap3A_1439, %swap3A_1440], %swap3A_1443 {strides = array<i32>} : memref<40x128xf32, #tpu.memory_space<vmem>>, vector<1x16xf32>,
        %broadcast_in_dim3A_1444 = arith.constant 0 : i32
        %broadcast_in_dim3A_1445 = vector.broadcast %broadcast_in_dim3A_1444 : i32 to vector<16xi32>
        %lt3A_1446 = arith.constant 0 : i32
        %lt3A_1447 = vector.broadcast %lt3A_1446 : i32 to vector<16xi32>
        %lt3A_1448 = arith.cmpi slt, %broadcast_in_dim3A_1445, %lt3A_1447 : vector<16xi32>
        %add3A_1449 = arith.constant 16 : i32
        %add3A_1450 = vector.broadcast %add3A_1449 : i32 to vector<16xi32>
        %add3A_1451 = arith.addi %broadcast_in_dim3A_1445, %add3A_1450 : vector<16xi32>
        %select_n3A_1452 = arith.select %lt3A_1448, %add3A_1451, %broadcast_in_dim3A_1445 : vector<16xi1>, vector<16xi32>
        %broadcast_in_dim3A_1453 = vector.shape_cast %select_n3A_1452 : vector<16xi32> to vector<16x1xi32>
        %gather3A_1454 = vector.shape_cast %broadcast_in_dim3A_1453 : vector<16x1xi32> to vector<16xi32>
        %gather3A_1455 = tpu.dynamic_gather %exp3A_1299[%gather3A_1454] in [0] : vector<16xf32>, vector<16xi32> -> vector<16xf32>
        %get3A_1456 = arith.index_cast %add3A_1283 : i32 to index
        %get3A_1457 = arith.constant 0 : index
        %get3A_1458 = tpu.vector_load %arg14[%get3A_1456, %get3A_1457] {strides = array<i32>} : memref<40x128xf32, #tpu.memory_space<vmem>>, vector<1x16xf32>,
        %get3A_1459 = vector.shape_cast %get3A_1458 : vector<1x16xf32> to vector<16xf32>
        %mul3A_1460 = arith.mulf %get3A_1459, %gather3A_1455 : vector<16xf32>
        %swap3A_1461 = arith.index_cast %add3A_1283 : i32 to index
        %swap3A_1462 = arith.constant 0 : index
        %swap3A_1463 = tpu.vector_load %arg14[%swap3A_1461, %swap3A_1462] {strides = array<i32>} : memref<40x128xf32, #tpu.memory_space<vmem>>, vector<1x16xf32>,
        %swap3A_1464 = vector.shape_cast %swap3A_1463 : vector<1x16xf32> to vector<16xf32>
        %swap3A_1465 = vector.shape_cast %mul3A_1460 : vector<16xf32> to vector<1x16xf32>
        tpu.vector_store %arg14[%swap3A_1461, %swap3A_1462], %swap3A_1465 {strides = array<i32>} : memref<40x128xf32, #tpu.memory_space<vmem>>, vector<1x16xf32>,
        %broadcast_in_dim3A_1466 = arith.constant 1 : i32
        %broadcast_in_dim3A_1467 = vector.broadcast %broadcast_in_dim3A_1466 : i32 to vector<16xi32>
        %lt3A_1468 = arith.constant 0 : i32
        %lt3A_1469 = vector.broadcast %lt3A_1468 : i32 to vector<16xi32>
        %lt3A_1470 = arith.cmpi slt, %broadcast_in_dim3A_1467, %lt3A_1469 : vector<16xi32>
        %add3A_1471 = arith.constant 16 : i32
        %add3A_1472 = vector.broadcast %add3A_1471 : i32 to vector<16xi32>
        %add3A_1473 = arith.addi %broadcast_in_dim3A_1467, %add3A_1472 : vector<16xi32>
        %select_n3A_1474 = arith.select %lt3A_1470, %add3A_1473, %broadcast_in_dim3A_1467 : vector<16xi1>, vector<16xi32>
        %broadcast_in_dim3A_1475 = vector.shape_cast %select_n3A_1474 : vector<16xi32> to vector<16x1xi32>
        %gather3A_1476 = vector.shape_cast %broadcast_in_dim3A_1475 : vector<16x1xi32> to vector<16xi32>
        %gather3A_1477 = tpu.dynamic_gather %exp3A_1299[%gather3A_1476] in [0] : vector<16xf32>, vector<16xi32> -> vector<16xf32>
        %get3A_1478 = arith.index_cast %add3A_1283 : i32 to index
        %get3A_1479 = arith.constant 16 : index
        %get3A_1480 = tpu.vector_load %arg14[%get3A_1478, %get3A_1479] {strides = array<i32>} : memref<40x128xf32, #tpu.memory_space<vmem>>, vector<1x16xf32>,
        %get3A_1481 = vector.shape_cast %get3A_1480 : vector<1x16xf32> to vector<16xf32>
        %mul3A_1482 = arith.mulf %get3A_1481, %gather3A_1477 : vector<16xf32>
        %swap3A_1483 = arith.index_cast %add3A_1283 : i32 to index
        %swap3A_1484 = arith.constant 16 : index
        %swap3A_1485 = tpu.vector_load %arg14[%swap3A_1483, %swap3A_1484] {strides = array<i32>} : memref<40x128xf32, #tpu.memory_space<vmem>>, vector<1x16xf32>,
        %swap3A_1486 = vector.shape_cast %swap3A_1485 : vector<1x16xf32> to vector<16xf32>
        %swap3A_1487 = vector.shape_cast %mul3A_1482 : vector<16xf32> to vector<1x16xf32>
        tpu.vector_store %arg14[%swap3A_1483, %swap3A_1484], %swap3A_1487 {strides = array<i32>} : memref<40x128xf32, #tpu.memory_space<vmem>>, vector<1x16xf32>,
        %broadcast_in_dim3A_1488 = arith.constant 2 : i32
        %broadcast_in_dim3A_1489 = vector.broadcast %broadcast_in_dim3A_1488 : i32 to vector<16xi32>
        %lt3A_1490 = arith.constant 0 : i32
        %lt3A_1491 = vector.broadcast %lt3A_1490 : i32 to vector<16xi32>
        %lt3A_1492 = arith.cmpi slt, %broadcast_in_dim3A_1489, %lt3A_1491 : vector<16xi32>
        %add3A_1493 = arith.constant 16 : i32
        %add3A_1494 = vector.broadcast %add3A_1493 : i32 to vector<16xi32>
        %add3A_1495 = arith.addi %broadcast_in_dim3A_1489, %add3A_1494 : vector<16xi32>
        %select_n3A_1496 = arith.select %lt3A_1492, %add3A_1495, %broadcast_in_dim3A_1489 : vector<16xi1>, vector<16xi32>
        %broadcast_in_dim3A_1497 = vector.shape_cast %select_n3A_1496 : vector<16xi32> to vector<16x1xi32>
        %gather3A_1498 = vector.shape_cast %broadcast_in_dim3A_1497 : vector<16x1xi32> to vector<16xi32>
        %gather3A_1499 = tpu.dynamic_gather %exp3A_1299[%gather3A_1498] in [0] : vector<16xf32>, vector<16xi32> -> vector<16xf32>
        %get3A_1500 = arith.index_cast %add3A_1283 : i32 to index
        %get3A_1501 = arith.constant 32 : index
        %get3A_1502 = tpu.vector_load %arg14[%get3A_1500, %get3A_1501] {strides = array<i32>} : memref<40x128xf32, #tpu.memory_space<vmem>>, vector<1x16xf32>,
        %get3A_1503 = vector.shape_cast %get3A_1502 : vector<1x16xf32> to vector<16xf32>
        %mul3A_1504 = arith.mulf %get3A_1503, %gather3A_1499 : vector<16xf32>
        %swap3A_1505 = arith.index_cast %add3A_1283 : i32 to index
        %swap3A_1506 = arith.constant 32 : index
        %swap3A_1507 = tpu.vector_load %arg14[%swap3A_1505, %swap3A_1506] {strides = array<i32>} : memref<40x128xf32, #tpu.memory_space<vmem>>, vector<1x16xf32>,
        %swap3A_1508 = vector.shape_cast %swap3A_1507 : vector<1x16xf32> to vector<16xf32>
        %swap3A_1509 = vector.shape_cast %mul3A_1504 : vector<16xf32> to vector<1x16xf32>
        tpu.vector_store %arg14[%swap3A_1505, %swap3A_1506], %swap3A_1509 {strides = array<i32>} : memref<40x128xf32, #tpu.memory_space<vmem>>, vector<1x16xf32>,
        %broadcast_in_dim3A_1510 = arith.constant 3 : i32
        %broadcast_in_dim3A_1511 = vector.broadcast %broadcast_in_dim3A_1510 : i32 to vector<16xi32>
        %lt3A_1512 = arith.constant 0 : i32
        %lt3A_1513 = vector.broadcast %lt3A_1512 : i32 to vector<16xi32>
        %lt3A_1514 = arith.cmpi slt, %broadcast_in_dim3A_1511, %lt3A_1513 : vector<16xi32>
        %add3A_1515 = arith.constant 16 : i32
        %add3A_1516 = vector.broadcast %add3A_1515 : i32 to vector<16xi32>
        %add3A_1517 = arith.addi %broadcast_in_dim3A_1511, %add3A_1516 : vector<16xi32>
        %select_n3A_1518 = arith.select %lt3A_1514, %add3A_1517, %broadcast_in_dim3A_1511 : vector<16xi1>, vector<16xi32>
        %broadcast_in_dim3A_1519 = vector.shape_cast %select_n3A_1518 : vector<16xi32> to vector<16x1xi32>
        %gather3A_1520 = vector.shape_cast %broadcast_in_dim3A_1519 : vector<16x1xi32> to vector<16xi32>
        %gather3A_1521 = tpu.dynamic_gather %exp3A_1299[%gather3A_1520] in [0] : vector<16xf32>, vector<16xi32> -> vector<16xf32>
        %get3A_1522 = arith.index_cast %add3A_1283 : i32 to index
        %get3A_1523 = arith.constant 48 : index
        %get3A_1524 = tpu.vector_load %arg14[%get3A_1522, %get3A_1523] {strides = array<i32>} : memref<40x128xf32, #tpu.memory_space<vmem>>, vector<1x16xf32>,
        %get3A_1525 = vector.shape_cast %get3A_1524 : vector<1x16xf32> to vector<16xf32>
        %mul3A_1526 = arith.mulf %get3A_1525, %gather3A_1521 : vector<16xf32>
        %swap3A_1527 = arith.index_cast %add3A_1283 : i32 to index
        %swap3A_1528 = arith.constant 48 : index
        %swap3A_1529 = tpu.vector_load %arg14[%swap3A_1527, %swap3A_1528] {strides = array<i32>} : memref<40x128xf32, #tpu.memory_space<vmem>>, vector<1x16xf32>,
        %swap3A_1530 = vector.shape_cast %swap3A_1529 : vector<1x16xf32> to vector<16xf32>
        %swap3A_1531 = vector.shape_cast %mul3A_1526 : vector<16xf32> to vector<1x16xf32>
        tpu.vector_store %arg14[%swap3A_1527, %swap3A_1528], %swap3A_1531 {strides = array<i32>} : memref<40x128xf32, #tpu.memory_space<vmem>>, vector<1x16xf32>,
        %broadcast_in_dim3A_1532 = arith.constant 4 : i32
        %broadcast_in_dim3A_1533 = vector.broadcast %broadcast_in_dim3A_1532 : i32 to vector<16xi32>
        %lt3A_1534 = arith.constant 0 : i32
        %lt3A_1535 = vector.broadcast %lt3A_1534 : i32 to vector<16xi32>
        %lt3A_1536 = arith.cmpi slt, %broadcast_in_dim3A_1533, %lt3A_1535 : vector<16xi32>
        %add3A_1537 = arith.constant 16 : i32
        %add3A_1538 = vector.broadcast %add3A_1537 : i32 to vector<16xi32>
        %add3A_1539 = arith.addi %broadcast_in_dim3A_1533, %add3A_1538 : vector<16xi32>
        %select_n3A_1540 = arith.select %lt3A_1536, %add3A_1539, %broadcast_in_dim3A_1533 : vector<16xi1>, vector<16xi32>
        %broadcast_in_dim3A_1541 = vector.shape_cast %select_n3A_1540 : vector<16xi32> to vector<16x1xi32>
        %gather3A_1542 = vector.shape_cast %broadcast_in_dim3A_1541 : vector<16x1xi32> to vector<16xi32>
        %gather3A_1543 = tpu.dynamic_gather %exp3A_1299[%gather3A_1542] in [0] : vector<16xf32>, vector<16xi32> -> vector<16xf32>
        %get3A_1544 = arith.index_cast %add3A_1283 : i32 to index
        %get3A_1545 = arith.constant 64 : index
        %get3A_1546 = tpu.vector_load %arg14[%get3A_1544, %get3A_1545] {strides = array<i32>} : memref<40x128xf32, #tpu.memory_space<vmem>>, vector<1x16xf32>,
        %get3A_1547 = vector.shape_cast %get3A_1546 : vector<1x16xf32> to vector<16xf32>
        %mul3A_1548 = arith.mulf %get3A_1547, %gather3A_1543 : vector<16xf32>
        %swap3A_1549 = arith.index_cast %add3A_1283 : i32 to index
        %swap3A_1550 = arith.constant 64 : index
        %swap3A_1551 = tpu.vector_load %arg14[%swap3A_1549, %swap3A_1550] {strides = array<i32>} : memref<40x128xf32, #tpu.memory_space<vmem>>, vector<1x16xf32>,
        %swap3A_1552 = vector.shape_cast %swap3A_1551 : vector<1x16xf32> to vector<16xf32>
        %swap3A_1553 = vector.shape_cast %mul3A_1548 : vector<16xf32> to vector<1x16xf32>
        tpu.vector_store %arg14[%swap3A_1549, %swap3A_1550], %swap3A_1553 {strides = array<i32>} : memref<40x128xf32, #tpu.memory_space<vmem>>, vector<1x16xf32>,
        %broadcast_in_dim3A_1554 = arith.constant 5 : i32
        %broadcast_in_dim3A_1555 = vector.broadcast %broadcast_in_dim3A_1554 : i32 to vector<16xi32>
        %lt3A_1556 = arith.constant 0 : i32
        %lt3A_1557 = vector.broadcast %lt3A_1556 : i32 to vector<16xi32>
        %lt3A_1558 = arith.cmpi slt, %broadcast_in_dim3A_1555, %lt3A_1557 : vector<16xi32>
        %add3A_1559 = arith.constant 16 : i32
        %add3A_1560 = vector.broadcast %add3A_1559 : i32 to vector<16xi32>
        %add3A_1561 = arith.addi %broadcast_in_dim3A_1555, %add3A_1560 : vector<16xi32>
        %select_n3A_1562 = arith.select %lt3A_1558, %add3A_1561, %broadcast_in_dim3A_1555 : vector<16xi1>, vector<16xi32>
        %broadcast_in_dim3A_1563 = vector.shape_cast %select_n3A_1562 : vector<16xi32> to vector<16x1xi32>
        %gather3A_1564 = vector.shape_cast %broadcast_in_dim3A_1563 : vector<16x1xi32> to vector<16xi32>
        %gather3A_1565 = tpu.dynamic_gather %exp3A_1299[%gather3A_1564] in [0] : vector<16xf32>, vector<16xi32> -> vector<16xf32>
        %get3A_1566 = arith.index_cast %add3A_1283 : i32 to index
        %get3A_1567 = arith.constant 80 : index
        %get3A_1568 = tpu.vector_load %arg14[%get3A_1566, %get3A_1567] {strides = array<i32>} : memref<40x128xf32, #tpu.memory_space<vmem>>, vector<1x16xf32>,
        %get3A_1569 = vector.shape_cast %get3A_1568 : vector<1x16xf32> to vector<16xf32>
        %mul3A_1570 = arith.mulf %get3A_1569, %gather3A_1565 : vector<16xf32>
        %swap3A_1571 = arith.index_cast %add3A_1283 : i32 to index
        %swap3A_1572 = arith.constant 80 : index
        %swap3A_1573 = tpu.vector_load %arg14[%swap3A_1571, %swap3A_1572] {strides = array<i32>} : memref<40x128xf32, #tpu.memory_space<vmem>>, vector<1x16xf32>,
        %swap3A_1574 = vector.shape_cast %swap3A_1573 : vector<1x16xf32> to vector<16xf32>
        %swap3A_1575 = vector.shape_cast %mul3A_1570 : vector<16xf32> to vector<1x16xf32>
        tpu.vector_store %arg14[%swap3A_1571, %swap3A_1572], %swap3A_1575 {strides = array<i32>} : memref<40x128xf32, #tpu.memory_space<vmem>>, vector<1x16xf32>,
        %broadcast_in_dim3A_1576 = arith.constant 6 : i32
        %broadcast_in_dim3A_1577 = vector.broadcast %broadcast_in_dim3A_1576 : i32 to vector<16xi32>
        %lt3A_1578 = arith.constant 0 : i32
        %lt3A_1579 = vector.broadcast %lt3A_1578 : i32 to vector<16xi32>
        %lt3A_1580 = arith.cmpi slt, %broadcast_in_dim3A_1577, %lt3A_1579 : vector<16xi32>
        %add3A_1581 = arith.constant 16 : i32
        %add3A_1582 = vector.broadcast %add3A_1581 : i32 to vector<16xi32>
        %add3A_1583 = arith.addi %broadcast_in_dim3A_1577, %add3A_1582 : vector<16xi32>
        %select_n3A_1584 = arith.select %lt3A_1580, %add3A_1583, %broadcast_in_dim3A_1577 : vector<16xi1>, vector<16xi32>
        %broadcast_in_dim3A_1585 = vector.shape_cast %select_n3A_1584 : vector<16xi32> to vector<16x1xi32>
        %gather3A_1586 = vector.shape_cast %broadcast_in_dim3A_1585 : vector<16x1xi32> to vector<16xi32>
        %gather3A_1587 = tpu.dynamic_gather %exp3A_1299[%gather3A_1586] in [0] : vector<16xf32>, vector<16xi32> -> vector<16xf32>
        %get3A_1588 = arith.index_cast %add3A_1283 : i32 to index
        %get3A_1589 = arith.constant 96 : index
        %get3A_1590 = tpu.vector_load %arg14[%get3A_1588, %get3A_1589] {strides = array<i32>} : memref<40x128xf32, #tpu.memory_space<vmem>>, vector<1x16xf32>,
        %get3A_1591 = vector.shape_cast %get3A_1590 : vector<1x16xf32> to vector<16xf32>
        %mul3A_1592 = arith.mulf %get3A_1591, %gather3A_1587 : vector<16xf32>
        %swap3A_1593 = arith.index_cast %add3A_1283 : i32 to index
        %swap3A_1594 = arith.constant 96 : index
        %swap3A_1595 = tpu.vector_load %arg14[%swap3A_1593, %swap3A_1594] {strides = array<i32>} : memref<40x128xf32, #tpu.memory_space<vmem>>, vector<1x16xf32>,
        %swap3A_1596 = vector.shape_cast %swap3A_1595 : vector<1x16xf32> to vector<16xf32>
        %swap3A_1597 = vector.shape_cast %mul3A_1592 : vector<16xf32> to vector<1x16xf32>
        tpu.vector_store %arg14[%swap3A_1593, %swap3A_1594], %swap3A_1597 {strides = array<i32>} : memref<40x128xf32, #tpu.memory_space<vmem>>, vector<1x16xf32>,
        %broadcast_in_dim3A_1598 = arith.constant 7 : i32
        %broadcast_in_dim3A_1599 = vector.broadcast %broadcast_in_dim3A_1598 : i32 to vector<16xi32>
        %lt3A_1600 = arith.constant 0 : i32
        %lt3A_1601 = vector.broadcast %lt3A_1600 : i32 to vector<16xi32>
        %lt3A_1602 = arith.cmpi slt, %broadcast_in_dim3A_1599, %lt3A_1601 : vector<16xi32>
        %add3A_1603 = arith.constant 16 : i32
        %add3A_1604 = vector.broadcast %add3A_1603 : i32 to vector<16xi32>
        %add3A_1605 = arith.addi %broadcast_in_dim3A_1599, %add3A_1604 : vector<16xi32>
        %select_n3A_1606 = arith.select %lt3A_1602, %add3A_1605, %broadcast_in_dim3A_1599 : vector<16xi1>, vector<16xi32>
        %broadcast_in_dim3A_1607 = vector.shape_cast %select_n3A_1606 : vector<16xi32> to vector<16x1xi32>
        %gather3A_1608 = vector.shape_cast %broadcast_in_dim3A_1607 : vector<16x1xi32> to vector<16xi32>
        %gather3A_1609 = tpu.dynamic_gather %exp3A_1299[%gather3A_1608] in [0] : vector<16xf32>, vector<16xi32> -> vector<16xf32>
        %get3A_1610 = arith.index_cast %add3A_1283 : i32 to index
        %get3A_1611 = arith.constant 112 : index
        %get3A_1612 = tpu.vector_load %arg14[%get3A_1610, %get3A_1611] {strides = array<i32>} : memref<40x128xf32, #tpu.memory_space<vmem>>, vector<1x16xf32>,
        %get3A_1613 = vector.shape_cast %get3A_1612 : vector<1x16xf32> to vector<16xf32>
        %mul3A_1614 = arith.mulf %get3A_1613, %gather3A_1609 : vector<16xf32>
        %swap3A_1615 = arith.index_cast %add3A_1283 : i32 to index
        %swap3A_1616 = arith.constant 112 : index
        %swap3A_1617 = tpu.vector_load %arg14[%swap3A_1615, %swap3A_1616] {strides = array<i32>} : memref<40x128xf32, #tpu.memory_space<vmem>>, vector<1x16xf32>,
        %swap3A_1618 = vector.shape_cast %swap3A_1617 : vector<1x16xf32> to vector<16xf32>
        %swap3A_1619 = vector.shape_cast %mul3A_1614 : vector<16xf32> to vector<1x16xf32>
        tpu.vector_store %arg14[%swap3A_1615, %swap3A_1616], %swap3A_1619 {strides = array<i32>} : memref<40x128xf32, #tpu.memory_space<vmem>>, vector<1x16xf32>,
        %mul3A_1620 = arith.constant 8 : i32
        %mul3A_1621 = arith.muli %mul3A_1620, %scan3A_261 : i32
        %add3A_1622 = arith.constant 4 : i32
        %add3A_1623 = arith.addi %mul3A_1621, %add3A_1622 : i32
        %get3A_1624 = arith.index_cast %add3A_1623 : i32 to index
        %get3A_1625 = arith.constant 0 : index
        %get3A_1626 = tpu.vector_load %arg15[%get3A_1624, %get3A_1625] {strides = array<i32>} : memref<80x128xf32, #tpu.memory_space<vmem>>, vector<1x16xf32>,
        %get3A_1627 = vector.shape_cast %get3A_1626 : vector<1x16xf32> to vector<16xf32>
        %add3A_1628 = arith.constant 40 : i32
        %add3A_1629 = arith.addi %add3A_1628, %add3A_1623 : i32
        %get3A_1630 = arith.index_cast %add3A_1629 : i32 to index
        %get3A_1631 = arith.constant 16 : index
        %get3A_1632 = tpu.vector_load %arg15[%get3A_1630, %get3A_1631] {strides = array<i32>} : memref<80x128xf32, #tpu.memory_space<vmem>>, vector<1x16xf32>,
        %get3A_1633 = vector.shape_cast %get3A_1632 : vector<1x16xf32> to vector<16xf32>
        %add3A_1634 = arith.addf %get3A_1627, %get3A_1633 : vector<16xf32>
        %mul3A_1635 = arith.constant 2.000000e-01 : f32
        %mul3A_1636 = vector.broadcast %mul3A_1635 : f32 to vector<16xf32>
        %mul3A_1637 = arith.mulf %mul3A_1636, %add3A_1634 : vector<16xf32>
        %max3A_1638 = arith.maximumf %add3A_1634, %mul3A_1637 : vector<16xf32>
        %exp3A_1639 = math.exp %max3A_1638 : vector<16xf32>
        %broadcast_in_dim3A_1640 = arith.constant 4 : i32
        %broadcast_in_dim3A_1641 = vector.broadcast %broadcast_in_dim3A_1640 : i32 to vector<16xi32>
        %lt3A_1642 = arith.constant 0 : i32
        %lt3A_1643 = vector.broadcast %lt3A_1642 : i32 to vector<16xi32>
        %lt3A_1644 = arith.cmpi slt, %broadcast_in_dim3A_1641, %lt3A_1643 : vector<16xi32>
        %add3A_1645 = arith.constant 16 : i32
        %add3A_1646 = vector.broadcast %add3A_1645 : i32 to vector<16xi32>
        %add3A_1647 = arith.addi %broadcast_in_dim3A_1641, %add3A_1646 : vector<16xi32>
        %select_n3A_1648 = arith.select %lt3A_1644, %add3A_1647, %broadcast_in_dim3A_1641 : vector<16xi1>, vector<16xi32>
        %broadcast_in_dim3A_1649 = vector.shape_cast %select_n3A_1648 : vector<16xi32> to vector<16x1xi32>
        %gather3A_1650 = vector.shape_cast %broadcast_in_dim3A_1649 : vector<16x1xi32> to vector<16xi32>
        %gather3A_1651 = tpu.dynamic_gather %get3A_268[%gather3A_1650] in [0] : vector<16xi32>, vector<16xi32> -> vector<16xi32>
        %and3A_1652 = arith.constant 7 : i32
        %and3A_1653 = vector.broadcast %and3A_1652 : i32 to vector<16xi32>
        %and3A_1654 = arith.andi %gather3A_1651, %and3A_1653 : vector<16xi32>
        %convert_element_type3A_1655 = arith.sitofp %and3A_1654 : vector<16xi32> to vector<16xf32>
        %sub3A_1656 = arith.constant 0.000000e+00 : f32
        %sub3A_1657 = vector.broadcast %sub3A_1656 : f32 to vector<16xf32>
        %sub3A_1658 = arith.subf %convert_element_type3A_1655, %sub3A_1657 : vector<16xf32>
        %abs3A_1659 = math.absf %sub3A_1658 : vector<16xf32>
        %sub3A_1660 = arith.constant 1.000000e+00 : f32
        %sub3A_1661 = vector.broadcast %sub3A_1660 : f32 to vector<16xf32>
        %sub3A_1662 = arith.subf %sub3A_1661, %abs3A_1659 : vector<16xf32>
        %max3A_1663 = arith.constant 0.000000e+00 : f32
        %max3A_1664 = vector.broadcast %max3A_1663 : f32 to vector<16xf32>
        %max3A_1665 = arith.maximumf %max3A_1664, %sub3A_1662 : vector<16xf32>
        %mul3A_1666 = arith.mulf %exp3A_1639, %max3A_1665 : vector<16xf32>
        %swap3A_1667 = arith.index_cast %add3A_1623 : i32 to index
        %swap3A_1668 = arith.constant 0 : index
        %swap3A_1669 = tpu.vector_load %arg16[%swap3A_1667, %swap3A_1668] {strides = array<i32>} : memref<40x128xf32, #tpu.memory_space<vmem>>, vector<1x16xf32>,
        %swap3A_1670 = vector.shape_cast %swap3A_1669 : vector<1x16xf32> to vector<16xf32>
        %swap3A_1671 = vector.shape_cast %mul3A_1666 : vector<16xf32> to vector<1x16xf32>
        tpu.vector_store %arg16[%swap3A_1667, %swap3A_1668], %swap3A_1671 {strides = array<i32>} : memref<40x128xf32, #tpu.memory_space<vmem>>, vector<1x16xf32>,
        %sub3A_1672 = arith.constant 1.000000e+00 : f32
        %sub3A_1673 = vector.broadcast %sub3A_1672 : f32 to vector<16xf32>
        %sub3A_1674 = arith.subf %convert_element_type3A_1655, %sub3A_1673 : vector<16xf32>
        %abs3A_1675 = math.absf %sub3A_1674 : vector<16xf32>
        %sub3A_1676 = arith.constant 1.000000e+00 : f32
        %sub3A_1677 = vector.broadcast %sub3A_1676 : f32 to vector<16xf32>
        %sub3A_1678 = arith.subf %sub3A_1677, %abs3A_1675 : vector<16xf32>
        %max3A_1679 = arith.constant 0.000000e+00 : f32
        %max3A_1680 = vector.broadcast %max3A_1679 : f32 to vector<16xf32>
        %max3A_1681 = arith.maximumf %max3A_1680, %sub3A_1678 : vector<16xf32>
        %mul3A_1682 = arith.mulf %exp3A_1639, %max3A_1681 : vector<16xf32>
        %swap3A_1683 = arith.index_cast %add3A_1623 : i32 to index
        %swap3A_1684 = arith.constant 16 : index
        %swap3A_1685 = tpu.vector_load %arg16[%swap3A_1683, %swap3A_1684] {strides = array<i32>} : memref<40x128xf32, #tpu.memory_space<vmem>>, vector<1x16xf32>,
        %swap3A_1686 = vector.shape_cast %swap3A_1685 : vector<1x16xf32> to vector<16xf32>
        %swap3A_1687 = vector.shape_cast %mul3A_1682 : vector<16xf32> to vector<1x16xf32>
        tpu.vector_store %arg16[%swap3A_1683, %swap3A_1684], %swap3A_1687 {strides = array<i32>} : memref<40x128xf32, #tpu.memory_space<vmem>>, vector<1x16xf32>,
        %sub3A_1688 = arith.constant 2.000000e+00 : f32
        %sub3A_1689 = vector.broadcast %sub3A_1688 : f32 to vector<16xf32>
        %sub3A_1690 = arith.subf %convert_element_type3A_1655, %sub3A_1689 : vector<16xf32>
        %abs3A_1691 = math.absf %sub3A_1690 : vector<16xf32>
        %sub3A_1692 = arith.constant 1.000000e+00 : f32
        %sub3A_1693 = vector.broadcast %sub3A_1692 : f32 to vector<16xf32>
        %sub3A_1694 = arith.subf %sub3A_1693, %abs3A_1691 : vector<16xf32>
        %max3A_1695 = arith.constant 0.000000e+00 : f32
        %max3A_1696 = vector.broadcast %max3A_1695 : f32 to vector<16xf32>
        %max3A_1697 = arith.maximumf %max3A_1696, %sub3A_1694 : vector<16xf32>
        %mul3A_1698 = arith.mulf %exp3A_1639, %max3A_1697 : vector<16xf32>
        %swap3A_1699 = arith.index_cast %add3A_1623 : i32 to index
        %swap3A_1700 = arith.constant 32 : index
        %swap3A_1701 = tpu.vector_load %arg16[%swap3A_1699, %swap3A_1700] {strides = array<i32>} : memref<40x128xf32, #tpu.memory_space<vmem>>, vector<1x16xf32>,
        %swap3A_1702 = vector.shape_cast %swap3A_1701 : vector<1x16xf32> to vector<16xf32>
        %swap3A_1703 = vector.shape_cast %mul3A_1698 : vector<16xf32> to vector<1x16xf32>
        tpu.vector_store %arg16[%swap3A_1699, %swap3A_1700], %swap3A_1703 {strides = array<i32>} : memref<40x128xf32, #tpu.memory_space<vmem>>, vector<1x16xf32>,
        %sub3A_1704 = arith.constant 3.000000e+00 : f32
        %sub3A_1705 = vector.broadcast %sub3A_1704 : f32 to vector<16xf32>
        %sub3A_1706 = arith.subf %convert_element_type3A_1655, %sub3A_1705 : vector<16xf32>
        %abs3A_1707 = math.absf %sub3A_1706 : vector<16xf32>
        %sub3A_1708 = arith.constant 1.000000e+00 : f32
        %sub3A_1709 = vector.broadcast %sub3A_1708 : f32 to vector<16xf32>
        %sub3A_1710 = arith.subf %sub3A_1709, %abs3A_1707 : vector<16xf32>
        %max3A_1711 = arith.constant 0.000000e+00 : f32
        %max3A_1712 = vector.broadcast %max3A_1711 : f32 to vector<16xf32>
        %max3A_1713 = arith.maximumf %max3A_1712, %sub3A_1710 : vector<16xf32>
        %mul3A_1714 = arith.mulf %exp3A_1639, %max3A_1713 : vector<16xf32>
        %swap3A_1715 = arith.index_cast %add3A_1623 : i32 to index
        %swap3A_1716 = arith.constant 48 : index
        %swap3A_1717 = tpu.vector_load %arg16[%swap3A_1715, %swap3A_1716] {strides = array<i32>} : memref<40x128xf32, #tpu.memory_space<vmem>>, vector<1x16xf32>,
        %swap3A_1718 = vector.shape_cast %swap3A_1717 : vector<1x16xf32> to vector<16xf32>
        %swap3A_1719 = vector.shape_cast %mul3A_1714 : vector<16xf32> to vector<1x16xf32>
        tpu.vector_store %arg16[%swap3A_1715, %swap3A_1716], %swap3A_1719 {strides = array<i32>} : memref<40x128xf32, #tpu.memory_space<vmem>>, vector<1x16xf32>,
        %sub3A_1720 = arith.constant 4.000000e+00 : f32
        %sub3A_1721 = vector.broadcast %sub3A_1720 : f32 to vector<16xf32>
        %sub3A_1722 = arith.subf %convert_element_type3A_1655, %sub3A_1721 : vector<16xf32>
        %abs3A_1723 = math.absf %sub3A_1722 : vector<16xf32>
        %sub3A_1724 = arith.constant 1.000000e+00 : f32
        %sub3A_1725 = vector.broadcast %sub3A_1724 : f32 to vector<16xf32>
        %sub3A_1726 = arith.subf %sub3A_1725, %abs3A_1723 : vector<16xf32>
        %max3A_1727 = arith.constant 0.000000e+00 : f32
        %max3A_1728 = vector.broadcast %max3A_1727 : f32 to vector<16xf32>
        %max3A_1729 = arith.maximumf %max3A_1728, %sub3A_1726 : vector<16xf32>
        %mul3A_1730 = arith.mulf %exp3A_1639, %max3A_1729 : vector<16xf32>
        %swap3A_1731 = arith.index_cast %add3A_1623 : i32 to index
        %swap3A_1732 = arith.constant 64 : index
        %swap3A_1733 = tpu.vector_load %arg16[%swap3A_1731, %swap3A_1732] {strides = array<i32>} : memref<40x128xf32, #tpu.memory_space<vmem>>, vector<1x16xf32>,
        %swap3A_1734 = vector.shape_cast %swap3A_1733 : vector<1x16xf32> to vector<16xf32>
        %swap3A_1735 = vector.shape_cast %mul3A_1730 : vector<16xf32> to vector<1x16xf32>
        tpu.vector_store %arg16[%swap3A_1731, %swap3A_1732], %swap3A_1735 {strides = array<i32>} : memref<40x128xf32, #tpu.memory_space<vmem>>, vector<1x16xf32>,
        %sub3A_1736 = arith.constant 5.000000e+00 : f32
        %sub3A_1737 = vector.broadcast %sub3A_1736 : f32 to vector<16xf32>
        %sub3A_1738 = arith.subf %convert_element_type3A_1655, %sub3A_1737 : vector<16xf32>
        %abs3A_1739 = math.absf %sub3A_1738 : vector<16xf32>
        %sub3A_1740 = arith.constant 1.000000e+00 : f32
        %sub3A_1741 = vector.broadcast %sub3A_1740 : f32 to vector<16xf32>
        %sub3A_1742 = arith.subf %sub3A_1741, %abs3A_1739 : vector<16xf32>
        %max3A_1743 = arith.constant 0.000000e+00 : f32
        %max3A_1744 = vector.broadcast %max3A_1743 : f32 to vector<16xf32>
        %max3A_1745 = arith.maximumf %max3A_1744, %sub3A_1742 : vector<16xf32>
        %mul3A_1746 = arith.mulf %exp3A_1639, %max3A_1745 : vector<16xf32>
        %swap3A_1747 = arith.index_cast %add3A_1623 : i32 to index
        %swap3A_1748 = arith.constant 80 : index
        %swap3A_1749 = tpu.vector_load %arg16[%swap3A_1747, %swap3A_1748] {strides = array<i32>} : memref<40x128xf32, #tpu.memory_space<vmem>>, vector<1x16xf32>,
        %swap3A_1750 = vector.shape_cast %swap3A_1749 : vector<1x16xf32> to vector<16xf32>
        %swap3A_1751 = vector.shape_cast %mul3A_1746 : vector<16xf32> to vector<1x16xf32>
        tpu.vector_store %arg16[%swap3A_1747, %swap3A_1748], %swap3A_1751 {strides = array<i32>} : memref<40x128xf32, #tpu.memory_space<vmem>>, vector<1x16xf32>,
        %sub3A_1752 = arith.constant 6.000000e+00 : f32
        %sub3A_1753 = vector.broadcast %sub3A_1752 : f32 to vector<16xf32>
        %sub3A_1754 = arith.subf %convert_element_type3A_1655, %sub3A_1753 : vector<16xf32>
        %abs3A_1755 = math.absf %sub3A_1754 : vector<16xf32>
        %sub3A_1756 = arith.constant 1.000000e+00 : f32
        %sub3A_1757 = vector.broadcast %sub3A_1756 : f32 to vector<16xf32>
        %sub3A_1758 = arith.subf %sub3A_1757, %abs3A_1755 : vector<16xf32>
        %max3A_1759 = arith.constant 0.000000e+00 : f32
        %max3A_1760 = vector.broadcast %max3A_1759 : f32 to vector<16xf32>
        %max3A_1761 = arith.maximumf %max3A_1760, %sub3A_1758 : vector<16xf32>
        %mul3A_1762 = arith.mulf %exp3A_1639, %max3A_1761 : vector<16xf32>
        %swap3A_1763 = arith.index_cast %add3A_1623 : i32 to index
        %swap3A_1764 = arith.constant 96 : index
        %swap3A_1765 = tpu.vector_load %arg16[%swap3A_1763, %swap3A_1764] {strides = array<i32>} : memref<40x128xf32, #tpu.memory_space<vmem>>, vector<1x16xf32>,
        %swap3A_1766 = vector.shape_cast %swap3A_1765 : vector<1x16xf32> to vector<16xf32>
        %swap3A_1767 = vector.shape_cast %mul3A_1762 : vector<16xf32> to vector<1x16xf32>
        tpu.vector_store %arg16[%swap3A_1763, %swap3A_1764], %swap3A_1767 {strides = array<i32>} : memref<40x128xf32, #tpu.memory_space<vmem>>, vector<1x16xf32>,
        %sub3A_1768 = arith.constant 7.000000e+00 : f32
        %sub3A_1769 = vector.broadcast %sub3A_1768 : f32 to vector<16xf32>
        %sub3A_1770 = arith.subf %convert_element_type3A_1655, %sub3A_1769 : vector<16xf32>
        %abs3A_1771 = math.absf %sub3A_1770 : vector<16xf32>
        %sub3A_1772 = arith.constant 1.000000e+00 : f32
        %sub3A_1773 = vector.broadcast %sub3A_1772 : f32 to vector<16xf32>
        %sub3A_1774 = arith.subf %sub3A_1773, %abs3A_1771 : vector<16xf32>
        %max3A_1775 = arith.constant 0.000000e+00 : f32
        %max3A_1776 = vector.broadcast %max3A_1775 : f32 to vector<16xf32>
        %max3A_1777 = arith.maximumf %max3A_1776, %sub3A_1774 : vector<16xf32>
        %mul3A_1778 = arith.mulf %exp3A_1639, %max3A_1777 : vector<16xf32>
        %swap3A_1779 = arith.index_cast %add3A_1623 : i32 to index
        %swap3A_1780 = arith.constant 112 : index
        %swap3A_1781 = tpu.vector_load %arg16[%swap3A_1779, %swap3A_1780] {strides = array<i32>} : memref<40x128xf32, #tpu.memory_space<vmem>>, vector<1x16xf32>,
        %swap3A_1782 = vector.shape_cast %swap3A_1781 : vector<1x16xf32> to vector<16xf32>
        %swap3A_1783 = vector.shape_cast %mul3A_1778 : vector<16xf32> to vector<1x16xf32>
        tpu.vector_store %arg16[%swap3A_1779, %swap3A_1780], %swap3A_1783 {strides = array<i32>} : memref<40x128xf32, #tpu.memory_space<vmem>>, vector<1x16xf32>,
        %broadcast_in_dim3A_1784 = arith.constant 0 : i32
        %broadcast_in_dim3A_1785 = vector.broadcast %broadcast_in_dim3A_1784 : i32 to vector<16xi32>
        %lt3A_1786 = arith.constant 0 : i32
        %lt3A_1787 = vector.broadcast %lt3A_1786 : i32 to vector<16xi32>
        %lt3A_1788 = arith.cmpi slt, %broadcast_in_dim3A_1785, %lt3A_1787 : vector<16xi32>
        %add3A_1789 = arith.constant 16 : i32
        %add3A_1790 = vector.broadcast %add3A_1789 : i32 to vector<16xi32>
        %add3A_1791 = arith.addi %broadcast_in_dim3A_1785, %add3A_1790 : vector<16xi32>
        %select_n3A_1792 = arith.select %lt3A_1788, %add3A_1791, %broadcast_in_dim3A_1785 : vector<16xi1>, vector<16xi32>
        %broadcast_in_dim3A_1793 = vector.shape_cast %select_n3A_1792 : vector<16xi32> to vector<16x1xi32>
        %gather3A_1794 = vector.shape_cast %broadcast_in_dim3A_1793 : vector<16x1xi32> to vector<16xi32>
        %gather3A_1795 = tpu.dynamic_gather %exp3A_1639[%gather3A_1794] in [0] : vector<16xf32>, vector<16xi32> -> vector<16xf32>
        %get3A_1796 = arith.index_cast %add3A_1623 : i32 to index
        %get3A_1797 = arith.constant 0 : index
        %get3A_1798 = tpu.vector_load %arg14[%get3A_1796, %get3A_1797] {strides = array<i32>} : memref<40x128xf32, #tpu.memory_space<vmem>>, vector<1x16xf32>,
        %get3A_1799 = vector.shape_cast %get3A_1798 : vector<1x16xf32> to vector<16xf32>
        %mul3A_1800 = arith.mulf %get3A_1799, %gather3A_1795 : vector<16xf32>
        %swap3A_1801 = arith.index_cast %add3A_1623 : i32 to index
        %swap3A_1802 = arith.constant 0 : index
        %swap3A_1803 = tpu.vector_load %arg14[%swap3A_1801, %swap3A_1802] {strides = array<i32>} : memref<40x128xf32, #tpu.memory_space<vmem>>, vector<1x16xf32>,
        %swap3A_1804 = vector.shape_cast %swap3A_1803 : vector<1x16xf32> to vector<16xf32>
        %swap3A_1805 = vector.shape_cast %mul3A_1800 : vector<16xf32> to vector<1x16xf32>
        tpu.vector_store %arg14[%swap3A_1801, %swap3A_1802], %swap3A_1805 {strides = array<i32>} : memref<40x128xf32, #tpu.memory_space<vmem>>, vector<1x16xf32>,
        %broadcast_in_dim3A_1806 = arith.constant 1 : i32
        %broadcast_in_dim3A_1807 = vector.broadcast %broadcast_in_dim3A_1806 : i32 to vector<16xi32>
        %lt3A_1808 = arith.constant 0 : i32
        %lt3A_1809 = vector.broadcast %lt3A_1808 : i32 to vector<16xi32>
        %lt3A_1810 = arith.cmpi slt, %broadcast_in_dim3A_1807, %lt3A_1809 : vector<16xi32>
        %add3A_1811 = arith.constant 16 : i32
        %add3A_1812 = vector.broadcast %add3A_1811 : i32 to vector<16xi32>
        %add3A_1813 = arith.addi %broadcast_in_dim3A_1807, %add3A_1812 : vector<16xi32>
        %select_n3A_1814 = arith.select %lt3A_1810, %add3A_1813, %broadcast_in_dim3A_1807 : vector<16xi1>, vector<16xi32>
        %broadcast_in_dim3A_1815 = vector.shape_cast %select_n3A_1814 : vector<16xi32> to vector<16x1xi32>
        %gather3A_1816 = vector.shape_cast %broadcast_in_dim3A_1815 : vector<16x1xi32> to vector<16xi32>
        %gather3A_1817 = tpu.dynamic_gather %exp3A_1639[%gather3A_1816] in [0] : vector<16xf32>, vector<16xi32> -> vector<16xf32>
        %get3A_1818 = arith.index_cast %add3A_1623 : i32 to index
        %get3A_1819 = arith.constant 16 : index
        %get3A_1820 = tpu.vector_load %arg14[%get3A_1818, %get3A_1819] {strides = array<i32>} : memref<40x128xf32, #tpu.memory_space<vmem>>, vector<1x16xf32>,
        %get3A_1821 = vector.shape_cast %get3A_1820 : vector<1x16xf32> to vector<16xf32>
        %mul3A_1822 = arith.mulf %get3A_1821, %gather3A_1817 : vector<16xf32>
        %swap3A_1823 = arith.index_cast %add3A_1623 : i32 to index
        %swap3A_1824 = arith.constant 16 : index
        %swap3A_1825 = tpu.vector_load %arg14[%swap3A_1823, %swap3A_1824] {strides = array<i32>} : memref<40x128xf32, #tpu.memory_space<vmem>>, vector<1x16xf32>,
        %swap3A_1826 = vector.shape_cast %swap3A_1825 : vector<1x16xf32> to vector<16xf32>
        %swap3A_1827 = vector.shape_cast %mul3A_1822 : vector<16xf32> to vector<1x16xf32>
        tpu.vector_store %arg14[%swap3A_1823, %swap3A_1824], %swap3A_1827 {strides = array<i32>} : memref<40x128xf32, #tpu.memory_space<vmem>>, vector<1x16xf32>,
        %broadcast_in_dim3A_1828 = arith.constant 2 : i32
        %broadcast_in_dim3A_1829 = vector.broadcast %broadcast_in_dim3A_1828 : i32 to vector<16xi32>
        %lt3A_1830 = arith.constant 0 : i32
        %lt3A_1831 = vector.broadcast %lt3A_1830 : i32 to vector<16xi32>
        %lt3A_1832 = arith.cmpi slt, %broadcast_in_dim3A_1829, %lt3A_1831 : vector<16xi32>
        %add3A_1833 = arith.constant 16 : i32
        %add3A_1834 = vector.broadcast %add3A_1833 : i32 to vector<16xi32>
        %add3A_1835 = arith.addi %broadcast_in_dim3A_1829, %add3A_1834 : vector<16xi32>
        %select_n3A_1836 = arith.select %lt3A_1832, %add3A_1835, %broadcast_in_dim3A_1829 : vector<16xi1>, vector<16xi32>
        %broadcast_in_dim3A_1837 = vector.shape_cast %select_n3A_1836 : vector<16xi32> to vector<16x1xi32>
        %gather3A_1838 = vector.shape_cast %broadcast_in_dim3A_1837 : vector<16x1xi32> to vector<16xi32>
        %gather3A_1839 = tpu.dynamic_gather %exp3A_1639[%gather3A_1838] in [0] : vector<16xf32>, vector<16xi32> -> vector<16xf32>
        %get3A_1840 = arith.index_cast %add3A_1623 : i32 to index
        %get3A_1841 = arith.constant 32 : index
        %get3A_1842 = tpu.vector_load %arg14[%get3A_1840, %get3A_1841] {strides = array<i32>} : memref<40x128xf32, #tpu.memory_space<vmem>>, vector<1x16xf32>,
        %get3A_1843 = vector.shape_cast %get3A_1842 : vector<1x16xf32> to vector<16xf32>
        %mul3A_1844 = arith.mulf %get3A_1843, %gather3A_1839 : vector<16xf32>
        %swap3A_1845 = arith.index_cast %add3A_1623 : i32 to index
        %swap3A_1846 = arith.constant 32 : index
        %swap3A_1847 = tpu.vector_load %arg14[%swap3A_1845, %swap3A_1846] {strides = array<i32>} : memref<40x128xf32, #tpu.memory_space<vmem>>, vector<1x16xf32>,
        %swap3A_1848 = vector.shape_cast %swap3A_1847 : vector<1x16xf32> to vector<16xf32>
        %swap3A_1849 = vector.shape_cast %mul3A_1844 : vector<16xf32> to vector<1x16xf32>
        tpu.vector_store %arg14[%swap3A_1845, %swap3A_1846], %swap3A_1849 {strides = array<i32>} : memref<40x128xf32, #tpu.memory_space<vmem>>, vector<1x16xf32>,
        %broadcast_in_dim3A_1850 = arith.constant 3 : i32
        %broadcast_in_dim3A_1851 = vector.broadcast %broadcast_in_dim3A_1850 : i32 to vector<16xi32>
        %lt3A_1852 = arith.constant 0 : i32
        %lt3A_1853 = vector.broadcast %lt3A_1852 : i32 to vector<16xi32>
        %lt3A_1854 = arith.cmpi slt, %broadcast_in_dim3A_1851, %lt3A_1853 : vector<16xi32>
        %add3A_1855 = arith.constant 16 : i32
        %add3A_1856 = vector.broadcast %add3A_1855 : i32 to vector<16xi32>
        %add3A_1857 = arith.addi %broadcast_in_dim3A_1851, %add3A_1856 : vector<16xi32>
        %select_n3A_1858 = arith.select %lt3A_1854, %add3A_1857, %broadcast_in_dim3A_1851 : vector<16xi1>, vector<16xi32>
        %broadcast_in_dim3A_1859 = vector.shape_cast %select_n3A_1858 : vector<16xi32> to vector<16x1xi32>
        %gather3A_1860 = vector.shape_cast %broadcast_in_dim3A_1859 : vector<16x1xi32> to vector<16xi32>
        %gather3A_1861 = tpu.dynamic_gather %exp3A_1639[%gather3A_1860] in [0] : vector<16xf32>, vector<16xi32> -> vector<16xf32>
        %get3A_1862 = arith.index_cast %add3A_1623 : i32 to index
        %get3A_1863 = arith.constant 48 : index
        %get3A_1864 = tpu.vector_load %arg14[%get3A_1862, %get3A_1863] {strides = array<i32>} : memref<40x128xf32, #tpu.memory_space<vmem>>, vector<1x16xf32>,
        %get3A_1865 = vector.shape_cast %get3A_1864 : vector<1x16xf32> to vector<16xf32>
        %mul3A_1866 = arith.mulf %get3A_1865, %gather3A_1861 : vector<16xf32>
        %swap3A_1867 = arith.index_cast %add3A_1623 : i32 to index
        %swap3A_1868 = arith.constant 48 : index
        %swap3A_1869 = tpu.vector_load %arg14[%swap3A_1867, %swap3A_1868] {strides = array<i32>} : memref<40x128xf32, #tpu.memory_space<vmem>>, vector<1x16xf32>,
        %swap3A_1870 = vector.shape_cast %swap3A_1869 : vector<1x16xf32> to vector<16xf32>
        %swap3A_1871 = vector.shape_cast %mul3A_1866 : vector<16xf32> to vector<1x16xf32>
        tpu.vector_store %arg14[%swap3A_1867, %swap3A_1868], %swap3A_1871 {strides = array<i32>} : memref<40x128xf32, #tpu.memory_space<vmem>>, vector<1x16xf32>,
        %broadcast_in_dim3A_1872 = arith.constant 4 : i32
        %broadcast_in_dim3A_1873 = vector.broadcast %broadcast_in_dim3A_1872 : i32 to vector<16xi32>
        %lt3A_1874 = arith.constant 0 : i32
        %lt3A_1875 = vector.broadcast %lt3A_1874 : i32 to vector<16xi32>
        %lt3A_1876 = arith.cmpi slt, %broadcast_in_dim3A_1873, %lt3A_1875 : vector<16xi32>
        %add3A_1877 = arith.constant 16 : i32
        %add3A_1878 = vector.broadcast %add3A_1877 : i32 to vector<16xi32>
        %add3A_1879 = arith.addi %broadcast_in_dim3A_1873, %add3A_1878 : vector<16xi32>
        %select_n3A_1880 = arith.select %lt3A_1876, %add3A_1879, %broadcast_in_dim3A_1873 : vector<16xi1>, vector<16xi32>
        %broadcast_in_dim3A_1881 = vector.shape_cast %select_n3A_1880 : vector<16xi32> to vector<16x1xi32>
        %gather3A_1882 = vector.shape_cast %broadcast_in_dim3A_1881 : vector<16x1xi32> to vector<16xi32>
        %gather3A_1883 = tpu.dynamic_gather %exp3A_1639[%gather3A_1882] in [0] : vector<16xf32>, vector<16xi32> -> vector<16xf32>
        %get3A_1884 = arith.index_cast %add3A_1623 : i32 to index
        %get3A_1885 = arith.constant 64 : index
        %get3A_1886 = tpu.vector_load %arg14[%get3A_1884, %get3A_1885] {strides = array<i32>} : memref<40x128xf32, #tpu.memory_space<vmem>>, vector<1x16xf32>,
        %get3A_1887 = vector.shape_cast %get3A_1886 : vector<1x16xf32> to vector<16xf32>
        %mul3A_1888 = arith.mulf %get3A_1887, %gather3A_1883 : vector<16xf32>
        %swap3A_1889 = arith.index_cast %add3A_1623 : i32 to index
        %swap3A_1890 = arith.constant 64 : index
        %swap3A_1891 = tpu.vector_load %arg14[%swap3A_1889, %swap3A_1890] {strides = array<i32>} : memref<40x128xf32, #tpu.memory_space<vmem>>, vector<1x16xf32>,
        %swap3A_1892 = vector.shape_cast %swap3A_1891 : vector<1x16xf32> to vector<16xf32>
        %swap3A_1893 = vector.shape_cast %mul3A_1888 : vector<16xf32> to vector<1x16xf32>
        tpu.vector_store %arg14[%swap3A_1889, %swap3A_1890], %swap3A_1893 {strides = array<i32>} : memref<40x128xf32, #tpu.memory_space<vmem>>, vector<1x16xf32>,
        %broadcast_in_dim3A_1894 = arith.constant 5 : i32
        %broadcast_in_dim3A_1895 = vector.broadcast %broadcast_in_dim3A_1894 : i32 to vector<16xi32>
        %lt3A_1896 = arith.constant 0 : i32
        %lt3A_1897 = vector.broadcast %lt3A_1896 : i32 to vector<16xi32>
        %lt3A_1898 = arith.cmpi slt, %broadcast_in_dim3A_1895, %lt3A_1897 : vector<16xi32>
        %add3A_1899 = arith.constant 16 : i32
        %add3A_1900 = vector.broadcast %add3A_1899 : i32 to vector<16xi32>
        %add3A_1901 = arith.addi %broadcast_in_dim3A_1895, %add3A_1900 : vector<16xi32>
        %select_n3A_1902 = arith.select %lt3A_1898, %add3A_1901, %broadcast_in_dim3A_1895 : vector<16xi1>, vector<16xi32>
        %broadcast_in_dim3A_1903 = vector.shape_cast %select_n3A_1902 : vector<16xi32> to vector<16x1xi32>
        %gather3A_1904 = vector.shape_cast %broadcast_in_dim3A_1903 : vector<16x1xi32> to vector<16xi32>
        %gather3A_1905 = tpu.dynamic_gather %exp3A_1639[%gather3A_1904] in [0] : vector<16xf32>, vector<16xi32> -> vector<16xf32>
        %get3A_1906 = arith.index_cast %add3A_1623 : i32 to index
        %get3A_1907 = arith.constant 80 : index
        %get3A_1908 = tpu.vector_load %arg14[%get3A_1906, %get3A_1907] {strides = array<i32>} : memref<40x128xf32, #tpu.memory_space<vmem>>, vector<1x16xf32>,
        %get3A_1909 = vector.shape_cast %get3A_1908 : vector<1x16xf32> to vector<16xf32>
        %mul3A_1910 = arith.mulf %get3A_1909, %gather3A_1905 : vector<16xf32>
        %swap3A_1911 = arith.index_cast %add3A_1623 : i32 to index
        %swap3A_1912 = arith.constant 80 : index
        %swap3A_1913 = tpu.vector_load %arg14[%swap3A_1911, %swap3A_1912] {strides = array<i32>} : memref<40x128xf32, #tpu.memory_space<vmem>>, vector<1x16xf32>,
        %swap3A_1914 = vector.shape_cast %swap3A_1913 : vector<1x16xf32> to vector<16xf32>
        %swap3A_1915 = vector.shape_cast %mul3A_1910 : vector<16xf32> to vector<1x16xf32>
        tpu.vector_store %arg14[%swap3A_1911, %swap3A_1912], %swap3A_1915 {strides = array<i32>} : memref<40x128xf32, #tpu.memory_space<vmem>>, vector<1x16xf32>,
        %broadcast_in_dim3A_1916 = arith.constant 6 : i32
        %broadcast_in_dim3A_1917 = vector.broadcast %broadcast_in_dim3A_1916 : i32 to vector<16xi32>
        %lt3A_1918 = arith.constant 0 : i32
        %lt3A_1919 = vector.broadcast %lt3A_1918 : i32 to vector<16xi32>
        %lt3A_1920 = arith.cmpi slt, %broadcast_in_dim3A_1917, %lt3A_1919 : vector<16xi32>
        %add3A_1921 = arith.constant 16 : i32
        %add3A_1922 = vector.broadcast %add3A_1921 : i32 to vector<16xi32>
        %add3A_1923 = arith.addi %broadcast_in_dim3A_1917, %add3A_1922 : vector<16xi32>
        %select_n3A_1924 = arith.select %lt3A_1920, %add3A_1923, %broadcast_in_dim3A_1917 : vector<16xi1>, vector<16xi32>
        %broadcast_in_dim3A_1925 = vector.shape_cast %select_n3A_1924 : vector<16xi32> to vector<16x1xi32>
        %gather3A_1926 = vector.shape_cast %broadcast_in_dim3A_1925 : vector<16x1xi32> to vector<16xi32>
        %gather3A_1927 = tpu.dynamic_gather %exp3A_1639[%gather3A_1926] in [0] : vector<16xf32>, vector<16xi32> -> vector<16xf32>
        %get3A_1928 = arith.index_cast %add3A_1623 : i32 to index
        %get3A_1929 = arith.constant 96 : index
        %get3A_1930 = tpu.vector_load %arg14[%get3A_1928, %get3A_1929] {strides = array<i32>} : memref<40x128xf32, #tpu.memory_space<vmem>>, vector<1x16xf32>,
        %get3A_1931 = vector.shape_cast %get3A_1930 : vector<1x16xf32> to vector<16xf32>
        %mul3A_1932 = arith.mulf %get3A_1931, %gather3A_1927 : vector<16xf32>
        %swap3A_1933 = arith.index_cast %add3A_1623 : i32 to index
        %swap3A_1934 = arith.constant 96 : index
        %swap3A_1935 = tpu.vector_load %arg14[%swap3A_1933, %swap3A_1934] {strides = array<i32>} : memref<40x128xf32, #tpu.memory_space<vmem>>, vector<1x16xf32>,
        %swap3A_1936 = vector.shape_cast %swap3A_1935 : vector<1x16xf32> to vector<16xf32>
        %swap3A_1937 = vector.shape_cast %mul3A_1932 : vector<16xf32> to vector<1x16xf32>
        tpu.vector_store %arg14[%swap3A_1933, %swap3A_1934], %swap3A_1937 {strides = array<i32>} : memref<40x128xf32, #tpu.memory_space<vmem>>, vector<1x16xf32>,
        %broadcast_in_dim3A_1938 = arith.constant 7 : i32
        %broadcast_in_dim3A_1939 = vector.broadcast %broadcast_in_dim3A_1938 : i32 to vector<16xi32>
        %lt3A_1940 = arith.constant 0 : i32
        %lt3A_1941 = vector.broadcast %lt3A_1940 : i32 to vector<16xi32>
        %lt3A_1942 = arith.cmpi slt, %broadcast_in_dim3A_1939, %lt3A_1941 : vector<16xi32>
        %add3A_1943 = arith.constant 16 : i32
        %add3A_1944 = vector.broadcast %add3A_1943 : i32 to vector<16xi32>
        %add3A_1945 = arith.addi %broadcast_in_dim3A_1939, %add3A_1944 : vector<16xi32>
        %select_n3A_1946 = arith.select %lt3A_1942, %add3A_1945, %broadcast_in_dim3A_1939 : vector<16xi1>, vector<16xi32>
        %broadcast_in_dim3A_1947 = vector.shape_cast %select_n3A_1946 : vector<16xi32> to vector<16x1xi32>
        %gather3A_1948 = vector.shape_cast %broadcast_in_dim3A_1947 : vector<16x1xi32> to vector<16xi32>
        %gather3A_1949 = tpu.dynamic_gather %exp3A_1639[%gather3A_1948] in [0] : vector<16xf32>, vector<16xi32> -> vector<16xf32>
        %get3A_1950 = arith.index_cast %add3A_1623 : i32 to index
        %get3A_1951 = arith.constant 112 : index
        %get3A_1952 = tpu.vector_load %arg14[%get3A_1950, %get3A_1951] {strides = array<i32>} : memref<40x128xf32, #tpu.memory_space<vmem>>, vector<1x16xf32>,
        %get3A_1953 = vector.shape_cast %get3A_1952 : vector<1x16xf32> to vector<16xf32>
        %mul3A_1954 = arith.mulf %get3A_1953, %gather3A_1949 : vector<16xf32>
        %swap3A_1955 = arith.index_cast %add3A_1623 : i32 to index
        %swap3A_1956 = arith.constant 112 : index
        %swap3A_1957 = tpu.vector_load %arg14[%swap3A_1955, %swap3A_1956] {strides = array<i32>} : memref<40x128xf32, #tpu.memory_space<vmem>>, vector<1x16xf32>,
        %swap3A_1958 = vector.shape_cast %swap3A_1957 : vector<1x16xf32> to vector<16xf32>
        %swap3A_1959 = vector.shape_cast %mul3A_1954 : vector<16xf32> to vector<1x16xf32>
        tpu.vector_store %arg14[%swap3A_1955, %swap3A_1956], %swap3A_1959 {strides = array<i32>} : memref<40x128xf32, #tpu.memory_space<vmem>>, vector<1x16xf32>,
        %mul3A_1960 = arith.constant 8 : i32
        %mul3A_1961 = arith.muli %mul3A_1960, %scan3A_261 : i32
        %add3A_1962 = arith.constant 5 : i32
        %add3A_1963 = arith.addi %mul3A_1961, %add3A_1962 : i32
        %get3A_1964 = arith.index_cast %add3A_1963 : i32 to index
        %get3A_1965 = arith.constant 0 : index
        %get3A_1966 = tpu.vector_load %arg15[%get3A_1964, %get3A_1965] {strides = array<i32>} : memref<80x128xf32, #tpu.memory_space<vmem>>, vector<1x16xf32>,
        %get3A_1967 = vector.shape_cast %get3A_1966 : vector<1x16xf32> to vector<16xf32>
        %add3A_1968 = arith.constant 40 : i32
        %add3A_1969 = arith.addi %add3A_1968, %add3A_1963 : i32
        %get3A_1970 = arith.index_cast %add3A_1969 : i32 to index
        %get3A_1971 = arith.constant 16 : index
        %get3A_1972 = tpu.vector_load %arg15[%get3A_1970, %get3A_1971] {strides = array<i32>} : memref<80x128xf32, #tpu.memory_space<vmem>>, vector<1x16xf32>,
        %get3A_1973 = vector.shape_cast %get3A_1972 : vector<1x16xf32> to vector<16xf32>
        %add3A_1974 = arith.addf %get3A_1967, %get3A_1973 : vector<16xf32>
        %mul3A_1975 = arith.constant 2.000000e-01 : f32
        %mul3A_1976 = vector.broadcast %mul3A_1975 : f32 to vector<16xf32>
        %mul3A_1977 = arith.mulf %mul3A_1976, %add3A_1974 : vector<16xf32>
        %max3A_1978 = arith.maximumf %add3A_1974, %mul3A_1977 : vector<16xf32>
        %exp3A_1979 = math.exp %max3A_1978 : vector<16xf32>
        %broadcast_in_dim3A_1980 = arith.constant 5 : i32
        %broadcast_in_dim3A_1981 = vector.broadcast %broadcast_in_dim3A_1980 : i32 to vector<16xi32>
        %lt3A_1982 = arith.constant 0 : i32
        %lt3A_1983 = vector.broadcast %lt3A_1982 : i32 to vector<16xi32>
        %lt3A_1984 = arith.cmpi slt, %broadcast_in_dim3A_1981, %lt3A_1983 : vector<16xi32>
        %add3A_1985 = arith.constant 16 : i32
        %add3A_1986 = vector.broadcast %add3A_1985 : i32 to vector<16xi32>
        %add3A_1987 = arith.addi %broadcast_in_dim3A_1981, %add3A_1986 : vector<16xi32>
        %select_n3A_1988 = arith.select %lt3A_1984, %add3A_1987, %broadcast_in_dim3A_1981 : vector<16xi1>, vector<16xi32>
        %broadcast_in_dim3A_1989 = vector.shape_cast %select_n3A_1988 : vector<16xi32> to vector<16x1xi32>
        %gather3A_1990 = vector.shape_cast %broadcast_in_dim3A_1989 : vector<16x1xi32> to vector<16xi32>
        %gather3A_1991 = tpu.dynamic_gather %get3A_268[%gather3A_1990] in [0] : vector<16xi32>, vector<16xi32> -> vector<16xi32>
        %and3A_1992 = arith.constant 7 : i32
        %and3A_1993 = vector.broadcast %and3A_1992 : i32 to vector<16xi32>
        %and3A_1994 = arith.andi %gather3A_1991, %and3A_1993 : vector<16xi32>
        %convert_element_type3A_1995 = arith.sitofp %and3A_1994 : vector<16xi32> to vector<16xf32>
        %sub3A_1996 = arith.constant 0.000000e+00 : f32
        %sub3A_1997 = vector.broadcast %sub3A_1996 : f32 to vector<16xf32>
        %sub3A_1998 = arith.subf %convert_element_type3A_1995, %sub3A_1997 : vector<16xf32>
        %abs3A_1999 = math.absf %sub3A_1998 : vector<16xf32>
        %sub3A_2000 = arith.constant 1.000000e+00 : f32
        %sub3A_2001 = vector.broadcast %sub3A_2000 : f32 to vector<16xf32>
        %sub3A_2002 = arith.subf %sub3A_2001, %abs3A_1999 : vector<16xf32>
        %max3A_2003 = arith.constant 0.000000e+00 : f32
        %max3A_2004 = vector.broadcast %max3A_2003 : f32 to vector<16xf32>
        %max3A_2005 = arith.maximumf %max3A_2004, %sub3A_2002 : vector<16xf32>
        %mul3A_2006 = arith.mulf %exp3A_1979, %max3A_2005 : vector<16xf32>
        %swap3A_2007 = arith.index_cast %add3A_1963 : i32 to index
        %swap3A_2008 = arith.constant 0 : index
        %swap3A_2009 = tpu.vector_load %arg16[%swap3A_2007, %swap3A_2008] {strides = array<i32>} : memref<40x128xf32, #tpu.memory_space<vmem>>, vector<1x16xf32>,
        %swap3A_2010 = vector.shape_cast %swap3A_2009 : vector<1x16xf32> to vector<16xf32>
        %swap3A_2011 = vector.shape_cast %mul3A_2006 : vector<16xf32> to vector<1x16xf32>
        tpu.vector_store %arg16[%swap3A_2007, %swap3A_2008], %swap3A_2011 {strides = array<i32>} : memref<40x128xf32, #tpu.memory_space<vmem>>, vector<1x16xf32>,
        %sub3A_2012 = arith.constant 1.000000e+00 : f32
        %sub3A_2013 = vector.broadcast %sub3A_2012 : f32 to vector<16xf32>
        %sub3A_2014 = arith.subf %convert_element_type3A_1995, %sub3A_2013 : vector<16xf32>
        %abs3A_2015 = math.absf %sub3A_2014 : vector<16xf32>
        %sub3A_2016 = arith.constant 1.000000e+00 : f32
        %sub3A_2017 = vector.broadcast %sub3A_2016 : f32 to vector<16xf32>
        %sub3A_2018 = arith.subf %sub3A_2017, %abs3A_2015 : vector<16xf32>
        %max3A_2019 = arith.constant 0.000000e+00 : f32
        %max3A_2020 = vector.broadcast %max3A_2019 : f32 to vector<16xf32>
        %max3A_2021 = arith.maximumf %max3A_2020, %sub3A_2018 : vector<16xf32>
        %mul3A_2022 = arith.mulf %exp3A_1979, %max3A_2021 : vector<16xf32>
        %swap3A_2023 = arith.index_cast %add3A_1963 : i32 to index
        %swap3A_2024 = arith.constant 16 : index
        %swap3A_2025 = tpu.vector_load %arg16[%swap3A_2023, %swap3A_2024] {strides = array<i32>} : memref<40x128xf32, #tpu.memory_space<vmem>>, vector<1x16xf32>,
        %swap3A_2026 = vector.shape_cast %swap3A_2025 : vector<1x16xf32> to vector<16xf32>
        %swap3A_2027 = vector.shape_cast %mul3A_2022 : vector<16xf32> to vector<1x16xf32>
        tpu.vector_store %arg16[%swap3A_2023, %swap3A_2024], %swap3A_2027 {strides = array<i32>} : memref<40x128xf32, #tpu.memory_space<vmem>>, vector<1x16xf32>,
        %sub3A_2028 = arith.constant 2.000000e+00 : f32
        %sub3A_2029 = vector.broadcast %sub3A_2028 : f32 to vector<16xf32>
        %sub3A_2030 = arith.subf %convert_element_type3A_1995, %sub3A_2029 : vector<16xf32>
        %abs3A_2031 = math.absf %sub3A_2030 : vector<16xf32>
        %sub3A_2032 = arith.constant 1.000000e+00 : f32
        %sub3A_2033 = vector.broadcast %sub3A_2032 : f32 to vector<16xf32>
        %sub3A_2034 = arith.subf %sub3A_2033, %abs3A_2031 : vector<16xf32>
        %max3A_2035 = arith.constant 0.000000e+00 : f32
        %max3A_2036 = vector.broadcast %max3A_2035 : f32 to vector<16xf32>
        %max3A_2037 = arith.maximumf %max3A_2036, %sub3A_2034 : vector<16xf32>
        %mul3A_2038 = arith.mulf %exp3A_1979, %max3A_2037 : vector<16xf32>
        %swap3A_2039 = arith.index_cast %add3A_1963 : i32 to index
        %swap3A_2040 = arith.constant 32 : index
        %swap3A_2041 = tpu.vector_load %arg16[%swap3A_2039, %swap3A_2040] {strides = array<i32>} : memref<40x128xf32, #tpu.memory_space<vmem>>, vector<1x16xf32>,
        %swap3A_2042 = vector.shape_cast %swap3A_2041 : vector<1x16xf32> to vector<16xf32>
        %swap3A_2043 = vector.shape_cast %mul3A_2038 : vector<16xf32> to vector<1x16xf32>
        tpu.vector_store %arg16[%swap3A_2039, %swap3A_2040], %swap3A_2043 {strides = array<i32>} : memref<40x128xf32, #tpu.memory_space<vmem>>, vector<1x16xf32>,
        %sub3A_2044 = arith.constant 3.000000e+00 : f32
        %sub3A_2045 = vector.broadcast %sub3A_2044 : f32 to vector<16xf32>
        %sub3A_2046 = arith.subf %convert_element_type3A_1995, %sub3A_2045 : vector<16xf32>
        %abs3A_2047 = math.absf %sub3A_2046 : vector<16xf32>
        %sub3A_2048 = arith.constant 1.000000e+00 : f32
        %sub3A_2049 = vector.broadcast %sub3A_2048 : f32 to vector<16xf32>
        %sub3A_2050 = arith.subf %sub3A_2049, %abs3A_2047 : vector<16xf32>
        %max3A_2051 = arith.constant 0.000000e+00 : f32
        %max3A_2052 = vector.broadcast %max3A_2051 : f32 to vector<16xf32>
        %max3A_2053 = arith.maximumf %max3A_2052, %sub3A_2050 : vector<16xf32>
        %mul3A_2054 = arith.mulf %exp3A_1979, %max3A_2053 : vector<16xf32>
        %swap3A_2055 = arith.index_cast %add3A_1963 : i32 to index
        %swap3A_2056 = arith.constant 48 : index
        %swap3A_2057 = tpu.vector_load %arg16[%swap3A_2055, %swap3A_2056] {strides = array<i32>} : memref<40x128xf32, #tpu.memory_space<vmem>>, vector<1x16xf32>,
        %swap3A_2058 = vector.shape_cast %swap3A_2057 : vector<1x16xf32> to vector<16xf32>
        %swap3A_2059 = vector.shape_cast %mul3A_2054 : vector<16xf32> to vector<1x16xf32>
        tpu.vector_store %arg16[%swap3A_2055, %swap3A_2056], %swap3A_2059 {strides = array<i32>} : memref<40x128xf32, #tpu.memory_space<vmem>>, vector<1x16xf32>,
        %sub3A_2060 = arith.constant 4.000000e+00 : f32
        %sub3A_2061 = vector.broadcast %sub3A_2060 : f32 to vector<16xf32>
        %sub3A_2062 = arith.subf %convert_element_type3A_1995, %sub3A_2061 : vector<16xf32>
        %abs3A_2063 = math.absf %sub3A_2062 : vector<16xf32>
        %sub3A_2064 = arith.constant 1.000000e+00 : f32
        %sub3A_2065 = vector.broadcast %sub3A_2064 : f32 to vector<16xf32>
        %sub3A_2066 = arith.subf %sub3A_2065, %abs3A_2063 : vector<16xf32>
        %max3A_2067 = arith.constant 0.000000e+00 : f32
        %max3A_2068 = vector.broadcast %max3A_2067 : f32 to vector<16xf32>
        %max3A_2069 = arith.maximumf %max3A_2068, %sub3A_2066 : vector<16xf32>
        %mul3A_2070 = arith.mulf %exp3A_1979, %max3A_2069 : vector<16xf32>
        %swap3A_2071 = arith.index_cast %add3A_1963 : i32 to index
        %swap3A_2072 = arith.constant 64 : index
        %swap3A_2073 = tpu.vector_load %arg16[%swap3A_2071, %swap3A_2072] {strides = array<i32>} : memref<40x128xf32, #tpu.memory_space<vmem>>, vector<1x16xf32>,
        %swap3A_2074 = vector.shape_cast %swap3A_2073 : vector<1x16xf32> to vector<16xf32>
        %swap3A_2075 = vector.shape_cast %mul3A_2070 : vector<16xf32> to vector<1x16xf32>
        tpu.vector_store %arg16[%swap3A_2071, %swap3A_2072], %swap3A_2075 {strides = array<i32>} : memref<40x128xf32, #tpu.memory_space<vmem>>, vector<1x16xf32>,
        %sub3A_2076 = arith.constant 5.000000e+00 : f32
        %sub3A_2077 = vector.broadcast %sub3A_2076 : f32 to vector<16xf32>
        %sub3A_2078 = arith.subf %convert_element_type3A_1995, %sub3A_2077 : vector<16xf32>
        %abs3A_2079 = math.absf %sub3A_2078 : vector<16xf32>
        %sub3A_2080 = arith.constant 1.000000e+00 : f32
        %sub3A_2081 = vector.broadcast %sub3A_2080 : f32 to vector<16xf32>
        %sub3A_2082 = arith.subf %sub3A_2081, %abs3A_2079 : vector<16xf32>
        %max3A_2083 = arith.constant 0.000000e+00 : f32
        %max3A_2084 = vector.broadcast %max3A_2083 : f32 to vector<16xf32>
        %max3A_2085 = arith.maximumf %max3A_2084, %sub3A_2082 : vector<16xf32>
        %mul3A_2086 = arith.mulf %exp3A_1979, %max3A_2085 : vector<16xf32>
        %swap3A_2087 = arith.index_cast %add3A_1963 : i32 to index
        %swap3A_2088 = arith.constant 80 : index
        %swap3A_2089 = tpu.vector_load %arg16[%swap3A_2087, %swap3A_2088] {strides = array<i32>} : memref<40x128xf32, #tpu.memory_space<vmem>>, vector<1x16xf32>,
        %swap3A_2090 = vector.shape_cast %swap3A_2089 : vector<1x16xf32> to vector<16xf32>
        %swap3A_2091 = vector.shape_cast %mul3A_2086 : vector<16xf32> to vector<1x16xf32>
        tpu.vector_store %arg16[%swap3A_2087, %swap3A_2088], %swap3A_2091 {strides = array<i32>} : memref<40x128xf32, #tpu.memory_space<vmem>>, vector<1x16xf32>,
        %sub3A_2092 = arith.constant 6.000000e+00 : f32
        %sub3A_2093 = vector.broadcast %sub3A_2092 : f32 to vector<16xf32>
        %sub3A_2094 = arith.subf %convert_element_type3A_1995, %sub3A_2093 : vector<16xf32>
        %abs3A_2095 = math.absf %sub3A_2094 : vector<16xf32>
        %sub3A_2096 = arith.constant 1.000000e+00 : f32
        %sub3A_2097 = vector.broadcast %sub3A_2096 : f32 to vector<16xf32>
        %sub3A_2098 = arith.subf %sub3A_2097, %abs3A_2095 : vector<16xf32>
        %max3A_2099 = arith.constant 0.000000e+00 : f32
        %max3A_2100 = vector.broadcast %max3A_2099 : f32 to vector<16xf32>
        %max3A_2101 = arith.maximumf %max3A_2100, %sub3A_2098 : vector<16xf32>
        %mul3A_2102 = arith.mulf %exp3A_1979, %max3A_2101 : vector<16xf32>
        %swap3A_2103 = arith.index_cast %add3A_1963 : i32 to index
        %swap3A_2104 = arith.constant 96 : index
        %swap3A_2105 = tpu.vector_load %arg16[%swap3A_2103, %swap3A_2104] {strides = array<i32>} : memref<40x128xf32, #tpu.memory_space<vmem>>, vector<1x16xf32>,
        %swap3A_2106 = vector.shape_cast %swap3A_2105 : vector<1x16xf32> to vector<16xf32>
        %swap3A_2107 = vector.shape_cast %mul3A_2102 : vector<16xf32> to vector<1x16xf32>
        tpu.vector_store %arg16[%swap3A_2103, %swap3A_2104], %swap3A_2107 {strides = array<i32>} : memref<40x128xf32, #tpu.memory_space<vmem>>, vector<1x16xf32>,
        %sub3A_2108 = arith.constant 7.000000e+00 : f32
        %sub3A_2109 = vector.broadcast %sub3A_2108 : f32 to vector<16xf32>
        %sub3A_2110 = arith.subf %convert_element_type3A_1995, %sub3A_2109 : vector<16xf32>
        %abs3A_2111 = math.absf %sub3A_2110 : vector<16xf32>
        %sub3A_2112 = arith.constant 1.000000e+00 : f32
        %sub3A_2113 = vector.broadcast %sub3A_2112 : f32 to vector<16xf32>
        %sub3A_2114 = arith.subf %sub3A_2113, %abs3A_2111 : vector<16xf32>
        %max3A_2115 = arith.constant 0.000000e+00 : f32
        %max3A_2116 = vector.broadcast %max3A_2115 : f32 to vector<16xf32>
        %max3A_2117 = arith.maximumf %max3A_2116, %sub3A_2114 : vector<16xf32>
        %mul3A_2118 = arith.mulf %exp3A_1979, %max3A_2117 : vector<16xf32>
        %swap3A_2119 = arith.index_cast %add3A_1963 : i32 to index
        %swap3A_2120 = arith.constant 112 : index
        %swap3A_2121 = tpu.vector_load %arg16[%swap3A_2119, %swap3A_2120] {strides = array<i32>} : memref<40x128xf32, #tpu.memory_space<vmem>>, vector<1x16xf32>,
        %swap3A_2122 = vector.shape_cast %swap3A_2121 : vector<1x16xf32> to vector<16xf32>
        %swap3A_2123 = vector.shape_cast %mul3A_2118 : vector<16xf32> to vector<1x16xf32>
        tpu.vector_store %arg16[%swap3A_2119, %swap3A_2120], %swap3A_2123 {strides = array<i32>} : memref<40x128xf32, #tpu.memory_space<vmem>>, vector<1x16xf32>,
        %broadcast_in_dim3A_2124 = arith.constant 0 : i32
        %broadcast_in_dim3A_2125 = vector.broadcast %broadcast_in_dim3A_2124 : i32 to vector<16xi32>
        %lt3A_2126 = arith.constant 0 : i32
        %lt3A_2127 = vector.broadcast %lt3A_2126 : i32 to vector<16xi32>
        %lt3A_2128 = arith.cmpi slt, %broadcast_in_dim3A_2125, %lt3A_2127 : vector<16xi32>
        %add3A_2129 = arith.constant 16 : i32
        %add3A_2130 = vector.broadcast %add3A_2129 : i32 to vector<16xi32>
        %add3A_2131 = arith.addi %broadcast_in_dim3A_2125, %add3A_2130 : vector<16xi32>
        %select_n3A_2132 = arith.select %lt3A_2128, %add3A_2131, %broadcast_in_dim3A_2125 : vector<16xi1>, vector<16xi32>
        %broadcast_in_dim3A_2133 = vector.shape_cast %select_n3A_2132 : vector<16xi32> to vector<16x1xi32>
        %gather3A_2134 = vector.shape_cast %broadcast_in_dim3A_2133 : vector<16x1xi32> to vector<16xi32>
        %gather3A_2135 = tpu.dynamic_gather %exp3A_1979[%gather3A_2134] in [0] : vector<16xf32>, vector<16xi32> -> vector<16xf32>
        %get3A_2136 = arith.index_cast %add3A_1963 : i32 to index
        %get3A_2137 = arith.constant 0 : index
        %get3A_2138 = tpu.vector_load %arg14[%get3A_2136, %get3A_2137] {strides = array<i32>} : memref<40x128xf32, #tpu.memory_space<vmem>>, vector<1x16xf32>,
        %get3A_2139 = vector.shape_cast %get3A_2138 : vector<1x16xf32> to vector<16xf32>
        %mul3A_2140 = arith.mulf %get3A_2139, %gather3A_2135 : vector<16xf32>
        %swap3A_2141 = arith.index_cast %add3A_1963 : i32 to index
        %swap3A_2142 = arith.constant 0 : index
        %swap3A_2143 = tpu.vector_load %arg14[%swap3A_2141, %swap3A_2142] {strides = array<i32>} : memref<40x128xf32, #tpu.memory_space<vmem>>, vector<1x16xf32>,
        %swap3A_2144 = vector.shape_cast %swap3A_2143 : vector<1x16xf32> to vector<16xf32>
        %swap3A_2145 = vector.shape_cast %mul3A_2140 : vector<16xf32> to vector<1x16xf32>
        tpu.vector_store %arg14[%swap3A_2141, %swap3A_2142], %swap3A_2145 {strides = array<i32>} : memref<40x128xf32, #tpu.memory_space<vmem>>, vector<1x16xf32>,
        %broadcast_in_dim3A_2146 = arith.constant 1 : i32
        %broadcast_in_dim3A_2147 = vector.broadcast %broadcast_in_dim3A_2146 : i32 to vector<16xi32>
        %lt3A_2148 = arith.constant 0 : i32
        %lt3A_2149 = vector.broadcast %lt3A_2148 : i32 to vector<16xi32>
        %lt3A_2150 = arith.cmpi slt, %broadcast_in_dim3A_2147, %lt3A_2149 : vector<16xi32>
        %add3A_2151 = arith.constant 16 : i32
        %add3A_2152 = vector.broadcast %add3A_2151 : i32 to vector<16xi32>
        %add3A_2153 = arith.addi %broadcast_in_dim3A_2147, %add3A_2152 : vector<16xi32>
        %select_n3A_2154 = arith.select %lt3A_2150, %add3A_2153, %broadcast_in_dim3A_2147 : vector<16xi1>, vector<16xi32>
        %broadcast_in_dim3A_2155 = vector.shape_cast %select_n3A_2154 : vector<16xi32> to vector<16x1xi32>
        %gather3A_2156 = vector.shape_cast %broadcast_in_dim3A_2155 : vector<16x1xi32> to vector<16xi32>
        %gather3A_2157 = tpu.dynamic_gather %exp3A_1979[%gather3A_2156] in [0] : vector<16xf32>, vector<16xi32> -> vector<16xf32>
        %get3A_2158 = arith.index_cast %add3A_1963 : i32 to index
        %get3A_2159 = arith.constant 16 : index
        %get3A_2160 = tpu.vector_load %arg14[%get3A_2158, %get3A_2159] {strides = array<i32>} : memref<40x128xf32, #tpu.memory_space<vmem>>, vector<1x16xf32>,
        %get3A_2161 = vector.shape_cast %get3A_2160 : vector<1x16xf32> to vector<16xf32>
        %mul3A_2162 = arith.mulf %get3A_2161, %gather3A_2157 : vector<16xf32>
        %swap3A_2163 = arith.index_cast %add3A_1963 : i32 to index
        %swap3A_2164 = arith.constant 16 : index
        %swap3A_2165 = tpu.vector_load %arg14[%swap3A_2163, %swap3A_2164] {strides = array<i32>} : memref<40x128xf32, #tpu.memory_space<vmem>>, vector<1x16xf32>,
        %swap3A_2166 = vector.shape_cast %swap3A_2165 : vector<1x16xf32> to vector<16xf32>
        %swap3A_2167 = vector.shape_cast %mul3A_2162 : vector<16xf32> to vector<1x16xf32>
        tpu.vector_store %arg14[%swap3A_2163, %swap3A_2164], %swap3A_2167 {strides = array<i32>} : memref<40x128xf32, #tpu.memory_space<vmem>>, vector<1x16xf32>,
        %broadcast_in_dim3A_2168 = arith.constant 2 : i32
        %broadcast_in_dim3A_2169 = vector.broadcast %broadcast_in_dim3A_2168 : i32 to vector<16xi32>
        %lt3A_2170 = arith.constant 0 : i32
        %lt3A_2171 = vector.broadcast %lt3A_2170 : i32 to vector<16xi32>
        %lt3A_2172 = arith.cmpi slt, %broadcast_in_dim3A_2169, %lt3A_2171 : vector<16xi32>
        %add3A_2173 = arith.constant 16 : i32
        %add3A_2174 = vector.broadcast %add3A_2173 : i32 to vector<16xi32>
        %add3A_2175 = arith.addi %broadcast_in_dim3A_2169, %add3A_2174 : vector<16xi32>
        %select_n3A_2176 = arith.select %lt3A_2172, %add3A_2175, %broadcast_in_dim3A_2169 : vector<16xi1>, vector<16xi32>
        %broadcast_in_dim3A_2177 = vector.shape_cast %select_n3A_2176 : vector<16xi32> to vector<16x1xi32>
        %gather3A_2178 = vector.shape_cast %broadcast_in_dim3A_2177 : vector<16x1xi32> to vector<16xi32>
        %gather3A_2179 = tpu.dynamic_gather %exp3A_1979[%gather3A_2178] in [0] : vector<16xf32>, vector<16xi32> -> vector<16xf32>
        %get3A_2180 = arith.index_cast %add3A_1963 : i32 to index
        %get3A_2181 = arith.constant 32 : index
        %get3A_2182 = tpu.vector_load %arg14[%get3A_2180, %get3A_2181] {strides = array<i32>} : memref<40x128xf32, #tpu.memory_space<vmem>>, vector<1x16xf32>,
        %get3A_2183 = vector.shape_cast %get3A_2182 : vector<1x16xf32> to vector<16xf32>
        %mul3A_2184 = arith.mulf %get3A_2183, %gather3A_2179 : vector<16xf32>
        %swap3A_2185 = arith.index_cast %add3A_1963 : i32 to index
        %swap3A_2186 = arith.constant 32 : index
        %swap3A_2187 = tpu.vector_load %arg14[%swap3A_2185, %swap3A_2186] {strides = array<i32>} : memref<40x128xf32, #tpu.memory_space<vmem>>, vector<1x16xf32>,
        %swap3A_2188 = vector.shape_cast %swap3A_2187 : vector<1x16xf32> to vector<16xf32>
        %swap3A_2189 = vector.shape_cast %mul3A_2184 : vector<16xf32> to vector<1x16xf32>
        tpu.vector_store %arg14[%swap3A_2185, %swap3A_2186], %swap3A_2189 {strides = array<i32>} : memref<40x128xf32, #tpu.memory_space<vmem>>, vector<1x16xf32>,
        %broadcast_in_dim3A_2190 = arith.constant 3 : i32
        %broadcast_in_dim3A_2191 = vector.broadcast %broadcast_in_dim3A_2190 : i32 to vector<16xi32>
        %lt3A_2192 = arith.constant 0 : i32
        %lt3A_2193 = vector.broadcast %lt3A_2192 : i32 to vector<16xi32>
        %lt3A_2194 = arith.cmpi slt, %broadcast_in_dim3A_2191, %lt3A_2193 : vector<16xi32>
        %add3A_2195 = arith.constant 16 : i32
        %add3A_2196 = vector.broadcast %add3A_2195 : i32 to vector<16xi32>
        %add3A_2197 = arith.addi %broadcast_in_dim3A_2191, %add3A_2196 : vector<16xi32>
        %select_n3A_2198 = arith.select %lt3A_2194, %add3A_2197, %broadcast_in_dim3A_2191 : vector<16xi1>, vector<16xi32>
        %broadcast_in_dim3A_2199 = vector.shape_cast %select_n3A_2198 : vector<16xi32> to vector<16x1xi32>
        %gather3A_2200 = vector.shape_cast %broadcast_in_dim3A_2199 : vector<16x1xi32> to vector<16xi32>
        %gather3A_2201 = tpu.dynamic_gather %exp3A_1979[%gather3A_2200] in [0] : vector<16xf32>, vector<16xi32> -> vector<16xf32>
        %get3A_2202 = arith.index_cast %add3A_1963 : i32 to index
        %get3A_2203 = arith.constant 48 : index
        %get3A_2204 = tpu.vector_load %arg14[%get3A_2202, %get3A_2203] {strides = array<i32>} : memref<40x128xf32, #tpu.memory_space<vmem>>, vector<1x16xf32>,
        %get3A_2205 = vector.shape_cast %get3A_2204 : vector<1x16xf32> to vector<16xf32>
        %mul3A_2206 = arith.mulf %get3A_2205, %gather3A_2201 : vector<16xf32>
        %swap3A_2207 = arith.index_cast %add3A_1963 : i32 to index
        %swap3A_2208 = arith.constant 48 : index
        %swap3A_2209 = tpu.vector_load %arg14[%swap3A_2207, %swap3A_2208] {strides = array<i32>} : memref<40x128xf32, #tpu.memory_space<vmem>>, vector<1x16xf32>,
        %swap3A_2210 = vector.shape_cast %swap3A_2209 : vector<1x16xf32> to vector<16xf32>
        %swap3A_2211 = vector.shape_cast %mul3A_2206 : vector<16xf32> to vector<1x16xf32>
        tpu.vector_store %arg14[%swap3A_2207, %swap3A_2208], %swap3A_2211 {strides = array<i32>} : memref<40x128xf32, #tpu.memory_space<vmem>>, vector<1x16xf32>,
        %broadcast_in_dim3A_2212 = arith.constant 4 : i32
        %broadcast_in_dim3A_2213 = vector.broadcast %broadcast_in_dim3A_2212 : i32 to vector<16xi32>
        %lt3A_2214 = arith.constant 0 : i32
        %lt3A_2215 = vector.broadcast %lt3A_2214 : i32 to vector<16xi32>
        %lt3A_2216 = arith.cmpi slt, %broadcast_in_dim3A_2213, %lt3A_2215 : vector<16xi32>
        %add3A_2217 = arith.constant 16 : i32
        %add3A_2218 = vector.broadcast %add3A_2217 : i32 to vector<16xi32>
        %add3A_2219 = arith.addi %broadcast_in_dim3A_2213, %add3A_2218 : vector<16xi32>
        %select_n3A_2220 = arith.select %lt3A_2216, %add3A_2219, %broadcast_in_dim3A_2213 : vector<16xi1>, vector<16xi32>
        %broadcast_in_dim3A_2221 = vector.shape_cast %select_n3A_2220 : vector<16xi32> to vector<16x1xi32>
        %gather3A_2222 = vector.shape_cast %broadcast_in_dim3A_2221 : vector<16x1xi32> to vector<16xi32>
        %gather3A_2223 = tpu.dynamic_gather %exp3A_1979[%gather3A_2222] in [0] : vector<16xf32>, vector<16xi32> -> vector<16xf32>
        %get3A_2224 = arith.index_cast %add3A_1963 : i32 to index
        %get3A_2225 = arith.constant 64 : index
        %get3A_2226 = tpu.vector_load %arg14[%get3A_2224, %get3A_2225] {strides = array<i32>} : memref<40x128xf32, #tpu.memory_space<vmem>>, vector<1x16xf32>,
        %get3A_2227 = vector.shape_cast %get3A_2226 : vector<1x16xf32> to vector<16xf32>
        %mul3A_2228 = arith.mulf %get3A_2227, %gather3A_2223 : vector<16xf32>
        %swap3A_2229 = arith.index_cast %add3A_1963 : i32 to index
        %swap3A_2230 = arith.constant 64 : index
        %swap3A_2231 = tpu.vector_load %arg14[%swap3A_2229, %swap3A_2230] {strides = array<i32>} : memref<40x128xf32, #tpu.memory_space<vmem>>, vector<1x16xf32>,
        %swap3A_2232 = vector.shape_cast %swap3A_2231 : vector<1x16xf32> to vector<16xf32>
        %swap3A_2233 = vector.shape_cast %mul3A_2228 : vector<16xf32> to vector<1x16xf32>
        tpu.vector_store %arg14[%swap3A_2229, %swap3A_2230], %swap3A_2233 {strides = array<i32>} : memref<40x128xf32, #tpu.memory_space<vmem>>, vector<1x16xf32>,
        %broadcast_in_dim3A_2234 = arith.constant 5 : i32
        %broadcast_in_dim3A_2235 = vector.broadcast %broadcast_in_dim3A_2234 : i32 to vector<16xi32>
        %lt3A_2236 = arith.constant 0 : i32
        %lt3A_2237 = vector.broadcast %lt3A_2236 : i32 to vector<16xi32>
        %lt3A_2238 = arith.cmpi slt, %broadcast_in_dim3A_2235, %lt3A_2237 : vector<16xi32>
        %add3A_2239 = arith.constant 16 : i32
        %add3A_2240 = vector.broadcast %add3A_2239 : i32 to vector<16xi32>
        %add3A_2241 = arith.addi %broadcast_in_dim3A_2235, %add3A_2240 : vector<16xi32>
        %select_n3A_2242 = arith.select %lt3A_2238, %add3A_2241, %broadcast_in_dim3A_2235 : vector<16xi1>, vector<16xi32>
        %broadcast_in_dim3A_2243 = vector.shape_cast %select_n3A_2242 : vector<16xi32> to vector<16x1xi32>
        %gather3A_2244 = vector.shape_cast %broadcast_in_dim3A_2243 : vector<16x1xi32> to vector<16xi32>
        %gather3A_2245 = tpu.dynamic_gather %exp3A_1979[%gather3A_2244] in [0] : vector<16xf32>, vector<16xi32> -> vector<16xf32>
        %get3A_2246 = arith.index_cast %add3A_1963 : i32 to index
        %get3A_2247 = arith.constant 80 : index
        %get3A_2248 = tpu.vector_load %arg14[%get3A_2246, %get3A_2247] {strides = array<i32>} : memref<40x128xf32, #tpu.memory_space<vmem>>, vector<1x16xf32>,
        %get3A_2249 = vector.shape_cast %get3A_2248 : vector<1x16xf32> to vector<16xf32>
        %mul3A_2250 = arith.mulf %get3A_2249, %gather3A_2245 : vector<16xf32>
        %swap3A_2251 = arith.index_cast %add3A_1963 : i32 to index
        %swap3A_2252 = arith.constant 80 : index
        %swap3A_2253 = tpu.vector_load %arg14[%swap3A_2251, %swap3A_2252] {strides = array<i32>} : memref<40x128xf32, #tpu.memory_space<vmem>>, vector<1x16xf32>,
        %swap3A_2254 = vector.shape_cast %swap3A_2253 : vector<1x16xf32> to vector<16xf32>
        %swap3A_2255 = vector.shape_cast %mul3A_2250 : vector<16xf32> to vector<1x16xf32>
        tpu.vector_store %arg14[%swap3A_2251, %swap3A_2252], %swap3A_2255 {strides = array<i32>} : memref<40x128xf32, #tpu.memory_space<vmem>>, vector<1x16xf32>,
        %broadcast_in_dim3A_2256 = arith.constant 6 : i32
        %broadcast_in_dim3A_2257 = vector.broadcast %broadcast_in_dim3A_2256 : i32 to vector<16xi32>
        %lt3A_2258 = arith.constant 0 : i32
        %lt3A_2259 = vector.broadcast %lt3A_2258 : i32 to vector<16xi32>
        %lt3A_2260 = arith.cmpi slt, %broadcast_in_dim3A_2257, %lt3A_2259 : vector<16xi32>
        %add3A_2261 = arith.constant 16 : i32
        %add3A_2262 = vector.broadcast %add3A_2261 : i32 to vector<16xi32>
        %add3A_2263 = arith.addi %broadcast_in_dim3A_2257, %add3A_2262 : vector<16xi32>
        %select_n3A_2264 = arith.select %lt3A_2260, %add3A_2263, %broadcast_in_dim3A_2257 : vector<16xi1>, vector<16xi32>
        %broadcast_in_dim3A_2265 = vector.shape_cast %select_n3A_2264 : vector<16xi32> to vector<16x1xi32>
        %gather3A_2266 = vector.shape_cast %broadcast_in_dim3A_2265 : vector<16x1xi32> to vector<16xi32>
        %gather3A_2267 = tpu.dynamic_gather %exp3A_1979[%gather3A_2266] in [0] : vector<16xf32>, vector<16xi32> -> vector<16xf32>
        %get3A_2268 = arith.index_cast %add3A_1963 : i32 to index
        %get3A_2269 = arith.constant 96 : index
        %get3A_2270 = tpu.vector_load %arg14[%get3A_2268, %get3A_2269] {strides = array<i32>} : memref<40x128xf32, #tpu.memory_space<vmem>>, vector<1x16xf32>,
        %get3A_2271 = vector.shape_cast %get3A_2270 : vector<1x16xf32> to vector<16xf32>
        %mul3A_2272 = arith.mulf %get3A_2271, %gather3A_2267 : vector<16xf32>
        %swap3A_2273 = arith.index_cast %add3A_1963 : i32 to index
        %swap3A_2274 = arith.constant 96 : index
        %swap3A_2275 = tpu.vector_load %arg14[%swap3A_2273, %swap3A_2274] {strides = array<i32>} : memref<40x128xf32, #tpu.memory_space<vmem>>, vector<1x16xf32>,
        %swap3A_2276 = vector.shape_cast %swap3A_2275 : vector<1x16xf32> to vector<16xf32>
        %swap3A_2277 = vector.shape_cast %mul3A_2272 : vector<16xf32> to vector<1x16xf32>
        tpu.vector_store %arg14[%swap3A_2273, %swap3A_2274], %swap3A_2277 {strides = array<i32>} : memref<40x128xf32, #tpu.memory_space<vmem>>, vector<1x16xf32>,
        %broadcast_in_dim3A_2278 = arith.constant 7 : i32
        %broadcast_in_dim3A_2279 = vector.broadcast %broadcast_in_dim3A_2278 : i32 to vector<16xi32>
        %lt3A_2280 = arith.constant 0 : i32
        %lt3A_2281 = vector.broadcast %lt3A_2280 : i32 to vector<16xi32>
        %lt3A_2282 = arith.cmpi slt, %broadcast_in_dim3A_2279, %lt3A_2281 : vector<16xi32>
        %add3A_2283 = arith.constant 16 : i32
        %add3A_2284 = vector.broadcast %add3A_2283 : i32 to vector<16xi32>
        %add3A_2285 = arith.addi %broadcast_in_dim3A_2279, %add3A_2284 : vector<16xi32>
        %select_n3A_2286 = arith.select %lt3A_2282, %add3A_2285, %broadcast_in_dim3A_2279 : vector<16xi1>, vector<16xi32>
        %broadcast_in_dim3A_2287 = vector.shape_cast %select_n3A_2286 : vector<16xi32> to vector<16x1xi32>
        %gather3A_2288 = vector.shape_cast %broadcast_in_dim3A_2287 : vector<16x1xi32> to vector<16xi32>
        %gather3A_2289 = tpu.dynamic_gather %exp3A_1979[%gather3A_2288] in [0] : vector<16xf32>, vector<16xi32> -> vector<16xf32>
        %get3A_2290 = arith.index_cast %add3A_1963 : i32 to index
        %get3A_2291 = arith.constant 112 : index
        %get3A_2292 = tpu.vector_load %arg14[%get3A_2290, %get3A_2291] {strides = array<i32>} : memref<40x128xf32, #tpu.memory_space<vmem>>, vector<1x16xf32>,
        %get3A_2293 = vector.shape_cast %get3A_2292 : vector<1x16xf32> to vector<16xf32>
        %mul3A_2294 = arith.mulf %get3A_2293, %gather3A_2289 : vector<16xf32>
        %swap3A_2295 = arith.index_cast %add3A_1963 : i32 to index
        %swap3A_2296 = arith.constant 112 : index
        %swap3A_2297 = tpu.vector_load %arg14[%swap3A_2295, %swap3A_2296] {strides = array<i32>} : memref<40x128xf32, #tpu.memory_space<vmem>>, vector<1x16xf32>,
        %swap3A_2298 = vector.shape_cast %swap3A_2297 : vector<1x16xf32> to vector<16xf32>
        %swap3A_2299 = vector.shape_cast %mul3A_2294 : vector<16xf32> to vector<1x16xf32>
        tpu.vector_store %arg14[%swap3A_2295, %swap3A_2296], %swap3A_2299 {strides = array<i32>} : memref<40x128xf32, #tpu.memory_space<vmem>>, vector<1x16xf32>,
        %mul3A_2300 = arith.constant 8 : i32
        %mul3A_2301 = arith.muli %mul3A_2300, %scan3A_261 : i32
        %add3A_2302 = arith.constant 6 : i32
        %add3A_2303 = arith.addi %mul3A_2301, %add3A_2302 : i32
        %get3A_2304 = arith.index_cast %add3A_2303 : i32 to index
        %get3A_2305 = arith.constant 0 : index
        %get3A_2306 = tpu.vector_load %arg15[%get3A_2304, %get3A_2305] {strides = array<i32>} : memref<80x128xf32, #tpu.memory_space<vmem>>, vector<1x16xf32>,
        %get3A_2307 = vector.shape_cast %get3A_2306 : vector<1x16xf32> to vector<16xf32>
        %add3A_2308 = arith.constant 40 : i32
        %add3A_2309 = arith.addi %add3A_2308, %add3A_2303 : i32
        %get3A_2310 = arith.index_cast %add3A_2309 : i32 to index
        %get3A_2311 = arith.constant 16 : index
        %get3A_2312 = tpu.vector_load %arg15[%get3A_2310, %get3A_2311] {strides = array<i32>} : memref<80x128xf32, #tpu.memory_space<vmem>>, vector<1x16xf32>,
        %get3A_2313 = vector.shape_cast %get3A_2312 : vector<1x16xf32> to vector<16xf32>
        %add3A_2314 = arith.addf %get3A_2307, %get3A_2313 : vector<16xf32>
        %mul3A_2315 = arith.constant 2.000000e-01 : f32
        %mul3A_2316 = vector.broadcast %mul3A_2315 : f32 to vector<16xf32>
        %mul3A_2317 = arith.mulf %mul3A_2316, %add3A_2314 : vector<16xf32>
        %max3A_2318 = arith.maximumf %add3A_2314, %mul3A_2317 : vector<16xf32>
        %exp3A_2319 = math.exp %max3A_2318 : vector<16xf32>
        %broadcast_in_dim3A_2320 = arith.constant 6 : i32
        %broadcast_in_dim3A_2321 = vector.broadcast %broadcast_in_dim3A_2320 : i32 to vector<16xi32>
        %lt3A_2322 = arith.constant 0 : i32
        %lt3A_2323 = vector.broadcast %lt3A_2322 : i32 to vector<16xi32>
        %lt3A_2324 = arith.cmpi slt, %broadcast_in_dim3A_2321, %lt3A_2323 : vector<16xi32>
        %add3A_2325 = arith.constant 16 : i32
        %add3A_2326 = vector.broadcast %add3A_2325 : i32 to vector<16xi32>
        %add3A_2327 = arith.addi %broadcast_in_dim3A_2321, %add3A_2326 : vector<16xi32>
        %select_n3A_2328 = arith.select %lt3A_2324, %add3A_2327, %broadcast_in_dim3A_2321 : vector<16xi1>, vector<16xi32>
        %broadcast_in_dim3A_2329 = vector.shape_cast %select_n3A_2328 : vector<16xi32> to vector<16x1xi32>
        %gather3A_2330 = vector.shape_cast %broadcast_in_dim3A_2329 : vector<16x1xi32> to vector<16xi32>
        %gather3A_2331 = tpu.dynamic_gather %get3A_268[%gather3A_2330] in [0] : vector<16xi32>, vector<16xi32> -> vector<16xi32>
        %and3A_2332 = arith.constant 7 : i32
        %and3A_2333 = vector.broadcast %and3A_2332 : i32 to vector<16xi32>
        %and3A_2334 = arith.andi %gather3A_2331, %and3A_2333 : vector<16xi32>
        %convert_element_type3A_2335 = arith.sitofp %and3A_2334 : vector<16xi32> to vector<16xf32>
        %sub3A_2336 = arith.constant 0.000000e+00 : f32
        %sub3A_2337 = vector.broadcast %sub3A_2336 : f32 to vector<16xf32>
        %sub3A_2338 = arith.subf %convert_element_type3A_2335, %sub3A_2337 : vector<16xf32>
        %abs3A_2339 = math.absf %sub3A_2338 : vector<16xf32>
        %sub3A_2340 = arith.constant 1.000000e+00 : f32
        %sub3A_2341 = vector.broadcast %sub3A_2340 : f32 to vector<16xf32>
        %sub3A_2342 = arith.subf %sub3A_2341, %abs3A_2339 : vector<16xf32>
        %max3A_2343 = arith.constant 0.000000e+00 : f32
        %max3A_2344 = vector.broadcast %max3A_2343 : f32 to vector<16xf32>
        %max3A_2345 = arith.maximumf %max3A_2344, %sub3A_2342 : vector<16xf32>
        %mul3A_2346 = arith.mulf %exp3A_2319, %max3A_2345 : vector<16xf32>
        %swap3A_2347 = arith.index_cast %add3A_2303 : i32 to index
        %swap3A_2348 = arith.constant 0 : index
        %swap3A_2349 = tpu.vector_load %arg16[%swap3A_2347, %swap3A_2348] {strides = array<i32>} : memref<40x128xf32, #tpu.memory_space<vmem>>, vector<1x16xf32>,
        %swap3A_2350 = vector.shape_cast %swap3A_2349 : vector<1x16xf32> to vector<16xf32>
        %swap3A_2351 = vector.shape_cast %mul3A_2346 : vector<16xf32> to vector<1x16xf32>
        tpu.vector_store %arg16[%swap3A_2347, %swap3A_2348], %swap3A_2351 {strides = array<i32>} : memref<40x128xf32, #tpu.memory_space<vmem>>, vector<1x16xf32>,
        %sub3A_2352 = arith.constant 1.000000e+00 : f32
        %sub3A_2353 = vector.broadcast %sub3A_2352 : f32 to vector<16xf32>
        %sub3A_2354 = arith.subf %convert_element_type3A_2335, %sub3A_2353 : vector<16xf32>
        %abs3A_2355 = math.absf %sub3A_2354 : vector<16xf32>
        %sub3A_2356 = arith.constant 1.000000e+00 : f32
        %sub3A_2357 = vector.broadcast %sub3A_2356 : f32 to vector<16xf32>
        %sub3A_2358 = arith.subf %sub3A_2357, %abs3A_2355 : vector<16xf32>
        %max3A_2359 = arith.constant 0.000000e+00 : f32
        %max3A_2360 = vector.broadcast %max3A_2359 : f32 to vector<16xf32>
        %max3A_2361 = arith.maximumf %max3A_2360, %sub3A_2358 : vector<16xf32>
        %mul3A_2362 = arith.mulf %exp3A_2319, %max3A_2361 : vector<16xf32>
        %swap3A_2363 = arith.index_cast %add3A_2303 : i32 to index
        %swap3A_2364 = arith.constant 16 : index
        %swap3A_2365 = tpu.vector_load %arg16[%swap3A_2363, %swap3A_2364] {strides = array<i32>} : memref<40x128xf32, #tpu.memory_space<vmem>>, vector<1x16xf32>,
        %swap3A_2366 = vector.shape_cast %swap3A_2365 : vector<1x16xf32> to vector<16xf32>
        %swap3A_2367 = vector.shape_cast %mul3A_2362 : vector<16xf32> to vector<1x16xf32>
        tpu.vector_store %arg16[%swap3A_2363, %swap3A_2364], %swap3A_2367 {strides = array<i32>} : memref<40x128xf32, #tpu.memory_space<vmem>>, vector<1x16xf32>,
        %sub3A_2368 = arith.constant 2.000000e+00 : f32
        %sub3A_2369 = vector.broadcast %sub3A_2368 : f32 to vector<16xf32>
        %sub3A_2370 = arith.subf %convert_element_type3A_2335, %sub3A_2369 : vector<16xf32>
        %abs3A_2371 = math.absf %sub3A_2370 : vector<16xf32>
        %sub3A_2372 = arith.constant 1.000000e+00 : f32
        %sub3A_2373 = vector.broadcast %sub3A_2372 : f32 to vector<16xf32>
        %sub3A_2374 = arith.subf %sub3A_2373, %abs3A_2371 : vector<16xf32>
        %max3A_2375 = arith.constant 0.000000e+00 : f32
        %max3A_2376 = vector.broadcast %max3A_2375 : f32 to vector<16xf32>
        %max3A_2377 = arith.maximumf %max3A_2376, %sub3A_2374 : vector<16xf32>
        %mul3A_2378 = arith.mulf %exp3A_2319, %max3A_2377 : vector<16xf32>
        %swap3A_2379 = arith.index_cast %add3A_2303 : i32 to index
        %swap3A_2380 = arith.constant 32 : index
        %swap3A_2381 = tpu.vector_load %arg16[%swap3A_2379, %swap3A_2380] {strides = array<i32>} : memref<40x128xf32, #tpu.memory_space<vmem>>, vector<1x16xf32>,
        %swap3A_2382 = vector.shape_cast %swap3A_2381 : vector<1x16xf32> to vector<16xf32>
        %swap3A_2383 = vector.shape_cast %mul3A_2378 : vector<16xf32> to vector<1x16xf32>
        tpu.vector_store %arg16[%swap3A_2379, %swap3A_2380], %swap3A_2383 {strides = array<i32>} : memref<40x128xf32, #tpu.memory_space<vmem>>, vector<1x16xf32>,
        %sub3A_2384 = arith.constant 3.000000e+00 : f32
        %sub3A_2385 = vector.broadcast %sub3A_2384 : f32 to vector<16xf32>
        %sub3A_2386 = arith.subf %convert_element_type3A_2335, %sub3A_2385 : vector<16xf32>
        %abs3A_2387 = math.absf %sub3A_2386 : vector<16xf32>
        %sub3A_2388 = arith.constant 1.000000e+00 : f32
        %sub3A_2389 = vector.broadcast %sub3A_2388 : f32 to vector<16xf32>
        %sub3A_2390 = arith.subf %sub3A_2389, %abs3A_2387 : vector<16xf32>
        %max3A_2391 = arith.constant 0.000000e+00 : f32
        %max3A_2392 = vector.broadcast %max3A_2391 : f32 to vector<16xf32>
        %max3A_2393 = arith.maximumf %max3A_2392, %sub3A_2390 : vector<16xf32>
        %mul3A_2394 = arith.mulf %exp3A_2319, %max3A_2393 : vector<16xf32>
        %swap3A_2395 = arith.index_cast %add3A_2303 : i32 to index
        %swap3A_2396 = arith.constant 48 : index
        %swap3A_2397 = tpu.vector_load %arg16[%swap3A_2395, %swap3A_2396] {strides = array<i32>} : memref<40x128xf32, #tpu.memory_space<vmem>>, vector<1x16xf32>,
        %swap3A_2398 = vector.shape_cast %swap3A_2397 : vector<1x16xf32> to vector<16xf32>
        %swap3A_2399 = vector.shape_cast %mul3A_2394 : vector<16xf32> to vector<1x16xf32>
        tpu.vector_store %arg16[%swap3A_2395, %swap3A_2396], %swap3A_2399 {strides = array<i32>} : memref<40x128xf32, #tpu.memory_space<vmem>>, vector<1x16xf32>,
        %sub3A_2400 = arith.constant 4.000000e+00 : f32
        %sub3A_2401 = vector.broadcast %sub3A_2400 : f32 to vector<16xf32>
        %sub3A_2402 = arith.subf %convert_element_type3A_2335, %sub3A_2401 : vector<16xf32>
        %abs3A_2403 = math.absf %sub3A_2402 : vector<16xf32>
        %sub3A_2404 = arith.constant 1.000000e+00 : f32
        %sub3A_2405 = vector.broadcast %sub3A_2404 : f32 to vector<16xf32>
        %sub3A_2406 = arith.subf %sub3A_2405, %abs3A_2403 : vector<16xf32>
        %max3A_2407 = arith.constant 0.000000e+00 : f32
        %max3A_2408 = vector.broadcast %max3A_2407 : f32 to vector<16xf32>
        %max3A_2409 = arith.maximumf %max3A_2408, %sub3A_2406 : vector<16xf32>
        %mul3A_2410 = arith.mulf %exp3A_2319, %max3A_2409 : vector<16xf32>
        %swap3A_2411 = arith.index_cast %add3A_2303 : i32 to index
        %swap3A_2412 = arith.constant 64 : index
        %swap3A_2413 = tpu.vector_load %arg16[%swap3A_2411, %swap3A_2412] {strides = array<i32>} : memref<40x128xf32, #tpu.memory_space<vmem>>, vector<1x16xf32>,
        %swap3A_2414 = vector.shape_cast %swap3A_2413 : vector<1x16xf32> to vector<16xf32>
        %swap3A_2415 = vector.shape_cast %mul3A_2410 : vector<16xf32> to vector<1x16xf32>
        tpu.vector_store %arg16[%swap3A_2411, %swap3A_2412], %swap3A_2415 {strides = array<i32>} : memref<40x128xf32, #tpu.memory_space<vmem>>, vector<1x16xf32>,
        %sub3A_2416 = arith.constant 5.000000e+00 : f32
        %sub3A_2417 = vector.broadcast %sub3A_2416 : f32 to vector<16xf32>
        %sub3A_2418 = arith.subf %convert_element_type3A_2335, %sub3A_2417 : vector<16xf32>
        %abs3A_2419 = math.absf %sub3A_2418 : vector<16xf32>
        %sub3A_2420 = arith.constant 1.000000e+00 : f32
        %sub3A_2421 = vector.broadcast %sub3A_2420 : f32 to vector<16xf32>
        %sub3A_2422 = arith.subf %sub3A_2421, %abs3A_2419 : vector<16xf32>
        %max3A_2423 = arith.constant 0.000000e+00 : f32
        %max3A_2424 = vector.broadcast %max3A_2423 : f32 to vector<16xf32>
        %max3A_2425 = arith.maximumf %max3A_2424, %sub3A_2422 : vector<16xf32>
        %mul3A_2426 = arith.mulf %exp3A_2319, %max3A_2425 : vector<16xf32>
        %swap3A_2427 = arith.index_cast %add3A_2303 : i32 to index
        %swap3A_2428 = arith.constant 80 : index
        %swap3A_2429 = tpu.vector_load %arg16[%swap3A_2427, %swap3A_2428] {strides = array<i32>} : memref<40x128xf32, #tpu.memory_space<vmem>>, vector<1x16xf32>,
        %swap3A_2430 = vector.shape_cast %swap3A_2429 : vector<1x16xf32> to vector<16xf32>
        %swap3A_2431 = vector.shape_cast %mul3A_2426 : vector<16xf32> to vector<1x16xf32>
        tpu.vector_store %arg16[%swap3A_2427, %swap3A_2428], %swap3A_2431 {strides = array<i32>} : memref<40x128xf32, #tpu.memory_space<vmem>>, vector<1x16xf32>,
        %sub3A_2432 = arith.constant 6.000000e+00 : f32
        %sub3A_2433 = vector.broadcast %sub3A_2432 : f32 to vector<16xf32>
        %sub3A_2434 = arith.subf %convert_element_type3A_2335, %sub3A_2433 : vector<16xf32>
        %abs3A_2435 = math.absf %sub3A_2434 : vector<16xf32>
        %sub3A_2436 = arith.constant 1.000000e+00 : f32
        %sub3A_2437 = vector.broadcast %sub3A_2436 : f32 to vector<16xf32>
        %sub3A_2438 = arith.subf %sub3A_2437, %abs3A_2435 : vector<16xf32>
        %max3A_2439 = arith.constant 0.000000e+00 : f32
        %max3A_2440 = vector.broadcast %max3A_2439 : f32 to vector<16xf32>
        %max3A_2441 = arith.maximumf %max3A_2440, %sub3A_2438 : vector<16xf32>
        %mul3A_2442 = arith.mulf %exp3A_2319, %max3A_2441 : vector<16xf32>
        %swap3A_2443 = arith.index_cast %add3A_2303 : i32 to index
        %swap3A_2444 = arith.constant 96 : index
        %swap3A_2445 = tpu.vector_load %arg16[%swap3A_2443, %swap3A_2444] {strides = array<i32>} : memref<40x128xf32, #tpu.memory_space<vmem>>, vector<1x16xf32>,
        %swap3A_2446 = vector.shape_cast %swap3A_2445 : vector<1x16xf32> to vector<16xf32>
        %swap3A_2447 = vector.shape_cast %mul3A_2442 : vector<16xf32> to vector<1x16xf32>
        tpu.vector_store %arg16[%swap3A_2443, %swap3A_2444], %swap3A_2447 {strides = array<i32>} : memref<40x128xf32, #tpu.memory_space<vmem>>, vector<1x16xf32>,
        %sub3A_2448 = arith.constant 7.000000e+00 : f32
        %sub3A_2449 = vector.broadcast %sub3A_2448 : f32 to vector<16xf32>
        %sub3A_2450 = arith.subf %convert_element_type3A_2335, %sub3A_2449 : vector<16xf32>
        %abs3A_2451 = math.absf %sub3A_2450 : vector<16xf32>
        %sub3A_2452 = arith.constant 1.000000e+00 : f32
        %sub3A_2453 = vector.broadcast %sub3A_2452 : f32 to vector<16xf32>
        %sub3A_2454 = arith.subf %sub3A_2453, %abs3A_2451 : vector<16xf32>
        %max3A_2455 = arith.constant 0.000000e+00 : f32
        %max3A_2456 = vector.broadcast %max3A_2455 : f32 to vector<16xf32>
        %max3A_2457 = arith.maximumf %max3A_2456, %sub3A_2454 : vector<16xf32>
        %mul3A_2458 = arith.mulf %exp3A_2319, %max3A_2457 : vector<16xf32>
        %swap3A_2459 = arith.index_cast %add3A_2303 : i32 to index
        %swap3A_2460 = arith.constant 112 : index
        %swap3A_2461 = tpu.vector_load %arg16[%swap3A_2459, %swap3A_2460] {strides = array<i32>} : memref<40x128xf32, #tpu.memory_space<vmem>>, vector<1x16xf32>,
        %swap3A_2462 = vector.shape_cast %swap3A_2461 : vector<1x16xf32> to vector<16xf32>
        %swap3A_2463 = vector.shape_cast %mul3A_2458 : vector<16xf32> to vector<1x16xf32>
        tpu.vector_store %arg16[%swap3A_2459, %swap3A_2460], %swap3A_2463 {strides = array<i32>} : memref<40x128xf32, #tpu.memory_space<vmem>>, vector<1x16xf32>,
        %broadcast_in_dim3A_2464 = arith.constant 0 : i32
        %broadcast_in_dim3A_2465 = vector.broadcast %broadcast_in_dim3A_2464 : i32 to vector<16xi32>
        %lt3A_2466 = arith.constant 0 : i32
        %lt3A_2467 = vector.broadcast %lt3A_2466 : i32 to vector<16xi32>
        %lt3A_2468 = arith.cmpi slt, %broadcast_in_dim3A_2465, %lt3A_2467 : vector<16xi32>
        %add3A_2469 = arith.constant 16 : i32
        %add3A_2470 = vector.broadcast %add3A_2469 : i32 to vector<16xi32>
        %add3A_2471 = arith.addi %broadcast_in_dim3A_2465, %add3A_2470 : vector<16xi32>
        %select_n3A_2472 = arith.select %lt3A_2468, %add3A_2471, %broadcast_in_dim3A_2465 : vector<16xi1>, vector<16xi32>
        %broadcast_in_dim3A_2473 = vector.shape_cast %select_n3A_2472 : vector<16xi32> to vector<16x1xi32>
        %gather3A_2474 = vector.shape_cast %broadcast_in_dim3A_2473 : vector<16x1xi32> to vector<16xi32>
        %gather3A_2475 = tpu.dynamic_gather %exp3A_2319[%gather3A_2474] in [0] : vector<16xf32>, vector<16xi32> -> vector<16xf32>
        %get3A_2476 = arith.index_cast %add3A_2303 : i32 to index
        %get3A_2477 = arith.constant 0 : index
        %get3A_2478 = tpu.vector_load %arg14[%get3A_2476, %get3A_2477] {strides = array<i32>} : memref<40x128xf32, #tpu.memory_space<vmem>>, vector<1x16xf32>,
        %get3A_2479 = vector.shape_cast %get3A_2478 : vector<1x16xf32> to vector<16xf32>
        %mul3A_2480 = arith.mulf %get3A_2479, %gather3A_2475 : vector<16xf32>
        %swap3A_2481 = arith.index_cast %add3A_2303 : i32 to index
        %swap3A_2482 = arith.constant 0 : index
        %swap3A_2483 = tpu.vector_load %arg14[%swap3A_2481, %swap3A_2482] {strides = array<i32>} : memref<40x128xf32, #tpu.memory_space<vmem>>, vector<1x16xf32>,
        %swap3A_2484 = vector.shape_cast %swap3A_2483 : vector<1x16xf32> to vector<16xf32>
        %swap3A_2485 = vector.shape_cast %mul3A_2480 : vector<16xf32> to vector<1x16xf32>
        tpu.vector_store %arg14[%swap3A_2481, %swap3A_2482], %swap3A_2485 {strides = array<i32>} : memref<40x128xf32, #tpu.memory_space<vmem>>, vector<1x16xf32>,
        %broadcast_in_dim3A_2486 = arith.constant 1 : i32
        %broadcast_in_dim3A_2487 = vector.broadcast %broadcast_in_dim3A_2486 : i32 to vector<16xi32>
        %lt3A_2488 = arith.constant 0 : i32
        %lt3A_2489 = vector.broadcast %lt3A_2488 : i32 to vector<16xi32>
        %lt3A_2490 = arith.cmpi slt, %broadcast_in_dim3A_2487, %lt3A_2489 : vector<16xi32>
        %add3A_2491 = arith.constant 16 : i32
        %add3A_2492 = vector.broadcast %add3A_2491 : i32 to vector<16xi32>
        %add3A_2493 = arith.addi %broadcast_in_dim3A_2487, %add3A_2492 : vector<16xi32>
        %select_n3A_2494 = arith.select %lt3A_2490, %add3A_2493, %broadcast_in_dim3A_2487 : vector<16xi1>, vector<16xi32>
        %broadcast_in_dim3A_2495 = vector.shape_cast %select_n3A_2494 : vector<16xi32> to vector<16x1xi32>
        %gather3A_2496 = vector.shape_cast %broadcast_in_dim3A_2495 : vector<16x1xi32> to vector<16xi32>
        %gather3A_2497 = tpu.dynamic_gather %exp3A_2319[%gather3A_2496] in [0] : vector<16xf32>, vector<16xi32> -> vector<16xf32>
        %get3A_2498 = arith.index_cast %add3A_2303 : i32 to index
        %get3A_2499 = arith.constant 16 : index
        %get3A_2500 = tpu.vector_load %arg14[%get3A_2498, %get3A_2499] {strides = array<i32>} : memref<40x128xf32, #tpu.memory_space<vmem>>, vector<1x16xf32>,
        %get3A_2501 = vector.shape_cast %get3A_2500 : vector<1x16xf32> to vector<16xf32>
        %mul3A_2502 = arith.mulf %get3A_2501, %gather3A_2497 : vector<16xf32>
        %swap3A_2503 = arith.index_cast %add3A_2303 : i32 to index
        %swap3A_2504 = arith.constant 16 : index
        %swap3A_2505 = tpu.vector_load %arg14[%swap3A_2503, %swap3A_2504] {strides = array<i32>} : memref<40x128xf32, #tpu.memory_space<vmem>>, vector<1x16xf32>,
        %swap3A_2506 = vector.shape_cast %swap3A_2505 : vector<1x16xf32> to vector<16xf32>
        %swap3A_2507 = vector.shape_cast %mul3A_2502 : vector<16xf32> to vector<1x16xf32>
        tpu.vector_store %arg14[%swap3A_2503, %swap3A_2504], %swap3A_2507 {strides = array<i32>} : memref<40x128xf32, #tpu.memory_space<vmem>>, vector<1x16xf32>,
        %broadcast_in_dim3A_2508 = arith.constant 2 : i32
        %broadcast_in_dim3A_2509 = vector.broadcast %broadcast_in_dim3A_2508 : i32 to vector<16xi32>
        %lt3A_2510 = arith.constant 0 : i32
        %lt3A_2511 = vector.broadcast %lt3A_2510 : i32 to vector<16xi32>
        %lt3A_2512 = arith.cmpi slt, %broadcast_in_dim3A_2509, %lt3A_2511 : vector<16xi32>
        %add3A_2513 = arith.constant 16 : i32
        %add3A_2514 = vector.broadcast %add3A_2513 : i32 to vector<16xi32>
        %add3A_2515 = arith.addi %broadcast_in_dim3A_2509, %add3A_2514 : vector<16xi32>
        %select_n3A_2516 = arith.select %lt3A_2512, %add3A_2515, %broadcast_in_dim3A_2509 : vector<16xi1>, vector<16xi32>
        %broadcast_in_dim3A_2517 = vector.shape_cast %select_n3A_2516 : vector<16xi32> to vector<16x1xi32>
        %gather3A_2518 = vector.shape_cast %broadcast_in_dim3A_2517 : vector<16x1xi32> to vector<16xi32>
        %gather3A_2519 = tpu.dynamic_gather %exp3A_2319[%gather3A_2518] in [0] : vector<16xf32>, vector<16xi32> -> vector<16xf32>
        %get3A_2520 = arith.index_cast %add3A_2303 : i32 to index
        %get3A_2521 = arith.constant 32 : index
        %get3A_2522 = tpu.vector_load %arg14[%get3A_2520, %get3A_2521] {strides = array<i32>} : memref<40x128xf32, #tpu.memory_space<vmem>>, vector<1x16xf32>,
        %get3A_2523 = vector.shape_cast %get3A_2522 : vector<1x16xf32> to vector<16xf32>
        %mul3A_2524 = arith.mulf %get3A_2523, %gather3A_2519 : vector<16xf32>
        %swap3A_2525 = arith.index_cast %add3A_2303 : i32 to index
        %swap3A_2526 = arith.constant 32 : index
        %swap3A_2527 = tpu.vector_load %arg14[%swap3A_2525, %swap3A_2526] {strides = array<i32>} : memref<40x128xf32, #tpu.memory_space<vmem>>, vector<1x16xf32>,
        %swap3A_2528 = vector.shape_cast %swap3A_2527 : vector<1x16xf32> to vector<16xf32>
        %swap3A_2529 = vector.shape_cast %mul3A_2524 : vector<16xf32> to vector<1x16xf32>
        tpu.vector_store %arg14[%swap3A_2525, %swap3A_2526], %swap3A_2529 {strides = array<i32>} : memref<40x128xf32, #tpu.memory_space<vmem>>, vector<1x16xf32>,
        %broadcast_in_dim3A_2530 = arith.constant 3 : i32
        %broadcast_in_dim3A_2531 = vector.broadcast %broadcast_in_dim3A_2530 : i32 to vector<16xi32>
        %lt3A_2532 = arith.constant 0 : i32
        %lt3A_2533 = vector.broadcast %lt3A_2532 : i32 to vector<16xi32>
        %lt3A_2534 = arith.cmpi slt, %broadcast_in_dim3A_2531, %lt3A_2533 : vector<16xi32>
        %add3A_2535 = arith.constant 16 : i32
        %add3A_2536 = vector.broadcast %add3A_2535 : i32 to vector<16xi32>
        %add3A_2537 = arith.addi %broadcast_in_dim3A_2531, %add3A_2536 : vector<16xi32>
        %select_n3A_2538 = arith.select %lt3A_2534, %add3A_2537, %broadcast_in_dim3A_2531 : vector<16xi1>, vector<16xi32>
        %broadcast_in_dim3A_2539 = vector.shape_cast %select_n3A_2538 : vector<16xi32> to vector<16x1xi32>
        %gather3A_2540 = vector.shape_cast %broadcast_in_dim3A_2539 : vector<16x1xi32> to vector<16xi32>
        %gather3A_2541 = tpu.dynamic_gather %exp3A_2319[%gather3A_2540] in [0] : vector<16xf32>, vector<16xi32> -> vector<16xf32>
        %get3A_2542 = arith.index_cast %add3A_2303 : i32 to index
        %get3A_2543 = arith.constant 48 : index
        %get3A_2544 = tpu.vector_load %arg14[%get3A_2542, %get3A_2543] {strides = array<i32>} : memref<40x128xf32, #tpu.memory_space<vmem>>, vector<1x16xf32>,
        %get3A_2545 = vector.shape_cast %get3A_2544 : vector<1x16xf32> to vector<16xf32>
        %mul3A_2546 = arith.mulf %get3A_2545, %gather3A_2541 : vector<16xf32>
        %swap3A_2547 = arith.index_cast %add3A_2303 : i32 to index
        %swap3A_2548 = arith.constant 48 : index
        %swap3A_2549 = tpu.vector_load %arg14[%swap3A_2547, %swap3A_2548] {strides = array<i32>} : memref<40x128xf32, #tpu.memory_space<vmem>>, vector<1x16xf32>,
        %swap3A_2550 = vector.shape_cast %swap3A_2549 : vector<1x16xf32> to vector<16xf32>
        %swap3A_2551 = vector.shape_cast %mul3A_2546 : vector<16xf32> to vector<1x16xf32>
        tpu.vector_store %arg14[%swap3A_2547, %swap3A_2548], %swap3A_2551 {strides = array<i32>} : memref<40x128xf32, #tpu.memory_space<vmem>>, vector<1x16xf32>,
        %broadcast_in_dim3A_2552 = arith.constant 4 : i32
        %broadcast_in_dim3A_2553 = vector.broadcast %broadcast_in_dim3A_2552 : i32 to vector<16xi32>
        %lt3A_2554 = arith.constant 0 : i32
        %lt3A_2555 = vector.broadcast %lt3A_2554 : i32 to vector<16xi32>
        %lt3A_2556 = arith.cmpi slt, %broadcast_in_dim3A_2553, %lt3A_2555 : vector<16xi32>
        %add3A_2557 = arith.constant 16 : i32
        %add3A_2558 = vector.broadcast %add3A_2557 : i32 to vector<16xi32>
        %add3A_2559 = arith.addi %broadcast_in_dim3A_2553, %add3A_2558 : vector<16xi32>
        %select_n3A_2560 = arith.select %lt3A_2556, %add3A_2559, %broadcast_in_dim3A_2553 : vector<16xi1>, vector<16xi32>
        %broadcast_in_dim3A_2561 = vector.shape_cast %select_n3A_2560 : vector<16xi32> to vector<16x1xi32>
        %gather3A_2562 = vector.shape_cast %broadcast_in_dim3A_2561 : vector<16x1xi32> to vector<16xi32>
        %gather3A_2563 = tpu.dynamic_gather %exp3A_2319[%gather3A_2562] in [0] : vector<16xf32>, vector<16xi32> -> vector<16xf32>
        %get3A_2564 = arith.index_cast %add3A_2303 : i32 to index
        %get3A_2565 = arith.constant 64 : index
        %get3A_2566 = tpu.vector_load %arg14[%get3A_2564, %get3A_2565] {strides = array<i32>} : memref<40x128xf32, #tpu.memory_space<vmem>>, vector<1x16xf32>,
        %get3A_2567 = vector.shape_cast %get3A_2566 : vector<1x16xf32> to vector<16xf32>
        %mul3A_2568 = arith.mulf %get3A_2567, %gather3A_2563 : vector<16xf32>
        %swap3A_2569 = arith.index_cast %add3A_2303 : i32 to index
        %swap3A_2570 = arith.constant 64 : index
        %swap3A_2571 = tpu.vector_load %arg14[%swap3A_2569, %swap3A_2570] {strides = array<i32>} : memref<40x128xf32, #tpu.memory_space<vmem>>, vector<1x16xf32>,
        %swap3A_2572 = vector.shape_cast %swap3A_2571 : vector<1x16xf32> to vector<16xf32>
        %swap3A_2573 = vector.shape_cast %mul3A_2568 : vector<16xf32> to vector<1x16xf32>
        tpu.vector_store %arg14[%swap3A_2569, %swap3A_2570], %swap3A_2573 {strides = array<i32>} : memref<40x128xf32, #tpu.memory_space<vmem>>, vector<1x16xf32>,
        %broadcast_in_dim3A_2574 = arith.constant 5 : i32
        %broadcast_in_dim3A_2575 = vector.broadcast %broadcast_in_dim3A_2574 : i32 to vector<16xi32>
        %lt3A_2576 = arith.constant 0 : i32
        %lt3A_2577 = vector.broadcast %lt3A_2576 : i32 to vector<16xi32>
        %lt3A_2578 = arith.cmpi slt, %broadcast_in_dim3A_2575, %lt3A_2577 : vector<16xi32>
        %add3A_2579 = arith.constant 16 : i32
        %add3A_2580 = vector.broadcast %add3A_2579 : i32 to vector<16xi32>
        %add3A_2581 = arith.addi %broadcast_in_dim3A_2575, %add3A_2580 : vector<16xi32>
        %select_n3A_2582 = arith.select %lt3A_2578, %add3A_2581, %broadcast_in_dim3A_2575 : vector<16xi1>, vector<16xi32>
        %broadcast_in_dim3A_2583 = vector.shape_cast %select_n3A_2582 : vector<16xi32> to vector<16x1xi32>
        %gather3A_2584 = vector.shape_cast %broadcast_in_dim3A_2583 : vector<16x1xi32> to vector<16xi32>
        %gather3A_2585 = tpu.dynamic_gather %exp3A_2319[%gather3A_2584] in [0] : vector<16xf32>, vector<16xi32> -> vector<16xf32>
        %get3A_2586 = arith.index_cast %add3A_2303 : i32 to index
        %get3A_2587 = arith.constant 80 : index
        %get3A_2588 = tpu.vector_load %arg14[%get3A_2586, %get3A_2587] {strides = array<i32>} : memref<40x128xf32, #tpu.memory_space<vmem>>, vector<1x16xf32>,
        %get3A_2589 = vector.shape_cast %get3A_2588 : vector<1x16xf32> to vector<16xf32>
        %mul3A_2590 = arith.mulf %get3A_2589, %gather3A_2585 : vector<16xf32>
        %swap3A_2591 = arith.index_cast %add3A_2303 : i32 to index
        %swap3A_2592 = arith.constant 80 : index
        %swap3A_2593 = tpu.vector_load %arg14[%swap3A_2591, %swap3A_2592] {strides = array<i32>} : memref<40x128xf32, #tpu.memory_space<vmem>>, vector<1x16xf32>,
        %swap3A_2594 = vector.shape_cast %swap3A_2593 : vector<1x16xf32> to vector<16xf32>
        %swap3A_2595 = vector.shape_cast %mul3A_2590 : vector<16xf32> to vector<1x16xf32>
        tpu.vector_store %arg14[%swap3A_2591, %swap3A_2592], %swap3A_2595 {strides = array<i32>} : memref<40x128xf32, #tpu.memory_space<vmem>>, vector<1x16xf32>,
        %broadcast_in_dim3A_2596 = arith.constant 6 : i32
        %broadcast_in_dim3A_2597 = vector.broadcast %broadcast_in_dim3A_2596 : i32 to vector<16xi32>
        %lt3A_2598 = arith.constant 0 : i32
        %lt3A_2599 = vector.broadcast %lt3A_2598 : i32 to vector<16xi32>
        %lt3A_2600 = arith.cmpi slt, %broadcast_in_dim3A_2597, %lt3A_2599 : vector<16xi32>
        %add3A_2601 = arith.constant 16 : i32
        %add3A_2602 = vector.broadcast %add3A_2601 : i32 to vector<16xi32>
        %add3A_2603 = arith.addi %broadcast_in_dim3A_2597, %add3A_2602 : vector<16xi32>
        %select_n3A_2604 = arith.select %lt3A_2600, %add3A_2603, %broadcast_in_dim3A_2597 : vector<16xi1>, vector<16xi32>
        %broadcast_in_dim3A_2605 = vector.shape_cast %select_n3A_2604 : vector<16xi32> to vector<16x1xi32>
        %gather3A_2606 = vector.shape_cast %broadcast_in_dim3A_2605 : vector<16x1xi32> to vector<16xi32>
        %gather3A_2607 = tpu.dynamic_gather %exp3A_2319[%gather3A_2606] in [0] : vector<16xf32>, vector<16xi32> -> vector<16xf32>
        %get3A_2608 = arith.index_cast %add3A_2303 : i32 to index
        %get3A_2609 = arith.constant 96 : index
        %get3A_2610 = tpu.vector_load %arg14[%get3A_2608, %get3A_2609] {strides = array<i32>} : memref<40x128xf32, #tpu.memory_space<vmem>>, vector<1x16xf32>,
        %get3A_2611 = vector.shape_cast %get3A_2610 : vector<1x16xf32> to vector<16xf32>
        %mul3A_2612 = arith.mulf %get3A_2611, %gather3A_2607 : vector<16xf32>
        %swap3A_2613 = arith.index_cast %add3A_2303 : i32 to index
        %swap3A_2614 = arith.constant 96 : index
        %swap3A_2615 = tpu.vector_load %arg14[%swap3A_2613, %swap3A_2614] {strides = array<i32>} : memref<40x128xf32, #tpu.memory_space<vmem>>, vector<1x16xf32>,
        %swap3A_2616 = vector.shape_cast %swap3A_2615 : vector<1x16xf32> to vector<16xf32>
        %swap3A_2617 = vector.shape_cast %mul3A_2612 : vector<16xf32> to vector<1x16xf32>
        tpu.vector_store %arg14[%swap3A_2613, %swap3A_2614], %swap3A_2617 {strides = array<i32>} : memref<40x128xf32, #tpu.memory_space<vmem>>, vector<1x16xf32>,
        %broadcast_in_dim3A_2618 = arith.constant 7 : i32
        %broadcast_in_dim3A_2619 = vector.broadcast %broadcast_in_dim3A_2618 : i32 to vector<16xi32>
        %lt3A_2620 = arith.constant 0 : i32
        %lt3A_2621 = vector.broadcast %lt3A_2620 : i32 to vector<16xi32>
        %lt3A_2622 = arith.cmpi slt, %broadcast_in_dim3A_2619, %lt3A_2621 : vector<16xi32>
        %add3A_2623 = arith.constant 16 : i32
        %add3A_2624 = vector.broadcast %add3A_2623 : i32 to vector<16xi32>
        %add3A_2625 = arith.addi %broadcast_in_dim3A_2619, %add3A_2624 : vector<16xi32>
        %select_n3A_2626 = arith.select %lt3A_2622, %add3A_2625, %broadcast_in_dim3A_2619 : vector<16xi1>, vector<16xi32>
        %broadcast_in_dim3A_2627 = vector.shape_cast %select_n3A_2626 : vector<16xi32> to vector<16x1xi32>
        %gather3A_2628 = vector.shape_cast %broadcast_in_dim3A_2627 : vector<16x1xi32> to vector<16xi32>
        %gather3A_2629 = tpu.dynamic_gather %exp3A_2319[%gather3A_2628] in [0] : vector<16xf32>, vector<16xi32> -> vector<16xf32>
        %get3A_2630 = arith.index_cast %add3A_2303 : i32 to index
        %get3A_2631 = arith.constant 112 : index
        %get3A_2632 = tpu.vector_load %arg14[%get3A_2630, %get3A_2631] {strides = array<i32>} : memref<40x128xf32, #tpu.memory_space<vmem>>, vector<1x16xf32>,
        %get3A_2633 = vector.shape_cast %get3A_2632 : vector<1x16xf32> to vector<16xf32>
        %mul3A_2634 = arith.mulf %get3A_2633, %gather3A_2629 : vector<16xf32>
        %swap3A_2635 = arith.index_cast %add3A_2303 : i32 to index
        %swap3A_2636 = arith.constant 112 : index
        %swap3A_2637 = tpu.vector_load %arg14[%swap3A_2635, %swap3A_2636] {strides = array<i32>} : memref<40x128xf32, #tpu.memory_space<vmem>>, vector<1x16xf32>,
        %swap3A_2638 = vector.shape_cast %swap3A_2637 : vector<1x16xf32> to vector<16xf32>
        %swap3A_2639 = vector.shape_cast %mul3A_2634 : vector<16xf32> to vector<1x16xf32>
        tpu.vector_store %arg14[%swap3A_2635, %swap3A_2636], %swap3A_2639 {strides = array<i32>} : memref<40x128xf32, #tpu.memory_space<vmem>>, vector<1x16xf32>,
        %mul3A_2640 = arith.constant 8 : i32
        %mul3A_2641 = arith.muli %mul3A_2640, %scan3A_261 : i32
        %add3A_2642 = arith.constant 7 : i32
        %add3A_2643 = arith.addi %mul3A_2641, %add3A_2642 : i32
        %get3A_2644 = arith.index_cast %add3A_2643 : i32 to index
        %get3A_2645 = arith.constant 0 : index
        %get3A_2646 = tpu.vector_load %arg15[%get3A_2644, %get3A_2645] {strides = array<i32>} : memref<80x128xf32, #tpu.memory_space<vmem>>, vector<1x16xf32>,
        %get3A_2647 = vector.shape_cast %get3A_2646 : vector<1x16xf32> to vector<16xf32>
        %add3A_2648 = arith.constant 40 : i32
        %add3A_2649 = arith.addi %add3A_2648, %add3A_2643 : i32
        %get3A_2650 = arith.index_cast %add3A_2649 : i32 to index
        %get3A_2651 = arith.constant 16 : index
        %get3A_2652 = tpu.vector_load %arg15[%get3A_2650, %get3A_2651] {strides = array<i32>} : memref<80x128xf32, #tpu.memory_space<vmem>>, vector<1x16xf32>,
        %get3A_2653 = vector.shape_cast %get3A_2652 : vector<1x16xf32> to vector<16xf32>
        %add3A_2654 = arith.addf %get3A_2647, %get3A_2653 : vector<16xf32>
        %mul3A_2655 = arith.constant 2.000000e-01 : f32
        %mul3A_2656 = vector.broadcast %mul3A_2655 : f32 to vector<16xf32>
        %mul3A_2657 = arith.mulf %mul3A_2656, %add3A_2654 : vector<16xf32>
        %max3A_2658 = arith.maximumf %add3A_2654, %mul3A_2657 : vector<16xf32>
        %exp3A_2659 = math.exp %max3A_2658 : vector<16xf32>
        %broadcast_in_dim3A_2660 = arith.constant 7 : i32
        %broadcast_in_dim3A_2661 = vector.broadcast %broadcast_in_dim3A_2660 : i32 to vector<16xi32>
        %lt3A_2662 = arith.constant 0 : i32
        %lt3A_2663 = vector.broadcast %lt3A_2662 : i32 to vector<16xi32>
        %lt3A_2664 = arith.cmpi slt, %broadcast_in_dim3A_2661, %lt3A_2663 : vector<16xi32>
        %add3A_2665 = arith.constant 16 : i32
        %add3A_2666 = vector.broadcast %add3A_2665 : i32 to vector<16xi32>
        %add3A_2667 = arith.addi %broadcast_in_dim3A_2661, %add3A_2666 : vector<16xi32>
        %select_n3A_2668 = arith.select %lt3A_2664, %add3A_2667, %broadcast_in_dim3A_2661 : vector<16xi1>, vector<16xi32>
        %broadcast_in_dim3A_2669 = vector.shape_cast %select_n3A_2668 : vector<16xi32> to vector<16x1xi32>
        %gather3A_2670 = vector.shape_cast %broadcast_in_dim3A_2669 : vector<16x1xi32> to vector<16xi32>
        %gather3A_2671 = tpu.dynamic_gather %get3A_268[%gather3A_2670] in [0] : vector<16xi32>, vector<16xi32> -> vector<16xi32>
        %and3A_2672 = arith.constant 7 : i32
        %and3A_2673 = vector.broadcast %and3A_2672 : i32 to vector<16xi32>
        %and3A_2674 = arith.andi %gather3A_2671, %and3A_2673 : vector<16xi32>
        %convert_element_type3A_2675 = arith.sitofp %and3A_2674 : vector<16xi32> to vector<16xf32>
        %sub3A_2676 = arith.constant 0.000000e+00 : f32
        %sub3A_2677 = vector.broadcast %sub3A_2676 : f32 to vector<16xf32>
        %sub3A_2678 = arith.subf %convert_element_type3A_2675, %sub3A_2677 : vector<16xf32>
        %abs3A_2679 = math.absf %sub3A_2678 : vector<16xf32>
        %sub3A_2680 = arith.constant 1.000000e+00 : f32
        %sub3A_2681 = vector.broadcast %sub3A_2680 : f32 to vector<16xf32>
        %sub3A_2682 = arith.subf %sub3A_2681, %abs3A_2679 : vector<16xf32>
        %max3A_2683 = arith.constant 0.000000e+00 : f32
        %max3A_2684 = vector.broadcast %max3A_2683 : f32 to vector<16xf32>
        %max3A_2685 = arith.maximumf %max3A_2684, %sub3A_2682 : vector<16xf32>
        %mul3A_2686 = arith.mulf %exp3A_2659, %max3A_2685 : vector<16xf32>
        %swap3A_2687 = arith.index_cast %add3A_2643 : i32 to index
        %swap3A_2688 = arith.constant 0 : index
        %swap3A_2689 = tpu.vector_load %arg16[%swap3A_2687, %swap3A_2688] {strides = array<i32>} : memref<40x128xf32, #tpu.memory_space<vmem>>, vector<1x16xf32>,
        %swap3A_2690 = vector.shape_cast %swap3A_2689 : vector<1x16xf32> to vector<16xf32>
        %swap3A_2691 = vector.shape_cast %mul3A_2686 : vector<16xf32> to vector<1x16xf32>
        tpu.vector_store %arg16[%swap3A_2687, %swap3A_2688], %swap3A_2691 {strides = array<i32>} : memref<40x128xf32, #tpu.memory_space<vmem>>, vector<1x16xf32>,
        %sub3A_2692 = arith.constant 1.000000e+00 : f32
        %sub3A_2693 = vector.broadcast %sub3A_2692 : f32 to vector<16xf32>
        %sub3A_2694 = arith.subf %convert_element_type3A_2675, %sub3A_2693 : vector<16xf32>
        %abs3A_2695 = math.absf %sub3A_2694 : vector<16xf32>
        %sub3A_2696 = arith.constant 1.000000e+00 : f32
        %sub3A_2697 = vector.broadcast %sub3A_2696 : f32 to vector<16xf32>
        %sub3A_2698 = arith.subf %sub3A_2697, %abs3A_2695 : vector<16xf32>
        %max3A_2699 = arith.constant 0.000000e+00 : f32
        %max3A_2700 = vector.broadcast %max3A_2699 : f32 to vector<16xf32>
        %max3A_2701 = arith.maximumf %max3A_2700, %sub3A_2698 : vector<16xf32>
        %mul3A_2702 = arith.mulf %exp3A_2659, %max3A_2701 : vector<16xf32>
        %swap3A_2703 = arith.index_cast %add3A_2643 : i32 to index
        %swap3A_2704 = arith.constant 16 : index
        %swap3A_2705 = tpu.vector_load %arg16[%swap3A_2703, %swap3A_2704] {strides = array<i32>} : memref<40x128xf32, #tpu.memory_space<vmem>>, vector<1x16xf32>,
        %swap3A_2706 = vector.shape_cast %swap3A_2705 : vector<1x16xf32> to vector<16xf32>
        %swap3A_2707 = vector.shape_cast %mul3A_2702 : vector<16xf32> to vector<1x16xf32>
        tpu.vector_store %arg16[%swap3A_2703, %swap3A_2704], %swap3A_2707 {strides = array<i32>} : memref<40x128xf32, #tpu.memory_space<vmem>>, vector<1x16xf32>,
        %sub3A_2708 = arith.constant 2.000000e+00 : f32
        %sub3A_2709 = vector.broadcast %sub3A_2708 : f32 to vector<16xf32>
        %sub3A_2710 = arith.subf %convert_element_type3A_2675, %sub3A_2709 : vector<16xf32>
        %abs3A_2711 = math.absf %sub3A_2710 : vector<16xf32>
        %sub3A_2712 = arith.constant 1.000000e+00 : f32
        %sub3A_2713 = vector.broadcast %sub3A_2712 : f32 to vector<16xf32>
        %sub3A_2714 = arith.subf %sub3A_2713, %abs3A_2711 : vector<16xf32>
        %max3A_2715 = arith.constant 0.000000e+00 : f32
        %max3A_2716 = vector.broadcast %max3A_2715 : f32 to vector<16xf32>
        %max3A_2717 = arith.maximumf %max3A_2716, %sub3A_2714 : vector<16xf32>
        %mul3A_2718 = arith.mulf %exp3A_2659, %max3A_2717 : vector<16xf32>
        %swap3A_2719 = arith.index_cast %add3A_2643 : i32 to index
        %swap3A_2720 = arith.constant 32 : index
        %swap3A_2721 = tpu.vector_load %arg16[%swap3A_2719, %swap3A_2720] {strides = array<i32>} : memref<40x128xf32, #tpu.memory_space<vmem>>, vector<1x16xf32>,
        %swap3A_2722 = vector.shape_cast %swap3A_2721 : vector<1x16xf32> to vector<16xf32>
        %swap3A_2723 = vector.shape_cast %mul3A_2718 : vector<16xf32> to vector<1x16xf32>
        tpu.vector_store %arg16[%swap3A_2719, %swap3A_2720], %swap3A_2723 {strides = array<i32>} : memref<40x128xf32, #tpu.memory_space<vmem>>, vector<1x16xf32>,
        %sub3A_2724 = arith.constant 3.000000e+00 : f32
        %sub3A_2725 = vector.broadcast %sub3A_2724 : f32 to vector<16xf32>
        %sub3A_2726 = arith.subf %convert_element_type3A_2675, %sub3A_2725 : vector<16xf32>
        %abs3A_2727 = math.absf %sub3A_2726 : vector<16xf32>
        %sub3A_2728 = arith.constant 1.000000e+00 : f32
        %sub3A_2729 = vector.broadcast %sub3A_2728 : f32 to vector<16xf32>
        %sub3A_2730 = arith.subf %sub3A_2729, %abs3A_2727 : vector<16xf32>
        %max3A_2731 = arith.constant 0.000000e+00 : f32
        %max3A_2732 = vector.broadcast %max3A_2731 : f32 to vector<16xf32>
        %max3A_2733 = arith.maximumf %max3A_2732, %sub3A_2730 : vector<16xf32>
        %mul3A_2734 = arith.mulf %exp3A_2659, %max3A_2733 : vector<16xf32>
        %swap3A_2735 = arith.index_cast %add3A_2643 : i32 to index
        %swap3A_2736 = arith.constant 48 : index
        %swap3A_2737 = tpu.vector_load %arg16[%swap3A_2735, %swap3A_2736] {strides = array<i32>} : memref<40x128xf32, #tpu.memory_space<vmem>>, vector<1x16xf32>,
        %swap3A_2738 = vector.shape_cast %swap3A_2737 : vector<1x16xf32> to vector<16xf32>
        %swap3A_2739 = vector.shape_cast %mul3A_2734 : vector<16xf32> to vector<1x16xf32>
        tpu.vector_store %arg16[%swap3A_2735, %swap3A_2736], %swap3A_2739 {strides = array<i32>} : memref<40x128xf32, #tpu.memory_space<vmem>>, vector<1x16xf32>,
        %sub3A_2740 = arith.constant 4.000000e+00 : f32
        %sub3A_2741 = vector.broadcast %sub3A_2740 : f32 to vector<16xf32>
        %sub3A_2742 = arith.subf %convert_element_type3A_2675, %sub3A_2741 : vector<16xf32>
        %abs3A_2743 = math.absf %sub3A_2742 : vector<16xf32>
        %sub3A_2744 = arith.constant 1.000000e+00 : f32
        %sub3A_2745 = vector.broadcast %sub3A_2744 : f32 to vector<16xf32>
        %sub3A_2746 = arith.subf %sub3A_2745, %abs3A_2743 : vector<16xf32>
        %max3A_2747 = arith.constant 0.000000e+00 : f32
        %max3A_2748 = vector.broadcast %max3A_2747 : f32 to vector<16xf32>
        %max3A_2749 = arith.maximumf %max3A_2748, %sub3A_2746 : vector<16xf32>
        %mul3A_2750 = arith.mulf %exp3A_2659, %max3A_2749 : vector<16xf32>
        %swap3A_2751 = arith.index_cast %add3A_2643 : i32 to index
        %swap3A_2752 = arith.constant 64 : index
        %swap3A_2753 = tpu.vector_load %arg16[%swap3A_2751, %swap3A_2752] {strides = array<i32>} : memref<40x128xf32, #tpu.memory_space<vmem>>, vector<1x16xf32>,
        %swap3A_2754 = vector.shape_cast %swap3A_2753 : vector<1x16xf32> to vector<16xf32>
        %swap3A_2755 = vector.shape_cast %mul3A_2750 : vector<16xf32> to vector<1x16xf32>
        tpu.vector_store %arg16[%swap3A_2751, %swap3A_2752], %swap3A_2755 {strides = array<i32>} : memref<40x128xf32, #tpu.memory_space<vmem>>, vector<1x16xf32>,
        %sub3A_2756 = arith.constant 5.000000e+00 : f32
        %sub3A_2757 = vector.broadcast %sub3A_2756 : f32 to vector<16xf32>
        %sub3A_2758 = arith.subf %convert_element_type3A_2675, %sub3A_2757 : vector<16xf32>
        %abs3A_2759 = math.absf %sub3A_2758 : vector<16xf32>
        %sub3A_2760 = arith.constant 1.000000e+00 : f32
        %sub3A_2761 = vector.broadcast %sub3A_2760 : f32 to vector<16xf32>
        %sub3A_2762 = arith.subf %sub3A_2761, %abs3A_2759 : vector<16xf32>
        %max3A_2763 = arith.constant 0.000000e+00 : f32
        %max3A_2764 = vector.broadcast %max3A_2763 : f32 to vector<16xf32>
        %max3A_2765 = arith.maximumf %max3A_2764, %sub3A_2762 : vector<16xf32>
        %mul3A_2766 = arith.mulf %exp3A_2659, %max3A_2765 : vector<16xf32>
        %swap3A_2767 = arith.index_cast %add3A_2643 : i32 to index
        %swap3A_2768 = arith.constant 80 : index
        %swap3A_2769 = tpu.vector_load %arg16[%swap3A_2767, %swap3A_2768] {strides = array<i32>} : memref<40x128xf32, #tpu.memory_space<vmem>>, vector<1x16xf32>,
        %swap3A_2770 = vector.shape_cast %swap3A_2769 : vector<1x16xf32> to vector<16xf32>
        %swap3A_2771 = vector.shape_cast %mul3A_2766 : vector<16xf32> to vector<1x16xf32>
        tpu.vector_store %arg16[%swap3A_2767, %swap3A_2768], %swap3A_2771 {strides = array<i32>} : memref<40x128xf32, #tpu.memory_space<vmem>>, vector<1x16xf32>,
        %sub3A_2772 = arith.constant 6.000000e+00 : f32
        %sub3A_2773 = vector.broadcast %sub3A_2772 : f32 to vector<16xf32>
        %sub3A_2774 = arith.subf %convert_element_type3A_2675, %sub3A_2773 : vector<16xf32>
        %abs3A_2775 = math.absf %sub3A_2774 : vector<16xf32>
        %sub3A_2776 = arith.constant 1.000000e+00 : f32
        %sub3A_2777 = vector.broadcast %sub3A_2776 : f32 to vector<16xf32>
        %sub3A_2778 = arith.subf %sub3A_2777, %abs3A_2775 : vector<16xf32>
        %max3A_2779 = arith.constant 0.000000e+00 : f32
        %max3A_2780 = vector.broadcast %max3A_2779 : f32 to vector<16xf32>
        %max3A_2781 = arith.maximumf %max3A_2780, %sub3A_2778 : vector<16xf32>
        %mul3A_2782 = arith.mulf %exp3A_2659, %max3A_2781 : vector<16xf32>
        %swap3A_2783 = arith.index_cast %add3A_2643 : i32 to index
        %swap3A_2784 = arith.constant 96 : index
        %swap3A_2785 = tpu.vector_load %arg16[%swap3A_2783, %swap3A_2784] {strides = array<i32>} : memref<40x128xf32, #tpu.memory_space<vmem>>, vector<1x16xf32>,
        %swap3A_2786 = vector.shape_cast %swap3A_2785 : vector<1x16xf32> to vector<16xf32>
        %swap3A_2787 = vector.shape_cast %mul3A_2782 : vector<16xf32> to vector<1x16xf32>
        tpu.vector_store %arg16[%swap3A_2783, %swap3A_2784], %swap3A_2787 {strides = array<i32>} : memref<40x128xf32, #tpu.memory_space<vmem>>, vector<1x16xf32>,
        %sub3A_2788 = arith.constant 7.000000e+00 : f32
        %sub3A_2789 = vector.broadcast %sub3A_2788 : f32 to vector<16xf32>
        %sub3A_2790 = arith.subf %convert_element_type3A_2675, %sub3A_2789 : vector<16xf32>
        %abs3A_2791 = math.absf %sub3A_2790 : vector<16xf32>
        %sub3A_2792 = arith.constant 1.000000e+00 : f32
        %sub3A_2793 = vector.broadcast %sub3A_2792 : f32 to vector<16xf32>
        %sub3A_2794 = arith.subf %sub3A_2793, %abs3A_2791 : vector<16xf32>
        %max3A_2795 = arith.constant 0.000000e+00 : f32
        %max3A_2796 = vector.broadcast %max3A_2795 : f32 to vector<16xf32>
        %max3A_2797 = arith.maximumf %max3A_2796, %sub3A_2794 : vector<16xf32>
        %mul3A_2798 = arith.mulf %exp3A_2659, %max3A_2797 : vector<16xf32>
        %swap3A_2799 = arith.index_cast %add3A_2643 : i32 to index
        %swap3A_2800 = arith.constant 112 : index
        %swap3A_2801 = tpu.vector_load %arg16[%swap3A_2799, %swap3A_2800] {strides = array<i32>} : memref<40x128xf32, #tpu.memory_space<vmem>>, vector<1x16xf32>,
        %swap3A_2802 = vector.shape_cast %swap3A_2801 : vector<1x16xf32> to vector<16xf32>
        %swap3A_2803 = vector.shape_cast %mul3A_2798 : vector<16xf32> to vector<1x16xf32>
        tpu.vector_store %arg16[%swap3A_2799, %swap3A_2800], %swap3A_2803 {strides = array<i32>} : memref<40x128xf32, #tpu.memory_space<vmem>>, vector<1x16xf32>,
        %broadcast_in_dim3A_2804 = arith.constant 0 : i32
        %broadcast_in_dim3A_2805 = vector.broadcast %broadcast_in_dim3A_2804 : i32 to vector<16xi32>
        %lt3A_2806 = arith.constant 0 : i32
        %lt3A_2807 = vector.broadcast %lt3A_2806 : i32 to vector<16xi32>
        %lt3A_2808 = arith.cmpi slt, %broadcast_in_dim3A_2805, %lt3A_2807 : vector<16xi32>
        %add3A_2809 = arith.constant 16 : i32
        %add3A_2810 = vector.broadcast %add3A_2809 : i32 to vector<16xi32>
        %add3A_2811 = arith.addi %broadcast_in_dim3A_2805, %add3A_2810 : vector<16xi32>
        %select_n3A_2812 = arith.select %lt3A_2808, %add3A_2811, %broadcast_in_dim3A_2805 : vector<16xi1>, vector<16xi32>
        %broadcast_in_dim3A_2813 = vector.shape_cast %select_n3A_2812 : vector<16xi32> to vector<16x1xi32>
        %gather3A_2814 = vector.shape_cast %broadcast_in_dim3A_2813 : vector<16x1xi32> to vector<16xi32>
        %gather3A_2815 = tpu.dynamic_gather %exp3A_2659[%gather3A_2814] in [0] : vector<16xf32>, vector<16xi32> -> vector<16xf32>
        %get3A_2816 = arith.index_cast %add3A_2643 : i32 to index
        %get3A_2817 = arith.constant 0 : index
        %get3A_2818 = tpu.vector_load %arg14[%get3A_2816, %get3A_2817] {strides = array<i32>} : memref<40x128xf32, #tpu.memory_space<vmem>>, vector<1x16xf32>,
        %get3A_2819 = vector.shape_cast %get3A_2818 : vector<1x16xf32> to vector<16xf32>
        %mul3A_2820 = arith.mulf %get3A_2819, %gather3A_2815 : vector<16xf32>
        %swap3A_2821 = arith.index_cast %add3A_2643 : i32 to index
        %swap3A_2822 = arith.constant 0 : index
        %swap3A_2823 = tpu.vector_load %arg14[%swap3A_2821, %swap3A_2822] {strides = array<i32>} : memref<40x128xf32, #tpu.memory_space<vmem>>, vector<1x16xf32>,
        %swap3A_2824 = vector.shape_cast %swap3A_2823 : vector<1x16xf32> to vector<16xf32>
        %swap3A_2825 = vector.shape_cast %mul3A_2820 : vector<16xf32> to vector<1x16xf32>
        tpu.vector_store %arg14[%swap3A_2821, %swap3A_2822], %swap3A_2825 {strides = array<i32>} : memref<40x128xf32, #tpu.memory_space<vmem>>, vector<1x16xf32>,
        %broadcast_in_dim3A_2826 = arith.constant 1 : i32
        %broadcast_in_dim3A_2827 = vector.broadcast %broadcast_in_dim3A_2826 : i32 to vector<16xi32>
        %lt3A_2828 = arith.constant 0 : i32
        %lt3A_2829 = vector.broadcast %lt3A_2828 : i32 to vector<16xi32>
        %lt3A_2830 = arith.cmpi slt, %broadcast_in_dim3A_2827, %lt3A_2829 : vector<16xi32>
        %add3A_2831 = arith.constant 16 : i32
        %add3A_2832 = vector.broadcast %add3A_2831 : i32 to vector<16xi32>
        %add3A_2833 = arith.addi %broadcast_in_dim3A_2827, %add3A_2832 : vector<16xi32>
        %select_n3A_2834 = arith.select %lt3A_2830, %add3A_2833, %broadcast_in_dim3A_2827 : vector<16xi1>, vector<16xi32>
        %broadcast_in_dim3A_2835 = vector.shape_cast %select_n3A_2834 : vector<16xi32> to vector<16x1xi32>
        %gather3A_2836 = vector.shape_cast %broadcast_in_dim3A_2835 : vector<16x1xi32> to vector<16xi32>
        %gather3A_2837 = tpu.dynamic_gather %exp3A_2659[%gather3A_2836] in [0] : vector<16xf32>, vector<16xi32> -> vector<16xf32>
        %get3A_2838 = arith.index_cast %add3A_2643 : i32 to index
        %get3A_2839 = arith.constant 16 : index
        %get3A_2840 = tpu.vector_load %arg14[%get3A_2838, %get3A_2839] {strides = array<i32>} : memref<40x128xf32, #tpu.memory_space<vmem>>, vector<1x16xf32>,
        %get3A_2841 = vector.shape_cast %get3A_2840 : vector<1x16xf32> to vector<16xf32>
        %mul3A_2842 = arith.mulf %get3A_2841, %gather3A_2837 : vector<16xf32>
        %swap3A_2843 = arith.index_cast %add3A_2643 : i32 to index
        %swap3A_2844 = arith.constant 16 : index
        %swap3A_2845 = tpu.vector_load %arg14[%swap3A_2843, %swap3A_2844] {strides = array<i32>} : memref<40x128xf32, #tpu.memory_space<vmem>>, vector<1x16xf32>,
        %swap3A_2846 = vector.shape_cast %swap3A_2845 : vector<1x16xf32> to vector<16xf32>
        %swap3A_2847 = vector.shape_cast %mul3A_2842 : vector<16xf32> to vector<1x16xf32>
        tpu.vector_store %arg14[%swap3A_2843, %swap3A_2844], %swap3A_2847 {strides = array<i32>} : memref<40x128xf32, #tpu.memory_space<vmem>>, vector<1x16xf32>,
        %broadcast_in_dim3A_2848 = arith.constant 2 : i32
        %broadcast_in_dim3A_2849 = vector.broadcast %broadcast_in_dim3A_2848 : i32 to vector<16xi32>
        %lt3A_2850 = arith.constant 0 : i32
        %lt3A_2851 = vector.broadcast %lt3A_2850 : i32 to vector<16xi32>
        %lt3A_2852 = arith.cmpi slt, %broadcast_in_dim3A_2849, %lt3A_2851 : vector<16xi32>
        %add3A_2853 = arith.constant 16 : i32
        %add3A_2854 = vector.broadcast %add3A_2853 : i32 to vector<16xi32>
        %add3A_2855 = arith.addi %broadcast_in_dim3A_2849, %add3A_2854 : vector<16xi32>
        %select_n3A_2856 = arith.select %lt3A_2852, %add3A_2855, %broadcast_in_dim3A_2849 : vector<16xi1>, vector<16xi32>
        %broadcast_in_dim3A_2857 = vector.shape_cast %select_n3A_2856 : vector<16xi32> to vector<16x1xi32>
        %gather3A_2858 = vector.shape_cast %broadcast_in_dim3A_2857 : vector<16x1xi32> to vector<16xi32>
        %gather3A_2859 = tpu.dynamic_gather %exp3A_2659[%gather3A_2858] in [0] : vector<16xf32>, vector<16xi32> -> vector<16xf32>
        %get3A_2860 = arith.index_cast %add3A_2643 : i32 to index
        %get3A_2861 = arith.constant 32 : index
        %get3A_2862 = tpu.vector_load %arg14[%get3A_2860, %get3A_2861] {strides = array<i32>} : memref<40x128xf32, #tpu.memory_space<vmem>>, vector<1x16xf32>,
        %get3A_2863 = vector.shape_cast %get3A_2862 : vector<1x16xf32> to vector<16xf32>
        %mul3A_2864 = arith.mulf %get3A_2863, %gather3A_2859 : vector<16xf32>
        %swap3A_2865 = arith.index_cast %add3A_2643 : i32 to index
        %swap3A_2866 = arith.constant 32 : index
        %swap3A_2867 = tpu.vector_load %arg14[%swap3A_2865, %swap3A_2866] {strides = array<i32>} : memref<40x128xf32, #tpu.memory_space<vmem>>, vector<1x16xf32>,
        %swap3A_2868 = vector.shape_cast %swap3A_2867 : vector<1x16xf32> to vector<16xf32>
        %swap3A_2869 = vector.shape_cast %mul3A_2864 : vector<16xf32> to vector<1x16xf32>
        tpu.vector_store %arg14[%swap3A_2865, %swap3A_2866], %swap3A_2869 {strides = array<i32>} : memref<40x128xf32, #tpu.memory_space<vmem>>, vector<1x16xf32>,
        %broadcast_in_dim3A_2870 = arith.constant 3 : i32
        %broadcast_in_dim3A_2871 = vector.broadcast %broadcast_in_dim3A_2870 : i32 to vector<16xi32>
        %lt3A_2872 = arith.constant 0 : i32
        %lt3A_2873 = vector.broadcast %lt3A_2872 : i32 to vector<16xi32>
        %lt3A_2874 = arith.cmpi slt, %broadcast_in_dim3A_2871, %lt3A_2873 : vector<16xi32>
        %add3A_2875 = arith.constant 16 : i32
        %add3A_2876 = vector.broadcast %add3A_2875 : i32 to vector<16xi32>
        %add3A_2877 = arith.addi %broadcast_in_dim3A_2871, %add3A_2876 : vector<16xi32>
        %select_n3A_2878 = arith.select %lt3A_2874, %add3A_2877, %broadcast_in_dim3A_2871 : vector<16xi1>, vector<16xi32>
        %broadcast_in_dim3A_2879 = vector.shape_cast %select_n3A_2878 : vector<16xi32> to vector<16x1xi32>
        %gather3A_2880 = vector.shape_cast %broadcast_in_dim3A_2879 : vector<16x1xi32> to vector<16xi32>
        %gather3A_2881 = tpu.dynamic_gather %exp3A_2659[%gather3A_2880] in [0] : vector<16xf32>, vector<16xi32> -> vector<16xf32>
        %get3A_2882 = arith.index_cast %add3A_2643 : i32 to index
        %get3A_2883 = arith.constant 48 : index
        %get3A_2884 = tpu.vector_load %arg14[%get3A_2882, %get3A_2883] {strides = array<i32>} : memref<40x128xf32, #tpu.memory_space<vmem>>, vector<1x16xf32>,
        %get3A_2885 = vector.shape_cast %get3A_2884 : vector<1x16xf32> to vector<16xf32>
        %mul3A_2886 = arith.mulf %get3A_2885, %gather3A_2881 : vector<16xf32>
        %swap3A_2887 = arith.index_cast %add3A_2643 : i32 to index
        %swap3A_2888 = arith.constant 48 : index
        %swap3A_2889 = tpu.vector_load %arg14[%swap3A_2887, %swap3A_2888] {strides = array<i32>} : memref<40x128xf32, #tpu.memory_space<vmem>>, vector<1x16xf32>,
        %swap3A_2890 = vector.shape_cast %swap3A_2889 : vector<1x16xf32> to vector<16xf32>
        %swap3A_2891 = vector.shape_cast %mul3A_2886 : vector<16xf32> to vector<1x16xf32>
        tpu.vector_store %arg14[%swap3A_2887, %swap3A_2888], %swap3A_2891 {strides = array<i32>} : memref<40x128xf32, #tpu.memory_space<vmem>>, vector<1x16xf32>,
        %broadcast_in_dim3A_2892 = arith.constant 4 : i32
        %broadcast_in_dim3A_2893 = vector.broadcast %broadcast_in_dim3A_2892 : i32 to vector<16xi32>
        %lt3A_2894 = arith.constant 0 : i32
        %lt3A_2895 = vector.broadcast %lt3A_2894 : i32 to vector<16xi32>
        %lt3A_2896 = arith.cmpi slt, %broadcast_in_dim3A_2893, %lt3A_2895 : vector<16xi32>
        %add3A_2897 = arith.constant 16 : i32
        %add3A_2898 = vector.broadcast %add3A_2897 : i32 to vector<16xi32>
        %add3A_2899 = arith.addi %broadcast_in_dim3A_2893, %add3A_2898 : vector<16xi32>
        %select_n3A_2900 = arith.select %lt3A_2896, %add3A_2899, %broadcast_in_dim3A_2893 : vector<16xi1>, vector<16xi32>
        %broadcast_in_dim3A_2901 = vector.shape_cast %select_n3A_2900 : vector<16xi32> to vector<16x1xi32>
        %gather3A_2902 = vector.shape_cast %broadcast_in_dim3A_2901 : vector<16x1xi32> to vector<16xi32>
        %gather3A_2903 = tpu.dynamic_gather %exp3A_2659[%gather3A_2902] in [0] : vector<16xf32>, vector<16xi32> -> vector<16xf32>
        %get3A_2904 = arith.index_cast %add3A_2643 : i32 to index
        %get3A_2905 = arith.constant 64 : index
        %get3A_2906 = tpu.vector_load %arg14[%get3A_2904, %get3A_2905] {strides = array<i32>} : memref<40x128xf32, #tpu.memory_space<vmem>>, vector<1x16xf32>,
        %get3A_2907 = vector.shape_cast %get3A_2906 : vector<1x16xf32> to vector<16xf32>
        %mul3A_2908 = arith.mulf %get3A_2907, %gather3A_2903 : vector<16xf32>
        %swap3A_2909 = arith.index_cast %add3A_2643 : i32 to index
        %swap3A_2910 = arith.constant 64 : index
        %swap3A_2911 = tpu.vector_load %arg14[%swap3A_2909, %swap3A_2910] {strides = array<i32>} : memref<40x128xf32, #tpu.memory_space<vmem>>, vector<1x16xf32>,
        %swap3A_2912 = vector.shape_cast %swap3A_2911 : vector<1x16xf32> to vector<16xf32>
        %swap3A_2913 = vector.shape_cast %mul3A_2908 : vector<16xf32> to vector<1x16xf32>
        tpu.vector_store %arg14[%swap3A_2909, %swap3A_2910], %swap3A_2913 {strides = array<i32>} : memref<40x128xf32, #tpu.memory_space<vmem>>, vector<1x16xf32>,
        %broadcast_in_dim3A_2914 = arith.constant 5 : i32
        %broadcast_in_dim3A_2915 = vector.broadcast %broadcast_in_dim3A_2914 : i32 to vector<16xi32>
        %lt3A_2916 = arith.constant 0 : i32
        %lt3A_2917 = vector.broadcast %lt3A_2916 : i32 to vector<16xi32>
        %lt3A_2918 = arith.cmpi slt, %broadcast_in_dim3A_2915, %lt3A_2917 : vector<16xi32>
        %add3A_2919 = arith.constant 16 : i32
        %add3A_2920 = vector.broadcast %add3A_2919 : i32 to vector<16xi32>
        %add3A_2921 = arith.addi %broadcast_in_dim3A_2915, %add3A_2920 : vector<16xi32>
        %select_n3A_2922 = arith.select %lt3A_2918, %add3A_2921, %broadcast_in_dim3A_2915 : vector<16xi1>, vector<16xi32>
        %broadcast_in_dim3A_2923 = vector.shape_cast %select_n3A_2922 : vector<16xi32> to vector<16x1xi32>
        %gather3A_2924 = vector.shape_cast %broadcast_in_dim3A_2923 : vector<16x1xi32> to vector<16xi32>
        %gather3A_2925 = tpu.dynamic_gather %exp3A_2659[%gather3A_2924] in [0] : vector<16xf32>, vector<16xi32> -> vector<16xf32>
        %get3A_2926 = arith.index_cast %add3A_2643 : i32 to index
        %get3A_2927 = arith.constant 80 : index
        %get3A_2928 = tpu.vector_load %arg14[%get3A_2926, %get3A_2927] {strides = array<i32>} : memref<40x128xf32, #tpu.memory_space<vmem>>, vector<1x16xf32>,
        %get3A_2929 = vector.shape_cast %get3A_2928 : vector<1x16xf32> to vector<16xf32>
        %mul3A_2930 = arith.mulf %get3A_2929, %gather3A_2925 : vector<16xf32>
        %swap3A_2931 = arith.index_cast %add3A_2643 : i32 to index
        %swap3A_2932 = arith.constant 80 : index
        %swap3A_2933 = tpu.vector_load %arg14[%swap3A_2931, %swap3A_2932] {strides = array<i32>} : memref<40x128xf32, #tpu.memory_space<vmem>>, vector<1x16xf32>,
        %swap3A_2934 = vector.shape_cast %swap3A_2933 : vector<1x16xf32> to vector<16xf32>
        %swap3A_2935 = vector.shape_cast %mul3A_2930 : vector<16xf32> to vector<1x16xf32>
        tpu.vector_store %arg14[%swap3A_2931, %swap3A_2932], %swap3A_2935 {strides = array<i32>} : memref<40x128xf32, #tpu.memory_space<vmem>>, vector<1x16xf32>,
        %broadcast_in_dim3A_2936 = arith.constant 6 : i32
        %broadcast_in_dim3A_2937 = vector.broadcast %broadcast_in_dim3A_2936 : i32 to vector<16xi32>
        %lt3A_2938 = arith.constant 0 : i32
        %lt3A_2939 = vector.broadcast %lt3A_2938 : i32 to vector<16xi32>
        %lt3A_2940 = arith.cmpi slt, %broadcast_in_dim3A_2937, %lt3A_2939 : vector<16xi32>
        %add3A_2941 = arith.constant 16 : i32
        %add3A_2942 = vector.broadcast %add3A_2941 : i32 to vector<16xi32>
        %add3A_2943 = arith.addi %broadcast_in_dim3A_2937, %add3A_2942 : vector<16xi32>
        %select_n3A_2944 = arith.select %lt3A_2940, %add3A_2943, %broadcast_in_dim3A_2937 : vector<16xi1>, vector<16xi32>
        %broadcast_in_dim3A_2945 = vector.shape_cast %select_n3A_2944 : vector<16xi32> to vector<16x1xi32>
        %gather3A_2946 = vector.shape_cast %broadcast_in_dim3A_2945 : vector<16x1xi32> to vector<16xi32>
        %gather3A_2947 = tpu.dynamic_gather %exp3A_2659[%gather3A_2946] in [0] : vector<16xf32>, vector<16xi32> -> vector<16xf32>
        %get3A_2948 = arith.index_cast %add3A_2643 : i32 to index
        %get3A_2949 = arith.constant 96 : index
        %get3A_2950 = tpu.vector_load %arg14[%get3A_2948, %get3A_2949] {strides = array<i32>} : memref<40x128xf32, #tpu.memory_space<vmem>>, vector<1x16xf32>,
        %get3A_2951 = vector.shape_cast %get3A_2950 : vector<1x16xf32> to vector<16xf32>
        %mul3A_2952 = arith.mulf %get3A_2951, %gather3A_2947 : vector<16xf32>
        %swap3A_2953 = arith.index_cast %add3A_2643 : i32 to index
        %swap3A_2954 = arith.constant 96 : index
        %swap3A_2955 = tpu.vector_load %arg14[%swap3A_2953, %swap3A_2954] {strides = array<i32>} : memref<40x128xf32, #tpu.memory_space<vmem>>, vector<1x16xf32>,
        %swap3A_2956 = vector.shape_cast %swap3A_2955 : vector<1x16xf32> to vector<16xf32>
        %swap3A_2957 = vector.shape_cast %mul3A_2952 : vector<16xf32> to vector<1x16xf32>
        tpu.vector_store %arg14[%swap3A_2953, %swap3A_2954], %swap3A_2957 {strides = array<i32>} : memref<40x128xf32, #tpu.memory_space<vmem>>, vector<1x16xf32>,
        %broadcast_in_dim3A_2958 = arith.constant 7 : i32
        %broadcast_in_dim3A_2959 = vector.broadcast %broadcast_in_dim3A_2958 : i32 to vector<16xi32>
        %lt3A_2960 = arith.constant 0 : i32
        %lt3A_2961 = vector.broadcast %lt3A_2960 : i32 to vector<16xi32>
        %lt3A_2962 = arith.cmpi slt, %broadcast_in_dim3A_2959, %lt3A_2961 : vector<16xi32>
        %add3A_2963 = arith.constant 16 : i32
        %add3A_2964 = vector.broadcast %add3A_2963 : i32 to vector<16xi32>
        %add3A_2965 = arith.addi %broadcast_in_dim3A_2959, %add3A_2964 : vector<16xi32>
        %select_n3A_2966 = arith.select %lt3A_2962, %add3A_2965, %broadcast_in_dim3A_2959 : vector<16xi1>, vector<16xi32>
        %broadcast_in_dim3A_2967 = vector.shape_cast %select_n3A_2966 : vector<16xi32> to vector<16x1xi32>
        %gather3A_2968 = vector.shape_cast %broadcast_in_dim3A_2967 : vector<16x1xi32> to vector<16xi32>
        %gather3A_2969 = tpu.dynamic_gather %exp3A_2659[%gather3A_2968] in [0] : vector<16xf32>, vector<16xi32> -> vector<16xf32>
        %get3A_2970 = arith.index_cast %add3A_2643 : i32 to index
        %get3A_2971 = arith.constant 112 : index
        %get3A_2972 = tpu.vector_load %arg14[%get3A_2970, %get3A_2971] {strides = array<i32>} : memref<40x128xf32, #tpu.memory_space<vmem>>, vector<1x16xf32>,
        %get3A_2973 = vector.shape_cast %get3A_2972 : vector<1x16xf32> to vector<16xf32>
        %mul3A_2974 = arith.mulf %get3A_2973, %gather3A_2969 : vector<16xf32>
        %swap3A_2975 = arith.index_cast %add3A_2643 : i32 to index
        %swap3A_2976 = arith.constant 112 : index
        %swap3A_2977 = tpu.vector_load %arg14[%swap3A_2975, %swap3A_2976] {strides = array<i32>} : memref<40x128xf32, #tpu.memory_space<vmem>>, vector<1x16xf32>,
        %swap3A_2978 = vector.shape_cast %swap3A_2977 : vector<1x16xf32> to vector<16xf32>
        %swap3A_2979 = vector.shape_cast %mul3A_2974 : vector<16xf32> to vector<1x16xf32>
        tpu.vector_store %arg14[%swap3A_2975, %swap3A_2976], %swap3A_2979 {strides = array<i32>} : memref<40x128xf32, #tpu.memory_space<vmem>>, vector<1x16xf32>,
        %scan3A_2980 = arith.constant 0 : i32
        scf.yield %scan3A_2980 : i32
      }
      %scan3A_253 = arith.constant 5 : i32
      %dma_start3A_254 = arith.constant 0 : i32
      %dma_start3A_255 = arith.constant 0 : i32
      %dma_start3A_256 = tpu.memref_slice %arg19[%dma_start3A_254, %dma_start3A_255] : memref<1280x128xf32, #tpu.memory_space<vmem_shared>> -> memref<1280x128xf32, #tpu.memory_space<vmem_shared>>
      tpu.enqueue_indirect_dma source(%arg16 : memref<40x128xf32, #tpu.memory_space<vmem>>) target(%dma_start3A_256 : memref<1280x128xf32, #tpu.memory_space<vmem_shared>>) offsets(%arg12 : memref<40xi32, #tpu.memory_space<vmem>>) semaphore(%arg22 : memref<!tpu.dma_semaphore, #tpu.memory_space<semaphore_mem>>) {add = true}
      %dma_start3A_257 = arith.constant 0 : i32
      %dma_start3A_258 = arith.constant 0 : i32
      %dma_start3A_259 = tpu.memref_slice %arg18[%dma_start3A_257, %dma_start3A_258] : memref<10240x128xf32, #tpu.memory_space<vmem_shared>> -> memref<10240x128xf32, #tpu.memory_space<vmem_shared>>
      tpu.enqueue_indirect_dma source(%arg14 : memref<40x128xf32, #tpu.memory_space<vmem>>) target(%dma_start3A_259 : memref<10240x128xf32, #tpu.memory_space<vmem_shared>>) offsets(%arg11 : memref<40xi32, #tpu.memory_space<vmem>>) semaphore(%arg22 : memref<!tpu.dma_semaphore, #tpu.memory_space<semaphore_mem>>) {add = true}
      %scan3A_260 = arith.constant 0 : i32
      scf.yield %scan3A_260 : i32
    }
    %scan3A_95 = arith.constant 250 : i32
    %multiple_of3A_96 = tpu.assume_multiple %multiple_of3A, 8 : i32
    %dma_wait3A = tpu.memref_slice %arg4[%multiple_of3A_96] : memref<320040xi32, #tpu.memory_space<hbm>> -> memref<40xi32, #tpu.memory_space<hbm>>
    %dma_wait3A_97 = tpu.memref_slice %arg4[%multiple_of3A_96] : memref<320040xi32, #tpu.memory_space<hbm>> -> memref<40xi32, #tpu.memory_space<hbm>>
    tpu.wait_dma2 semaphore(%arg23 : memref<!tpu.dma_semaphore, #tpu.memory_space<semaphore_mem>>) src(%dma_wait3A_97 : memref<40xi32, #tpu.memory_space<hbm>>) dst(%arg10 : memref<40xi32, #tpu.memory_space<vmem>>)
    %dma_wait3A_98 = arith.constant 0 : i32
    %dma_wait3A_99 = arith.constant 0 : i32
    %dma_wait3A_100 = tpu.memref_slice %arg18[%dma_wait3A_98, %dma_wait3A_99] : memref<10240x128xf32, #tpu.memory_space<vmem_shared>> -> memref<10240x128xf32, #tpu.memory_space<vmem_shared>>
    tpu.wait_indirect_dma semaphore(%arg22 : memref<!tpu.dma_semaphore, #tpu.memory_space<semaphore_mem>>) src(%arg14 : memref<40x128xf32, #tpu.memory_space<vmem>>) dst(%dma_wait3A_100 : memref<10240x128xf32, #tpu.memory_space<vmem_shared>>)
    %dma_wait3A_101 = arith.constant 0 : i32
    %dma_wait3A_102 = arith.constant 0 : i32
    %dma_wait3A_103 = tpu.memref_slice %arg19[%dma_wait3A_101, %dma_wait3A_102] : memref<1280x128xf32, #tpu.memory_space<vmem_shared>> -> memref<1280x128xf32, #tpu.memory_space<vmem_shared>>
    tpu.wait_indirect_dma semaphore(%arg22 : memref<!tpu.dma_semaphore, #tpu.memory_space<semaphore_mem>>) src(%arg16 : memref<40x128xf32, #tpu.memory_space<vmem>>) dst(%dma_wait3A_103 : memref<1280x128xf32, #tpu.memory_space<vmem_shared>>)
    %barrier3A_104 = arith.constant 0 : index
    tpu.barrier barrier_id(%barrier3A_104)
    "tpu.region"() ({
      %run_scoped3A = tpu.sem_alloc : memref<!tpu.dma_semaphore, #tpu.memory_space<semaphore_mem>>
      %dma_start3A_109 = arith.constant 0 : i32
      %dma_start3A_110 = tpu.memref_slice %arg6[%arg0, %mul3A_11, %dma_start3A_109] : memref<2x10240x128xf32, #tpu.memory_space<hbm>> -> memref<1x640x128xf32, #tpu.memory_space<hbm>>
      %dma_start3A_111 = tpu.memref_squeeze %dma_start3A_110 : memref<1x640x128xf32, #tpu.memory_space<hbm>> -> memref<640x128xf32, #tpu.memory_space<hbm>>
      %dma_start3A_112 = arith.constant 0 : i32
      %dma_start3A_113 = tpu.memref_slice %arg18[%mul3A_11, %dma_start3A_112] : memref<10240x128xf32, #tpu.memory_space<vmem_shared>> -> memref<640x128xf32, #tpu.memory_space<vmem_shared>>
      tpu.enqueue_dma source(%dma_start3A_113 : memref<640x128xf32, #tpu.memory_space<vmem_shared>>) target(%dma_start3A_111 : memref<640x128xf32, #tpu.memory_space<hbm>>) target_semaphore(%run_scoped3A : memref<!tpu.dma_semaphore, #tpu.memory_space<semaphore_mem>>)
      %dma_wait3A_114 = arith.constant 0 : i32
      %dma_wait3A_115 = tpu.memref_slice %arg6[%arg0, %mul3A_11, %dma_wait3A_114] : memref<2x10240x128xf32, #tpu.memory_space<hbm>> -> memref<1x640x128xf32, #tpu.memory_space<hbm>>
      %dma_wait3A_116 = tpu.memref_squeeze %dma_wait3A_115 : memref<1x640x128xf32, #tpu.memory_space<hbm>> -> memref<640x128xf32, #tpu.memory_space<hbm>>
      %dma_wait3A_117 = arith.constant 0 : i32
      %dma_wait3A_118 = tpu.memref_slice %arg18[%mul3A_11, %dma_wait3A_117] : memref<10240x128xf32, #tpu.memory_space<vmem_shared>> -> memref<640x128xf32, #tpu.memory_space<vmem_shared>>
      tpu.wait_dma2 semaphore(%run_scoped3A : memref<!tpu.dma_semaphore, #tpu.memory_space<semaphore_mem>>) src(%dma_wait3A_118 : memref<640x128xf32, #tpu.memory_space<vmem_shared>>) dst(%dma_wait3A_116 : memref<640x128xf32, #tpu.memory_space<hbm>>)
      tpu.yield
    }) : () -> ()
    %mul3A_105 = arith.constant 80 : i32
    %mul3A_106 = arith.muli %arg1, %mul3A_105 : i32
    %mul3A_107 = arith.constant 80 : i32
    %mul3A_108 = arith.muli %arg1, %mul3A_107 : i32
    "tpu.region"() ({
      %run_scoped3A = tpu.sem_alloc : memref<!tpu.dma_semaphore, #tpu.memory_space<semaphore_mem>>
      %dma_start3A_109 = arith.constant 0 : i32
      %dma_start3A_110 = tpu.memref_slice %arg7[%arg0, %mul3A_108, %dma_start3A_109] : memref<2x1280x128xf32, #tpu.memory_space<hbm>> -> memref<1x80x128xf32, #tpu.memory_space<hbm>>
      %dma_start3A_111 = tpu.memref_squeeze %dma_start3A_110 : memref<1x80x128xf32, #tpu.memory_space<hbm>> -> memref<80x128xf32, #tpu.memory_space<hbm>>
      %dma_start3A_112 = arith.constant 0 : i32
      %dma_start3A_113 = tpu.memref_slice %arg19[%mul3A_106, %dma_start3A_112] : memref<1280x128xf32, #tpu.memory_space<vmem_shared>> -> memref<80x128xf32, #tpu.memory_space<vmem_shared>>
      tpu.enqueue_dma source(%dma_start3A_113 : memref<80x128xf32, #tpu.memory_space<vmem_shared>>) target(%dma_start3A_111 : memref<80x128xf32, #tpu.memory_space<hbm>>) target_semaphore(%run_scoped3A : memref<!tpu.dma_semaphore, #tpu.memory_space<semaphore_mem>>)
      %dma_wait3A_114 = arith.constant 0 : i32
      %dma_wait3A_115 = tpu.memref_slice %arg7[%arg0, %mul3A_108, %dma_wait3A_114] : memref<2x1280x128xf32, #tpu.memory_space<hbm>> -> memref<1x80x128xf32, #tpu.memory_space<hbm>>
      %dma_wait3A_116 = tpu.memref_squeeze %dma_wait3A_115 : memref<1x80x128xf32, #tpu.memory_space<hbm>> -> memref<80x128xf32, #tpu.memory_space<hbm>>
      %dma_wait3A_117 = arith.constant 0 : i32
      %dma_wait3A_118 = tpu.memref_slice %arg19[%mul3A_106, %dma_wait3A_117] : memref<1280x128xf32, #tpu.memory_space<vmem_shared>> -> memref<80x128xf32, #tpu.memory_space<vmem_shared>>
      tpu.wait_dma2 semaphore(%run_scoped3A : memref<!tpu.dma_semaphore, #tpu.memory_space<semaphore_mem>>) src(%dma_wait3A_118 : memref<80x128xf32, #tpu.memory_space<vmem_shared>>) dst(%dma_wait3A_116 : memref<80x128xf32, #tpu.memory_space<hbm>>)
      tpu.yield
    }) : () -> ()
    return
  }
}

module attributes {stable_mosaic.version = 14 : i64} {
  func.func @_pre_body(%arg0: i32, %arg1: memref<1000x128xf32, #tpu.memory_space<vmem>>, %arg2: memref<128x128xf32, #tpu.memory_space<vmem>>, %arg3: memref<1x128xf32, #tpu.memory_space<vmem>>, %arg4: memref<1x128xf32, #tpu.memory_space<vmem>>, %arg5: memref<1000x128xf32, #tpu.memory_space<vmem>>, %arg6: memref<1000x128xf32, #tpu.memory_space<vmem>>) attributes {dimension_semantics = [#tpu.dimension_semantics<arbitrary>], iteration_bounds = array<i64: 10>, scalar_prefetch = 0 : i64, scratch_operands = 0 : i64, tpu.core_type = #tpu.core_type<tc>, window_params = [{transform_indices = @transform_0, window_bounds = array<i64: 1000, 128>}, {pipeline_mode = #tpu.pipeline_mode<synchronous>, transform_indices = @transform_1, window_bounds = array<i64: 128, 128>}, {pipeline_mode = #tpu.pipeline_mode<synchronous>, transform_indices = @transform_2, window_bounds = array<i64: 1, 128>}, {pipeline_mode = #tpu.pipeline_mode<synchronous>, transform_indices = @transform_3, window_bounds = array<i64: 1, 128>}, {transform_indices = @transform_4, window_bounds = array<i64: 1000, 128>}, {transform_indices = @transform_5, window_bounds = array<i64: 1000, 128>}]} {
    %get3A = arith.constant 0 : index
    %get3A_0 = arith.constant 0 : index
    %get3A_1 = vector.load %arg1[%get3A, %get3A_0] : memref<1000x128xf32, #tpu.memory_space<vmem>>, vector<1000x128xf32>
    %get3A_2 = arith.constant 0 : index
    %get3A_3 = arith.constant 0 : index
    %get3A_4 = vector.load %arg2[%get3A_2, %get3A_3] : memref<128x128xf32, #tpu.memory_space<vmem>>, vector<128x128xf32>
    %dot_general3A = arith.constant dense<0.000000e+00> : vector<1000x128xf32>
    %dot_general3A_5 = tpu.matmul %get3A_1, %get3A_4, %dot_general3A {dimension_numbers = #tpu.dot_dimension_numbers<[1], [0], [0], [1], [0, 0, 1, 1], [], []>, transpose_lhs_hint = false} : vector<1000x128xf32>, vector<128x128xf32>, vector<1000x128xf32> -> vector<1000x128xf32>
    %swap3A = arith.constant 0 : index
    %swap3A_6 = arith.constant 0 : index
    %swap3A_7 = vector.load %arg5[%swap3A, %swap3A_6] : memref<1000x128xf32, #tpu.memory_space<vmem>>, vector<1000x128xf32>
    tpu.vector_store %arg5[%swap3A, %swap3A_6], %dot_general3A_5 {strides = array<i32>} : memref<1000x128xf32, #tpu.memory_space<vmem>>, vector<1000x128xf32>,
    %iota3A = tpu.iota {dimensions = array<i32: 0>} : vector<128x8xi32>
    %iota3A_8 = tpu.iota {dimensions = array<i32: 1>} : vector<128x8xi32>
    %jit3A = arith.constant 16 : i32
    %div3A = vector.broadcast %jit3A : i32 to vector<128x8xi32>
    %div3A_9 = arith.divsi %iota3A, %div3A : vector<128x8xi32>
    %sign3A = arith.constant 0 : i32
    %sign3A_10 = vector.broadcast %sign3A : i32 to vector<128x8xi32>
    %sign3A_11 = arith.cmpi sgt, %iota3A, %sign3A_10 : vector<128x8xi32>
    %sign3A_12 = arith.extui %sign3A_11 : vector<128x8xi1> to vector<128x8xi32>
    %sign3A_13 = arith.constant 0 : i32
    %sign3A_14 = vector.broadcast %sign3A_13 : i32 to vector<128x8xi32>
    %sign3A_15 = arith.cmpi slt, %iota3A, %sign3A_14 : vector<128x8xi32>
    %sign3A_16 = arith.extui %sign3A_15 : vector<128x8xi1> to vector<128x8xi32>
    %sign3A_17 = arith.subi %sign3A_12, %sign3A_16 : vector<128x8xi32>
    %sign3A_18 = arith.constant 0 : i32
    %sign3A_19 = arith.cmpi sgt, %jit3A, %sign3A_18 : i32
    %sign3A_20 = arith.extui %sign3A_19 : i1 to i32
    %sign3A_21 = arith.constant 0 : i32
    %sign3A_22 = arith.cmpi slt, %jit3A, %sign3A_21 : i32
    %sign3A_23 = arith.extui %sign3A_22 : i1 to i32
    %sign3A_24 = arith.subi %sign3A_20, %sign3A_23 : i32
    %ne3A = vector.broadcast %sign3A_24 : i32 to vector<128x8xi32>
    %ne3A_25 = arith.cmpi ne, %sign3A_17, %ne3A : vector<128x8xi32>
    %rem3A = vector.broadcast %jit3A : i32 to vector<128x8xi32>
    %rem3A_26 = arith.remsi %iota3A, %rem3A : vector<128x8xi32>
    %ne3A_27 = arith.constant 0 : i32
    %ne3A_28 = vector.broadcast %ne3A_27 : i32 to vector<128x8xi32>
    %ne3A_29 = arith.cmpi ne, %rem3A_26, %ne3A_28 : vector<128x8xi32>
    %and3A = arith.andi %ne3A_25, %ne3A_29 : vector<128x8xi1>
    %sub3A = arith.constant 1 : i32
    %sub3A_30 = vector.broadcast %sub3A : i32 to vector<128x8xi32>
    %sub3A_31 = arith.subi %div3A_9, %sub3A_30 : vector<128x8xi32>
    %select_n3A = arith.select %and3A, %sub3A_31, %div3A_9 : vector<128x8xi1>, vector<128x8xi32>
    %eq3A = arith.cmpi eq, %select_n3A, %iota3A_8 : vector<128x8xi32>
    %jit3A_32 = arith.constant 1.000000e+00 : f32
    %jit3A_33 = arith.constant 0.000000e+00 : f32
    %broadcast_in_dim3A = vector.broadcast %jit3A_32 : f32 to vector<128x8xf32>
    %broadcast_in_dim3A_34 = vector.broadcast %jit3A_33 : f32 to vector<128x8xf32>
    %select_n3A_35 = arith.select %eq3A, %broadcast_in_dim3A, %broadcast_in_dim3A_34 : vector<128x8xi1>, vector<128x8xf32>
    %get3A_36 = arith.constant 0 : index
    %get3A_37 = arith.constant 0 : index
    %get3A_38 = vector.load %arg3[%get3A_36, %get3A_37] : memref<1x128xf32, #tpu.memory_space<vmem>>, vector<1x128xf32>
    %mul3A = vector.broadcast %get3A_38 : vector<1x128xf32> to vector<1000x128xf32>
    %mul3A_39 = arith.mulf %dot_general3A_5, %mul3A : vector<1000x128xf32>
    %dot_general3A_40 = arith.constant dense<0.000000e+00> : vector<1000x8xf32>
    %dot_general3A_41 = tpu.matmul %mul3A_39, %select_n3A_35, %dot_general3A_40 {dimension_numbers = #tpu.dot_dimension_numbers<[1], [0], [0], [1], [0, 0, 1, 1], [], []>, transpose_lhs_hint = false} : vector<1000x128xf32>, vector<128x8xf32>, vector<1000x8xf32> -> vector<1000x8xf32>
    %get3A_42 = arith.constant 0 : index
    %get3A_43 = arith.constant 0 : index
    %get3A_44 = vector.load %arg4[%get3A_42, %get3A_43] : memref<1x128xf32, #tpu.memory_space<vmem>>, vector<1x128xf32>
    %mul3A_45 = vector.broadcast %get3A_44 : vector<1x128xf32> to vector<1000x128xf32>
    %mul3A_46 = arith.mulf %dot_general3A_5, %mul3A_45 : vector<1000x128xf32>
    %dot_general3A_47 = arith.constant dense<0.000000e+00> : vector<1000x8xf32>
    %dot_general3A_48 = tpu.matmul %mul3A_46, %select_n3A_35, %dot_general3A_47 {dimension_numbers = #tpu.dot_dimension_numbers<[1], [0], [0], [1], [0, 0, 1, 1], [], []>, transpose_lhs_hint = false} : vector<1000x128xf32>, vector<128x8xf32>, vector<1000x8xf32> -> vector<1000x8xf32>
    %broadcast_in_dim3A_49 = arith.constant 0.000000e+00 : f32
    %broadcast_in_dim3A_50 = vector.broadcast %broadcast_in_dim3A_49 : f32 to vector<1000x96xf32>
    %concatenate3A = tpu.concatenate %dot_general3A_41, %dot_general3A_41, %dot_general3A_48, %dot_general3A_48, %broadcast_in_dim3A_50 in 1 : vector<1000x8xf32>, vector<1000x8xf32>, vector<1000x8xf32>, vector<1000x8xf32>, vector<1000x96xf32> -> vector<1000x128xf32>
    %swap3A_51 = arith.constant 0 : index
    %swap3A_52 = arith.constant 0 : index
    %swap3A_53 = vector.load %arg6[%swap3A_51, %swap3A_52] : memref<1000x128xf32, #tpu.memory_space<vmem>>, vector<1000x128xf32>
    tpu.vector_store %arg6[%swap3A_51, %swap3A_52], %concatenate3A {strides = array<i32>} : memref<1000x128xf32, #tpu.memory_space<vmem>>, vector<1000x128xf32>,
    return
  }
  func.func @transform_0(%arg0: i32) -> (i32, i32) {
    %c0_i32 = arith.constant 0 : i32
    %c0_i32_0 = arith.constant 0 : i32
    return %arg0, %c0_i32 : i32, i32
  }
  func.func @transform_1(%arg0: i32) -> (i32, i32) {
    %c0_i32 = arith.constant 0 : i32
    %c0_i32_0 = arith.constant 0 : i32
    %c0_i32_1 = arith.constant 0 : i32
    return %c0_i32, %c0_i32_0 : i32, i32
  }
  func.func @transform_2(%arg0: i32) -> (i32, i32) {
    %c0_i32 = arith.constant 0 : i32
    %c0_i32_0 = arith.constant 0 : i32
    %c0_i32_1 = arith.constant 0 : i32
    return %c0_i32, %c0_i32_0 : i32, i32
  }
  func.func @transform_3(%arg0: i32) -> (i32, i32) {
    %c0_i32 = arith.constant 0 : i32
    %c0_i32_0 = arith.constant 0 : i32
    %c0_i32_1 = arith.constant 0 : i32
    return %c0_i32, %c0_i32_0 : i32, i32
  }
  func.func @transform_4(%arg0: i32) -> (i32, i32) {
    %c0_i32 = arith.constant 0 : i32
    %c0_i32_0 = arith.constant 0 : i32
    return %arg0, %c0_i32 : i32, i32
  }
  func.func @transform_5(%arg0: i32) -> (i32, i32) {
    %c0_i32 = arith.constant 0 : i32
    %c0_i32_0 = arith.constant 0 : i32
    return %arg0, %c0_i32 : i32, i32
  }
}

module attributes {stable_mosaic.version = 14 : i64} {
  func.func @_post_body(%arg0: i32, %arg1: memref<2x1000x128xf32, #tpu.memory_space<vmem>>, %arg2: memref<2x1000x16xf32, #tpu.memory_space<vmem>>, %arg3: memref<128xf32, #tpu.memory_space<vmem>>, %arg4: memref<1000x128xf32, #tpu.memory_space<vmem>>) attributes {dimension_semantics = [#tpu.dimension_semantics<arbitrary>], iteration_bounds = array<i64: 10>, scalar_prefetch = 0 : i64, scratch_operands = 0 : i64, tpu.core_type = #tpu.core_type<tc>, window_params = [{transform_indices = @transform_0, window_bounds = array<i64: 2, 1000, 128>}, {transform_indices = @transform_1, window_bounds = array<i64: 2, 1000, 16>}, {pipeline_mode = #tpu.pipeline_mode<synchronous>, transform_indices = @transform_2, window_bounds = array<i64: 128>}, {transform_indices = @transform_3, window_bounds = array<i64: 1000, 128>}]} {
    %get3A = arith.constant 0 : index
    %get3A_0 = arith.constant 0 : index
    %get3A_1 = arith.constant 0 : index
    %get3A_2 = vector.load %arg1[%get3A, %get3A_0, %get3A_1] : memref<2x1000x128xf32, #tpu.memory_space<vmem>>, vector<1x1000x128xf32>
    %get3A_3 = vector.shape_cast %get3A_2 : vector<1x1000x128xf32> to vector<1000x128xf32>
    %get3A_4 = arith.constant 1 : index
    %get3A_5 = arith.constant 0 : index
    %get3A_6 = arith.constant 0 : index
    %get3A_7 = vector.load %arg1[%get3A_4, %get3A_5, %get3A_6] : memref<2x1000x128xf32, #tpu.memory_space<vmem>>, vector<1x1000x128xf32>
    %get3A_8 = vector.shape_cast %get3A_7 : vector<1x1000x128xf32> to vector<1000x128xf32>
    %add3A = arith.addf %get3A_3, %get3A_8 : vector<1000x128xf32>
    %get3A_9 = arith.constant 0 : index
    %get3A_10 = arith.constant 0 : index
    %get3A_11 = arith.constant 0 : index
    %get3A_12 = vector.load %arg2[%get3A_9, %get3A_10, %get3A_11] : memref<2x1000x16xf32, #tpu.memory_space<vmem>>, vector<1x1000x16xf32>
    %get3A_13 = vector.shape_cast %get3A_12 : vector<1x1000x16xf32> to vector<1000x16xf32>
    %get3A_14 = arith.constant 1 : index
    %get3A_15 = arith.constant 0 : index
    %get3A_16 = arith.constant 0 : index
    %get3A_17 = vector.load %arg2[%get3A_14, %get3A_15, %get3A_16] : memref<2x1000x16xf32, #tpu.memory_space<vmem>>, vector<1x1000x16xf32>
    %get3A_18 = vector.shape_cast %get3A_17 : vector<1x1000x16xf32> to vector<1000x16xf32>
    %add3A_19 = arith.addf %get3A_13, %get3A_18 : vector<1000x16xf32>
    %iota3A = tpu.iota {dimensions = array<i32: 0>} : vector<16x128xi32>
    %iota3A_20 = tpu.iota {dimensions = array<i32: 1>} : vector<16x128xi32>
    %jit3A = arith.constant 16 : i32
    %div3A = vector.broadcast %jit3A : i32 to vector<16x128xi32>
    %div3A_21 = arith.divsi %iota3A_20, %div3A : vector<16x128xi32>
    %sign3A = arith.constant 0 : i32
    %sign3A_22 = vector.broadcast %sign3A : i32 to vector<16x128xi32>
    %sign3A_23 = arith.cmpi sgt, %iota3A_20, %sign3A_22 : vector<16x128xi32>
    %sign3A_24 = arith.extui %sign3A_23 : vector<16x128xi1> to vector<16x128xi32>
    %sign3A_25 = arith.constant 0 : i32
    %sign3A_26 = vector.broadcast %sign3A_25 : i32 to vector<16x128xi32>
    %sign3A_27 = arith.cmpi slt, %iota3A_20, %sign3A_26 : vector<16x128xi32>
    %sign3A_28 = arith.extui %sign3A_27 : vector<16x128xi1> to vector<16x128xi32>
    %sign3A_29 = arith.subi %sign3A_24, %sign3A_28 : vector<16x128xi32>
    %sign3A_30 = arith.constant 0 : i32
    %sign3A_31 = arith.cmpi sgt, %jit3A, %sign3A_30 : i32
    %sign3A_32 = arith.extui %sign3A_31 : i1 to i32
    %sign3A_33 = arith.constant 0 : i32
    %sign3A_34 = arith.cmpi slt, %jit3A, %sign3A_33 : i32
    %sign3A_35 = arith.extui %sign3A_34 : i1 to i32
    %sign3A_36 = arith.subi %sign3A_32, %sign3A_35 : i32
    %ne3A = vector.broadcast %sign3A_36 : i32 to vector<16x128xi32>
    %ne3A_37 = arith.cmpi ne, %sign3A_29, %ne3A : vector<16x128xi32>
    %rem3A = vector.broadcast %jit3A : i32 to vector<16x128xi32>
    %rem3A_38 = arith.remsi %iota3A_20, %rem3A : vector<16x128xi32>
    %ne3A_39 = arith.constant 0 : i32
    %ne3A_40 = vector.broadcast %ne3A_39 : i32 to vector<16x128xi32>
    %ne3A_41 = arith.cmpi ne, %rem3A_38, %ne3A_40 : vector<16x128xi32>
    %and3A = arith.andi %ne3A_37, %ne3A_41 : vector<16x128xi1>
    %sub3A = arith.constant 1 : i32
    %sub3A_42 = vector.broadcast %sub3A : i32 to vector<16x128xi32>
    %sub3A_43 = arith.subi %div3A_21, %sub3A_42 : vector<16x128xi32>
    %select_n3A = arith.select %and3A, %sub3A_43, %div3A_21 : vector<16x128xi1>, vector<16x128xi32>
    %eq3A = arith.cmpi eq, %iota3A, %select_n3A : vector<16x128xi32>
    %jit3A_44 = arith.constant 1.000000e+00 : f32
    %jit3A_45 = arith.constant 0.000000e+00 : f32
    %broadcast_in_dim3A = vector.broadcast %jit3A_44 : f32 to vector<16x128xf32>
    %broadcast_in_dim3A_46 = vector.broadcast %jit3A_45 : f32 to vector<16x128xf32>
    %select_n3A_47 = arith.select %eq3A, %broadcast_in_dim3A, %broadcast_in_dim3A_46 : vector<16x128xi1>, vector<16x128xf32>
    %dot_general3A = arith.constant dense<0.000000e+00> : vector<1000x128xf32>
    %dot_general3A_48 = tpu.matmul %add3A_19, %select_n3A_47, %dot_general3A {dimension_numbers = #tpu.dot_dimension_numbers<[1], [0], [0], [1], [0, 0, 1, 1], [], []>, transpose_lhs_hint = false} : vector<1000x16xf32>, vector<16x128xf32>, vector<1000x128xf32> -> vector<1000x128xf32>
    %gt3A = arith.constant 0.000000e+00 : f32
    %gt3A_49 = vector.broadcast %gt3A : f32 to vector<1000x128xf32>
    %gt3A_50 = arith.cmpf ogt, %dot_general3A_48, %gt3A_49 : vector<1000x128xf32>
    %gt3A_51 = arith.constant 0.000000e+00 : f32
    %gt3A_52 = vector.broadcast %gt3A_51 : f32 to vector<1000x128xf32>
    %gt3A_53 = arith.cmpf ogt, %dot_general3A_48, %gt3A_52 : vector<1000x128xf32>
    %jit3A_54 = arith.constant 1.000000e+00 : f32
    %broadcast_in_dim3A_55 = vector.broadcast %jit3A_54 : f32 to vector<1000x128xf32>
    %select_n3A_56 = arith.select %gt3A_53, %dot_general3A_48, %broadcast_in_dim3A_55 : vector<1000x128xi1>, vector<1000x128xf32>
    %div3A_57 = arith.divf %add3A, %select_n3A_56 : vector<1000x128xf32>
    %jit3A_58 = arith.constant 0.000000e+00 : f32
    %broadcast_in_dim3A_59 = vector.broadcast %jit3A_58 : f32 to vector<1000x128xf32>
    %select_n3A_60 = arith.select %gt3A_50, %div3A_57, %broadcast_in_dim3A_59 : vector<1000x128xi1>, vector<1000x128xf32>
    %get3A_61 = arith.constant 0 : index
    %get3A_62 = vector.load %arg3[%get3A_61] : memref<128xf32, #tpu.memory_space<vmem>>, vector<128xf32>
    %broadcast_in_dim3A_63 = vector.shape_cast %get3A_62 : vector<128xf32> to vector<1x128xf32>
    %add3A_64 = vector.broadcast %broadcast_in_dim3A_63 : vector<1x128xf32> to vector<1000x128xf32>
    %add3A_65 = arith.addf %select_n3A_60, %add3A_64 : vector<1000x128xf32>
    %gt3A_66 = arith.constant 0.000000e+00 : f32
    %gt3A_67 = vector.broadcast %gt3A_66 : f32 to vector<1000x128xf32>
    %gt3A_68 = arith.cmpf ogt, %add3A_65, %gt3A_67 : vector<1000x128xf32>
    %min3A = arith.constant 0.000000e+00 : f32
    %min3A_69 = vector.broadcast %min3A : f32 to vector<1000x128xf32>
    %min3A_70 = arith.minimumf %add3A_65, %min3A_69 : vector<1000x128xf32>
    %exp3A = math.exp %min3A_70 : vector<1000x128xf32>
    %sub3A_71 = arith.constant 1.000000e+00 : f32
    %sub3A_72 = vector.broadcast %sub3A_71 : f32 to vector<1000x128xf32>
    %sub3A_73 = arith.subf %exp3A, %sub3A_72 : vector<1000x128xf32>
    %select_n3A_74 = arith.select %gt3A_68, %add3A_65, %sub3A_73 : vector<1000x128xi1>, vector<1000x128xf32>
    %swap3A = arith.constant 0 : index
    %swap3A_75 = arith.constant 0 : index
    %swap3A_76 = vector.load %arg4[%swap3A, %swap3A_75] : memref<1000x128xf32, #tpu.memory_space<vmem>>, vector<1000x128xf32>
    tpu.vector_store %arg4[%swap3A, %swap3A_75], %select_n3A_74 {strides = array<i32>} : memref<1000x128xf32, #tpu.memory_space<vmem>>, vector<1000x128xf32>,
    return
  }
  func.func @transform_0(%arg0: i32) -> (i32, i32, i32) {
    %c0_i32 = arith.constant 0 : i32
    %c0_i32_0 = arith.constant 0 : i32
    %c0_i32_1 = arith.constant 0 : i32
    return %c0_i32, %arg0, %c0_i32_0 : i32, i32, i32
  }
  func.func @transform_1(%arg0: i32) -> (i32, i32, i32) {
    %c0_i32 = arith.constant 0 : i32
    %c0_i32_0 = arith.constant 0 : i32
    %c0_i32_1 = arith.constant 0 : i32
    return %c0_i32, %arg0, %c0_i32_0 : i32, i32, i32
  }
  func.func @transform_2(%arg0: i32) -> i32 {
    %c0_i32 = arith.constant 0 : i32
    %c0_i32_0 = arith.constant 0 : i32
    return %c0_i32 : i32
  }
  func.func @transform_3(%arg0: i32) -> (i32, i32) {
    %c0_i32 = arith.constant 0 : i32
    %c0_i32_0 = arith.constant 0 : i32
    return %arg0, %c0_i32 : i32, i32
  }
}

</mosaic_0001>

<sc_bundles>
// kernel: kernel.6.cloned.1.call-start
scs
__scs_entry_jumppad:
0x0: {  	(pc) =	sbr.rel $0x88, $3  }
0x1: {  	(tag) =	ssettag $0x0;
	lr =	simm.s32 $0x1  }
0x2: {  	[smem:$0x3F9B] =	sst lr;
	_ =	strace $0xD0000000  }
0x3: {  	_ = 	snop  }
0x4: {  	_ = 	snop  }
0x5: {  	_ = 	snop  }
0x6: {  	_ = 	snop  }
0x7: {  	_ = 	snop  }
__scs_overlays_trampoline_lowered:
0x8: {  	[smem:$0x3FAA] =	sst s0  }
0x9: {  	[smem:$0x3FAB] =	sst s1  }
0xa: {  	[smem:$0x3FAC] =	sst s2  }
0xb: {  	[smem:$0x3FAD] =	sst s3  }
0xc: {  	[smem:$0x3FAE] =	sst s4  }
0xd: {  	[smem:$0x3FAF] =	sst s5  }
0xe: {  	[smem:$0x3FB0] =	sst s6  }
0xf: {  	[smem:$0x3FB1] =	sst s7  }
0x10: {  	[smem:$0x3FB2] =	sst s8  }
0x11: {  	[smem:$0x3FB3] =	sst s9;
	s0 =	simm.s32 @!p0 $0x0  }
0x12: {  	s1 =	sld [smem:$0x3F99];
	s0 =	simm.s32 @p0 $0x1  }
0x13: {  	[smem:$0x3FB4] =	sst s0;
	s0 =	simm.s32 @!p1 $0x0  }
0x14: {  	s2 =	sld [smem:$0x3F98];
	s0 =	simm.s32 @p1 $0x1  }
0x15: {  	[smem:$0x3FB5] =	sst s0;
	s0 =	simm.s32 @!p2 $0x0  }
0x16: {  	s3 =	sld [smem:$0x3FDB];
	s0 =	simm.s32 @p2 $0x1  }
0x17: {  	s4 =	simm.s32 $0x1BF5;
	[smem:$0x3FB7] =	sst s0  }
0x18: {  	s0 =	sld [smem:$0x3F9A];
	_ =	swait.ge [sflag:s4], $0x0  }
0x19: {  	s7 =	sld [smem:$0x3F9B]  }
0x1a: {  	s8 =	sadd.s32 $0xFFFFE003, lr  }
0x1b: {  	s9 =	sadd.s32 $0xFFFFFEF7, lr;
	s5 =	simm.s32 $0xFFFFFFFF;
	p2 =	slt.u32 s8, $0xFFFFF086  }
0x1c: {  	p1 =	slt.u32 s9, $0xF7A;
	s5 =	simm.s32 @!p2 $0x0  }
0x1d: {  	s5 =	simm.s32 @p1 $0x1;
	p0 =	seq.s32 s7, s2  }
0x1e: {  	s7 =	smul.u32 @!p0 $0xF7A, s2;
	p2 =	seq.s32 @!p0 s5, $0x0  }
0x1f: {  	s9 =	smul.u32 $0xF7A, s1;
	s8 =	simm.s32 @!p0 $0x1BF5;
	p2 =	por !p2, p0  }
0x20: {  	[sflag:s8] =	ssyncset.s32 @!p0 $0xFFFFF086;
	s6 =	sadd.s32 @!p0 s3, s7;
	s7 =	simm.s32 @!p0 $0x108  }
0x21: {  	s3 =	sadd.s32 s3, s9;
	s6 =	sadd.s32 @!p0 $0x88, s6;
	s7 =	simm.s32 @p2 $0x1082  }
0x22: {  	[simem:s7], [sflag:s8] =	dma.local @!p0 [hbm:s6], $0xF7A  }
0x23: {  	s9 =	sor.u32 $0xD0000000, s2;
	s6 =	simm.s32 $0x108;
	_ =	swait.ge @!p0 [sflag:s8], $0x0  }
0x24: {  	s3 =	sadd.s32 $0x88, s3;
	s6 =	simm.s32 @!p1 $0x1082;
	[sflag:s4] =	ssyncset.s32 $0xFFFFF086  }
0x25: {  	[simem:s6], [sflag:s4] =	dma.local [hbm:s3], $0xF7A  }
0x26: {  	[smem:$0x3F9B] =	sst s1;
	(tag) =	ssettag s2;
	_ =	strace s9  }
0x27: {  	s1 =	sld [smem:$0x3FAB]  }
0x28: {  	s2 =	sld [smem:$0x3FAC]  }
0x29: {  	s4 =	sld [smem:$0x3FAE]  }
0x2a: {  	p0 =	seq.s32 s5, $0x0;
	s5 =	sld [smem:$0x3FAF]  }
0x2b: {  	s6 =	sld [smem:$0x3FB0]  }
0x2c: {  	s7 =	sld [smem:$0x3FB1]  }
0x2d: {  	s3 =	simm.s32 $0x108;
	s8 =	sld [smem:$0x3FB2]  }
0x2e: {  	s3 =	simm.s32 @!p0 $0x1082;
	s9 =	sld [smem:$0x3FB3]  }
0x2f: {  	lr =	sadd.s32 s0, s3;
	s0 =	sld [smem:$0x3FAA]  }
0x30: {  	s3 =	sld [smem:$0x3FAD]  }
0x31: {  	[smem:$0x3FB6] =	sst s10  }
0x32: {  	s10 =	sld [smem:$0x3FB4];
	_ =	sdelay $0x3  }
0x33: {  	p0 =	seq.s32 s10, $0x1;
	s10 =	sld [smem:$0x3FB6];
	_ =	sdelay $0x3  }
0x34: {  	[smem:$0x3FB6] =	sst s10  }
0x35: {  	s10 =	sld [smem:$0x3FB5];
	_ =	sdelay $0x3  }
0x36: {  	p1 =	seq.s32 s10, $0x1;
	s10 =	sld [smem:$0x3FB6];
	_ =	sdelay $0x3  }
0x37: {  	[smem:$0x3FB6] =	sst s10  }
0x38: {  	s10 =	sld [smem:$0x3FB7]  }
0x39: {  	_ = 	snop;
	(pc) =	sbr.ind lr, $3  }
0x3a: {  	_ = 	snop  }
0x3b: {  	_ = 	snop  }
0x3c: {  	p2 =	seq.s32 s10, $0x1;
	s10 =	sld [smem:$0x3FB6]  }
0x3d: {  	_ =	shalt  }
0x3e: {  	_ =	shalt  }
0x3f: {  	_ =	shalt  }
0x40: {  	_ =	shalt  }
0x41: {  	_ =	shalt  }
0x42: {  	_ =	shalt  }
0x43: {  	_ =	shalt  }
0x44: {  	_ =	shalt  }
0x45: {  	_ =	shalt  }
0x46: {  	_ =	shalt  }
0x47: {  	_ =	shalt  }
0x48: {  	_ =	shalt  }
0x49: {  	_ =	shalt  }
0x4a: {  	_ =	shalt  }
0x4b: {  	_ =	shalt  }
0x4c: {  	_ =	shalt  }
0x4d: {  	_ =	shalt  }
0x4e: {  	_ =	shalt  }
0x4f: {  	_ =	shalt  }
0x50: {  	_ =	shalt  }
0x51: {  	_ =	shalt  }
0x52: {  	_ =	shalt  }
0x53: {  	_ =	shalt  }
0x54: {  	_ =	shalt  }
0x55: {  	_ =	shalt  }
0x56: {  	_ =	shalt  }
0x57: {  	_ =	shalt  }
0x58: {  	_ =	shalt  }
0x59: {  	_ =	shalt  }
0x5a: {  	_ =	shalt  }
0x5b: {  	_ =	shalt  }
0x5c: {  	_ =	shalt  }
0x5d: {  	_ =	shalt  }
0x5e: {  	_ =	shalt  }
0x5f: {  	_ =	shalt  }
0x60: {  	_ =	shalt  }
0x61: {  	_ =	shalt  }
0x62: {  	_ =	shalt  }
0x63: {  	_ =	shalt  }
0x64: {  	_ =	shalt  }
0x65: {  	_ =	shalt  }
0x66: {  	_ =	shalt  }
0x67: {  	_ =	shalt  }
0x68: {  	_ =	shalt  }
0x69: {  	_ =	shalt  }
0x6a: {  	_ =	shalt  }
0x6b: {  	_ =	shalt  }
0x6c: {  	_ =	shalt  }
0x6d: {  	_ =	shalt  }
0x6e: {  	_ =	shalt  }
0x6f: {  	_ =	shalt  }
0x70: {  	_ =	shalt  }
0x71: {  	_ =	shalt  }
0x72: {  	_ =	shalt  }
0x73: {  	_ =	shalt  }
0x74: {  	_ =	shalt  }
0x75: {  	_ =	shalt  }
0x76: {  	_ =	shalt  }
0x77: {  	_ =	shalt  }
0x78: {  	_ =	shalt  }
0x79: {  	_ =	shalt  }
0x7a: {  	_ =	shalt  }
0x7b: {  	_ =	shalt  }
0x7c: {  	_ =	shalt  }
0x7d: {  	_ =	shalt  }
0x7e: {  	_ =	shalt  }
0x7f: {  	_ =	shalt  }
0x80: {  	_ =	shalt  }
0x81: {  	_ =	shalt  }
0x82: {  	_ =	shalt  }
0x83: {  	_ =	shalt  }
0x84: {  	_ =	shalt  }
0x85: {  	_ =	shalt  }
0x86: {  	_ =	shalt  }
0x87: {  	_ =	shalt  }
.Lfunc_end0:
.L_simem_size_0:
called_computation_lowered:
.L_overlay_start_0:
0x88: {  	s2 =	sld [smem:$0x3FD9]  }
0x89: {  	s3 =	sld [smem:$0x3FFE];
	_ =	sdelay $0x1  }
0x8a: {  	s1 =	srdreg.scid  }
0x8b: {  	s0 =	sand.u32 $0x1, s1  }
0x8c: {  	s17 =	sshll.u32 s0, $0xA;
	s2 =	sadd.s32 s3, s2  }
0x8d: {  	s2 =	sadd.s32 s2, s17  }
0x8e: {  	[smem:$0x3FC2] =	sst s2  }
0x8f: {  	_ = 	snop  }
0x90: {  	s2 =	sld [smem:$0x3FD0];
	(tm) =	ssettm $0x1  }
0x91: {  	s18 =	sld [smem:$0x3FFB];
	_ =	sdelay $0x3  }
0x92: {  	_ =	strace s18  }
0x93: {  	s3 =	sld [smem:$0x3FFC];
	_ =	sdelay $0x3  }
0x94: {  	_ =	strace s3  }
0x95: {  	s3 =	sld [smem:$0x3FFD];
	_ =	sdelay $0x3  }
0x96: {  	_ =	strace s3  }
0x97: {  	_ =	strace $0x8FFFFFFF  }
0x98: {  	s19 =	sld [smem:$0x3FDB];
	_ =	sdelay $0x1  }
0x99: {  	s4 =	simm.s32 $_scs_section_size  }
0x9a: {  	s5 =	simm.s32 $_size__tile_overlayer_lowered;
	s6 =	simm.s32 $_tile_overlayer_lowered  }
0x9b: {  	s22 =	simm.s32 $0x1BFF;
	s21 =	sshll.u32 s6, $0x1;
	s3 =	sadd.s32 s4, s19  }
0x9c: {  	s7 =	simm.s32 $0x0;
	s20 =	sshll.u32 s5, $0x1;
	s5 =	sadd.s32 s21, s3  }
0x9d: {  	[timem:s7], [sflag:s22] =	dma.local [hbm:s5], s20  }
0x9e: {  	_ =	swait.ge [sflag:s22], s20  }
0x9f: {  	s4 =	ssub.s32 $0x0, s20;
	[sflag:s22] =	ssyncset.done $0x0  }
0xa0: {  	[sflag:s22] =	ssyncadd.s32 s4;
	_ =	sdelay $0x1  }
0xa1: {  	s23 =	simm.s32 $0x1B8B  }
0xa2: {  	_ =	swait.ge [sflag:s23], $0x1  }
0xa3: {  	[sflag:s23] =	ssyncset.done $0x0  }
0xa4: {  	s25 =	simm.s32 $0x1B8E;
	s24 =	sld [smem:$0x3FFE];
	[sflag:s23] =	ssyncadd.s32 $0xFFFFFFFF  }
0xa5: {  	s26 =	simm.s32 $execute0_lowered;
	[smem:$0x3FD2] =	sst s25  }
0xa6: {  	s5 =	sshll.u32 s26, $0x1;
	_ =	strace $0x80000046;
	[dreg:$0x1] =	wrdreg $0xFFFFFFFF  }
0xa7: {  	s28 =	simm.s32 $_size_execute0_lowered;
	s3 =	sadd.s32 s3, s5;
	[dreg:$0x0] =	wrdreg $0x0  }
0xa8: {  	s5 =	sshll.u32 s28, $0x1;
	[dreg:$0x2] =	wrdreg s3  }
0xa9: {  	[dreg:$0x3] =	wrdreg s5  }
0xaa: {  	[dreg:$0x4] =	wrdreg $0xC0  }
0xab: {  	_ =	task [dreg:s7], $0x5FFFF  }
0xac: {  	[dreg:$0x1] =	wrdreg $0xFFFFFFFF  }
0xad: {  	[dreg:$0x0] =	wrdreg $0x60  }
0xae: {  	[dreg:$0x2] =	wrdreg s2  }
0xaf: {  	[dreg:$0x3] =	wrdreg s24  }
0xb0: {  	[dreg:$0x4] =	wrdreg $0x8E000  }
0xb1: {  	[dreg:$0x5] =	wrdreg $0x1CE000  }
0xb2: {  	[dreg:$0x6] =	wrdreg $0x9  }
0xb3: {  	_ =	task.clear_ibuf [dreg:s7], $0x7FFFF;
	_ =	strace $0x90000046  }
0xb4: {  	s29 =	simm.s32 $0x9;
	_ =	strace $0x80000048  }
0xb5: {  	_ =	swait.ge [sflag:s29], $0x1  }
0xb6: {  	[sflag:s29] =	ssyncadd.s32 $0xFFFFFFFF  }
0xb7: {  	_ =	strace $0x90000048  }
0xb8: {  	_ =	sfence  }
0xb9: {  	s30 =	sld [smem:$0x0];
	_ =	sdelay $0x2  }
0xba: {  	s31 =	sshll.u32 s1, $0xD;
	s1 =	sshrl.u32 s1, $0x2  }
0xbb: {  	s3 =	sand.u32 $0x4000, s31;
	s1 =	sadd.s32 s1, s30  }
0xbc: {  	s0 =	sor.u32 s3, s0;
	s1 =	sshll.u32 s1, $0x11  }
0xbd: {  	s0 =	sor.u32 s1, s0  }
0xbe: {  	s0 =	sadd.s32 $0x8F2B, s0  }
0xbf: {  	[sflag:s0] =	ssyncadd.remote.s32 $0x1  }
0xc0: {  	_ =	sfence.sel $0xFFFF  }
0xc1: {  	[dreg:$0x0] =	wrdreg $0xFFFFFFFF;
	(pc) =	sbr.abs _section_cstart, $3  }
0xc2: {  	[dreg:$0x1] =	wrdreg $0xFFFFFFFF  }
0xc3: {  	_ =	task.clear_ibuf [dreg:s7], $0x2FFFF;
	_ =	strace $0x9FFFFFFF  }
0xc4: {  	(tm) =	ssettm $0x7FFFFFFF  }
0xc5: {  	_ =	shalt  }
tec
execute0_lowered:
.L_overlay_start_1:
0x0: {  	(tag) =	ssettag $0x1  }
0x1: {  	s1 =	rddreg [dreg:$0x0]  }
0x2: {  	s0 =	srdreg.scid;
	s16 =	stileid.u32  }
0x3: {  	s2 =	rddreg [dreg:$0x1];
	s10 =	smul.u32 $0x14000, s16  }
0x4: {  	s3 =	rddreg [dreg:$0x2];
	s25 =	smul.u32 $0x2800, s16  }
0x5: {  	s0 =	sand.u32 $0x1, s0;
	s4 =	sshll.u32 s16, $0x1;
	s13 =	smul.u32 $0x50000, s16  }
0x6: {  	s6 =	sadd.s32 $0x14A00, s2;
	s7 =	sadd.s32 $0xAC00, s2;
	s8 =	smul.u32 $0x140000, s0  }
0x7: {  	s5 =	sor.u32 s0, s4;
	s4 =	rddreg [dreg:$0x3];
	s11 =	smul.u32 $0x28000, s0  }
0x8: {  	s0 =	ssub.s32 $0x2, s0;
	s9 =	smul.u32 $0x2710, s5;
	s5 =	simm.s32 $0x0  }
0x9: {  	s28 =	sshrl.u32 s13, $0x2;
	s29 =	sshrl.u32 s0, $0x1;
	[smem:$0x7FF] =	sst s5  }
0xa: {  	s8 =	sadd.s32 s10, s8;
	s26 =	sadd.s32 s25, s11;
	s0 =	ssub.s32 s0, s29  }
0xb: {  	_ =	strace $0x80000047;
	s12 =	sshrl.u32 s9, $0x3;
	s8 =	sshrl.u32 s8, $0x3  }
0xc: {  	s0 =	smax.u32 s0, $0x1;
	s14 =	sadd.s32 s12, s2;
	s15 =	sadd.s32 s8, s2  }
0xd: {  	s8 =	sshrl.u32 s26, $0x3;
	s23 =	sadd.s32 s7, s12;
	[dreg:$0x13] =	wrdreg s0  }
0xe: {  	s2 =	sadd.s32 s8, s2;
	s22 =	sadd.s32 $0xE00, s14;
	[dreg:$0x10] =	wrdreg s23  }
0xf: {  	s8 =	sadd.s32 s28, s3;
	s24 =	sadd.s32 $0x45C00, s15;
	[dreg:$0xf] =	wrdreg s22  }
0x10: {  	s10 =	sadd.s32 $0x1400, s8;
	[dreg:$0x11] =	wrdreg s24  }
0x11: {  	s30 =	sadd.s32 $0x2800, s8;
	[dreg:$0x5] =	wrdreg s10  }
0x12: {  	s31 =	sadd.s32 $0x3C00, s8;
	[dreg:$0x6] =	wrdreg s30  }
0x13: {  	s11 =	sadd.s32 $0x5000, s8;
	[dreg:$0x7] =	wrdreg s31  }
0x14: {  	s13 =	smul.u32 $0xA000, s16;
	s16 =	sadd.s32 $0x6400, s8;
	[dreg:$0x8] =	wrdreg s11  }
0x15: {  	s17 =	sadd.s32 $0x7800, s8;
	[dreg:$0x9] =	wrdreg s16  }
0x16: {  	s0 =	simm.s32 $0x7A00;
	s18 =	sadd.s32 $0x8C00, s8;
	[dreg:$0xa] =	wrdreg s17  }
0x17: {  	s12 =	simm.s32 $0x2900;
	s19 =	sadd.s32 $0xA000, s8;
	[dreg:$0xb] =	wrdreg s18  }
0x18: {  	s14 =	simm.s32 $0x4;
	s20 =	sadd.s32 $0xB400, s8;
	[dreg:$0xc] =	wrdreg s19  }
0x19: {  	s15 =	simm.s32 $0x50;
	s21 =	sadd.s32 $0xC800, s8;
	[dreg:$0xd] =	wrdreg s20  }
0x1a: {  	s23 =	simm.s32 $0x1;
	s2 =	sadd.s32 $0x3BC00, s2;
	[dreg:$0xe] =	wrdreg s21  }
0x1b: {  	s22 =	sadd.s32 $0x28, s9;
	s25 =	sadd.s32 $0xDC00, s8;
	[dreg:$0x12] =	wrdreg s2  }
0x1c: {  	s26 =	sadd.s32 $0xF000, s8;
	s28 =	sadd.s32 $0x10400, s8;
	[dreg:$0x14] =	wrdreg s25  }
0x1d: {  	s29 =	sadd.s32 $0x11800, s8;
	s9 =	simm.s32 $0x5;
	[dreg:$0x15] =	wrdreg s26  }
0x1e: {  	s24 =	simm.s32 $0x2;
	s10 =	sshrl.u32 s13, $0x2;
	[dreg:$0x16] =	wrdreg s28  }
0x1f: {  	[dreg:$0x17] =	wrdreg s29;
	s30 =	sadd.s32 $0x12C00, s8;
	s11 =	simm.s32 $0x2880  }
0x20: {  	s13 =	simm.s32 $0x2800;
	s16 =	simm.s32 $0x2980;
	s17 =	simm.s32 $0x3E00  }
0x21: {  	v0 =	vimm.f32 $0.0e+00;
	v1 =	vimm.s32 $0x0;
	v2 =	vimm.s32 $0x7;
	s18 =	simm.s32 $0x3;
	s20 =	simm.s32 $0x2780;
	s19 =	sadd.s32 s10, s4  }
0x22: {  	v3 =	vimm.s32 $0x1;
	v4 =	vimm.s32 $0x2;
	v5 =	vimm.s32 $0x3;
	s21 =	simm.s32 $0x2A00;
	[dreg:$0x18] =	wrdreg s30;
	s31 =	sadd.s32 $0x1400, s19  }
0x23: {  	v6 =	vimm.s32 $0x4;
	v7 =	vimm.s32 $0x5;
	v8 =	vimm.s32 $0x6;
	s25 =	simm.s32 $0x6600;
	s10 =	simm.s32 $0x28;
	[dreg:$0x19] =	wrdreg s31  }
.LBB2_1:
0x24: {  	s26 =	simm.s32 $0x0;
	s28 =	simm.s32 $0x200  }
.LBB2_2:
0x25: {  	p0 =	sne.s32 s28, $0x4E00;
	[tilespmem:s26+$0x7A70] =	vst v0  }
0x26: {  	[tilespmem:s26+$0x7A00] =	vst v0  }
0x27: {  	[tilespmem:s26+$0x7A10] =	vst v0  }
.Ltmp0:
0x28: {  	[tilespmem:s26+$0x7A20] =	vst v0;
	(pc) =	sbr.rel @p0 .LBB2_2-.Ltmp0, $4  }
0x29: {  	[tilespmem:s26+$0x7A30] =	vst v0  }
0x2a: {  	[tilespmem:s26+$0x7A40] =	vst v0  }
0x2b: {  	[tilespmem:s26+$0x7A50] =	vst v0  }
0x2c: {  	[tilespmem:s26+$0x7A60] =	vst v0;
	s26 =	sshra.s32 s28, $0x2;
	s28 =	sadd.s32 $0x200, s28  }
0x2d: {  	[tilespmem:s26+$0x7A70] =	vst v0  }
0x2e: {  	[tilespmem:s26+$0x7A00] =	vst v0  }
0x2f: {  	[tilespmem:s26+$0x7A10] =	vst v0  }
0x30: {  	[tilespmem:s26+$0x7A20] =	vst v0  }
0x31: {  	[tilespmem:s26+$0x7A30] =	vst v0  }
0x32: {  	[tilespmem:s26+$0x7A40] =	vst v0  }
0x33: {  	[tilespmem:s26+$0x7A50] =	vst v0  }
0x34: {  	[tilespmem:s26+$0x7A60] =	vst v0  }
0x35: {  	[spmem:s8] =	stream.linear.scatter [tilespmem:s0], [sflag:$0x5], $0x1400, $0x38;
	[tilespmem:$0x1F600] =	vst v63  }
0x36: {  	_ =	swait.ge [sflag:s9], $0x1400  }
0x37: {  	[sflag:s9] =	ssyncset.done $0x0  }
0x38: {  	s2 =	rddreg [dreg:$0x5];
	[sflag:s9] =	ssyncadd.s32 $0xFFFFEC00  }
0x39: {  	[spmem:s2] =	stream.linear.scatter [tilespmem:s0], [sflag:$0x5], $0x1400, $0x38;
	[tilespmem:$0x1F600] =	vst v63  }
0x3a: {  	_ =	swait.ge [sflag:s9], $0x1400  }
0x3b: {  	[sflag:s9] =	ssyncset.done $0x0  }
0x3c: {  	s31 =	rddreg [dreg:$0x6];
	[sflag:s9] =	ssyncadd.s32 $0xFFFFEC00  }
0x3d: {  	[spmem:s31] =	stream.linear.scatter [tilespmem:s0], [sflag:$0x5], $0x1400, $0x38;
	[tilespmem:$0x1F600] =	vst v63  }
0x3e: {  	_ =	swait.ge [sflag:s9], $0x1400  }
0x3f: {  	[sflag:s9] =	ssyncset.done $0x0  }
0x40: {  	s26 =	rddreg [dreg:$0x7];
	[sflag:s9] =	ssyncadd.s32 $0xFFFFEC00  }
0x41: {  	[spmem:s26] =	stream.linear.scatter [tilespmem:s0], [sflag:$0x5], $0x1400, $0x38;
	[tilespmem:$0x1F600] =	vst v63  }
0x42: {  	_ =	swait.ge [sflag:s9], $0x1400  }
0x43: {  	[sflag:s9] =	ssyncset.done $0x0  }
0x44: {  	s29 =	rddreg [dreg:$0x8];
	[sflag:s9] =	ssyncadd.s32 $0xFFFFEC00  }
0x45: {  	[spmem:s29] =	stream.linear.scatter [tilespmem:s0], [sflag:$0x5], $0x1400, $0x38;
	[tilespmem:$0x1F600] =	vst v63  }
0x46: {  	_ =	swait.ge [sflag:s9], $0x1400  }
0x47: {  	[sflag:s9] =	ssyncset.done $0x0  }
0x48: {  	s30 =	rddreg [dreg:$0x9];
	[sflag:s9] =	ssyncadd.s32 $0xFFFFEC00  }
0x49: {  	[spmem:s30] =	stream.linear.scatter [tilespmem:s0], [sflag:$0x5], $0x1400, $0x38;
	[tilespmem:$0x1F600] =	vst v63  }
0x4a: {  	_ =	swait.ge [sflag:s9], $0x1400  }
0x4b: {  	[sflag:s9] =	ssyncset.done $0x0  }
0x4c: {  	s31 =	rddreg [dreg:$0xa];
	[sflag:s9] =	ssyncadd.s32 $0xFFFFEC00  }
0x4d: {  	[spmem:s31] =	stream.linear.scatter [tilespmem:s0], [sflag:$0x5], $0x1400, $0x38;
	[tilespmem:$0x1F600] =	vst v63  }
0x4e: {  	_ =	swait.ge [sflag:s9], $0x1400  }
0x4f: {  	[sflag:s9] =	ssyncset.done $0x0  }
0x50: {  	s26 =	rddreg [dreg:$0xb];
	[sflag:s9] =	ssyncadd.s32 $0xFFFFEC00  }
0x51: {  	[spmem:s26] =	stream.linear.scatter [tilespmem:s0], [sflag:$0x5], $0x1400, $0x38;
	[tilespmem:$0x1F600] =	vst v63  }
0x52: {  	_ =	swait.ge [sflag:s9], $0x1400  }
0x53: {  	[sflag:s9] =	ssyncset.done $0x0  }
0x54: {  	s29 =	rddreg [dreg:$0xc];
	[sflag:s9] =	ssyncadd.s32 $0xFFFFEC00  }
0x55: {  	[spmem:s29] =	stream.linear.scatter [tilespmem:s0], [sflag:$0x5], $0x1400, $0x38;
	[tilespmem:$0x1F600] =	vst v63  }
0x56: {  	_ =	swait.ge [sflag:s9], $0x1400  }
0x57: {  	[sflag:s9] =	ssyncset.done $0x0  }
0x58: {  	s30 =	rddreg [dreg:$0xd];
	[sflag:s9] =	ssyncadd.s32 $0xFFFFEC00  }
0x59: {  	[spmem:s30] =	stream.linear.scatter [tilespmem:s0], [sflag:$0x5], $0x1400, $0x38;
	[tilespmem:$0x1F600] =	vst v63  }
0x5a: {  	_ =	swait.ge [sflag:s9], $0x1400  }
0x5b: {  	[sflag:s9] =	ssyncset.done $0x0  }
0x5c: {  	s31 =	rddreg [dreg:$0xe];
	[sflag:s9] =	ssyncadd.s32 $0xFFFFEC00  }
0x5d: {  	[spmem:s31] =	stream.linear.scatter [tilespmem:s0], [sflag:$0x5], $0x1400, $0x38;
	[tilespmem:$0x1F600] =	vst v63  }
0x5e: {  	_ =	swait.ge [sflag:s9], $0x1400  }
0x5f: {  	[sflag:s9] =	ssyncset.done $0x0  }
0x60: {  	s26 =	rddreg [dreg:$0x14];
	[sflag:s9] =	ssyncadd.s32 $0xFFFFEC00  }
0x61: {  	[spmem:s26] =	stream.linear.scatter [tilespmem:s0], [sflag:$0x5], $0x1400, $0x38;
	[tilespmem:$0x1F600] =	vst v63  }
0x62: {  	_ =	swait.ge [sflag:s9], $0x1400  }
0x63: {  	[sflag:s9] =	ssyncset.done $0x0  }
0x64: {  	s29 =	rddreg [dreg:$0x15];
	[sflag:s9] =	ssyncadd.s32 $0xFFFFEC00  }
0x65: {  	[spmem:s29] =	stream.linear.scatter [tilespmem:s0], [sflag:$0x5], $0x1400, $0x38;
	[tilespmem:$0x1F600] =	vst v63  }
0x66: {  	_ =	swait.ge [sflag:s9], $0x1400  }
0x67: {  	[sflag:s9] =	ssyncset.done $0x0  }
0x68: {  	s30 =	rddreg [dreg:$0x16];
	[sflag:s9] =	ssyncadd.s32 $0xFFFFEC00  }
0x69: {  	[spmem:s30] =	stream.linear.scatter [tilespmem:s0], [sflag:$0x5], $0x1400, $0x38;
	[tilespmem:$0x1F600] =	vst v63  }
0x6a: {  	_ =	swait.ge [sflag:s9], $0x1400  }
0x6b: {  	[sflag:s9] =	ssyncset.done $0x0  }
0x6c: {  	s31 =	rddreg [dreg:$0x17];
	[sflag:s9] =	ssyncadd.s32 $0xFFFFEC00  }
0x6d: {  	[spmem:s31] =	stream.linear.scatter [tilespmem:s0], [sflag:$0x5], $0x1400, $0x38;
	[tilespmem:$0x1F600] =	vst v63  }
0x6e: {  	_ =	swait.ge [sflag:s9], $0x1400  }
0x6f: {  	[sflag:s9] =	ssyncset.done $0x0  }
0x70: {  	s26 =	rddreg [dreg:$0x18];
	[sflag:s9] =	ssyncadd.s32 $0xFFFFEC00  }
0x71: {  	[spmem:s26] =	stream.linear.scatter [tilespmem:s0], [sflag:$0x5], $0x1400, $0x38;
	[tilespmem:$0x1F600] =	vst v63  }
0x72: {  	_ =	swait.ge [sflag:s9], $0x1400  }
0x73: {  	[sflag:s9] =	ssyncset.done $0x0  }
0x74: {  	[sflag:s9] =	ssyncadd.s32 $0xFFFFEC00  }
0x75: {  	[spmem:s19] =	stream.linear.scatter [tilespmem:s0], [sflag:$0x5], $0x1400, $0x38;
	[tilespmem:$0x1F600] =	vst v63  }
0x76: {  	_ =	swait.ge [sflag:s9], $0x1400  }
0x77: {  	[sflag:s9] =	ssyncset.done $0x0  }
0x78: {  	s29 =	rddreg [dreg:$0x19];
	[sflag:s9] =	ssyncadd.s32 $0xFFFFEC00  }
0x79: {  	[spmem:s29] =	stream.linear.scatter [tilespmem:s0], [sflag:$0x5], $0x1400, $0x38;
	[tilespmem:$0x1F600] =	vst v63  }
0x7a: {  	_ =	swait.ge [sflag:s9], $0x1400  }
0x7b: {  	[sflag:s9] =	ssyncset.done $0x0  }
0x7c: {  	s26 =	simm.s32 $0x0;
	s30 =	rddreg [dreg:$0xf];
	[sflag:s9] =	ssyncadd.s32 $0xFFFFEC00  }
0x7d: {  	[tilespmem:s26], [sflag:$0x5] =	stream.linear.gather [hbm4b:s30+s26], $0x2710, $0x38;
	[tilespmem:$0x1F600] =	vst v63  }
0x7e: {  	_ =	swait.ge [sflag:s9], $0x2710  }
0x7f: {  	[sflag:s9] =	ssyncset.done $0x0  }
0x80: {  	[sflag:s9] =	ssyncadd.s32 $0xFFFFD8F0  }
0x81: {  	[tilespmem:$0x2710] =	vst v1  }
0x82: {  	[tilespmem:$0x2880] =	vst v1  }
0x83: {  	[tilespmem:$0x2900] =	vst v1  }
0x84: {  	[tilespmem:$0x2890] =	vst v1  }
0x85: {  	[tilespmem:$0x2910] =	vst v1  }
0x86: {  	[tilespmem:$0x2898] =	vst v1  }
0x87: {  	[tilespmem:$0x2918] =	vst v1  }
0x88: {  	[bflag:$0x0] =	sbarrier.arrive $0xFFFF  }
0x89: {  	[spmem:s3] =	stream.indirect.scatter.add.f32 [tilespmem:s0], [sflag:$0x3], $0x80, s11, s10, $0xb8;
	[tilespmem:$0x1F600] =	vst v63  }
0x8a: {  	_ = 	snop  }
0x8b: {  	[spmem:s4] =	stream.indirect.scatter.add.f32 [tilespmem:s0], [sflag:$0x3], $0x80, s12, s10, $0xb8;
	[tilespmem:$0x1F600] =	vst v63  }
0x8c: {  	s28 =	simm.s32 $0x0;
	s31 =	rddreg [dreg:$0x10]  }
0x8d: {  	[tilespmem:s13], [sflag:$0x4] =	stream.linear.gather [hbm4b:s31+s26], $0x28, $0x38;
	[tilespmem:$0x1F600] =	vst v63  }
.LBB2_4:
0x8e: {  	_ =	swait.ge [sflag:s14], $0x28  }
0x8f: {  	[sflag:s14] =	ssyncset.done $0x0  }
0x90: {  	[sflag:s14] =	ssyncadd.s32 $0xFFFFFFD8  }
0x91: {  	v9 =	vld [tilespmem:$0x2800];
	_ =	sdelay $0x4  }
0x92: {  	s29 =	smul.u32 $0x28, s28;
	v10 =	vld [tilespmem:$0x2810];
	[tilespmem:$0x2780] =	vst v9  }
0x93: {  	[tilespmem:$0x29A8] =	vst v9  }
0x94: {  	v9 =	vld [tilespmem:s29+$0x0];
	_ =	sdelay $0x2  }
0x95: {  	[tilespmem:$0x2790] =	vst v10  }
0x96: {  	[tilespmem:$0x29B8] =	vst v10;
	v10 =	vld [tilespmem:$0x2818]  }
0x97: {  	[tilespmem:$0x2980] =	vst v9  }
0x98: {  	v9 =	vld [tilespmem:s29+$0x10];
	_ =	sdelay $0x2  }
0x99: {  	[tilespmem:$0x2798] =	vst v10  }
0x9a: {  	[tilespmem:$0x29C0] =	vst v10  }
0x9b: {  	[tilespmem:$0x2990] =	vst v9  }
0x9c: {  	v9 =	vld [tilespmem:s29+$0x18];
	_ =	sdelay $0x2  }
0x9d: {  	s30 =	sadd.s32 s29, s22  }
0x9e: {  	s30 =	sshrl.u32 s30, $0x3  }
0x9f: {  	s30 =	sadd.s32 s7, s30;
	[tilespmem:$0x2998] =	vst v9  }
0xa0: {  	[tilespmem:s13], [sflag:$0x4] =	stream.linear.gather [hbm4b:s30+s26], $0x28, $0x38;
	[tilespmem:$0x1F600] =	vst v63  }
0xa1: {  	_ = 	snop  }
0xa2: {  	[tilespmem:s17], [sflag:$0x1] =	stream.indirect.gather [hbm4b:s6+s15], $0x80, s16, s15, $0xb8;
	[tilespmem:$0x1F600] =	vst v63  }
0xa3: {  	_ =	swait.ge [sflag:s18], $0x1400  }
0xa4: {  	[sflag:s18] =	ssyncset.done $0x0  }
0xa5: {  	[sflag:s18] =	ssyncadd.s32 $0xFFFFEC00  }
0xa6: {  	_ =	swait.ge [sflag:s18], $0x1400  }
0xa7: {  	[sflag:s18] =	ssyncset.done $0x0  }
0xa8: {  	[sflag:s18] =	ssyncadd.s32 $0xFFFFEC00  }
0xa9: {  	[tilespmem:s21], [sflag:$0x2] =	stream.indirect.gather [hbm4b:s1+s10], $0x80, s20, s10, $0xb8;
	[tilespmem:$0x1F600] =	vst v63  }
0xaa: {  	v9 =	vld [tilespmem:s29+$0x0];
	_ =	sdelay $0x4  }
0xab: {  	[tilespmem:$0x2880] =	vst v9;
	v9 =	vshrl.u32 v9, $0x3  }
0xac: {  	[tilespmem:$0x2900] =	vst v9  }
0xad: {  	v9 =	vld [tilespmem:s29+$0x10];
	_ =	sdelay $0x4  }
0xae: {  	[tilespmem:$0x2890] =	vst v9;
	v9 =	vshrl.u32 v9, $0x3  }
0xaf: {  	[tilespmem:$0x2910] =	vst v9  }
0xb0: {  	v9 =	vld [tilespmem:s29+$0x18];
	_ =	sdelay $0x4  }
0xb1: {  	[tilespmem:$0x2898] =	vst v9;
	v9 =	vshrl.u32 v9, $0x3  }
0xb2: {  	[tilespmem:$0x2918] =	vst v9  }
0xb3: {  	_ =	swait.ge [sflag:s23], $0x2800  }
0xb4: {  	[sflag:s23] =	ssyncset.done $0x0  }
0xb5: {  	[sflag:s23] =	ssyncadd.s32 $0xFFFFD800  }
0xb6: {  	_ =	swait.ge [sflag:s24], $0x1400  }
0xb7: {  	[sflag:s24] =	ssyncset.done $0x0  }
0xb8: {  	v9 =	vmov s29;
	s29 =	simm.s32 $0x0;
	[sflag:s24] =	ssyncadd.s32 $0xFFFFEC00  }
.LBB2_5:
0xb9: {  	s30 =	sshll.u32 s29, $0xA  }
0xba: {  	v10 =	vld [tilespmem:s30+$0x3E00];
	s31 =	sand.u32 $0x3FFFFC00, s30  }
0xbb: {  	v11 =	vld [tilespmem:s31+$0x5210];
	_ =	sdelay $0x4  }
0xbc: {  	s2 =	sshll.u32 s29, $0x3;
	v11 =	vadd.f32 v11, v10  }
0xbd: {  	s2 =	sand.u32 $0x3FFFFFF8, s2  }
0xbe: {  	v10 =	vld.idx.msk [tilespmem:v9+s2+$0x0 ss:$0x1], $0xffff;
	v12 =	vmul.f32 $2.000000030e-01, v11;
	_ =	sdelay $0x1  }
0xbf: {  	v11 =	vmax.f32 v11, v12  }
0xc0: {  	v11 =	vmul.f32 $1.442695020e+00, v11;
	_ =	sdelay $0x1  }
0xc1: {  	(erf) = vpow2.f32 v11;
	v11 =	vperm.xlane v10, v1;
	_ =	sdelay $0x1  }
0xc2: {  	v11 =	vand.u32 $0x7, v11  }
0xc3: {  	v11 =	vcvt.s32.f32 v11;
	_ =	sdelay $0x1  }
0xc4: {  	v45 =	vadd.f32 $-1.000000000e+00, v11  }
0xc5: {  	v13 =	vadd.f32 $-2.000000000e+00, v11;
	v14 =	vsub.f32 $1.000000000e+00, v11  }
0xc6: {  	v15 =	vadd.f32 $-3.000000000e+00, v11;
	v17 =	vadd.f32 $-4.000000000e+00, v11  }
0xc7: {  	v18 =	vadd.f32 $-5.000000000e+00, v11;
	v19 =	vadd.f32 $-6.000000000e+00, v11  }
0xc8: {  	v11 =	vadd.f32 $-7.000000000e+00, v11;
	v12 =	vand.u32 $0x7FFFFFFF, v45;
	v13 =	vand.u32 $0x7FFFFFFF, v13  }
0xc9: {  	v14 =	vmax.f32 v14, $0.0e+00;
	v15 =	vand.u32 $0x7FFFFFFF, v15;
	v12 =	vsub.f32 $1.000000000e+00, v12  }
0xca: {  	v48 =	vand.u32 $0x7FFFFFFF, v19;
	v11 =	vand.u32 $0x7FFFFFFF, v11;
	v13 =	vsub.f32 $1.000000000e+00, v13;
	v16 =	vpop (erf)  }
0xcb: {  	v15 =	vsub.f32 $1.000000000e+00, v15;
	v14 =	vmul.f32 v14, v16;
	v12 =	vmax.f32 v12, $0.0e+00  }
0xcc: {  	v51 =	vld [tilespmem:s30+$0x2A00];
	v50 =	vsub.f32 $1.000000000e+00, v48;
	v13 =	vmax.f32 v13, $0.0e+00;
	v12 =	vmul.f32 v12, v16  }
0xcd: {  	v55 =	vld [tilespmem:s30+$0x2A20];
	v11 =	vsub.f32 $1.000000000e+00, v11;
	v15 =	vmax.f32 v15, $0.0e+00;
	v13 =	vmul.f32 v13, v16;
	[tilespmem:s30+$0x6600] =	vst v14  }
0xce: {  	v20 =	vld [tilespmem:s30+$0x2A40];
	v54 =	vmax.f32 v50, $0.0e+00;
	v46 =	vmul.f32 v15, v16;
	[tilespmem:s30+$0x6610] =	vst v12  }
0xcf: {  	v53 =	vld [tilespmem:s30+$0x2A10];
	v11 =	vmax.f32 v11, $0.0e+00;
	v57 =	vperm.xlane v16, v1;
	v56 =	vmul.f32 v54, v16;
	[tilespmem:s30+$0x6620] =	vst v13  }
0xd0: {  	v21 =	vld [tilespmem:s30+$0x2A60];
	v61 =	vperm.xlane v16, v4;
	v11 =	vmul.f32 v11, v16;
	[tilespmem:s30+$0x6630] =	vst v46  }
0xd1: {  	v58 =	vld [tilespmem:s30+$0x2A30];
	v23 =	vperm.xlane v16, v6;
	v60 =	vmul.f32 v51, v57;
	[tilespmem:s30+$0x6660] =	vst v56  }
0xd2: {  	v17 =	vand.u32 $0x7FFFFFFF, v17;
	v59 =	vperm.xlane v16, v3;
	v22 =	vmul.f32 v55, v61;
	[tilespmem:s30+$0x6670] =	vst v11  }
0xd3: {  	v62 =	vld [tilespmem:s30+$0x2A50];
	v18 =	vand.u32 $0x7FFFFFFF, v18;
	v27 =	vperm.xlane v16, v8;
	v26 =	vmul.f32 v20, v23;
	[tilespmem:s30+$0x2A00] =	vst v60  }
0xd4: {  	v17 =	vsub.f32 $1.000000000e+00, v17;
	v63 =	vperm.xlane v16, v5;
	v11 =	vmul.f32 v53, v59;
	[tilespmem:s30+$0x2A20] =	vst v22  }
0xd5: {  	v24 =	vld [tilespmem:s30+$0x2A70];
	v47 =	vsub.f32 $1.000000000e+00, v18;
	v29 =	vmul.f32 v21, v27;
	[tilespmem:s30+$0x2A40] =	vst v26  }
0xd6: {  	v49 =	vmax.f32 v17, $0.0e+00;
	v25 =	vperm.xlane v16, v7;
	[tilespmem:s30+$0x2A10] =	vst v11;
	v11 =	vmul.f32 v58, v63  }
0xd7: {  	v12 =	vmul.f32 v49, v16;
	[tilespmem:s30+$0x2A60] =	vst v29  }
0xd8: {  	v52 =	vmax.f32 v47, $0.0e+00;
	v28 =	vperm.xlane v16, v2;
	[tilespmem:s30+$0x2A30] =	vst v11;
	v11 =	vmul.f32 v62, v25  }
0xd9: {  	v13 =	vmul.f32 v52, v16;
	[tilespmem:s30+$0x6640] =	vst v12  }
0xda: {  	[tilespmem:s30+$0x2A50] =	vst v11;
	v11 =	vmul.f32 v24, v28  }
0xdb: {  	[tilespmem:s30+$0x6650] =	vst v13  }
0xdc: {  	[tilespmem:s30+$0x2A70] =	vst v11;
	v11 =	vld [tilespmem:s30+$0x3E80]  }
0xdd: {  	v12 =	vld [tilespmem:s31+$0x5290];
	_ =	sdelay $0x4  }
0xde: {  	v11 =	vadd.f32 v12, v11;
	_ =	sdelay $0x1  }
0xdf: {  	v12 =	vmul.f32 $2.000000030e-01, v11;
	_ =	sdelay $0x1  }
0xe0: {  	v11 =	vmax.f32 v11, v12  }
0xe1: {  	v11 =	vmul.f32 $1.442695020e+00, v11;
	_ =	sdelay $0x1  }
0xe2: {  	(erf) = vpow2.f32 v11;
	v11 =	vperm.xlane v10, v3;
	_ =	sdelay $0x1  }
0xe3: {  	v11 =	vand.u32 $0x7, v11  }
0xe4: {  	v11 =	vcvt.s32.f32 v11;
	_ =	sdelay $0x1  }
0xe5: {  	v30 =	vadd.f32 $-1.000000000e+00, v11  }
0xe6: {  	v31 =	vadd.f32 $-2.000000000e+00, v11;
	v32 =	vsub.f32 $1.000000000e+00, v11  }
0xe7: {  	v33 =	vadd.f32 $-3.000000000e+00, v11;
	v35 =	vadd.f32 $-4.000000000e+00, v11  }
0xe8: {  	v36 =	vadd.f32 $-5.000000000e+00, v11;
	v37 =	vadd.f32 $-6.000000000e+00, v11  }
0xe9: {  	v11 =	vadd.f32 $-7.000000000e+00, v11;
	v12 =	vand.u32 $0x7FFFFFFF, v30;
	v13 =	vand.u32 $0x7FFFFFFF, v31  }
0xea: {  	v14 =	vmax.f32 v32, $0.0e+00;
	v15 =	vand.u32 $0x7FFFFFFF, v33;
	v12 =	vsub.f32 $1.000000000e+00, v12  }
0xeb: {  	v40 =	vand.u32 $0x7FFFFFFF, v37;
	v11 =	vand.u32 $0x7FFFFFFF, v11;
	v13 =	vsub.f32 $1.000000000e+00, v13;
	v34 =	vpop (erf)  }
0xec: {  	v15 =	vsub.f32 $1.000000000e+00, v15;
	v14 =	vmul.f32 v14, v34;
	v12 =	vmax.f32 v12, $0.0e+00  }
0xed: {  	v43 =	vld [tilespmem:s30+$0x2A80];
	v42 =	vsub.f32 $1.000000000e+00, v40;
	v13 =	vmax.f32 v13, $0.0e+00;
	v12 =	vmul.f32 v12, v34  }
0xee: {  	v47 =	vld [tilespmem:s30+$0x2AA0];
	v11 =	vsub.f32 $1.000000000e+00, v11;
	v15 =	vmax.f32 v15, $0.0e+00;
	v13 =	vmul.f32 v13, v34;
	[tilespmem:s30+$0x6680] =	vst v14  }
0xef: {  	v52 =	vld [tilespmem:s30+$0x2AC0];
	v46 =	vmax.f32 v42, $0.0e+00;
	v38 =	vmul.f32 v15, v34;
	[tilespmem:s30+$0x6690] =	vst v12  }
0xf0: {  	v45 =	vld [tilespmem:s30+$0x2A90];
	v11 =	vmax.f32 v11, $0.0e+00;
	v49 =	vperm.xlane v34, v1;
	v48 =	vmul.f32 v46, v34;
	[tilespmem:s30+$0x66A0] =	vst v13  }
0xf1: {  	v57 =	vld [tilespmem:s30+$0x2AE0];
	v54 =	vperm.xlane v34, v4;
	v11 =	vmul.f32 v11, v34;
	[tilespmem:s30+$0x66B0] =	vst v38  }
0xf2: {  	v50 =	vld [tilespmem:s30+$0x2AB0];
	v59 =	vperm.xlane v34, v6;
	v53 =	vmul.f32 v43, v49;
	[tilespmem:s30+$0x66E0] =	vst v48  }
0xf3: {  	v17 =	vand.u32 $0x7FFFFFFF, v35;
	v51 =	vperm.xlane v34, v3;
	v58 =	vmul.f32 v47, v54;
	[tilespmem:s30+$0x66F0] =	vst v11  }
0xf4: {  	v55 =	vld [tilespmem:s30+$0x2AD0];
	v18 =	vand.u32 $0x7FFFFFFF, v36;
	v63 =	vperm.xlane v34, v8;
	v62 =	vmul.f32 v52, v59;
	[tilespmem:s30+$0x2A80] =	vst v53  }
0xf5: {  	v17 =	vsub.f32 $1.000000000e+00, v17;
	v56 =	vperm.xlane v34, v5;
	v11 =	vmul.f32 v45, v51;
	[tilespmem:s30+$0x2AA0] =	vst v58  }
0xf6: {  	v60 =	vld [tilespmem:s30+$0x2AF0];
	v39 =	vsub.f32 $1.000000000e+00, v18;
	v20 =	vmul.f32 v57, v63;
	[tilespmem:s30+$0x2AC0] =	vst v62  }
0xf7: {  	v41 =	vmax.f32 v17, $0.0e+00;
	v61 =	vperm.xlane v34, v7;
	[tilespmem:s30+$0x2A90] =	vst v11;
	v11 =	vmul.f32 v50, v56  }
0xf8: {  	v12 =	vmul.f32 v41, v34;
	[tilespmem:s30+$0x2AE0] =	vst v20  }
0xf9: {  	v44 =	vmax.f32 v39, $0.0e+00;
	v19 =	vperm.xlane v34, v2;
	[tilespmem:s30+$0x2AB0] =	vst v11;
	v11 =	vmul.f32 v55, v61  }
0xfa: {  	v13 =	vmul.f32 v44, v34;
	[tilespmem:s30+$0x66C0] =	vst v12  }
0xfb: {  	[tilespmem:s30+$0x2AD0] =	vst v11;
	v11 =	vmul.f32 v60, v19  }
0xfc: {  	[tilespmem:s30+$0x66D0] =	vst v13  }
0xfd: {  	[tilespmem:s30+$0x2AF0] =	vst v11;
	v11 =	vld [tilespmem:s30+$0x3F00]  }
0xfe: {  	v12 =	vld [tilespmem:s31+$0x5310];
	_ =	sdelay $0x4  }
0xff: {  	v11 =	vadd.f32 v12, v11;
	_ =	sdelay $0x1  }
0x100: {  	v12 =	vmul.f32 $2.000000030e-01, v11;
	_ =	sdelay $0x1  }
0x101: {  	v11 =	vmax.f32 v11, v12  }
0x102: {  	v11 =	vmul.f32 $1.442695020e+00, v11;
	_ =	sdelay $0x1  }
0x103: {  	(erf) = vpow2.f32 v11;
	v11 =	vperm.xlane v10, v4;
	_ =	sdelay $0x1  }
0x104: {  	v11 =	vand.u32 $0x7, v11  }
0x105: {  	v11 =	vcvt.s32.f32 v11;
	_ =	sdelay $0x1  }
0x106: {  	v21 =	vadd.f32 $-1.000000000e+00, v11  }
0x107: {  	v22 =	vadd.f32 $-2.000000000e+00, v11;
	v23 =	vsub.f32 $1.000000000e+00, v11  }
0x108: {  	v24 =	vadd.f32 $-3.000000000e+00, v11;
	v26 =	vadd.f32 $-4.000000000e+00, v11  }
0x109: {  	v27 =	vadd.f32 $-5.000000000e+00, v11;
	v28 =	vadd.f32 $-6.000000000e+00, v11  }
0x10a: {  	v11 =	vadd.f32 $-7.000000000e+00, v11;
	v12 =	vand.u32 $0x7FFFFFFF, v21;
	v13 =	vand.u32 $0x7FFFFFFF, v22  }
0x10b: {  	v14 =	vmax.f32 v23, $0.0e+00;
	v15 =	vand.u32 $0x7FFFFFFF, v24;
	v12 =	vsub.f32 $1.000000000e+00, v12  }
0x10c: {  	v31 =	vand.u32 $0x7FFFFFFF, v28;
	v11 =	vand.u32 $0x7FFFFFFF, v11;
	v13 =	vsub.f32 $1.000000000e+00, v13;
	v25 =	vpop (erf)  }
0x10d: {  	v15 =	vsub.f32 $1.000000000e+00, v15;
	v14 =	vmul.f32 v14, v25;
	v12 =	vmax.f32 v12, $0.0e+00  }
0x10e: {  	v34 =	vld [tilespmem:s30+$0x2B00];
	v33 =	vsub.f32 $1.000000000e+00, v31;
	v13 =	vmax.f32 v13, $0.0e+00;
	v12 =	vmul.f32 v12, v25  }
0x10f: {  	v38 =	vld [tilespmem:s30+$0x2B20];
	v11 =	vsub.f32 $1.000000000e+00, v11;
	v15 =	vmax.f32 v15, $0.0e+00;
	v13 =	vmul.f32 v13, v25;
	[tilespmem:s30+$0x6700] =	vst v14  }
0x110: {  	v43 =	vld [tilespmem:s30+$0x2B40];
	v37 =	vmax.f32 v33, $0.0e+00;
	v29 =	vmul.f32 v15, v25;
	[tilespmem:s30+$0x6710] =	vst v12  }
0x111: {  	v36 =	vld [tilespmem:s30+$0x2B10];
	v11 =	vmax.f32 v11, $0.0e+00;
	v40 =	vperm.xlane v25, v1;
	v39 =	vmul.f32 v37, v25;
	[tilespmem:s30+$0x6720] =	vst v13  }
0x112: {  	v48 =	vld [tilespmem:s30+$0x2B60];
	v45 =	vperm.xlane v25, v4;
	v11 =	vmul.f32 v11, v25;
	[tilespmem:s30+$0x6730] =	vst v29  }
0x113: {  	v41 =	vld [tilespmem:s30+$0x2B30];
	v50 =	vperm.xlane v25, v6;
	v44 =	vmul.f32 v34, v40;
	[tilespmem:s30+$0x6760] =	vst v39  }
0x114: {  	v17 =	vand.u32 $0x7FFFFFFF, v26;
	v42 =	vperm.xlane v25, v3;
	v49 =	vmul.f32 v38, v45;
	[tilespmem:s30+$0x6770] =	vst v11  }
0x115: {  	v46 =	vld [tilespmem:s30+$0x2B50];
	v18 =	vand.u32 $0x7FFFFFFF, v27;
	v54 =	vperm.xlane v25, v8;
	v53 =	vmul.f32 v43, v50;
	[tilespmem:s30+$0x2B00] =	vst v44  }
0x116: {  	v17 =	vsub.f32 $1.000000000e+00, v17;
	v47 =	vperm.xlane v25, v5;
	v11 =	vmul.f32 v36, v42;
	[tilespmem:s30+$0x2B20] =	vst v49  }
0x117: {  	v51 =	vld [tilespmem:s30+$0x2B70];
	v30 =	vsub.f32 $1.000000000e+00, v18;
	v56 =	vmul.f32 v48, v54;
	[tilespmem:s30+$0x2B40] =	vst v53  }
0x118: {  	v32 =	vmax.f32 v17, $0.0e+00;
	v52 =	vperm.xlane v25, v7;
	[tilespmem:s30+$0x2B10] =	vst v11;
	v11 =	vmul.f32 v41, v47  }
0x119: {  	v12 =	vmul.f32 v32, v25;
	[tilespmem:s30+$0x2B60] =	vst v56  }
0x11a: {  	v35 =	vmax.f32 v30, $0.0e+00;
	v55 =	vperm.xlane v25, v2;
	[tilespmem:s30+$0x2B30] =	vst v11;
	v11 =	vmul.f32 v46, v52  }
0x11b: {  	v13 =	vmul.f32 v35, v25;
	[tilespmem:s30+$0x6740] =	vst v12  }
0x11c: {  	[tilespmem:s30+$0x2B50] =	vst v11;
	v11 =	vmul.f32 v51, v55  }
0x11d: {  	[tilespmem:s30+$0x6750] =	vst v13  }
0x11e: {  	[tilespmem:s30+$0x2B70] =	vst v11;
	v11 =	vld [tilespmem:s30+$0x3F80]  }
0x11f: {  	v12 =	vld [tilespmem:s31+$0x5390];
	_ =	sdelay $0x4  }
0x120: {  	v11 =	vadd.f32 v12, v11;
	_ =	sdelay $0x1  }
0x121: {  	v12 =	vmul.f32 $2.000000030e-01, v11;
	_ =	sdelay $0x1  }
0x122: {  	v11 =	vmax.f32 v11, v12  }
0x123: {  	v11 =	vmul.f32 $1.442695020e+00, v11;
	_ =	sdelay $0x1  }
0x124: {  	(erf) = vpow2.f32 v11;
	v11 =	vperm.xlane v10, v5;
	_ =	sdelay $0x1  }
0x125: {  	v11 =	vand.u32 $0x7, v11  }
0x126: {  	v11 =	vcvt.s32.f32 v11;
	_ =	sdelay $0x1  }
0x127: {  	v57 =	vadd.f32 $-1.000000000e+00, v11  }
0x128: {  	v58 =	vadd.f32 $-2.000000000e+00, v11;
	v59 =	vsub.f32 $1.000000000e+00, v11  }
0x129: {  	v60 =	vadd.f32 $-3.000000000e+00, v11;
	v62 =	vadd.f32 $-4.000000000e+00, v11  }
0x12a: {  	v63 =	vadd.f32 $-5.000000000e+00, v11;
	v21 =	vadd.f32 $-6.000000000e+00, v11  }
0x12b: {  	v11 =	vadd.f32 $-7.000000000e+00, v11;
	v12 =	vand.u32 $0x7FFFFFFF, v57;
	v13 =	vand.u32 $0x7FFFFFFF, v58  }
0x12c: {  	v14 =	vmax.f32 v59, $0.0e+00;
	v15 =	vand.u32 $0x7FFFFFFF, v60;
	v12 =	vsub.f32 $1.000000000e+00, v12  }
0x12d: {  	v24 =	vand.u32 $0x7FFFFFFF, v21;
	v11 =	vand.u32 $0x7FFFFFFF, v11;
	v13 =	vsub.f32 $1.000000000e+00, v13;
	v61 =	vpop (erf)  }
0x12e: {  	v15 =	vsub.f32 $1.000000000e+00, v15;
	v14 =	vmul.f32 v14, v61;
	v12 =	vmax.f32 v12, $0.0e+00  }
0x12f: {  	v27 =	vld [tilespmem:s30+$0x2B80];
	v26 =	vsub.f32 $1.000000000e+00, v24;
	v13 =	vmax.f32 v13, $0.0e+00;
	v12 =	vmul.f32 v12, v61  }
0x130: {  	v31 =	vld [tilespmem:s30+$0x2BA0];
	v11 =	vsub.f32 $1.000000000e+00, v11;
	v15 =	vmax.f32 v15, $0.0e+00;
	v13 =	vmul.f32 v13, v61;
	[tilespmem:s30+$0x6780] =	vst v14  }
0x131: {  	v36 =	vld [tilespmem:s30+$0x2BC0];
	v30 =	vmax.f32 v26, $0.0e+00;
	v22 =	vmul.f32 v15, v61;
	[tilespmem:s30+$0x6790] =	vst v12  }
0x132: {  	v29 =	vld [tilespmem:s30+$0x2B90];
	v11 =	vmax.f32 v11, $0.0e+00;
	v33 =	vperm.xlane v61, v1;
	v32 =	vmul.f32 v30, v61;
	[tilespmem:s30+$0x67A0] =	vst v13  }
0x133: {  	v41 =	vld [tilespmem:s30+$0x2BE0];
	v38 =	vperm.xlane v61, v4;
	v11 =	vmul.f32 v11, v61;
	[tilespmem:s30+$0x67B0] =	vst v22  }
0x134: {  	v34 =	vld [tilespmem:s30+$0x2BB0];
	v43 =	vperm.xlane v61, v6;
	v37 =	vmul.f32 v27, v33;
	[tilespmem:s30+$0x67E0] =	vst v32  }
0x135: {  	v17 =	vand.u32 $0x7FFFFFFF, v62;
	v35 =	vperm.xlane v61, v3;
	v42 =	vmul.f32 v31, v38;
	[tilespmem:s30+$0x67F0] =	vst v11  }
0x136: {  	v39 =	vld [tilespmem:s30+$0x2BD0];
	v18 =	vand.u32 $0x7FFFFFFF, v63;
	v47 =	vperm.xlane v61, v8;
	v46 =	vmul.f32 v36, v43;
	[tilespmem:s30+$0x2B80] =	vst v37  }
0x137: {  	v17 =	vsub.f32 $1.000000000e+00, v17;
	v40 =	vperm.xlane v61, v5;
	v11 =	vmul.f32 v29, v35;
	[tilespmem:s30+$0x2BA0] =	vst v42  }
0x138: {  	v44 =	vld [tilespmem:s30+$0x2BF0];
	v23 =	vsub.f32 $1.000000000e+00, v18;
	v49 =	vmul.f32 v41, v47;
	[tilespmem:s30+$0x2BC0] =	vst v46  }
0x139: {  	v25 =	vmax.f32 v17, $0.0e+00;
	v45 =	vperm.xlane v61, v7;
	[tilespmem:s30+$0x2B90] =	vst v11;
	v11 =	vmul.f32 v34, v40  }
0x13a: {  	v12 =	vmul.f32 v25, v61;
	[tilespmem:s30+$0x2BE0] =	vst v49  }
0x13b: {  	v28 =	vmax.f32 v23, $0.0e+00;
	v48 =	vperm.xlane v61, v2;
	[tilespmem:s30+$0x2BB0] =	vst v11;
	v11 =	vmul.f32 v39, v45  }
0x13c: {  	v13 =	vmul.f32 v28, v61;
	[tilespmem:s30+$0x67C0] =	vst v12  }
0x13d: {  	[tilespmem:s30+$0x2BD0] =	vst v11;
	v11 =	vmul.f32 v44, v48  }
0x13e: {  	[tilespmem:s30+$0x67D0] =	vst v13  }
0x13f: {  	[tilespmem:s30+$0x2BF0] =	vst v11;
	v11 =	vld [tilespmem:s30+$0x4000]  }
0x140: {  	v12 =	vld [tilespmem:s31+$0x5410];
	_ =	sdelay $0x4  }
0x141: {  	v11 =	vadd.f32 v12, v11;
	_ =	sdelay $0x1  }
0x142: {  	v12 =	vmul.f32 $2.000000030e-01, v11;
	_ =	sdelay $0x1  }
0x143: {  	v11 =	vmax.f32 v11, v12  }
0x144: {  	v11 =	vmul.f32 $1.442695020e+00, v11;
	_ =	sdelay $0x1  }
0x145: {  	(erf) = vpow2.f32 v11;
	v11 =	vperm.xlane v10, v6;
	_ =	sdelay $0x1  }
0x146: {  	v11 =	vand.u32 $0x7, v11  }
0x147: {  	v11 =	vcvt.s32.f32 v11;
	_ =	sdelay $0x1  }
0x148: {  	v50 =	vadd.f32 $-1.000000000e+00, v11  }
0x149: {  	v51 =	vadd.f32 $-2.000000000e+00, v11;
	v52 =	vsub.f32 $1.000000000e+00, v11  }
0x14a: {  	v53 =	vadd.f32 $-3.000000000e+00, v11;
	v55 =	vadd.f32 $-4.000000000e+00, v11  }
0x14b: {  	v56 =	vadd.f32 $-5.000000000e+00, v11;
	v57 =	vadd.f32 $-6.000000000e+00, v11  }
0x14c: {  	v11 =	vadd.f32 $-7.000000000e+00, v11;
	v12 =	vand.u32 $0x7FFFFFFF, v50;
	v13 =	vand.u32 $0x7FFFFFFF, v51  }
0x14d: {  	v14 =	vmax.f32 v52, $0.0e+00;
	v15 =	vand.u32 $0x7FFFFFFF, v53;
	v12 =	vsub.f32 $1.000000000e+00, v12  }
0x14e: {  	v60 =	vand.u32 $0x7FFFFFFF, v57;
	v11 =	vand.u32 $0x7FFFFFFF, v11;
	v13 =	vsub.f32 $1.000000000e+00, v13;
	v54 =	vpop (erf)  }
0x14f: {  	v15 =	vsub.f32 $1.000000000e+00, v15;
	v14 =	vmul.f32 v14, v54;
	v12 =	vmax.f32 v12, $0.0e+00  }
0x150: {  	v63 =	vld [tilespmem:s30+$0x2C00];
	v62 =	vsub.f32 $1.000000000e+00, v60;
	v13 =	vmax.f32 v13, $0.0e+00;
	v12 =	vmul.f32 v12, v54  }
0x151: {  	v26 =	vld [tilespmem:s30+$0x2C20];
	v11 =	vsub.f32 $1.000000000e+00, v11;
	v15 =	vmax.f32 v15, $0.0e+00;
	v13 =	vmul.f32 v13, v54;
	[tilespmem:s30+$0x6800] =	vst v14  }
0x152: {  	v31 =	vld [tilespmem:s30+$0x2C40];
	v25 =	vmax.f32 v62, $0.0e+00;
	v58 =	vmul.f32 v15, v54;
	[tilespmem:s30+$0x6810] =	vst v12  }
0x153: {  	v24 =	vld [tilespmem:s30+$0x2C10];
	v11 =	vmax.f32 v11, $0.0e+00;
	v28 =	vperm.xlane v54, v1;
	v27 =	vmul.f32 v25, v54;
	[tilespmem:s30+$0x6820] =	vst v13  }
0x154: {  	v36 =	vld [tilespmem:s30+$0x2C60];
	v33 =	vperm.xlane v54, v4;
	v11 =	vmul.f32 v11, v54;
	[tilespmem:s30+$0x6830] =	vst v58  }
0x155: {  	v29 =	vld [tilespmem:s30+$0x2C30];
	v38 =	vperm.xlane v54, v6;
	v32 =	vmul.f32 v63, v28;
	[tilespmem:s30+$0x6860] =	vst v27  }
0x156: {  	v17 =	vand.u32 $0x7FFFFFFF, v55;
	v30 =	vperm.xlane v54, v3;
	v37 =	vmul.f32 v26, v33;
	[tilespmem:s30+$0x6870] =	vst v11  }
0x157: {  	v34 =	vld [tilespmem:s30+$0x2C50];
	v18 =	vand.u32 $0x7FFFFFFF, v56;
	v42 =	vperm.xlane v54, v8;
	v41 =	vmul.f32 v31, v38;
	[tilespmem:s30+$0x2C00] =	vst v32  }
0x158: {  	v17 =	vsub.f32 $1.000000000e+00, v17;
	v35 =	vperm.xlane v54, v5;
	v11 =	vmul.f32 v24, v30;
	[tilespmem:s30+$0x2C20] =	vst v37  }
0x159: {  	v39 =	vld [tilespmem:s30+$0x2C70];
	v59 =	vsub.f32 $1.000000000e+00, v18;
	v44 =	vmul.f32 v36, v42;
	[tilespmem:s30+$0x2C40] =	vst v41  }
0x15a: {  	v61 =	vmax.f32 v17, $0.0e+00;
	v40 =	vperm.xlane v54, v7;
	[tilespmem:s30+$0x2C10] =	vst v11;
	v11 =	vmul.f32 v29, v35  }
0x15b: {  	v12 =	vmul.f32 v61, v54;
	[tilespmem:s30+$0x2C60] =	vst v44  }
0x15c: {  	v23 =	vmax.f32 v59, $0.0e+00;
	v43 =	vperm.xlane v54, v2;
	[tilespmem:s30+$0x2C30] =	vst v11;
	v11 =	vmul.f32 v34, v40  }
0x15d: {  	v13 =	vmul.f32 v23, v54;
	[tilespmem:s30+$0x6840] =	vst v12  }
0x15e: {  	[tilespmem:s30+$0x2C50] =	vst v11;
	v11 =	vmul.f32 v39, v43  }
0x15f: {  	[tilespmem:s30+$0x6850] =	vst v13  }
0x160: {  	[tilespmem:s30+$0x2C70] =	vst v11;
	v11 =	vld [tilespmem:s30+$0x4080]  }
0x161: {  	v12 =	vld [tilespmem:s31+$0x5490];
	_ =	sdelay $0x4  }
0x162: {  	v11 =	vadd.f32 v12, v11;
	_ =	sdelay $0x1  }
0x163: {  	v12 =	vmul.f32 $2.000000030e-01, v11;
	_ =	sdelay $0x1  }
0x164: {  	v11 =	vmax.f32 v11, v12  }
0x165: {  	v11 =	vmul.f32 $1.442695020e+00, v11;
	_ =	sdelay $0x1  }
0x166: {  	(erf) = vpow2.f32 v11;
	v11 =	vperm.xlane v10, v7;
	_ =	sdelay $0x1  }
0x167: {  	v11 =	vand.u32 $0x7, v11  }
0x168: {  	v11 =	vcvt.s32.f32 v11;
	_ =	sdelay $0x1  }
0x169: {  	v45 =	vadd.f32 $-1.000000000e+00, v11  }
0x16a: {  	v46 =	vadd.f32 $-2.000000000e+00, v11;
	v47 =	vsub.f32 $1.000000000e+00, v11  }
0x16b: {  	v48 =	vadd.f32 $-3.000000000e+00, v11;
	v50 =	vadd.f32 $-4.000000000e+00, v11  }
0x16c: {  	v51 =	vadd.f32 $-5.000000000e+00, v11;
	v52 =	vadd.f32 $-6.000000000e+00, v11  }
0x16d: {  	v11 =	vadd.f32 $-7.000000000e+00, v11;
	v12 =	vand.u32 $0x7FFFFFFF, v45;
	v13 =	vand.u32 $0x7FFFFFFF, v46  }
0x16e: {  	v14 =	vmax.f32 v47, $0.0e+00;
	v15 =	vand.u32 $0x7FFFFFFF, v48;
	v12 =	vsub.f32 $1.000000000e+00, v12  }
0x16f: {  	v55 =	vand.u32 $0x7FFFFFFF, v52;
	v11 =	vand.u32 $0x7FFFFFFF, v11;
	v13 =	vsub.f32 $1.000000000e+00, v13;
	v49 =	vpop (erf)  }
0x170: {  	v15 =	vsub.f32 $1.000000000e+00, v15;
	v14 =	vmul.f32 v14, v49;
	v12 =	vmax.f32 v12, $0.0e+00  }
0x171: {  	v58 =	vld [tilespmem:s30+$0x2C80];
	v57 =	vsub.f32 $1.000000000e+00, v55;
	v13 =	vmax.f32 v13, $0.0e+00;
	v12 =	vmul.f32 v12, v49  }
0x172: {  	v62 =	vld [tilespmem:s30+$0x2CA0];
	v11 =	vsub.f32 $1.000000000e+00, v11;
	v15 =	vmax.f32 v15, $0.0e+00;
	v13 =	vmul.f32 v13, v49;
	[tilespmem:s30+$0x6880] =	vst v14  }
0x173: {  	v27 =	vld [tilespmem:s30+$0x2CC0];
	v61 =	vmax.f32 v57, $0.0e+00;
	v53 =	vmul.f32 v15, v49;
	[tilespmem:s30+$0x6890] =	vst v12  }
0x174: {  	v60 =	vld [tilespmem:s30+$0x2C90];
	v11 =	vmax.f32 v11, $0.0e+00;
	v24 =	vperm.xlane v49, v1;
	v63 =	vmul.f32 v61, v49;
	[tilespmem:s30+$0x68A0] =	vst v13  }
0x175: {  	v32 =	vld [tilespmem:s30+$0x2CE0];
	v29 =	vperm.xlane v49, v4;
	v11 =	vmul.f32 v11, v49;
	[tilespmem:s30+$0x68B0] =	vst v53  }
0x176: {  	v25 =	vld [tilespmem:s30+$0x2CB0];
	v34 =	vperm.xlane v49, v6;
	v28 =	vmul.f32 v58, v24;
	[tilespmem:s30+$0x68E0] =	vst v63  }
0x177: {  	v17 =	vand.u32 $0x7FFFFFFF, v50;
	v26 =	vperm.xlane v49, v3;
	v33 =	vmul.f32 v62, v29;
	[tilespmem:s30+$0x68F0] =	vst v11  }
0x178: {  	v30 =	vld [tilespmem:s30+$0x2CD0];
	v18 =	vand.u32 $0x7FFFFFFF, v51;
	v38 =	vperm.xlane v49, v8;
	v37 =	vmul.f32 v27, v34;
	[tilespmem:s30+$0x2C80] =	vst v28  }
0x179: {  	v17 =	vsub.f32 $1.000000000e+00, v17;
	v31 =	vperm.xlane v49, v5;
	v11 =	vmul.f32 v60, v26;
	[tilespmem:s30+$0x2CA0] =	vst v33  }
0x17a: {  	v35 =	vld [tilespmem:s30+$0x2CF0];
	v54 =	vsub.f32 $1.000000000e+00, v18;
	v40 =	vmul.f32 v32, v38;
	[tilespmem:s30+$0x2CC0] =	vst v37  }
0x17b: {  	v56 =	vmax.f32 v17, $0.0e+00;
	v36 =	vperm.xlane v49, v7;
	[tilespmem:s30+$0x2C90] =	vst v11;
	v11 =	vmul.f32 v25, v31  }
0x17c: {  	v12 =	vmul.f32 v56, v49;
	[tilespmem:s30+$0x2CE0] =	vst v40  }
0x17d: {  	v59 =	vmax.f32 v54, $0.0e+00;
	v39 =	vperm.xlane v49, v2;
	[tilespmem:s30+$0x2CB0] =	vst v11;
	v11 =	vmul.f32 v30, v36  }
0x17e: {  	v13 =	vmul.f32 v59, v49;
	[tilespmem:s30+$0x68C0] =	vst v12  }
0x17f: {  	[tilespmem:s30+$0x2CD0] =	vst v11;
	v11 =	vmul.f32 v35, v39  }
0x180: {  	[tilespmem:s30+$0x68D0] =	vst v13  }
0x181: {  	[tilespmem:s30+$0x2CF0] =	vst v11;
	v11 =	vld [tilespmem:s30+$0x4100]  }
0x182: {  	v12 =	vld [tilespmem:s31+$0x5510];
	_ =	sdelay $0x4  }
0x183: {  	v11 =	vadd.f32 v12, v11;
	_ =	sdelay $0x1  }
0x184: {  	v12 =	vmul.f32 $2.000000030e-01, v11;
	_ =	sdelay $0x1  }
0x185: {  	v11 =	vmax.f32 v11, v12  }
0x186: {  	v11 =	vmul.f32 $1.442695020e+00, v11;
	_ =	sdelay $0x1  }
0x187: {  	(erf) = vpow2.f32 v11;
	v11 =	vperm.xlane v10, v8;
	_ =	sdelay $0x1  }
0x188: {  	v11 =	vand.u32 $0x7, v11  }
0x189: {  	v11 =	vcvt.s32.f32 v11;
	_ =	sdelay $0x1  }
0x18a: {  	v41 =	vadd.f32 $-1.000000000e+00, v11  }
0x18b: {  	v42 =	vadd.f32 $-2.000000000e+00, v11;
	v43 =	vsub.f32 $1.000000000e+00, v11  }
0x18c: {  	v44 =	vadd.f32 $-3.000000000e+00, v11;
	v46 =	vadd.f32 $-4.000000000e+00, v11  }
0x18d: {  	v47 =	vadd.f32 $-5.000000000e+00, v11;
	v48 =	vadd.f32 $-6.000000000e+00, v11  }
0x18e: {  	v11 =	vadd.f32 $-7.000000000e+00, v11;
	v12 =	vand.u32 $0x7FFFFFFF, v41;
	v13 =	vand.u32 $0x7FFFFFFF, v42  }
0x18f: {  	v14 =	vmax.f32 v43, $0.0e+00;
	v15 =	vand.u32 $0x7FFFFFFF, v44;
	v12 =	vsub.f32 $1.000000000e+00, v12  }
0x190: {  	v51 =	vand.u32 $0x7FFFFFFF, v48;
	v11 =	vand.u32 $0x7FFFFFFF, v11;
	v13 =	vsub.f32 $1.000000000e+00, v13;
	v45 =	vpop (erf)  }
0x191: {  	v15 =	vsub.f32 $1.000000000e+00, v15;
	v14 =	vmul.f32 v14, v45;
	v12 =	vmax.f32 v12, $0.0e+00  }
0x192: {  	v54 =	vld [tilespmem:s30+$0x2D00];
	v53 =	vsub.f32 $1.000000000e+00, v51;
	v13 =	vmax.f32 v13, $0.0e+00;
	v12 =	vmul.f32 v12, v45  }
0x193: {  	v58 =	vld [tilespmem:s30+$0x2D20];
	v11 =	vsub.f32 $1.000000000e+00, v11;
	v15 =	vmax.f32 v15, $0.0e+00;
	v13 =	vmul.f32 v13, v45;
	[tilespmem:s30+$0x6900] =	vst v14  }
0x194: {  	v63 =	vld [tilespmem:s30+$0x2D40];
	v57 =	vmax.f32 v53, $0.0e+00;
	v49 =	vmul.f32 v15, v45;
	[tilespmem:s30+$0x6910] =	vst v12  }
0x195: {  	v56 =	vld [tilespmem:s30+$0x2D10];
	v11 =	vmax.f32 v11, $0.0e+00;
	v60 =	vperm.xlane v45, v1;
	v59 =	vmul.f32 v57, v45;
	[tilespmem:s30+$0x6920] =	vst v13  }
0x196: {  	v26 =	vld [tilespmem:s30+$0x2D60];
	v23 =	vperm.xlane v45, v4;
	v11 =	vmul.f32 v11, v45;
	[tilespmem:s30+$0x6930] =	vst v49  }
0x197: {  	v61 =	vld [tilespmem:s30+$0x2D30];
	v28 =	vperm.xlane v45, v6;
	v22 =	vmul.f32 v54, v60;
	[tilespmem:s30+$0x6960] =	vst v59  }
0x198: {  	v17 =	vand.u32 $0x7FFFFFFF, v46;
	v62 =	vperm.xlane v45, v3;
	v27 =	vmul.f32 v58, v23;
	[tilespmem:s30+$0x6970] =	vst v11  }
0x199: {  	v24 =	vld [tilespmem:s30+$0x2D50];
	v18 =	vand.u32 $0x7FFFFFFF, v47;
	v32 =	vperm.xlane v45, v8;
	v31 =	vmul.f32 v63, v28;
	[tilespmem:s30+$0x2D00] =	vst v22  }
0x19a: {  	v17 =	vsub.f32 $1.000000000e+00, v17;
	v25 =	vperm.xlane v45, v5;
	v11 =	vmul.f32 v56, v62;
	[tilespmem:s30+$0x2D20] =	vst v27  }
0x19b: {  	v29 =	vld [tilespmem:s30+$0x2D70];
	v50 =	vsub.f32 $1.000000000e+00, v18;
	v34 =	vmul.f32 v26, v32;
	[tilespmem:s30+$0x2D40] =	vst v31  }
0x19c: {  	v52 =	vmax.f32 v17, $0.0e+00;
	v30 =	vperm.xlane v45, v7;
	[tilespmem:s30+$0x2D10] =	vst v11;
	v11 =	vmul.f32 v61, v25  }
0x19d: {  	v12 =	vmul.f32 v52, v45;
	[tilespmem:s30+$0x2D60] =	vst v34  }
0x19e: {  	v55 =	vmax.f32 v50, $0.0e+00;
	v33 =	vperm.xlane v45, v2;
	[tilespmem:s30+$0x2D30] =	vst v11;
	v11 =	vmul.f32 v24, v30  }
0x19f: {  	v13 =	vmul.f32 v55, v45;
	[tilespmem:s30+$0x6940] =	vst v12  }
0x1a0: {  	[tilespmem:s30+$0x2D50] =	vst v11;
	v11 =	vmul.f32 v29, v33  }
0x1a1: {  	[tilespmem:s30+$0x6950] =	vst v13  }
0x1a2: {  	[tilespmem:s30+$0x2D70] =	vst v11;
	v11 =	vld [tilespmem:s30+$0x4180]  }
0x1a3: {  	v12 =	vld [tilespmem:s31+$0x5590];
	_ =	sdelay $0x4  }
0x1a4: {  	v11 =	vadd.f32 v12, v11;
	_ =	sdelay $0x1  }
0x1a5: {  	v12 =	vmul.f32 $2.000000030e-01, v11;
	_ =	sdelay $0x1  }
0x1a6: {  	v11 =	vmax.f32 v11, v12  }
0x1a7: {  	v10 =	vperm.xlane v10, v2;
	v11 =	vmul.f32 $1.442695020e+00, v11;
	_ =	sdelay $0x1  }
0x1a8: {  	v10 =	vand.u32 $0x7, v10;
	(erf) = vpow2.f32 v11  }
0x1a9: {  	v10 =	vcvt.s32.f32 v10;
	_ =	sdelay $0x1  }
0x1aa: {  	v35 =	vadd.f32 $-2.000000000e+00, v10;
	v39 =	vadd.f32 $-4.000000000e+00, v10  }
0x1ab: {  	v36 =	vsub.f32 $1.000000000e+00, v10;
	v37 =	vadd.f32 $-3.000000000e+00, v10  }
0x1ac: {  	v16 =	vand.u32 $0x7FFFFFFF, v39;
	v41 =	vadd.f32 $-6.000000000e+00, v10;
	v11 =	vadd.f32 $-1.000000000e+00, v10  }
0x1ad: {  	v40 =	vadd.f32 $-5.000000000e+00, v10;
	v16 =	vsub.f32 $1.000000000e+00, v16  }
0x1ae: {  	v44 =	vand.u32 $0x7FFFFFFF, v41;
	v14 =	vand.u32 $0x7FFFFFFF, v37;
	v11 =	vand.u32 $0x7FFFFFFF, v11  }
0x1af: {  	v12 =	vand.u32 $0x7FFFFFFF, v35;
	v10 =	vadd.f32 $-7.000000000e+00, v10;
	v11 =	vsub.f32 $1.000000000e+00, v11  }
0x1b0: {  	v14 =	vsub.f32 $1.000000000e+00, v14;
	v13 =	vmax.f32 v36, $0.0e+00;
	v12 =	vsub.f32 $1.000000000e+00, v12;
	v38 =	vpop (erf)  }
0x1b1: {  	v10 =	vand.u32 $0x7FFFFFFF, v10;
	v11 =	vmax.f32 v11, $0.0e+00;
	v13 =	vmul.f32 v13, v38  }
0x1b2: {  	v12 =	vmax.f32 v12, $0.0e+00;
	v10 =	vsub.f32 $1.000000000e+00, v10;
	v11 =	vmul.f32 v11, v38  }
0x1b3: {  	v17 =	vand.u32 $0x7FFFFFFF, v40;
	v14 =	vmax.f32 v14, $0.0e+00;
	v12 =	vmul.f32 v12, v38;
	[tilespmem:s30+$0x6980] =	vst v13  }
0x1b4: {  	v48 =	vld [tilespmem:s30+$0x2D90];
	v43 =	vsub.f32 $1.000000000e+00, v17;
	v10 =	vmax.f32 v10, $0.0e+00;
	v42 =	vmul.f32 v14, v38;
	[tilespmem:s30+$0x6990] =	vst v11  }
0x1b5: {  	v46 =	vld [tilespmem:s30+$0x2D80];
	v45 =	vsub.f32 $1.000000000e+00, v44;
	v10 =	vmul.f32 v10, v38;
	v11 =	vmax.f32 v16, $0.0e+00;
	[tilespmem:s30+$0x69A0] =	vst v12  }
0x1b6: {  	v47 =	vmax.f32 v43, $0.0e+00;
	v52 =	vld [tilespmem:s30+$0x2DB0];
	[tilespmem:s30+$0x69B0] =	vst v42;
	v11 =	vmul.f32 v11, v38  }
0x1b7: {  	v50 =	vld [tilespmem:s30+$0x2DA0];
	v49 =	vmax.f32 v45, $0.0e+00;
	v53 =	vperm.xlane v38, v3;
	v12 =	vmul.f32 v47, v38;
	[tilespmem:s30+$0x69F0] =	vst v10  }
0x1b8: {  	v56 =	vld [tilespmem:s30+$0x2DD0];
	v51 =	vperm.xlane v38, v1;
	[tilespmem:s30+$0x69C0] =	vst v11;
	v11 =	vmul.f32 v49, v38  }
0x1b9: {  	v54 =	vld [tilespmem:s30+$0x2DC0];
	v57 =	vperm.xlane v38, v5;
	v10 =	vmul.f32 v48, v53;
	[tilespmem:s30+$0x69D0] =	vst v12  }
0x1ba: {  	v60 =	vld [tilespmem:s30+$0x2DF0];
	v55 =	vperm.xlane v38, v4;
	[tilespmem:s30+$0x69E0] =	vst v11;
	v11 =	vmul.f32 v46, v51  }
0x1bb: {  	v58 =	vld [tilespmem:s30+$0x2DE0];
	v61 =	vperm.xlane v38, v7;
	[tilespmem:s30+$0x2D90] =	vst v10;
	v10 =	vmul.f32 v52, v57  }
0x1bc: {  	v59 =	vperm.xlane v38, v6;
	[tilespmem:s30+$0x2D80] =	vst v11;
	v11 =	vmul.f32 v50, v55  }
0x1bd: {  	p0 =	sne.s32 s29, $0x4;
	v63 =	vperm.xlane v38, v2;
	[tilespmem:s30+$0x2DB0] =	vst v10;
	v10 =	vmul.f32 v56, v61  }
.Ltmp1:
0x1be: {  	v62 =	vperm.xlane v38, v8;
	[tilespmem:s30+$0x2DA0] =	vst v11;
	v11 =	vmul.f32 v54, v59;
	(pc) =	sbr.rel @p0 .LBB2_5-.Ltmp1, $4  }
0x1bf: {  	[tilespmem:s30+$0x2DD0] =	vst v10;
	v10 =	vmul.f32 v60, v63  }
0x1c0: {  	[tilespmem:s30+$0x2DC0] =	vst v11;
	v11 =	vmul.f32 v58, v62  }
0x1c1: {  	[tilespmem:s30+$0x2DF0] =	vst v10  }
0x1c2: {  	s29 =	sadd.s32 $0x1, s29;
	[tilespmem:s30+$0x2DE0] =	vst v11  }
0x1c3: {  	s28 =	sadd.s32 $0x1, s28  }
0x1c4: {  	p0 =	sne.s32 s28, $0xFA  }
.Ltmp2:
0x1c5: {  	_ = 	snop;
	(pc) =	sbr.rel @p0 .LBB2_4-.Ltmp2, $4  }
0x1c6: {  	_ = 	snop  }
0x1c7: {  	[spmem:s4] =	stream.indirect.scatter.add.f32 [tilespmem:s25], [sflag:$0x3], $0x80, s12, s10, $0xb8;
	[tilespmem:$0x1F600] =	vst v63  }
0x1c8: {  	_ = 	snop  }
0x1c9: {  	[spmem:s3] =	stream.indirect.scatter.add.f32 [tilespmem:s21], [sflag:$0x3], $0x80, s11, s10, $0xb8;
	[tilespmem:$0x1F600] =	vst v63  }
0x1ca: {  	_ =	swait.ge [sflag:s14], $0x28  }
0x1cb: {  	[sflag:s14] =	ssyncset.done $0x0  }
0x1cc: {  	[sflag:s14] =	ssyncadd.s32 $0xFFFFFFD8  }
0x1cd: {  	_ =	swait.ge [sflag:s18], $0x1400  }
0x1ce: {  	[sflag:s18] =	ssyncset.done $0x0  }
0x1cf: {  	[sflag:s18] =	ssyncadd.s32 $0xFFFFEC00  }
0x1d0: {  	_ =	swait.ge [sflag:s18], $0x1400  }
0x1d1: {  	[sflag:s18] =	ssyncset.done $0x0  }
0x1d2: {  	s2 =	stileid.u32;
	[sflag:s18] =	ssyncadd.s32 $0xFFFFEC00  }
0x1d3: {  	s2 =	sshll.u32 s2, $0x6;
	[bflag:$0x0] =	sbarrier.arrive $0xFFFF  }
0x1d4: {  	s26 =	sshrl.u32 s8, $0x3;
	s2 =	sor.u32 $0x1C05, s2;
	s28 =	rddreg [dreg:$0x11]  }
0x1d5: {  	[hbm:s28], [sflag:s2] =	dma.local [spmem:s26], $0x2800  }
0x1d6: {  	_ =	swait.ge [sflag:s9], $0x2800  }
0x1d7: {  	[sflag:s9] =	ssyncset.done $0x0  }
0x1d8: {  	s29 =	sshrl.u32 s19, $0x3;
	s30 =	rddreg [dreg:$0x12];
	[sflag:s9] =	ssyncadd.s32 $0xFFFFD800  }
0x1d9: {  	[hbm:s30], [sflag:s2] =	dma.local [spmem:s29], $0x500  }
0x1da: {  	_ =	swait.ge [sflag:s9], $0x500  }
0x1db: {  	s5 =	sadd.s32 $0x1, s5;
	s31 =	rddreg [dreg:$0x13]  }
0x1dc: {  	p0 =	sne.s32 s5, s31  }
.Ltmp3:
0x1dd: {  	_ = 	snop;
	(pc) =	sbr.rel @p0 .LBB2_1-.Ltmp3, $3  }
0x1de: {  	_ =	sdelay $0x1  }
0x1df: {  	[sflag:s9] =	ssyncset.done $0x0  }
0x1e0: {  	[sflag:s9] =	ssyncadd.s32 $0xFFFFFB00  }
0x1e1: {  	_ =	sfence.sel $0x180000  }
0x1e2: {  	[bflag:$0x0] =	sbarrier.arrive $0xFFFF  }
0x1e3: {  	_ =	strace $0x90000047  }
0x1e4: {  	s0 =	stileid.u32;
	[bflag:$0x2] =	sbarrier.arrive $0xFFFF  }
0x1e5: {  	p0 =	sne.s32 s0, $0x0;
	s0 =	rddreg [dreg:$0x4]  }
0x1e6: {  	s0 =	sadd.s32 @!p0 $0x100000, s0  }
0x1e7: {  	[sflag:s0] =	ssyncadd.tile.s32 @!p0 $0x1;
	_ =	shalt  }
.Lfunc_end2:
_tile_overlayer_lowered:
.L_overlay_start_2:
0x1e8: {  	(tag) =	ssettag $0x2  }
0x1e9: {  	s0 =	rddreg [dreg:$0x0];
	s2 =	stileid.u32  }
0x1ea: {  	s1 =	rddreg [dreg:$0x1];
	p0 =	sne.s32 s2, $0x0  }
0x1eb: {  	s3 =	rddreg [dreg:$0x2];
	[bflag:$0x3] =	sbarrier.arrive $0xFFFF;
	s2 =	simm.s32 @!p0 $0x1C05  }
0x1ec: {  	[timem:s3], [sflag:s2] =	dma.local @!p0 [hbm:s0], s1  }
0x1ed: {  	s0 =	simm.s32 @!p0 $0x5  }
0x1ee: {  	_ =	swait.ge @!p0 [sflag:s0], s1  }
0x1ef: {  	s1 =	ssub.s32 @!p0 $0x0, s1;
	[sflag:s0] =	ssyncset.done @!p0 $0x0  }
0x1f0: {  	[sflag:s0] =	ssyncadd.s32 @!p0 s1  }
0x1f1: {  	[bflag:$0x3] =	sbarrier.arrive $0xFFFF  }
0x1f2: {  	_ =	shalt  }

</sc_bundles>
